<compile_context>
chip_gen: v7x
topology: tpu7x:2x2x1
jax: 0.10.2.dev20260603
libtpu: 0.0.44.dev20260713+nightly
codegen_flags: <defaults>
</compile_context>

<pallas_src>
import functools

import jax
import jax.numpy as jnp
from jax import lax
from jax.experimental import pallas as pl
from jax.experimental.pallas import tpu as pltpu
from jax.experimental.pallas import tpu_sc as plsc

N = 10000
E = 320000
NH = 128
NOUT = 128

NC = 2
NS = 16
NW = NC * NS
EPW = E // NW
C = 80
NCHUNK = EPW // C
ROWS2D = E // C
NACC = 10112
RPT = NACC // NS
DUMMY = N
BLK = 2048
GRID = 5

_f32 = jnp.float32
_i32 = jnp.int32


def _mesh():
    return plsc.VectorSubcoreMesh(core_axis_name="c", subcore_axis_name="s")


def _deg_body(row_hbm, col_hbm, hist_hbm, re_hbm, rowb, colb, reb, hist):
    c = lax.axis_index("c")
    s = lax.axis_index("s")
    wid = c * NS + s
    pltpu.sync_copy(row_hbm.at[wid], rowb)
    pltpu.sync_copy(col_hbm.at[wid], colb)

    def zero(i, _):
        hist[pl.ds(i * 16, 16)] = jnp.zeros((16,), _f32)
        return 0

    lax.fori_loop(0, NACC // 16, zero, 0)

    ones = jnp.ones((16,), _f32)

    def outer(i, _):
        def inner(k, _):
            rv = rowb[i, pl.ds(k * 16, 16)]
            cv = colb[i, pl.ds(k * 16, 16)]
            m = rv != cv
            plsc.addupdate_scatter(hist, [cv], ones, mask=m)
            reb[i, pl.ds(k * 16, 16)] = jnp.where(m, rv, DUMMY)
            return 0

        lax.fori_loop(0, C // 16, inner, 0)
        return 0

    lax.fori_loop(0, NCHUNK, outer, 0)
    pltpu.sync_copy(hist, hist_hbm.at[pl.ds(wid * NACC, NACC)])
    pltpu.sync_copy(reb, re_hbm.at[wid])


def _deg_call(row3d, col3d):
    kern = pl.kernel(
        _deg_body,
        out_type=[
            jax.ShapeDtypeStruct((NW * NACC,), _f32),
            jax.ShapeDtypeStruct((NW, NCHUNK, C), _i32),
        ],
        mesh=_mesh(),
        scratch_types=[
            pltpu.VMEM((NCHUNK, C), _i32),
            pltpu.VMEM((NCHUNK, C), _i32),
            pltpu.VMEM((NCHUNK, C), _i32),
            pltpu.VMEM((NACC,), _f32),
        ],
        compiler_params=pltpu.CompilerParams(needs_layout_passes=False),
    )
    return kern(row3d, col3d)


def _spmm_body(z_hbm, col_hbm, re_hbm, out_hbm, colb, reb, dbA, dbB, acc,
               semA, semB, gsemC, gsemD, ssemA, ssemB):
    c = lax.axis_index("c")
    s = lax.axis_index("s")
    wid = c * NS + s
    pltpu.sync_copy(col_hbm.at[pl.ds(wid * EPW, EPW)], colb)
    pltpu.sync_copy(re_hbm.at[wid], reb)

    def zrow(i, _):
        for k in range(8):
            dbA[i, pl.ds(k * 16, 16)] = jnp.zeros((16,), _f32)
        return 0

    lax.fori_loop(0, C, zrow, 0)

    def zacc(j, _):
        pltpu.sync_copy(dbA, acc.at[pl.ds(s * RPT + j * C, C)])
        return 0

    lax.fori_loop(0, RPT // C, zacc, 0)
    pltpu.sync_copy(dbA.at[pl.ds(0, RPT - (RPT // C) * C)],
                    acc.at[pl.ds(s * RPT + (RPT // C) * C,
                                 RPT - (RPT // C) * C)])
    plsc.subcore_barrier()

    CH = C // 2
    NG = NCHUNK * 2

    def cidx(g):
        return colb.at[pl.ds(g * CH, CH)]

    slots = [dbA.at[pl.ds(0, CH)], dbA.at[pl.ds(CH, CH)],
             dbB.at[pl.ds(0, CH)], dbB.at[pl.ds(CH, CH)]]
    gsems = [semA, semB, gsemC, gsemD]

    def gfire(g, j):
        pltpu.async_copy(z_hbm.at[cidx(g)], slots[j], gsems[j])

    def gwait(g, j):
        pltpu.make_async_copy(z_hbm.at[cidx(g)], slots[j], gsems[j]).wait()

    def swaitA(h):
        pltpu.make_async_copy(dbA, acc.at[reb.at[h]], ssemA).wait()

    def swaitB(h):
        pltpu.make_async_copy(dbB, acc.at[reb.at[h]], ssemB).wait()

    for j in range(4):
        gfire(j, j)

    def pair(p, _):
        g = 4 * p
        h0 = 2 * p
        h1 = h0 + 1
        gwait(g, 0)
        gwait(g + 1, 1)
        pltpu.async_copy(dbA, acc.at[reb.at[h0]], ssemA, add=True)
        gwait(g + 2, 2)
        gwait(g + 3, 3)
        pltpu.async_copy(dbB, acc.at[reb.at[h1]], ssemB, add=True)
        swaitA(h0)

        @pl.when(g + 4 < NG)
        def _():
            gfire(g + 4, 0)

        @pl.when(g + 5 < NG)
        def _():
            gfire(g + 5, 1)

        swaitB(h1)

        @pl.when(g + 6 < NG)
        def _():
            gfire(g + 6, 2)

        @pl.when(g + 7 < NG)
        def _():
            gfire(g + 7, 3)

        return 0

    lax.fori_loop(0, NCHUNK // 2, pair, 0)
    gwait(NG - 2, 0)
    gwait(NG - 1, 1)
    pltpu.async_copy(dbA, acc.at[reb.at[NCHUNK - 1]], ssemA, add=True)
    swaitA(NCHUNK - 1)

    plsc.subcore_barrier()
    pltpu.sync_copy(acc.at[pl.ds(s * RPT, RPT)],
                    out_hbm.at[c, pl.ds(s * RPT, RPT)])


def _spmm_call(z, col_flat, re3d):
    kern = pl.kernel(
        _spmm_body,
        out_type=jax.ShapeDtypeStruct((NC, NACC, NH), _f32),
        mesh=_mesh(),
        scratch_types=[
            pltpu.VMEM((EPW,), _i32),
            pltpu.VMEM((NCHUNK, C), _i32),
            pltpu.VMEM((C, NH), _f32),
            pltpu.VMEM((C, NH), _f32),
            pltpu.VMEM_SHARED((NACC, NH), _f32),
            pltpu.SemaphoreType.DMA,
            pltpu.SemaphoreType.DMA,
            pltpu.SemaphoreType.DMA,
            pltpu.SemaphoreType.DMA,
            pltpu.SemaphoreType.DMA,
            pltpu.SemaphoreType.DMA,
        ],
        compiler_params=pltpu.CompilerParams(needs_layout_passes=False),
    )
    return kern(z, col_flat, re3d)


def _deg_finish_body(hist_ref, dinv_ref, dinv2_ref):
    deg = jnp.sum(hist_ref[...], axis=0) + 1.0
    dinv_ref[...] = lax.rsqrt(deg)
    dinv2_ref[...] = 1.0 / deg


def _deg_finish_call(hists):
    return pl.pallas_call(
        _deg_finish_body,
        out_shape=[
            jax.ShapeDtypeStruct((NACC,), _f32),
            jax.ShapeDtypeStruct((NACC,), _f32),
        ],
    )(hists)


def _row_spec():
    return pl.BlockSpec((BLK, NH), lambda i: (i, 0))


def _col1_spec():
    return pl.BlockSpec((BLK, 1), lambda i: (i, 0))


def _w_spec():
    return pl.BlockSpec((NH, NH), lambda i: (0, 0))


def _b_spec():
    return pl.BlockSpec((NH,), lambda i: (0,))


def _p_spec():
    return pl.BlockSpec((NC, BLK, NH), lambda i: (0, i, 0))


def _in_pre_body(x_ref, w_ref, b_ref, wf_ref, dinv_ref, h_ref, y0_ref, z_ref):
    t = jnp.dot(x_ref[...], w_ref[...], preferred_element_type=_f32)
    h = jnp.maximum(t + b_ref[...], 0.0)
    h_ref[...] = h
    y0 = jax.nn.sigmoid(jnp.dot(h, wf_ref[...], preferred_element_type=_f32))
    y0_ref[...] = y0
    z_ref[...] = dinv_ref[...] * y0


def _in_pre_call(x, W_in, b_in, Wf, dinv):
    return pl.pallas_call(
        _in_pre_body,
        grid=(GRID,),
        in_specs=[_row_spec(), _w_spec(), _b_spec(), _w_spec(), _col1_spec()],
        out_specs=[_row_spec(), _row_spec(), _row_spec()],
        out_shape=[
            jax.ShapeDtypeStruct((N, NH), _f32),
            jax.ShapeDtypeStruct((N, NH), _f32),
            jax.ShapeDtypeStruct((N, NH), _f32),
        ],
    )(x, W_in, b_in, Wf, dinv)


def _combine0_body(p_ref, yin_ref, y0_ref, wa_ref, dinv_ref, dinv2_ref,
                   y_ref, z_ref):
    sv = dinv_ref[...] * (p_ref[0] + p_ref[1]) + dinv2_ref[...] * yin_ref[...]
    t = jnp.dot(sv, wa_ref[...], preferred_element_type=_f32)
    y0 = y0_ref[...]
    y = y0 * y0 * t
    y_ref[...] = y
    z_ref[...] = dinv_ref[...] * y


def _combine0_call(p, yin, y0, Wa, dinv, dinv2):
    return pl.pallas_call(
        _combine0_body,
        grid=(GRID,),
        in_specs=[_p_spec(), _row_spec(), _row_spec(), _w_spec(),
                  _col1_spec(), _col1_spec()],
        out_specs=[_row_spec(), _row_spec()],
        out_shape=[
            jax.ShapeDtypeStruct((N, NH), _f32),
            jax.ShapeDtypeStruct((N, NH), _f32),
        ],
    )(p, yin, y0, Wa, dinv, dinv2)


def _combine1_pre_body(p_ref, yin_ref, y0_ref, wa_ref, dinv_ref, dinv2_ref,
                       prev_ref, wf_ref, h_ref, y0n_ref, zn_ref):
    sv = dinv_ref[...] * (p_ref[0] + p_ref[1]) + dinv2_ref[...] * yin_ref[...]
    t = jnp.dot(sv, wa_ref[...], preferred_element_type=_f32)
    y = y0_ref[...] * t
    h = jnp.maximum(y, 0.0) + prev_ref[...]
    h_ref[...] = h
    y0n = jax.nn.sigmoid(jnp.dot(h, wf_ref[...], preferred_element_type=_f32))
    y0n_ref[...] = y0n
    zn_ref[...] = dinv_ref[...] * y0n


def _combine1_pre_call(p, yin, y0, Wa, dinv, dinv2, prev, Wf_next):
    return pl.pallas_call(
        _combine1_pre_body,
        grid=(GRID,),
        in_specs=[_p_spec(), _row_spec(), _row_spec(), _w_spec(),
                  _col1_spec(), _col1_spec(), _row_spec(), _w_spec()],
        out_specs=[_row_spec(), _row_spec(), _row_spec()],
        out_shape=[
            jax.ShapeDtypeStruct((N, NH), _f32),
            jax.ShapeDtypeStruct((N, NH), _f32),
            jax.ShapeDtypeStruct((N, NH), _f32),
        ],
    )(p, yin, y0, Wa, dinv, dinv2, prev, Wf_next)


def _combine1_last_body(p_ref, yin_ref, y0_ref, wa_ref, dinv_ref, dinv2_ref,
                        y_ref):
    sv = dinv_ref[...] * (p_ref[0] + p_ref[1]) + dinv2_ref[...] * yin_ref[...]
    t = jnp.dot(sv, wa_ref[...], preferred_element_type=_f32)
    y_ref[...] = y0_ref[...] * t


def _combine1_last_call(p, yin, y0, Wa, dinv, dinv2):
    return pl.pallas_call(
        _combine1_last_body,
        grid=(GRID,),
        in_specs=[_p_spec(), _row_spec(), _row_spec(), _w_spec(),
                  _col1_spec(), _col1_spec()],
        out_specs=_row_spec(),
        out_shape=jax.ShapeDtypeStruct((N, NH), _f32),
    )(p, yin, y0, Wa, dinv, dinv2)


def _out_mlp_body(y_ref, w1_ref, b1_ref, w2_ref, b2_ref, o_ref):
    t = jnp.dot(y_ref[...], w1_ref[...], preferred_element_type=_f32)
    t = jnp.maximum(t + b1_ref[...], 0.0)
    o_ref[...] = jnp.dot(t, w2_ref[...],
                         preferred_element_type=_f32) + b2_ref[...]


def _out_mlp_call(y, Wo1, bo1, Wo2, bo2):
    return pl.pallas_call(
        _out_mlp_body,
        grid=(GRID,),
        in_specs=[_row_spec(), _w_spec(), _b_spec(), _w_spec(), _b_spec()],
        out_specs=_row_spec(),
        out_shape=jax.ShapeDtypeStruct((N, NOUT), _f32),
    )(y, Wo1, bo1, Wo2, bo2)


def kernel(x, edge_index, edge_attr, W_in, b_in, Wf0, Wa0, Wf1, Wa1, Wf2, Wa2,
           Wo1, bo1, Wo2, bo2):
    ei = edge_index.astype(_i32)
    row3d = ei[0].reshape(NW, NCHUNK, C)
    col3d = ei[1].reshape(NW, NCHUNK, C)
    col_flat = ei[1]

    hists, re3d = _deg_call(row3d, col3d)
    dinv_flat, dinv2_flat = _deg_finish_call(hists.reshape(NW, NACC))
    dinv = dinv_flat.reshape(NACC, 1)
    dinv2 = dinv2_flat.reshape(NACC, 1)

    h, y0, z = _in_pre_call(x, W_in, b_in, Wf0, dinv)
    prev = h
    Wfs = (Wf0, Wf1, Wf2)
    Was = (Wa0, Wa1, Wa2)
    for i in range(3):
        p = _spmm_call(z, col_flat, re3d)
        y, z2 = _combine0_call(p, y0, y0, Was[i], dinv, dinv2)
        p = _spmm_call(z2, col_flat, re3d)
        if i < 2:
            h, y0, z = _combine1_pre_call(p, y, y0, Was[i], dinv, dinv2,
                                          prev, Wfs[i + 1])
            prev = h
        else:
            y = _combine1_last_call(p, y, y0, Was[i], dinv, dinv2)
    return _out_mlp_call(y, Wo1, bo1, Wo2, bo2)

# --- scband reference (transcript-rebuilt; emitter-appended) ---
"""Pipeline reference for scband-gnn-46703474377009 (READ-ONLY COPY).

The authoritative reference and input builder live on the scoring server;
editing this copy changes nothing except your own understanding.
"""

import jax, jax.numpy as jnp
import numpy as np

N = 10000
E = 320000
DF = 128
NH = 128
NOUT = 128
DE = 16
NLAYER = 3
MAX_STEP = 2


def _normalized_adj(edge_index, num_nodes):
    # add_remaining_self_loops with fill_value=1.0 and all-ones edge weights is
    # equivalent to: drop existing self loops, then add one self loop per node (w=1).
    row, col = edge_index[0], edge_index[1]
    mask = row != col
    loop = jnp.arange(num_nodes, dtype=row.dtype)
    row = jnp.concatenate([row, loop])
    col = jnp.concatenate([col, loop])
    w = jnp.concatenate([
        jnp.where(mask, 1.0, 0.0).astype(jnp.float32),
        jnp.ones(num_nodes, dtype=jnp.float32),
    ])
    deg = jax.ops.segment_sum(w, col, num_segments=num_nodes)
    deg_inv_sqrt = jnp.where(deg > 0, deg ** -0.5, 0.0)
    w = deg_inv_sqrt[row] * w * deg_inv_sqrt[col]
    return row, col, w


def _spmm(row, col, w, y, num_nodes):
    return jax.ops.segment_sum(w[:, None] * y[col], row, num_segments=num_nodes)


def _rwkp_conv(row, col, w, x, Wf, Wa, num_nodes):
    y0 = jax.nn.sigmoid(x @ Wf)  # features_hidden (bias=False since bn=True)
    y = y0
    for i in range(MAX_STEP):
        y = _spmm(row, col, w, y, num_nodes)
        y = y @ Wa  # adj_hidden_layer (bias=False)
        y = y0 * y
        if i != MAX_STEP - 1:
            y = y0 * y
    return y


def setup_inputs(seed: int = 0):
    key = jax.random.key(seed)
    ks = jax.random.split(key, 20)
    inp = {}
    inp['x'] = jax.random.normal(ks[0], (N, DF), dtype=jnp.float32)
    inp['edge_index'] = jax.random.randint(ks[1], (2, E), 0, N).astype(jnp.int64)
    inp['edge_attr'] = jax.random.normal(ks[2], (E, DE), dtype=jnp.float32)
    s = 0.05
    inp['W_in'] = jax.random.normal(ks[3], (DF, NH), dtype=jnp.float32) * s
    inp['b_in'] = jnp.zeros((NH,), dtype=jnp.float32)
    inp['Wf0'] = jax.random.normal(ks[4], (NH, NH), dtype=jnp.float32) * s
    inp['Wa0'] = jax.random.normal(ks[5], (NH, NH), dtype=jnp.float32) * s
    inp['Wf1'] = jax.random.normal(ks[6], (NH, NH), dtype=jnp.float32) * s
    inp['Wa1'] = jax.random.normal(ks[7], (NH, NH), dtype=jnp.float32) * s
    inp['Wf2'] = jax.random.normal(ks[8], (NH, NH), dtype=jnp.float32) * s
    inp['Wa2'] = jax.random.normal(ks[9], (NH, NH), dtype=jnp.float32) * s
    inp['Wo1'] = jax.random.normal(ks[10], (NH, NH), dtype=jnp.float32) * s
    inp['bo1'] = jnp.zeros((NH,), dtype=jnp.float32)
    inp['Wo2'] = jax.random.normal(ks[11], (NH, NOUT), dtype=jnp.float32) * s
    inp['bo2'] = jnp.zeros((NOUT,), dtype=jnp.float32)
    return inp


def reference(x, edge_index, edge_attr, W_in, b_in, Wf0, Wa0, Wf1, Wa1, Wf2, Wa2, Wo1, bo1, Wo2, bo2):
    # GNN.forward in eval mode: BatchNorm with default affine + running stats acts
    # as identity; dropout(p=0) is a no-op; edge_encoders/size_embedder are unused
    # in forward math; RWKPConv ignores edge_attr.
    num_nodes = x.shape[0]
    row, col, w = _normalized_adj(edge_index, num_nodes)
    h = jax.nn.relu(x @ W_in + b_in)  # input_encoder MLP (1 layer)
    prev = h
    Wfs = [Wf0, Wf1, Wf2]
    Was = [Wa0, Wa1, Wa2]
    for i in range(NLAYER):
        h = _rwkp_conv(row, col, w, h, Wfs[i], Was[i], num_nodes)
        if i == NLAYER - 1:
            break
        h = jax.nn.relu(h)
        h = h + prev
        prev = h
    # output_encoder: 2-layer MLP, no final activation
    h = jax.nn.relu(h @ Wo1 + bo1)
    h = h @ Wo2 + bo2
    return h

if __name__ == "__main__":
    import jax
    _d = setup_inputs()
    print(jax.jit(kernel)(*tuple(_d.values())))

</pallas_src>

<mosaic_0001>
#map = affine_map<(d0, d1) -> (0, 0)>
#map1 = affine_map<(d0, d1) -> (0)>
#map2 = affine_map<(d0, d1) -> (0, 0, 0)>
module attributes {stable_mosaic.version = 14 : i64} {
  func.func @_spmm_body(%arg0: i32, %arg1: i32, %arg2: memref<10000x128xf32, #tpu.memory_space<hbm>>, %arg3: memref<320000xi32, #tpu.memory_space<hbm>>, %arg4: memref<32x125x80xi32, #tpu.memory_space<hbm>>, %arg5: memref<2x10112x128xf32, #tpu.memory_space<hbm>>, %arg6: memref<10000xi32, #tpu.memory_space<vmem>>, %arg7: memref<125x80xi32, #tpu.memory_space<vmem>>, %arg8: memref<80x128xf32, #tpu.memory_space<vmem>>, %arg9: memref<80x128xf32, #tpu.memory_space<vmem>>, %arg10: memref<10112x128xf32, #tpu.memory_space<vmem_shared>>, %arg11: memref<!tpu.dma_semaphore, #tpu.memory_space<semaphore_mem>>, %arg12: memref<!tpu.dma_semaphore, #tpu.memory_space<semaphore_mem>>, %arg13: memref<!tpu.dma_semaphore, #tpu.memory_space<semaphore_mem>>, %arg14: memref<!tpu.dma_semaphore, #tpu.memory_space<semaphore_mem>>, %arg15: memref<!tpu.dma_semaphore, #tpu.memory_space<semaphore_mem>>, %arg16: memref<!tpu.dma_semaphore, #tpu.memory_space<semaphore_mem>>) attributes {dimension_semantics = [#tpu.dimension_semantics<core_parallel>, #tpu.dimension_semantics<subcore_parallel>], iteration_bounds = array<i64: 2, 16>, scalar_prefetch = 0 : i64, scratch_operands = 11 : i64, tpu.core_type = #tpu.core_type<sc_vector_subcore>, window_params = [{transform_indices = #map}, {transform_indices = #map1}, {transform_indices = #map2}, {transform_indices = #map2}]} {
    %mul3A = arith.constant 16 : i32
    %mul3A_0 = arith.muli %arg0, %mul3A : i32
    %add3A = arith.addi %mul3A_0, %arg1 : i32
    %mul3A_1 = arith.constant 10000 : i32
    %mul3A_2 = arith.muli %add3A, %mul3A_1 : i32
    "tpu.region"() ({
      %run_scoped3A = tpu.sem_alloc : memref<!tpu.dma_semaphore, #tpu.memory_space<semaphore_mem>>
      %dma_start3A_92 = tpu.memref_slice %arg3[%mul3A_2] : memref<320000xi32, #tpu.memory_space<hbm>> -> memref<10000xi32, #tpu.memory_space<hbm>>
      %dma_start3A_93 = tpu.memref_slice %arg3[%mul3A_2] : memref<320000xi32, #tpu.memory_space<hbm>> -> memref<10000xi32, #tpu.memory_space<hbm>>
      tpu.enqueue_dma source(%dma_start3A_93 : memref<10000xi32, #tpu.memory_space<hbm>>) target(%arg6 : memref<10000xi32, #tpu.memory_space<vmem>>) target_semaphore(%run_scoped3A : memref<!tpu.dma_semaphore, #tpu.memory_space<semaphore_mem>>)
      %dma_wait3A_94 = tpu.memref_slice %arg3[%mul3A_2] : memref<320000xi32, #tpu.memory_space<hbm>> -> memref<10000xi32, #tpu.memory_space<hbm>>
      %dma_wait3A_95 = tpu.memref_slice %arg3[%mul3A_2] : memref<320000xi32, #tpu.memory_space<hbm>> -> memref<10000xi32, #tpu.memory_space<hbm>>
      tpu.wait_dma2 semaphore(%run_scoped3A : memref<!tpu.dma_semaphore, #tpu.memory_space<semaphore_mem>>) src(%dma_wait3A_95 : memref<10000xi32, #tpu.memory_space<hbm>>) dst(%arg6 : memref<10000xi32, #tpu.memory_space<vmem>>)
      tpu.yield
    }) : () -> ()
    "tpu.region"() ({
      %run_scoped3A = tpu.sem_alloc : memref<!tpu.dma_semaphore, #tpu.memory_space<semaphore_mem>>
      %dma_start3A_92 = arith.constant 0 : i32
      %dma_start3A_93 = arith.constant 0 : i32
      %dma_start3A_94 = tpu.memref_slice %arg4[%add3A, %dma_start3A_92, %dma_start3A_93] : memref<32x125x80xi32, #tpu.memory_space<hbm>> -> memref<1x125x80xi32, #tpu.memory_space<hbm>>
      %dma_start3A_95 = tpu.memref_squeeze %dma_start3A_94 : memref<1x125x80xi32, #tpu.memory_space<hbm>> -> memref<125x80xi32, #tpu.memory_space<hbm>>
      %dma_start3A_96 = arith.constant 0 : i32
      %dma_start3A_97 = arith.constant 0 : i32
      %dma_start3A_98 = tpu.memref_slice %arg4[%add3A, %dma_start3A_96, %dma_start3A_97] : memref<32x125x80xi32, #tpu.memory_space<hbm>> -> memref<1x125x80xi32, #tpu.memory_space<hbm>>
      %dma_start3A_99 = tpu.memref_squeeze %dma_start3A_98 : memref<1x125x80xi32, #tpu.memory_space<hbm>> -> memref<125x80xi32, #tpu.memory_space<hbm>>
      tpu.enqueue_dma source(%dma_start3A_99 : memref<125x80xi32, #tpu.memory_space<hbm>>) target(%arg7 : memref<125x80xi32, #tpu.memory_space<vmem>>) target_semaphore(%run_scoped3A : memref<!tpu.dma_semaphore, #tpu.memory_space<semaphore_mem>>)
      %dma_wait3A_100 = arith.constant 0 : i32
      %dma_wait3A_101 = arith.constant 0 : i32
      %dma_wait3A_102 = tpu.memref_slice %arg4[%add3A, %dma_wait3A_100, %dma_wait3A_101] : memref<32x125x80xi32, #tpu.memory_space<hbm>> -> memref<1x125x80xi32, #tpu.memory_space<hbm>>
      %dma_wait3A_103 = tpu.memref_squeeze %dma_wait3A_102 : memref<1x125x80xi32, #tpu.memory_space<hbm>> -> memref<125x80xi32, #tpu.memory_space<hbm>>
      %dma_wait3A_104 = arith.constant 0 : i32
      %dma_wait3A_105 = arith.constant 0 : i32
      %dma_wait3A_106 = tpu.memref_slice %arg4[%add3A, %dma_wait3A_104, %dma_wait3A_105] : memref<32x125x80xi32, #tpu.memory_space<hbm>> -> memref<1x125x80xi32, #tpu.memory_space<hbm>>
      %dma_wait3A_107 = tpu.memref_squeeze %dma_wait3A_106 : memref<1x125x80xi32, #tpu.memory_space<hbm>> -> memref<125x80xi32, #tpu.memory_space<hbm>>
      tpu.wait_dma2 semaphore(%run_scoped3A : memref<!tpu.dma_semaphore, #tpu.memory_space<semaphore_mem>>) src(%dma_wait3A_107 : memref<125x80xi32, #tpu.memory_space<hbm>>) dst(%arg7 : memref<125x80xi32, #tpu.memory_space<vmem>>)
      tpu.yield
    }) : () -> ()
    %scan3A = arith.constant 0 : i32
    %scan3A_3 = arith.constant 0 : i32
    %scan3A_4 = arith.constant 80 : i32
    %scan3A_5 = arith.addi %scan3A_3, %scan3A_4 : i32
    %scan3A_6 = arith.constant 1 : i32
    %scan3A_7 = scf.for %scan3A_92 = %scan3A_3 to %scan3A_5 step %scan3A_6 iter_args(%scan3A_93 = %scan3A) -> (i32)  : i32 {
      %broadcast_in_dim3A = arith.constant 0.000000e+00 : f32
      %broadcast_in_dim3A_94 = vector.broadcast %broadcast_in_dim3A : f32 to vector<16xf32>
      %swap3A = arith.index_cast %scan3A_92 : i32 to index
      %swap3A_95 = arith.constant 0 : index
      %swap3A_96 = tpu.vector_load %arg8[%swap3A, %swap3A_95] {strides = array<i32>} : memref<80x128xf32, #tpu.memory_space<vmem>>, vector<16xf32>,
      tpu.vector_store %arg8[%swap3A, %swap3A_95], %broadcast_in_dim3A_94 {strides = array<i32>} : memref<80x128xf32, #tpu.memory_space<vmem>>, vector<16xf32>,
      %broadcast_in_dim3A_97 = arith.constant 0.000000e+00 : f32
      %broadcast_in_dim3A_98 = vector.broadcast %broadcast_in_dim3A_97 : f32 to vector<16xf32>
      %swap3A_99 = arith.index_cast %scan3A_92 : i32 to index
      %swap3A_100 = arith.constant 16 : index
      %swap3A_101 = tpu.vector_load %arg8[%swap3A_99, %swap3A_100] {strides = array<i32>} : memref<80x128xf32, #tpu.memory_space<vmem>>, vector<16xf32>,
      tpu.vector_store %arg8[%swap3A_99, %swap3A_100], %broadcast_in_dim3A_98 {strides = array<i32>} : memref<80x128xf32, #tpu.memory_space<vmem>>, vector<16xf32>,
      %broadcast_in_dim3A_102 = arith.constant 0.000000e+00 : f32
      %broadcast_in_dim3A_103 = vector.broadcast %broadcast_in_dim3A_102 : f32 to vector<16xf32>
      %swap3A_104 = arith.index_cast %scan3A_92 : i32 to index
      %swap3A_105 = arith.constant 32 : index
      %swap3A_106 = tpu.vector_load %arg8[%swap3A_104, %swap3A_105] {strides = array<i32>} : memref<80x128xf32, #tpu.memory_space<vmem>>, vector<16xf32>,
      tpu.vector_store %arg8[%swap3A_104, %swap3A_105], %broadcast_in_dim3A_103 {strides = array<i32>} : memref<80x128xf32, #tpu.memory_space<vmem>>, vector<16xf32>,
      %broadcast_in_dim3A_107 = arith.constant 0.000000e+00 : f32
      %broadcast_in_dim3A_108 = vector.broadcast %broadcast_in_dim3A_107 : f32 to vector<16xf32>
      %swap3A_109 = arith.index_cast %scan3A_92 : i32 to index
      %swap3A_110 = arith.constant 48 : index
      %swap3A_111 = tpu.vector_load %arg8[%swap3A_109, %swap3A_110] {strides = array<i32>} : memref<80x128xf32, #tpu.memory_space<vmem>>, vector<16xf32>,
      tpu.vector_store %arg8[%swap3A_109, %swap3A_110], %broadcast_in_dim3A_108 {strides = array<i32>} : memref<80x128xf32, #tpu.memory_space<vmem>>, vector<16xf32>,
      %broadcast_in_dim3A_112 = arith.constant 0.000000e+00 : f32
      %broadcast_in_dim3A_113 = vector.broadcast %broadcast_in_dim3A_112 : f32 to vector<16xf32>
      %swap3A_114 = arith.index_cast %scan3A_92 : i32 to index
      %swap3A_115 = arith.constant 64 : index
      %swap3A_116 = tpu.vector_load %arg8[%swap3A_114, %swap3A_115] {strides = array<i32>} : memref<80x128xf32, #tpu.memory_space<vmem>>, vector<16xf32>,
      tpu.vector_store %arg8[%swap3A_114, %swap3A_115], %broadcast_in_dim3A_113 {strides = array<i32>} : memref<80x128xf32, #tpu.memory_space<vmem>>, vector<16xf32>,
      %broadcast_in_dim3A_117 = arith.constant 0.000000e+00 : f32
      %broadcast_in_dim3A_118 = vector.broadcast %broadcast_in_dim3A_117 : f32 to vector<16xf32>
      %swap3A_119 = arith.index_cast %scan3A_92 : i32 to index
      %swap3A_120 = arith.constant 80 : index
      %swap3A_121 = tpu.vector_load %arg8[%swap3A_119, %swap3A_120] {strides = array<i32>} : memref<80x128xf32, #tpu.memory_space<vmem>>, vector<16xf32>,
      tpu.vector_store %arg8[%swap3A_119, %swap3A_120], %broadcast_in_dim3A_118 {strides = array<i32>} : memref<80x128xf32, #tpu.memory_space<vmem>>, vector<16xf32>,
      %broadcast_in_dim3A_122 = arith.constant 0.000000e+00 : f32
      %broadcast_in_dim3A_123 = vector.broadcast %broadcast_in_dim3A_122 : f32 to vector<16xf32>
      %swap3A_124 = arith.index_cast %scan3A_92 : i32 to index
      %swap3A_125 = arith.constant 96 : index
      %swap3A_126 = tpu.vector_load %arg8[%swap3A_124, %swap3A_125] {strides = array<i32>} : memref<80x128xf32, #tpu.memory_space<vmem>>, vector<16xf32>,
      tpu.vector_store %arg8[%swap3A_124, %swap3A_125], %broadcast_in_dim3A_123 {strides = array<i32>} : memref<80x128xf32, #tpu.memory_space<vmem>>, vector<16xf32>,
      %broadcast_in_dim3A_127 = arith.constant 0.000000e+00 : f32
      %broadcast_in_dim3A_128 = vector.broadcast %broadcast_in_dim3A_127 : f32 to vector<16xf32>
      %swap3A_129 = arith.index_cast %scan3A_92 : i32 to index
      %swap3A_130 = arith.constant 112 : index
      %swap3A_131 = tpu.vector_load %arg8[%swap3A_129, %swap3A_130] {strides = array<i32>} : memref<80x128xf32, #tpu.memory_space<vmem>>, vector<16xf32>,
      tpu.vector_store %arg8[%swap3A_129, %swap3A_130], %broadcast_in_dim3A_128 {strides = array<i32>} : memref<80x128xf32, #tpu.memory_space<vmem>>, vector<16xf32>,
      %scan3A_132 = arith.constant 0 : i32
      scf.yield %scan3A_132 : i32
    }
    %scan3A_8 = arith.constant 80 : i32
    %scan3A_9 = arith.constant 0 : i32
    %scan3A_10 = arith.constant 0 : i32
    %scan3A_11 = arith.constant 7 : i32
    %scan3A_12 = arith.addi %scan3A_10, %scan3A_11 : i32
    %scan3A_13 = arith.constant 1 : i32
    %scan3A_14 = scf.for %scan3A_92 = %scan3A_10 to %scan3A_12 step %scan3A_13 iter_args(%scan3A_93 = %scan3A_9) -> (i32)  : i32 {
      %mul3A_94 = arith.constant 632 : i32
      %mul3A_95 = arith.muli %arg1, %mul3A_94 : i32
      %mul3A_96 = arith.constant 80 : i32
      %mul3A_97 = arith.muli %scan3A_92, %mul3A_96 : i32
      %add3A_98 = arith.addi %mul3A_95, %mul3A_97 : i32
      "tpu.region"() ({
        %run_scoped3A = tpu.sem_alloc : memref<!tpu.dma_semaphore, #tpu.memory_space<semaphore_mem>>
        %dma_start3A_100 = arith.constant 0 : i32
        %dma_start3A_101 = tpu.memref_slice %arg10[%add3A_98, %dma_start3A_100] : memref<10112x128xf32, #tpu.memory_space<vmem_shared>> -> memref<80x128xf32, #tpu.memory_space<vmem_shared>>
        %dma_start3A_102 = arith.constant 0 : i32
        %dma_start3A_103 = tpu.memref_slice %arg10[%add3A_98, %dma_start3A_102] : memref<10112x128xf32, #tpu.memory_space<vmem_shared>> -> memref<80x128xf32, #tpu.memory_space<vmem_shared>>
        tpu.enqueue_dma source(%arg8 : memref<80x128xf32, #tpu.memory_space<vmem>>) target(%dma_start3A_103 : memref<80x128xf32, #tpu.memory_space<vmem_shared>>) target_semaphore(%run_scoped3A : memref<!tpu.dma_semaphore, #tpu.memory_space<semaphore_mem>>)
        %dma_wait3A_104 = arith.constant 0 : i32
        %dma_wait3A_105 = tpu.memref_slice %arg10[%add3A_98, %dma_wait3A_104] : memref<10112x128xf32, #tpu.memory_space<vmem_shared>> -> memref<80x128xf32, #tpu.memory_space<vmem_shared>>
        %dma_wait3A_106 = arith.constant 0 : i32
        %dma_wait3A_107 = tpu.memref_slice %arg10[%add3A_98, %dma_wait3A_106] : memref<10112x128xf32, #tpu.memory_space<vmem_shared>> -> memref<80x128xf32, #tpu.memory_space<vmem_shared>>
        tpu.wait_dma2 semaphore(%run_scoped3A : memref<!tpu.dma_semaphore, #tpu.memory_space<semaphore_mem>>) src(%arg8 : memref<80x128xf32, #tpu.memory_space<vmem>>) dst(%dma_wait3A_107 : memref<80x128xf32, #tpu.memory_space<vmem_shared>>)
        tpu.yield
      }) : () -> ()
      %scan3A_99 = arith.constant 0 : i32
      scf.yield %scan3A_99 : i32
    }
    %scan3A_15 = arith.constant 7 : i32
    %mul3A_16 = arith.constant 632 : i32
    %mul3A_17 = arith.muli %arg1, %mul3A_16 : i32
    %add3A_18 = arith.constant 560 : i32
    %add3A_19 = arith.addi %mul3A_17, %add3A_18 : i32
    "tpu.region"() ({
      %run_scoped3A = tpu.sem_alloc : memref<!tpu.dma_semaphore, #tpu.memory_space<semaphore_mem>>
      %dma_start3A_92 = arith.constant 0 : i32
      %dma_start3A_93 = arith.constant 0 : i32
      %dma_start3A_94 = tpu.memref_slice %arg8[%dma_start3A_92, %dma_start3A_93] : memref<80x128xf32, #tpu.memory_space<vmem>> -> memref<72x128xf32, #tpu.memory_space<vmem>>
      %dma_start3A_95 = arith.constant 0 : i32
      %dma_start3A_96 = tpu.memref_slice %arg10[%add3A_19, %dma_start3A_95] : memref<10112x128xf32, #tpu.memory_space<vmem_shared>> -> memref<72x128xf32, #tpu.memory_space<vmem_shared>>
      %dma_start3A_97 = arith.constant 0 : i32
      %dma_start3A_98 = tpu.memref_slice %arg10[%add3A_19, %dma_start3A_97] : memref<10112x128xf32, #tpu.memory_space<vmem_shared>> -> memref<72x128xf32, #tpu.memory_space<vmem_shared>>
      %dma_start3A_99 = arith.constant 0 : i32
      %dma_start3A_100 = arith.constant 0 : i32
      %dma_start3A_101 = tpu.memref_slice %arg8[%dma_start3A_99, %dma_start3A_100] : memref<80x128xf32, #tpu.memory_space<vmem>> -> memref<72x128xf32, #tpu.memory_space<vmem>>
      tpu.enqueue_dma source(%dma_start3A_101 : memref<72x128xf32, #tpu.memory_space<vmem>>) target(%dma_start3A_98 : memref<72x128xf32, #tpu.memory_space<vmem_shared>>) target_semaphore(%run_scoped3A : memref<!tpu.dma_semaphore, #tpu.memory_space<semaphore_mem>>)
      %dma_wait3A_102 = arith.constant 0 : i32
      %dma_wait3A_103 = arith.constant 0 : i32
      %dma_wait3A_104 = tpu.memref_slice %arg8[%dma_wait3A_102, %dma_wait3A_103] : memref<80x128xf32, #tpu.memory_space<vmem>> -> memref<72x128xf32, #tpu.memory_space<vmem>>
      %dma_wait3A_105 = arith.constant 0 : i32
      %dma_wait3A_106 = tpu.memref_slice %arg10[%add3A_19, %dma_wait3A_105] : memref<10112x128xf32, #tpu.memory_space<vmem_shared>> -> memref<72x128xf32, #tpu.memory_space<vmem_shared>>
      %dma_wait3A_107 = arith.constant 0 : i32
      %dma_wait3A_108 = tpu.memref_slice %arg10[%add3A_19, %dma_wait3A_107] : memref<10112x128xf32, #tpu.memory_space<vmem_shared>> -> memref<72x128xf32, #tpu.memory_space<vmem_shared>>
      %dma_wait3A_109 = arith.constant 0 : i32
      %dma_wait3A_110 = arith.constant 0 : i32
      %dma_wait3A_111 = tpu.memref_slice %arg8[%dma_wait3A_109, %dma_wait3A_110] : memref<80x128xf32, #tpu.memory_space<vmem>> -> memref<72x128xf32, #tpu.memory_space<vmem>>
      tpu.wait_dma2 semaphore(%run_scoped3A : memref<!tpu.dma_semaphore, #tpu.memory_space<semaphore_mem>>) src(%dma_wait3A_111 : memref<72x128xf32, #tpu.memory_space<vmem>>) dst(%dma_wait3A_108 : memref<72x128xf32, #tpu.memory_space<vmem_shared>>)
      tpu.yield
    }) : () -> ()
    %barrier3A = arith.constant 0 : index
    tpu.barrier barrier_id(%barrier3A)
    %dma_start3A = arith.constant 0 : i32
    %dma_start3A_20 = arith.constant 0 : i32
    %dma_start3A_21 = tpu.memref_slice %arg8[%dma_start3A, %dma_start3A_20] : memref<80x128xf32, #tpu.memory_space<vmem>> -> memref<40x128xf32, #tpu.memory_space<vmem>>
    %dma_start3A_22 = arith.constant 0 : i32
    %dma_start3A_23 = tpu.memref_slice %arg6[%dma_start3A_22] : memref<10000xi32, #tpu.memory_space<vmem>> -> memref<40xi32, #tpu.memory_space<vmem>>
    %dma_start3A_24 = arith.constant 0 : i32
    %dma_start3A_25 = arith.constant 0 : i32
    %dma_start3A_26 = tpu.memref_slice %arg2[%dma_start3A_24, %dma_start3A_25] : memref<10000x128xf32, #tpu.memory_space<hbm>> -> memref<10000x128xf32, #tpu.memory_space<hbm>>
    tpu.enqueue_indirect_dma source(%dma_start3A_26 : memref<10000x128xf32, #tpu.memory_space<hbm>>) target(%dma_start3A_21 : memref<40x128xf32, #tpu.memory_space<vmem>>) offsets(%dma_start3A_23 : memref<40xi32, #tpu.memory_space<vmem>>) semaphore(%arg11 : memref<!tpu.dma_semaphore, #tpu.memory_space<semaphore_mem>>)
    %dma_start3A_27 = arith.constant 40 : i32
    %dma_start3A_28 = arith.constant 0 : i32
    %dma_start3A_29 = tpu.memref_slice %arg8[%dma_start3A_27, %dma_start3A_28] : memref<80x128xf32, #tpu.memory_space<vmem>> -> memref<40x128xf32, #tpu.memory_space<vmem>>
    %dma_start3A_30 = arith.constant 40 : i32
    %dma_start3A_31 = tpu.memref_slice %arg6[%dma_start3A_30] : memref<10000xi32, #tpu.memory_space<vmem>> -> memref<40xi32, #tpu.memory_space<vmem>>
    %dma_start3A_32 = arith.constant 0 : i32
    %dma_start3A_33 = arith.constant 0 : i32
    %dma_start3A_34 = tpu.memref_slice %arg2[%dma_start3A_32, %dma_start3A_33] : memref<10000x128xf32, #tpu.memory_space<hbm>> -> memref<10000x128xf32, #tpu.memory_space<hbm>>
    tpu.enqueue_indirect_dma source(%dma_start3A_34 : memref<10000x128xf32, #tpu.memory_space<hbm>>) target(%dma_start3A_29 : memref<40x128xf32, #tpu.memory_space<vmem>>) offsets(%dma_start3A_31 : memref<40xi32, #tpu.memory_space<vmem>>) semaphore(%arg12 : memref<!tpu.dma_semaphore, #tpu.memory_space<semaphore_mem>>)
    %dma_start3A_35 = arith.constant 0 : i32
    %dma_start3A_36 = arith.constant 0 : i32
    %dma_start3A_37 = tpu.memref_slice %arg9[%dma_start3A_35, %dma_start3A_36] : memref<80x128xf32, #tpu.memory_space<vmem>> -> memref<40x128xf32, #tpu.memory_space<vmem>>
    %dma_start3A_38 = arith.constant 80 : i32
    %dma_start3A_39 = tpu.memref_slice %arg6[%dma_start3A_38] : memref<10000xi32, #tpu.memory_space<vmem>> -> memref<40xi32, #tpu.memory_space<vmem>>
    %dma_start3A_40 = arith.constant 0 : i32
    %dma_start3A_41 = arith.constant 0 : i32
    %dma_start3A_42 = tpu.memref_slice %arg2[%dma_start3A_40, %dma_start3A_41] : memref<10000x128xf32, #tpu.memory_space<hbm>> -> memref<10000x128xf32, #tpu.memory_space<hbm>>
    tpu.enqueue_indirect_dma source(%dma_start3A_42 : memref<10000x128xf32, #tpu.memory_space<hbm>>) target(%dma_start3A_37 : memref<40x128xf32, #tpu.memory_space<vmem>>) offsets(%dma_start3A_39 : memref<40xi32, #tpu.memory_space<vmem>>) semaphore(%arg13 : memref<!tpu.dma_semaphore, #tpu.memory_space<semaphore_mem>>)
    %dma_start3A_43 = arith.constant 40 : i32
    %dma_start3A_44 = arith.constant 0 : i32
    %dma_start3A_45 = tpu.memref_slice %arg9[%dma_start3A_43, %dma_start3A_44] : memref<80x128xf32, #tpu.memory_space<vmem>> -> memref<40x128xf32, #tpu.memory_space<vmem>>
    %dma_start3A_46 = arith.constant 120 : i32
    %dma_start3A_47 = tpu.memref_slice %arg6[%dma_start3A_46] : memref<10000xi32, #tpu.memory_space<vmem>> -> memref<40xi32, #tpu.memory_space<vmem>>
    %dma_start3A_48 = arith.constant 0 : i32
    %dma_start3A_49 = arith.constant 0 : i32
    %dma_start3A_50 = tpu.memref_slice %arg2[%dma_start3A_48, %dma_start3A_49] : memref<10000x128xf32, #tpu.memory_space<hbm>> -> memref<10000x128xf32, #tpu.memory_space<hbm>>
    tpu.enqueue_indirect_dma source(%dma_start3A_50 : memref<10000x128xf32, #tpu.memory_space<hbm>>) target(%dma_start3A_45 : memref<40x128xf32, #tpu.memory_space<vmem>>) offsets(%dma_start3A_47 : memref<40xi32, #tpu.memory_space<vmem>>) semaphore(%arg14 : memref<!tpu.dma_semaphore, #tpu.memory_space<semaphore_mem>>)
    %scan3A_51 = arith.constant 0 : i32
    %scan3A_52 = arith.constant 0 : i32
    %scan3A_53 = arith.constant 62 : i32
    %scan3A_54 = arith.addi %scan3A_52, %scan3A_53 : i32
    %scan3A_55 = arith.constant 1 : i32
    %scan3A_56 = scf.for %scan3A_92 = %scan3A_52 to %scan3A_54 step %scan3A_55 iter_args(%scan3A_93 = %scan3A_51) -> (i32)  : i32 {
      %mul3A_94 = arith.constant 4 : i32
      %mul3A_95 = arith.muli %mul3A_94, %scan3A_92 : i32
      %mul3A_96 = arith.constant 2 : i32
      %mul3A_97 = arith.muli %mul3A_96, %scan3A_92 : i32
      %add3A_98 = arith.constant 1 : i32
      %add3A_99 = arith.addi %mul3A_97, %add3A_98 : i32
      %mul3A_100 = arith.constant 40 : i32
      %mul3A_101 = arith.muli %mul3A_95, %mul3A_100 : i32
      %dma_wait3A_102 = arith.constant 0 : i32
      %dma_wait3A_103 = arith.constant 0 : i32
      %dma_wait3A_104 = tpu.memref_slice %arg8[%dma_wait3A_102, %dma_wait3A_103] : memref<80x128xf32, #tpu.memory_space<vmem>> -> memref<40x128xf32, #tpu.memory_space<vmem>>
      %dma_wait3A_105 = tpu.memref_slice %arg6[%mul3A_101] : memref<10000xi32, #tpu.memory_space<vmem>> -> memref<40xi32, #tpu.memory_space<vmem>>
      %dma_wait3A_106 = arith.constant 0 : i32
      %dma_wait3A_107 = arith.constant 0 : i32
      %dma_wait3A_108 = tpu.memref_slice %arg2[%dma_wait3A_106, %dma_wait3A_107] : memref<10000x128xf32, #tpu.memory_space<hbm>> -> memref<10000x128xf32, #tpu.memory_space<hbm>>
      tpu.wait_indirect_dma semaphore(%arg11 : memref<!tpu.dma_semaphore, #tpu.memory_space<semaphore_mem>>) src(%dma_wait3A_108 : memref<10000x128xf32, #tpu.memory_space<hbm>>) dst(%dma_wait3A_104 : memref<40x128xf32, #tpu.memory_space<vmem>>)
      %add3A_109 = arith.constant 1 : i32
      %add3A_110 = arith.addi %mul3A_95, %add3A_109 : i32
      %mul3A_111 = arith.constant 40 : i32
      %mul3A_112 = arith.muli %add3A_110, %mul3A_111 : i32
      %dma_wait3A_113 = arith.constant 40 : i32
      %dma_wait3A_114 = arith.constant 0 : i32
      %dma_wait3A_115 = tpu.memref_slice %arg8[%dma_wait3A_113, %dma_wait3A_114] : memref<80x128xf32, #tpu.memory_space<vmem>> -> memref<40x128xf32, #tpu.memory_space<vmem>>
      %dma_wait3A_116 = tpu.memref_slice %arg6[%mul3A_112] : memref<10000xi32, #tpu.memory_space<vmem>> -> memref<40xi32, #tpu.memory_space<vmem>>
      %dma_wait3A_117 = arith.constant 0 : i32
      %dma_wait3A_118 = arith.constant 0 : i32
      %dma_wait3A_119 = tpu.memref_slice %arg2[%dma_wait3A_117, %dma_wait3A_118] : memref<10000x128xf32, #tpu.memory_space<hbm>> -> memref<10000x128xf32, #tpu.memory_space<hbm>>
      tpu.wait_indirect_dma semaphore(%arg12 : memref<!tpu.dma_semaphore, #tpu.memory_space<semaphore_mem>>) src(%dma_wait3A_119 : memref<10000x128xf32, #tpu.memory_space<hbm>>) dst(%dma_wait3A_115 : memref<40x128xf32, #tpu.memory_space<vmem>>)
      %dma_start3A_120 = arith.constant 0 : i32
      %dma_start3A_121 = tpu.memref_slice %arg7[%mul3A_97, %dma_start3A_120] : memref<125x80xi32, #tpu.memory_space<vmem>> -> memref<1x80xi32, #tpu.memory_space<vmem>>
      %dma_start3A_122 = tpu.memref_squeeze %dma_start3A_121 : memref<1x80xi32, #tpu.memory_space<vmem>> -> memref<80xi32, #tpu.memory_space<vmem>>
      %dma_start3A_123 = arith.constant 0 : i32
      %dma_start3A_124 = arith.constant 0 : i32
      %dma_start3A_125 = tpu.memref_slice %arg10[%dma_start3A_123, %dma_start3A_124] : memref<10112x128xf32, #tpu.memory_space<vmem_shared>> -> memref<10112x128xf32, #tpu.memory_space<vmem_shared>>
      tpu.enqueue_indirect_dma source(%arg8 : memref<80x128xf32, #tpu.memory_space<vmem>>) target(%dma_start3A_125 : memref<10112x128xf32, #tpu.memory_space<vmem_shared>>) offsets(%dma_start3A_122 : memref<80xi32, #tpu.memory_space<vmem>>) semaphore(%arg15 : memref<!tpu.dma_semaphore, #tpu.memory_space<semaphore_mem>>) {add = true}
      %add3A_126 = arith.constant 2 : i32
      %add3A_127 = arith.addi %mul3A_95, %add3A_126 : i32
      %mul3A_128 = arith.constant 40 : i32
      %mul3A_129 = arith.muli %add3A_127, %mul3A_128 : i32
      %dma_wait3A_130 = arith.constant 0 : i32
      %dma_wait3A_131 = arith.constant 0 : i32
      %dma_wait3A_132 = tpu.memref_slice %arg9[%dma_wait3A_130, %dma_wait3A_131] : memref<80x128xf32, #tpu.memory_space<vmem>> -> memref<40x128xf32, #tpu.memory_space<vmem>>
      %dma_wait3A_133 = tpu.memref_slice %arg6[%mul3A_129] : memref<10000xi32, #tpu.memory_space<vmem>> -> memref<40xi32, #tpu.memory_space<vmem>>
      %dma_wait3A_134 = arith.constant 0 : i32
      %dma_wait3A_135 = arith.constant 0 : i32
      %dma_wait3A_136 = tpu.memref_slice %arg2[%dma_wait3A_134, %dma_wait3A_135] : memref<10000x128xf32, #tpu.memory_space<hbm>> -> memref<10000x128xf32, #tpu.memory_space<hbm>>
      tpu.wait_indirect_dma semaphore(%arg13 : memref<!tpu.dma_semaphore, #tpu.memory_space<semaphore_mem>>) src(%dma_wait3A_136 : memref<10000x128xf32, #tpu.memory_space<hbm>>) dst(%dma_wait3A_132 : memref<40x128xf32, #tpu.memory_space<vmem>>)
      %add3A_137 = arith.constant 3 : i32
      %add3A_138 = arith.addi %mul3A_95, %add3A_137 : i32
      %mul3A_139 = arith.constant 40 : i32
      %mul3A_140 = arith.muli %add3A_138, %mul3A_139 : i32
      %dma_wait3A_141 = arith.constant 40 : i32
      %dma_wait3A_142 = arith.constant 0 : i32
      %dma_wait3A_143 = tpu.memref_slice %arg9[%dma_wait3A_141, %dma_wait3A_142] : memref<80x128xf32, #tpu.memory_space<vmem>> -> memref<40x128xf32, #tpu.memory_space<vmem>>
      %dma_wait3A_144 = tpu.memref_slice %arg6[%mul3A_140] : memref<10000xi32, #tpu.memory_space<vmem>> -> memref<40xi32, #tpu.memory_space<vmem>>
      %dma_wait3A_145 = arith.constant 0 : i32
      %dma_wait3A_146 = arith.constant 0 : i32
      %dma_wait3A_147 = tpu.memref_slice %arg2[%dma_wait3A_145, %dma_wait3A_146] : memref<10000x128xf32, #tpu.memory_space<hbm>> -> memref<10000x128xf32, #tpu.memory_space<hbm>>
      tpu.wait_indirect_dma semaphore(%arg14 : memref<!tpu.dma_semaphore, #tpu.memory_space<semaphore_mem>>) src(%dma_wait3A_147 : memref<10000x128xf32, #tpu.memory_space<hbm>>) dst(%dma_wait3A_143 : memref<40x128xf32, #tpu.memory_space<vmem>>)
      %dma_start3A_148 = arith.constant 0 : i32
      %dma_start3A_149 = tpu.memref_slice %arg7[%add3A_99, %dma_start3A_148] : memref<125x80xi32, #tpu.memory_space<vmem>> -> memref<1x80xi32, #tpu.memory_space<vmem>>
      %dma_start3A_150 = tpu.memref_squeeze %dma_start3A_149 : memref<1x80xi32, #tpu.memory_space<vmem>> -> memref<80xi32, #tpu.memory_space<vmem>>
      %dma_start3A_151 = arith.constant 0 : i32
      %dma_start3A_152 = arith.constant 0 : i32
      %dma_start3A_153 = tpu.memref_slice %arg10[%dma_start3A_151, %dma_start3A_152] : memref<10112x128xf32, #tpu.memory_space<vmem_shared>> -> memref<10112x128xf32, #tpu.memory_space<vmem_shared>>
      tpu.enqueue_indirect_dma source(%arg9 : memref<80x128xf32, #tpu.memory_space<vmem>>) target(%dma_start3A_153 : memref<10112x128xf32, #tpu.memory_space<vmem_shared>>) offsets(%dma_start3A_150 : memref<80xi32, #tpu.memory_space<vmem>>) semaphore(%arg16 : memref<!tpu.dma_semaphore, #tpu.memory_space<semaphore_mem>>) {add = true}
      %dma_wait3A_154 = arith.constant 0 : i32
      %dma_wait3A_155 = tpu.memref_slice %arg7[%mul3A_97, %dma_wait3A_154] : memref<125x80xi32, #tpu.memory_space<vmem>> -> memref<1x80xi32, #tpu.memory_space<vmem>>
      %dma_wait3A_156 = tpu.memref_squeeze %dma_wait3A_155 : memref<1x80xi32, #tpu.memory_space<vmem>> -> memref<80xi32, #tpu.memory_space<vmem>>
      %dma_wait3A_157 = arith.constant 0 : i32
      %dma_wait3A_158 = arith.constant 0 : i32
      %dma_wait3A_159 = tpu.memref_slice %arg10[%dma_wait3A_157, %dma_wait3A_158] : memref<10112x128xf32, #tpu.memory_space<vmem_shared>> -> memref<10112x128xf32, #tpu.memory_space<vmem_shared>>
      tpu.wait_indirect_dma semaphore(%arg15 : memref<!tpu.dma_semaphore, #tpu.memory_space<semaphore_mem>>) src(%arg8 : memref<80x128xf32, #tpu.memory_space<vmem>>) dst(%dma_wait3A_159 : memref<10112x128xf32, #tpu.memory_space<vmem_shared>>)
      %add3A_160 = arith.constant 4 : i32
      %add3A_161 = arith.addi %mul3A_95, %add3A_160 : i32
      %lt3A = arith.constant 250 : i32
      %lt3A_162 = arith.cmpi slt, %add3A_161, %lt3A : i32
      %convert_element_type3A = arith.extui %lt3A_162 : i1 to i32
      %cond3A = arith.constant 0 : i32
      %cond3A_163 = arith.cmpi ne, %convert_element_type3A, %cond3A : i32
      scf.if %cond3A_163 {
        %add3A_192 = arith.constant 4 : i32
        %add3A_193 = arith.addi %mul3A_95, %add3A_192 : i32
        %mul3A_194 = arith.constant 40 : i32
        %mul3A_195 = arith.muli %add3A_193, %mul3A_194 : i32
        %dma_start3A_196 = arith.constant 0 : i32
        %dma_start3A_197 = arith.constant 0 : i32
        %dma_start3A_198 = tpu.memref_slice %arg8[%dma_start3A_196, %dma_start3A_197] : memref<80x128xf32, #tpu.memory_space<vmem>> -> memref<40x128xf32, #tpu.memory_space<vmem>>
        %dma_start3A_199 = tpu.memref_slice %arg6[%mul3A_195] : memref<10000xi32, #tpu.memory_space<vmem>> -> memref<40xi32, #tpu.memory_space<vmem>>
        %dma_start3A_200 = arith.constant 0 : i32
        %dma_start3A_201 = arith.constant 0 : i32
        %dma_start3A_202 = tpu.memref_slice %arg2[%dma_start3A_200, %dma_start3A_201] : memref<10000x128xf32, #tpu.memory_space<hbm>> -> memref<10000x128xf32, #tpu.memory_space<hbm>>
        tpu.enqueue_indirect_dma source(%dma_start3A_202 : memref<10000x128xf32, #tpu.memory_space<hbm>>) target(%dma_start3A_198 : memref<40x128xf32, #tpu.memory_space<vmem>>) offsets(%dma_start3A_199 : memref<40xi32, #tpu.memory_space<vmem>>) semaphore(%arg11 : memref<!tpu.dma_semaphore, #tpu.memory_space<semaphore_mem>>)
      } else {
      }
      %add3A_164 = arith.constant 5 : i32
      %add3A_165 = arith.addi %mul3A_95, %add3A_164 : i32
      %lt3A_166 = arith.constant 250 : i32
      %lt3A_167 = arith.cmpi slt, %add3A_165, %lt3A_166 : i32
      %convert_element_type3A_168 = arith.extui %lt3A_167 : i1 to i32
      %cond3A_169 = arith.constant 0 : i32
      %cond3A_170 = arith.cmpi ne, %convert_element_type3A_168, %cond3A_169 : i32
      scf.if %cond3A_170 {
        %add3A_192 = arith.constant 5 : i32
        %add3A_193 = arith.addi %mul3A_95, %add3A_192 : i32
        %mul3A_194 = arith.constant 40 : i32
        %mul3A_195 = arith.muli %add3A_193, %mul3A_194 : i32
        %dma_start3A_196 = arith.constant 40 : i32
        %dma_start3A_197 = arith.constant 0 : i32
        %dma_start3A_198 = tpu.memref_slice %arg8[%dma_start3A_196, %dma_start3A_197] : memref<80x128xf32, #tpu.memory_space<vmem>> -> memref<40x128xf32, #tpu.memory_space<vmem>>
        %dma_start3A_199 = tpu.memref_slice %arg6[%mul3A_195] : memref<10000xi32, #tpu.memory_space<vmem>> -> memref<40xi32, #tpu.memory_space<vmem>>
        %dma_start3A_200 = arith.constant 0 : i32
        %dma_start3A_201 = arith.constant 0 : i32
        %dma_start3A_202 = tpu.memref_slice %arg2[%dma_start3A_200, %dma_start3A_201] : memref<10000x128xf32, #tpu.memory_space<hbm>> -> memref<10000x128xf32, #tpu.memory_space<hbm>>
        tpu.enqueue_indirect_dma source(%dma_start3A_202 : memref<10000x128xf32, #tpu.memory_space<hbm>>) target(%dma_start3A_198 : memref<40x128xf32, #tpu.memory_space<vmem>>) offsets(%dma_start3A_199 : memref<40xi32, #tpu.memory_space<vmem>>) semaphore(%arg12 : memref<!tpu.dma_semaphore, #tpu.memory_space<semaphore_mem>>)
      } else {
      }
      %dma_wait3A_171 = arith.constant 0 : i32
      %dma_wait3A_172 = tpu.memref_slice %arg7[%add3A_99, %dma_wait3A_171] : memref<125x80xi32, #tpu.memory_space<vmem>> -> memref<1x80xi32, #tpu.memory_space<vmem>>
      %dma_wait3A_173 = tpu.memref_squeeze %dma_wait3A_172 : memref<1x80xi32, #tpu.memory_space<vmem>> -> memref<80xi32, #tpu.memory_space<vmem>>
      %dma_wait3A_174 = arith.constant 0 : i32
      %dma_wait3A_175 = arith.constant 0 : i32
      %dma_wait3A_176 = tpu.memref_slice %arg10[%dma_wait3A_174, %dma_wait3A_175] : memref<10112x128xf32, #tpu.memory_space<vmem_shared>> -> memref<10112x128xf32, #tpu.memory_space<vmem_shared>>
      tpu.wait_indirect_dma semaphore(%arg16 : memref<!tpu.dma_semaphore, #tpu.memory_space<semaphore_mem>>) src(%arg9 : memref<80x128xf32, #tpu.memory_space<vmem>>) dst(%dma_wait3A_176 : memref<10112x128xf32, #tpu.memory_space<vmem_shared>>)
      %add3A_177 = arith.constant 6 : i32
      %add3A_178 = arith.addi %mul3A_95, %add3A_177 : i32
      %lt3A_179 = arith.constant 250 : i32
      %lt3A_180 = arith.cmpi slt, %add3A_178, %lt3A_179 : i32
      %convert_element_type3A_181 = arith.extui %lt3A_180 : i1 to i32
      %cond3A_182 = arith.constant 0 : i32
      %cond3A_183 = arith.cmpi ne, %convert_element_type3A_181, %cond3A_182 : i32
      scf.if %cond3A_183 {
        %add3A_192 = arith.constant 6 : i32
        %add3A_193 = arith.addi %mul3A_95, %add3A_192 : i32
        %mul3A_194 = arith.constant 40 : i32
        %mul3A_195 = arith.muli %add3A_193, %mul3A_194 : i32
        %dma_start3A_196 = arith.constant 0 : i32
        %dma_start3A_197 = arith.constant 0 : i32
        %dma_start3A_198 = tpu.memref_slice %arg9[%dma_start3A_196, %dma_start3A_197] : memref<80x128xf32, #tpu.memory_space<vmem>> -> memref<40x128xf32, #tpu.memory_space<vmem>>
        %dma_start3A_199 = tpu.memref_slice %arg6[%mul3A_195] : memref<10000xi32, #tpu.memory_space<vmem>> -> memref<40xi32, #tpu.memory_space<vmem>>
        %dma_start3A_200 = arith.constant 0 : i32
        %dma_start3A_201 = arith.constant 0 : i32
        %dma_start3A_202 = tpu.memref_slice %arg2[%dma_start3A_200, %dma_start3A_201] : memref<10000x128xf32, #tpu.memory_space<hbm>> -> memref<10000x128xf32, #tpu.memory_space<hbm>>
        tpu.enqueue_indirect_dma source(%dma_start3A_202 : memref<10000x128xf32, #tpu.memory_space<hbm>>) target(%dma_start3A_198 : memref<40x128xf32, #tpu.memory_space<vmem>>) offsets(%dma_start3A_199 : memref<40xi32, #tpu.memory_space<vmem>>) semaphore(%arg13 : memref<!tpu.dma_semaphore, #tpu.memory_space<semaphore_mem>>)
      } else {
      }
      %add3A_184 = arith.constant 7 : i32
      %add3A_185 = arith.addi %mul3A_95, %add3A_184 : i32
      %lt3A_186 = arith.constant 250 : i32
      %lt3A_187 = arith.cmpi slt, %add3A_185, %lt3A_186 : i32
      %convert_element_type3A_188 = arith.extui %lt3A_187 : i1 to i32
      %cond3A_189 = arith.constant 0 : i32
      %cond3A_190 = arith.cmpi ne, %convert_element_type3A_188, %cond3A_189 : i32
      scf.if %cond3A_190 {
        %add3A_192 = arith.constant 7 : i32
        %add3A_193 = arith.addi %mul3A_95, %add3A_192 : i32
        %mul3A_194 = arith.constant 40 : i32
        %mul3A_195 = arith.muli %add3A_193, %mul3A_194 : i32
        %dma_start3A_196 = arith.constant 40 : i32
        %dma_start3A_197 = arith.constant 0 : i32
        %dma_start3A_198 = tpu.memref_slice %arg9[%dma_start3A_196, %dma_start3A_197] : memref<80x128xf32, #tpu.memory_space<vmem>> -> memref<40x128xf32, #tpu.memory_space<vmem>>
        %dma_start3A_199 = tpu.memref_slice %arg6[%mul3A_195] : memref<10000xi32, #tpu.memory_space<vmem>> -> memref<40xi32, #tpu.memory_space<vmem>>
        %dma_start3A_200 = arith.constant 0 : i32
        %dma_start3A_201 = arith.constant 0 : i32
        %dma_start3A_202 = tpu.memref_slice %arg2[%dma_start3A_200, %dma_start3A_201] : memref<10000x128xf32, #tpu.memory_space<hbm>> -> memref<10000x128xf32, #tpu.memory_space<hbm>>
        tpu.enqueue_indirect_dma source(%dma_start3A_202 : memref<10000x128xf32, #tpu.memory_space<hbm>>) target(%dma_start3A_198 : memref<40x128xf32, #tpu.memory_space<vmem>>) offsets(%dma_start3A_199 : memref<40xi32, #tpu.memory_space<vmem>>) semaphore(%arg14 : memref<!tpu.dma_semaphore, #tpu.memory_space<semaphore_mem>>)
      } else {
      }
      %scan3A_191 = arith.constant 0 : i32
      scf.yield %scan3A_191 : i32
    }
    %scan3A_57 = arith.constant 62 : i32
    %dma_wait3A = arith.constant 0 : i32
    %dma_wait3A_58 = arith.constant 0 : i32
    %dma_wait3A_59 = tpu.memref_slice %arg8[%dma_wait3A, %dma_wait3A_58] : memref<80x128xf32, #tpu.memory_space<vmem>> -> memref<40x128xf32, #tpu.memory_space<vmem>>
    %dma_wait3A_60 = arith.constant 9920 : i32
    %dma_wait3A_61 = tpu.memref_slice %arg6[%dma_wait3A_60] : memref<10000xi32, #tpu.memory_space<vmem>> -> memref<40xi32, #tpu.memory_space<vmem>>
    %dma_wait3A_62 = arith.constant 0 : i32
    %dma_wait3A_63 = arith.constant 0 : i32
    %dma_wait3A_64 = tpu.memref_slice %arg2[%dma_wait3A_62, %dma_wait3A_63] : memref<10000x128xf32, #tpu.memory_space<hbm>> -> memref<10000x128xf32, #tpu.memory_space<hbm>>
    tpu.wait_indirect_dma semaphore(%arg11 : memref<!tpu.dma_semaphore, #tpu.memory_space<semaphore_mem>>) src(%dma_wait3A_64 : memref<10000x128xf32, #tpu.memory_space<hbm>>) dst(%dma_wait3A_59 : memref<40x128xf32, #tpu.memory_space<vmem>>)
    %dma_wait3A_65 = arith.constant 40 : i32
    %dma_wait3A_66 = arith.constant 0 : i32
    %dma_wait3A_67 = tpu.memref_slice %arg8[%dma_wait3A_65, %dma_wait3A_66] : memref<80x128xf32, #tpu.memory_space<vmem>> -> memref<40x128xf32, #tpu.memory_space<vmem>>
    %dma_wait3A_68 = arith.constant 9960 : i32
    %dma_wait3A_69 = tpu.memref_slice %arg6[%dma_wait3A_68] : memref<10000xi32, #tpu.memory_space<vmem>> -> memref<40xi32, #tpu.memory_space<vmem>>
    %dma_wait3A_70 = arith.constant 0 : i32
    %dma_wait3A_71 = arith.constant 0 : i32
    %dma_wait3A_72 = tpu.memref_slice %arg2[%dma_wait3A_70, %dma_wait3A_71] : memref<10000x128xf32, #tpu.memory_space<hbm>> -> memref<10000x128xf32, #tpu.memory_space<hbm>>
    tpu.wait_indirect_dma semaphore(%arg12 : memref<!tpu.dma_semaphore, #tpu.memory_space<semaphore_mem>>) src(%dma_wait3A_72 : memref<10000x128xf32, #tpu.memory_space<hbm>>) dst(%dma_wait3A_67 : memref<40x128xf32, #tpu.memory_space<vmem>>)
    %dma_start3A_73 = arith.constant 124 : i32
    %dma_start3A_74 = arith.constant 0 : i32
    %dma_start3A_75 = tpu.memref_slice %arg7[%dma_start3A_73, %dma_start3A_74] : memref<125x80xi32, #tpu.memory_space<vmem>> -> memref<1x80xi32, #tpu.memory_space<vmem>>
    %dma_start3A_76 = tpu.memref_squeeze %dma_start3A_75 : memref<1x80xi32, #tpu.memory_space<vmem>> -> memref<80xi32, #tpu.memory_space<vmem>>
    %dma_start3A_77 = arith.constant 0 : i32
    %dma_start3A_78 = arith.constant 0 : i32
    %dma_start3A_79 = tpu.memref_slice %arg10[%dma_start3A_77, %dma_start3A_78] : memref<10112x128xf32, #tpu.memory_space<vmem_shared>> -> memref<10112x128xf32, #tpu.memory_space<vmem_shared>>
    tpu.enqueue_indirect_dma source(%arg8 : memref<80x128xf32, #tpu.memory_space<vmem>>) target(%dma_start3A_79 : memref<10112x128xf32, #tpu.memory_space<vmem_shared>>) offsets(%dma_start3A_76 : memref<80xi32, #tpu.memory_space<vmem>>) semaphore(%arg15 : memref<!tpu.dma_semaphore, #tpu.memory_space<semaphore_mem>>) {add = true}
    %dma_wait3A_80 = arith.constant 124 : i32
    %dma_wait3A_81 = arith.constant 0 : i32
    %dma_wait3A_82 = tpu.memref_slice %arg7[%dma_wait3A_80, %dma_wait3A_81] : memref<125x80xi32, #tpu.memory_space<vmem>> -> memref<1x80xi32, #tpu.memory_space<vmem>>
    %dma_wait3A_83 = tpu.memref_squeeze %dma_wait3A_82 : memref<1x80xi32, #tpu.memory_space<vmem>> -> memref<80xi32, #tpu.memory_space<vmem>>
    %dma_wait3A_84 = arith.constant 0 : i32
    %dma_wait3A_85 = arith.constant 0 : i32
    %dma_wait3A_86 = tpu.memref_slice %arg10[%dma_wait3A_84, %dma_wait3A_85] : memref<10112x128xf32, #tpu.memory_space<vmem_shared>> -> memref<10112x128xf32, #tpu.memory_space<vmem_shared>>
    tpu.wait_indirect_dma semaphore(%arg15 : memref<!tpu.dma_semaphore, #tpu.memory_space<semaphore_mem>>) src(%arg8 : memref<80x128xf32, #tpu.memory_space<vmem>>) dst(%dma_wait3A_86 : memref<10112x128xf32, #tpu.memory_space<vmem_shared>>)
    %barrier3A_87 = arith.constant 0 : index
    tpu.barrier barrier_id(%barrier3A_87)
    %mul3A_88 = arith.constant 632 : i32
    %mul3A_89 = arith.muli %arg1, %mul3A_88 : i32
    %mul3A_90 = arith.constant 632 : i32
    %mul3A_91 = arith.muli %arg1, %mul3A_90 : i32
    "tpu.region"() ({
      %run_scoped3A = tpu.sem_alloc : memref<!tpu.dma_semaphore, #tpu.memory_space<semaphore_mem>>
      %dma_start3A_92 = arith.constant 0 : i32
      %dma_start3A_93 = tpu.memref_slice %arg5[%arg0, %mul3A_91, %dma_start3A_92] : memref<2x10112x128xf32, #tpu.memory_space<hbm>> -> memref<1x632x128xf32, #tpu.memory_space<hbm>>
      %dma_start3A_94 = tpu.memref_squeeze %dma_start3A_93 : memref<1x632x128xf32, #tpu.memory_space<hbm>> -> memref<632x128xf32, #tpu.memory_space<hbm>>
      %dma_start3A_95 = arith.constant 0 : i32
      %dma_start3A_96 = tpu.memref_slice %arg10[%mul3A_89, %dma_start3A_95] : memref<10112x128xf32, #tpu.memory_space<vmem_shared>> -> memref<632x128xf32, #tpu.memory_space<vmem_shared>>
      tpu.enqueue_dma source(%dma_start3A_96 : memref<632x128xf32, #tpu.memory_space<vmem_shared>>) target(%dma_start3A_94 : memref<632x128xf32, #tpu.memory_space<hbm>>) target_semaphore(%run_scoped3A : memref<!tpu.dma_semaphore, #tpu.memory_space<semaphore_mem>>)
      %dma_wait3A_97 = arith.constant 0 : i32
      %dma_wait3A_98 = tpu.memref_slice %arg5[%arg0, %mul3A_91, %dma_wait3A_97] : memref<2x10112x128xf32, #tpu.memory_space<hbm>> -> memref<1x632x128xf32, #tpu.memory_space<hbm>>
      %dma_wait3A_99 = tpu.memref_squeeze %dma_wait3A_98 : memref<1x632x128xf32, #tpu.memory_space<hbm>> -> memref<632x128xf32, #tpu.memory_space<hbm>>
      %dma_wait3A_100 = arith.constant 0 : i32
      %dma_wait3A_101 = tpu.memref_slice %arg10[%mul3A_89, %dma_wait3A_100] : memref<10112x128xf32, #tpu.memory_space<vmem_shared>> -> memref<632x128xf32, #tpu.memory_space<vmem_shared>>
      tpu.wait_dma2 semaphore(%run_scoped3A : memref<!tpu.dma_semaphore, #tpu.memory_space<semaphore_mem>>) src(%dma_wait3A_101 : memref<632x128xf32, #tpu.memory_space<vmem_shared>>) dst(%dma_wait3A_99 : memref<632x128xf32, #tpu.memory_space<hbm>>)
      tpu.yield
    }) : () -> ()
    return
  }
}

#map = affine_map<(d0, d1) -> (0, 0)>
#map1 = affine_map<(d0, d1) -> (0)>
#map2 = affine_map<(d0, d1) -> (0, 0, 0)>
module attributes {stable_mosaic.version = 14 : i64} {
  func.func @_spmm_body(%arg0: i32, %arg1: i32, %arg2: memref<10000x128xf32, #tpu.memory_space<hbm>>, %arg3: memref<320000xi32, #tpu.memory_space<hbm>>, %arg4: memref<32x125x80xi32, #tpu.memory_space<hbm>>, %arg5: memref<2x10112x128xf32, #tpu.memory_space<hbm>>, %arg6: memref<10000xi32, #tpu.memory_space<vmem>>, %arg7: memref<125x80xi32, #tpu.memory_space<vmem>>, %arg8: memref<80x128xf32, #tpu.memory_space<vmem>>, %arg9: memref<80x128xf32, #tpu.memory_space<vmem>>, %arg10: memref<10112x128xf32, #tpu.memory_space<vmem_shared>>, %arg11: memref<!tpu.dma_semaphore, #tpu.memory_space<semaphore_mem>>, %arg12: memref<!tpu.dma_semaphore, #tpu.memory_space<semaphore_mem>>, %arg13: memref<!tpu.dma_semaphore, #tpu.memory_space<semaphore_mem>>, %arg14: memref<!tpu.dma_semaphore, #tpu.memory_space<semaphore_mem>>, %arg15: memref<!tpu.dma_semaphore, #tpu.memory_space<semaphore_mem>>, %arg16: memref<!tpu.dma_semaphore, #tpu.memory_space<semaphore_mem>>) attributes {dimension_semantics = [#tpu.dimension_semantics<core_parallel>, #tpu.dimension_semantics<subcore_parallel>], iteration_bounds = array<i64: 2, 16>, scalar_prefetch = 0 : i64, scratch_operands = 11 : i64, tpu.core_type = #tpu.core_type<sc_vector_subcore>, window_params = [{transform_indices = #map}, {transform_indices = #map1}, {transform_indices = #map2}, {transform_indices = #map2}]} {
    %mul3A = arith.constant 16 : i32
    %mul3A_0 = arith.muli %arg0, %mul3A : i32
    %add3A = arith.addi %mul3A_0, %arg1 : i32
    %mul3A_1 = arith.constant 10000 : i32
    %mul3A_2 = arith.muli %add3A, %mul3A_1 : i32
    "tpu.region"() ({
      %run_scoped3A = tpu.sem_alloc : memref<!tpu.dma_semaphore, #tpu.memory_space<semaphore_mem>>
      %dma_start3A_92 = tpu.memref_slice %arg3[%mul3A_2] : memref<320000xi32, #tpu.memory_space<hbm>> -> memref<10000xi32, #tpu.memory_space<hbm>>
      %dma_start3A_93 = tpu.memref_slice %arg3[%mul3A_2] : memref<320000xi32, #tpu.memory_space<hbm>> -> memref<10000xi32, #tpu.memory_space<hbm>>
      tpu.enqueue_dma source(%dma_start3A_93 : memref<10000xi32, #tpu.memory_space<hbm>>) target(%arg6 : memref<10000xi32, #tpu.memory_space<vmem>>) target_semaphore(%run_scoped3A : memref<!tpu.dma_semaphore, #tpu.memory_space<semaphore_mem>>)
      %dma_wait3A_94 = tpu.memref_slice %arg3[%mul3A_2] : memref<320000xi32, #tpu.memory_space<hbm>> -> memref<10000xi32, #tpu.memory_space<hbm>>
      %dma_wait3A_95 = tpu.memref_slice %arg3[%mul3A_2] : memref<320000xi32, #tpu.memory_space<hbm>> -> memref<10000xi32, #tpu.memory_space<hbm>>
      tpu.wait_dma2 semaphore(%run_scoped3A : memref<!tpu.dma_semaphore, #tpu.memory_space<semaphore_mem>>) src(%dma_wait3A_95 : memref<10000xi32, #tpu.memory_space<hbm>>) dst(%arg6 : memref<10000xi32, #tpu.memory_space<vmem>>)
      tpu.yield
    }) : () -> ()
    "tpu.region"() ({
      %run_scoped3A = tpu.sem_alloc : memref<!tpu.dma_semaphore, #tpu.memory_space<semaphore_mem>>
      %dma_start3A_92 = arith.constant 0 : i32
      %dma_start3A_93 = arith.constant 0 : i32
      %dma_start3A_94 = tpu.memref_slice %arg4[%add3A, %dma_start3A_92, %dma_start3A_93] : memref<32x125x80xi32, #tpu.memory_space<hbm>> -> memref<1x125x80xi32, #tpu.memory_space<hbm>>
      %dma_start3A_95 = tpu.memref_squeeze %dma_start3A_94 : memref<1x125x80xi32, #tpu.memory_space<hbm>> -> memref<125x80xi32, #tpu.memory_space<hbm>>
      %dma_start3A_96 = arith.constant 0 : i32
      %dma_start3A_97 = arith.constant 0 : i32
      %dma_start3A_98 = tpu.memref_slice %arg4[%add3A, %dma_start3A_96, %dma_start3A_97] : memref<32x125x80xi32, #tpu.memory_space<hbm>> -> memref<1x125x80xi32, #tpu.memory_space<hbm>>
      %dma_start3A_99 = tpu.memref_squeeze %dma_start3A_98 : memref<1x125x80xi32, #tpu.memory_space<hbm>> -> memref<125x80xi32, #tpu.memory_space<hbm>>
      tpu.enqueue_dma source(%dma_start3A_99 : memref<125x80xi32, #tpu.memory_space<hbm>>) target(%arg7 : memref<125x80xi32, #tpu.memory_space<vmem>>) target_semaphore(%run_scoped3A : memref<!tpu.dma_semaphore, #tpu.memory_space<semaphore_mem>>)
      %dma_wait3A_100 = arith.constant 0 : i32
      %dma_wait3A_101 = arith.constant 0 : i32
      %dma_wait3A_102 = tpu.memref_slice %arg4[%add3A, %dma_wait3A_100, %dma_wait3A_101] : memref<32x125x80xi32, #tpu.memory_space<hbm>> -> memref<1x125x80xi32, #tpu.memory_space<hbm>>
      %dma_wait3A_103 = tpu.memref_squeeze %dma_wait3A_102 : memref<1x125x80xi32, #tpu.memory_space<hbm>> -> memref<125x80xi32, #tpu.memory_space<hbm>>
      %dma_wait3A_104 = arith.constant 0 : i32
      %dma_wait3A_105 = arith.constant 0 : i32
      %dma_wait3A_106 = tpu.memref_slice %arg4[%add3A, %dma_wait3A_104, %dma_wait3A_105] : memref<32x125x80xi32, #tpu.memory_space<hbm>> -> memref<1x125x80xi32, #tpu.memory_space<hbm>>
      %dma_wait3A_107 = tpu.memref_squeeze %dma_wait3A_106 : memref<1x125x80xi32, #tpu.memory_space<hbm>> -> memref<125x80xi32, #tpu.memory_space<hbm>>
      tpu.wait_dma2 semaphore(%run_scoped3A : memref<!tpu.dma_semaphore, #tpu.memory_space<semaphore_mem>>) src(%dma_wait3A_107 : memref<125x80xi32, #tpu.memory_space<hbm>>) dst(%arg7 : memref<125x80xi32, #tpu.memory_space<vmem>>)
      tpu.yield
    }) : () -> ()
    %scan3A = arith.constant 0 : i32
    %scan3A_3 = arith.constant 0 : i32
    %scan3A_4 = arith.constant 80 : i32
    %scan3A_5 = arith.addi %scan3A_3, %scan3A_4 : i32
    %scan3A_6 = arith.constant 1 : i32
    %scan3A_7 = scf.for %scan3A_92 = %scan3A_3 to %scan3A_5 step %scan3A_6 iter_args(%scan3A_93 = %scan3A) -> (i32)  : i32 {
      %broadcast_in_dim3A = arith.constant 0.000000e+00 : f32
      %broadcast_in_dim3A_94 = vector.broadcast %broadcast_in_dim3A : f32 to vector<16xf32>
      %swap3A = arith.index_cast %scan3A_92 : i32 to index
      %swap3A_95 = arith.constant 0 : index
      %swap3A_96 = tpu.vector_load %arg8[%swap3A, %swap3A_95] {strides = array<i32>} : memref<80x128xf32, #tpu.memory_space<vmem>>, vector<16xf32>,
      tpu.vector_store %arg8[%swap3A, %swap3A_95], %broadcast_in_dim3A_94 {strides = array<i32>} : memref<80x128xf32, #tpu.memory_space<vmem>>, vector<16xf32>,
      %broadcast_in_dim3A_97 = arith.constant 0.000000e+00 : f32
      %broadcast_in_dim3A_98 = vector.broadcast %broadcast_in_dim3A_97 : f32 to vector<16xf32>
      %swap3A_99 = arith.index_cast %scan3A_92 : i32 to index
      %swap3A_100 = arith.constant 16 : index
      %swap3A_101 = tpu.vector_load %arg8[%swap3A_99, %swap3A_100] {strides = array<i32>} : memref<80x128xf32, #tpu.memory_space<vmem>>, vector<16xf32>,
      tpu.vector_store %arg8[%swap3A_99, %swap3A_100], %broadcast_in_dim3A_98 {strides = array<i32>} : memref<80x128xf32, #tpu.memory_space<vmem>>, vector<16xf32>,
      %broadcast_in_dim3A_102 = arith.constant 0.000000e+00 : f32
      %broadcast_in_dim3A_103 = vector.broadcast %broadcast_in_dim3A_102 : f32 to vector<16xf32>
      %swap3A_104 = arith.index_cast %scan3A_92 : i32 to index
      %swap3A_105 = arith.constant 32 : index
      %swap3A_106 = tpu.vector_load %arg8[%swap3A_104, %swap3A_105] {strides = array<i32>} : memref<80x128xf32, #tpu.memory_space<vmem>>, vector<16xf32>,
      tpu.vector_store %arg8[%swap3A_104, %swap3A_105], %broadcast_in_dim3A_103 {strides = array<i32>} : memref<80x128xf32, #tpu.memory_space<vmem>>, vector<16xf32>,
      %broadcast_in_dim3A_107 = arith.constant 0.000000e+00 : f32
      %broadcast_in_dim3A_108 = vector.broadcast %broadcast_in_dim3A_107 : f32 to vector<16xf32>
      %swap3A_109 = arith.index_cast %scan3A_92 : i32 to index
      %swap3A_110 = arith.constant 48 : index
      %swap3A_111 = tpu.vector_load %arg8[%swap3A_109, %swap3A_110] {strides = array<i32>} : memref<80x128xf32, #tpu.memory_space<vmem>>, vector<16xf32>,
      tpu.vector_store %arg8[%swap3A_109, %swap3A_110], %broadcast_in_dim3A_108 {strides = array<i32>} : memref<80x128xf32, #tpu.memory_space<vmem>>, vector<16xf32>,
      %broadcast_in_dim3A_112 = arith.constant 0.000000e+00 : f32
      %broadcast_in_dim3A_113 = vector.broadcast %broadcast_in_dim3A_112 : f32 to vector<16xf32>
      %swap3A_114 = arith.index_cast %scan3A_92 : i32 to index
      %swap3A_115 = arith.constant 64 : index
      %swap3A_116 = tpu.vector_load %arg8[%swap3A_114, %swap3A_115] {strides = array<i32>} : memref<80x128xf32, #tpu.memory_space<vmem>>, vector<16xf32>,
      tpu.vector_store %arg8[%swap3A_114, %swap3A_115], %broadcast_in_dim3A_113 {strides = array<i32>} : memref<80x128xf32, #tpu.memory_space<vmem>>, vector<16xf32>,
      %broadcast_in_dim3A_117 = arith.constant 0.000000e+00 : f32
      %broadcast_in_dim3A_118 = vector.broadcast %broadcast_in_dim3A_117 : f32 to vector<16xf32>
      %swap3A_119 = arith.index_cast %scan3A_92 : i32 to index
      %swap3A_120 = arith.constant 80 : index
      %swap3A_121 = tpu.vector_load %arg8[%swap3A_119, %swap3A_120] {strides = array<i32>} : memref<80x128xf32, #tpu.memory_space<vmem>>, vector<16xf32>,
      tpu.vector_store %arg8[%swap3A_119, %swap3A_120], %broadcast_in_dim3A_118 {strides = array<i32>} : memref<80x128xf32, #tpu.memory_space<vmem>>, vector<16xf32>,
      %broadcast_in_dim3A_122 = arith.constant 0.000000e+00 : f32
      %broadcast_in_dim3A_123 = vector.broadcast %broadcast_in_dim3A_122 : f32 to vector<16xf32>
      %swap3A_124 = arith.index_cast %scan3A_92 : i32 to index
      %swap3A_125 = arith.constant 96 : index
      %swap3A_126 = tpu.vector_load %arg8[%swap3A_124, %swap3A_125] {strides = array<i32>} : memref<80x128xf32, #tpu.memory_space<vmem>>, vector<16xf32>,
      tpu.vector_store %arg8[%swap3A_124, %swap3A_125], %broadcast_in_dim3A_123 {strides = array<i32>} : memref<80x128xf32, #tpu.memory_space<vmem>>, vector<16xf32>,
      %broadcast_in_dim3A_127 = arith.constant 0.000000e+00 : f32
      %broadcast_in_dim3A_128 = vector.broadcast %broadcast_in_dim3A_127 : f32 to vector<16xf32>
      %swap3A_129 = arith.index_cast %scan3A_92 : i32 to index
      %swap3A_130 = arith.constant 112 : index
      %swap3A_131 = tpu.vector_load %arg8[%swap3A_129, %swap3A_130] {strides = array<i32>} : memref<80x128xf32, #tpu.memory_space<vmem>>, vector<16xf32>,
      tpu.vector_store %arg8[%swap3A_129, %swap3A_130], %broadcast_in_dim3A_128 {strides = array<i32>} : memref<80x128xf32, #tpu.memory_space<vmem>>, vector<16xf32>,
      %scan3A_132 = arith.constant 0 : i32
      scf.yield %scan3A_132 : i32
    }
    %scan3A_8 = arith.constant 80 : i32
    %scan3A_9 = arith.constant 0 : i32
    %scan3A_10 = arith.constant 0 : i32
    %scan3A_11 = arith.constant 7 : i32
    %scan3A_12 = arith.addi %scan3A_10, %scan3A_11 : i32
    %scan3A_13 = arith.constant 1 : i32
    %scan3A_14 = scf.for %scan3A_92 = %scan3A_10 to %scan3A_12 step %scan3A_13 iter_args(%scan3A_93 = %scan3A_9) -> (i32)  : i32 {
      %mul3A_94 = arith.constant 632 : i32
      %mul3A_95 = arith.muli %arg1, %mul3A_94 : i32
      %mul3A_96 = arith.constant 80 : i32
      %mul3A_97 = arith.muli %scan3A_92, %mul3A_96 : i32
      %add3A_98 = arith.addi %mul3A_95, %mul3A_97 : i32
      "tpu.region"() ({
        %run_scoped3A = tpu.sem_alloc : memref<!tpu.dma_semaphore, #tpu.memory_space<semaphore_mem>>
        %dma_start3A_100 = arith.constant 0 : i32
        %dma_start3A_101 = tpu.memref_slice %arg10[%add3A_98, %dma_start3A_100] : memref<10112x128xf32, #tpu.memory_space<vmem_shared>> -> memref<80x128xf32, #tpu.memory_space<vmem_shared>>
        %dma_start3A_102 = arith.constant 0 : i32
        %dma_start3A_103 = tpu.memref_slice %arg10[%add3A_98, %dma_start3A_102] : memref<10112x128xf32, #tpu.memory_space<vmem_shared>> -> memref<80x128xf32, #tpu.memory_space<vmem_shared>>
        tpu.enqueue_dma source(%arg8 : memref<80x128xf32, #tpu.memory_space<vmem>>) target(%dma_start3A_103 : memref<80x128xf32, #tpu.memory_space<vmem_shared>>) target_semaphore(%run_scoped3A : memref<!tpu.dma_semaphore, #tpu.memory_space<semaphore_mem>>)
        %dma_wait3A_104 = arith.constant 0 : i32
        %dma_wait3A_105 = tpu.memref_slice %arg10[%add3A_98, %dma_wait3A_104] : memref<10112x128xf32, #tpu.memory_space<vmem_shared>> -> memref<80x128xf32, #tpu.memory_space<vmem_shared>>
        %dma_wait3A_106 = arith.constant 0 : i32
        %dma_wait3A_107 = tpu.memref_slice %arg10[%add3A_98, %dma_wait3A_106] : memref<10112x128xf32, #tpu.memory_space<vmem_shared>> -> memref<80x128xf32, #tpu.memory_space<vmem_shared>>
        tpu.wait_dma2 semaphore(%run_scoped3A : memref<!tpu.dma_semaphore, #tpu.memory_space<semaphore_mem>>) src(%arg8 : memref<80x128xf32, #tpu.memory_space<vmem>>) dst(%dma_wait3A_107 : memref<80x128xf32, #tpu.memory_space<vmem_shared>>)
        tpu.yield
      }) : () -> ()
      %scan3A_99 = arith.constant 0 : i32
      scf.yield %scan3A_99 : i32
    }
    %scan3A_15 = arith.constant 7 : i32
    %mul3A_16 = arith.constant 632 : i32
    %mul3A_17 = arith.muli %arg1, %mul3A_16 : i32
    %add3A_18 = arith.constant 560 : i32
    %add3A_19 = arith.addi %mul3A_17, %add3A_18 : i32
    "tpu.region"() ({
      %run_scoped3A = tpu.sem_alloc : memref<!tpu.dma_semaphore, #tpu.memory_space<semaphore_mem>>
      %dma_start3A_92 = arith.constant 0 : i32
      %dma_start3A_93 = arith.constant 0 : i32
      %dma_start3A_94 = tpu.memref_slice %arg8[%dma_start3A_92, %dma_start3A_93] : memref<80x128xf32, #tpu.memory_space<vmem>> -> memref<72x128xf32, #tpu.memory_space<vmem>>
      %dma_start3A_95 = arith.constant 0 : i32
      %dma_start3A_96 = tpu.memref_slice %arg10[%add3A_19, %dma_start3A_95] : memref<10112x128xf32, #tpu.memory_space<vmem_shared>> -> memref<72x128xf32, #tpu.memory_space<vmem_shared>>
      %dma_start3A_97 = arith.constant 0 : i32
      %dma_start3A_98 = tpu.memref_slice %arg10[%add3A_19, %dma_start3A_97] : memref<10112x128xf32, #tpu.memory_space<vmem_shared>> -> memref<72x128xf32, #tpu.memory_space<vmem_shared>>
      %dma_start3A_99 = arith.constant 0 : i32
      %dma_start3A_100 = arith.constant 0 : i32
      %dma_start3A_101 = tpu.memref_slice %arg8[%dma_start3A_99, %dma_start3A_100] : memref<80x128xf32, #tpu.memory_space<vmem>> -> memref<72x128xf32, #tpu.memory_space<vmem>>
      tpu.enqueue_dma source(%dma_start3A_101 : memref<72x128xf32, #tpu.memory_space<vmem>>) target(%dma_start3A_98 : memref<72x128xf32, #tpu.memory_space<vmem_shared>>) target_semaphore(%run_scoped3A : memref<!tpu.dma_semaphore, #tpu.memory_space<semaphore_mem>>)
      %dma_wait3A_102 = arith.constant 0 : i32
      %dma_wait3A_103 = arith.constant 0 : i32
      %dma_wait3A_104 = tpu.memref_slice %arg8[%dma_wait3A_102, %dma_wait3A_103] : memref<80x128xf32, #tpu.memory_space<vmem>> -> memref<72x128xf32, #tpu.memory_space<vmem>>
      %dma_wait3A_105 = arith.constant 0 : i32
      %dma_wait3A_106 = tpu.memref_slice %arg10[%add3A_19, %dma_wait3A_105] : memref<10112x128xf32, #tpu.memory_space<vmem_shared>> -> memref<72x128xf32, #tpu.memory_space<vmem_shared>>
      %dma_wait3A_107 = arith.constant 0 : i32
      %dma_wait3A_108 = tpu.memref_slice %arg10[%add3A_19, %dma_wait3A_107] : memref<10112x128xf32, #tpu.memory_space<vmem_shared>> -> memref<72x128xf32, #tpu.memory_space<vmem_shared>>
      %dma_wait3A_109 = arith.constant 0 : i32
      %dma_wait3A_110 = arith.constant 0 : i32
      %dma_wait3A_111 = tpu.memref_slice %arg8[%dma_wait3A_109, %dma_wait3A_110] : memref<80x128xf32, #tpu.memory_space<vmem>> -> memref<72x128xf32, #tpu.memory_space<vmem>>
      tpu.wait_dma2 semaphore(%run_scoped3A : memref<!tpu.dma_semaphore, #tpu.memory_space<semaphore_mem>>) src(%dma_wait3A_111 : memref<72x128xf32, #tpu.memory_space<vmem>>) dst(%dma_wait3A_108 : memref<72x128xf32, #tpu.memory_space<vmem_shared>>)
      tpu.yield
    }) : () -> ()
    %barrier3A = arith.constant 0 : index
    tpu.barrier barrier_id(%barrier3A)
    %dma_start3A = arith.constant 0 : i32
    %dma_start3A_20 = arith.constant 0 : i32
    %dma_start3A_21 = tpu.memref_slice %arg8[%dma_start3A, %dma_start3A_20] : memref<80x128xf32, #tpu.memory_space<vmem>> -> memref<40x128xf32, #tpu.memory_space<vmem>>
    %dma_start3A_22 = arith.constant 0 : i32
    %dma_start3A_23 = tpu.memref_slice %arg6[%dma_start3A_22] : memref<10000xi32, #tpu.memory_space<vmem>> -> memref<40xi32, #tpu.memory_space<vmem>>
    %dma_start3A_24 = arith.constant 0 : i32
    %dma_start3A_25 = arith.constant 0 : i32
    %dma_start3A_26 = tpu.memref_slice %arg2[%dma_start3A_24, %dma_start3A_25] : memref<10000x128xf32, #tpu.memory_space<hbm>> -> memref<10000x128xf32, #tpu.memory_space<hbm>>
    tpu.enqueue_indirect_dma source(%dma_start3A_26 : memref<10000x128xf32, #tpu.memory_space<hbm>>) target(%dma_start3A_21 : memref<40x128xf32, #tpu.memory_space<vmem>>) offsets(%dma_start3A_23 : memref<40xi32, #tpu.memory_space<vmem>>) semaphore(%arg11 : memref<!tpu.dma_semaphore, #tpu.memory_space<semaphore_mem>>)
    %dma_start3A_27 = arith.constant 40 : i32
    %dma_start3A_28 = arith.constant 0 : i32
    %dma_start3A_29 = tpu.memref_slice %arg8[%dma_start3A_27, %dma_start3A_28] : memref<80x128xf32, #tpu.memory_space<vmem>> -> memref<40x128xf32, #tpu.memory_space<vmem>>
    %dma_start3A_30 = arith.constant 40 : i32
    %dma_start3A_31 = tpu.memref_slice %arg6[%dma_start3A_30] : memref<10000xi32, #tpu.memory_space<vmem>> -> memref<40xi32, #tpu.memory_space<vmem>>
    %dma_start3A_32 = arith.constant 0 : i32
    %dma_start3A_33 = arith.constant 0 : i32
    %dma_start3A_34 = tpu.memref_slice %arg2[%dma_start3A_32, %dma_start3A_33] : memref<10000x128xf32, #tpu.memory_space<hbm>> -> memref<10000x128xf32, #tpu.memory_space<hbm>>
    tpu.enqueue_indirect_dma source(%dma_start3A_34 : memref<10000x128xf32, #tpu.memory_space<hbm>>) target(%dma_start3A_29 : memref<40x128xf32, #tpu.memory_space<vmem>>) offsets(%dma_start3A_31 : memref<40xi32, #tpu.memory_space<vmem>>) semaphore(%arg12 : memref<!tpu.dma_semaphore, #tpu.memory_space<semaphore_mem>>)
    %dma_start3A_35 = arith.constant 0 : i32
    %dma_start3A_36 = arith.constant 0 : i32
    %dma_start3A_37 = tpu.memref_slice %arg9[%dma_start3A_35, %dma_start3A_36] : memref<80x128xf32, #tpu.memory_space<vmem>> -> memref<40x128xf32, #tpu.memory_space<vmem>>
    %dma_start3A_38 = arith.constant 80 : i32
    %dma_start3A_39 = tpu.memref_slice %arg6[%dma_start3A_38] : memref<10000xi32, #tpu.memory_space<vmem>> -> memref<40xi32, #tpu.memory_space<vmem>>
    %dma_start3A_40 = arith.constant 0 : i32
    %dma_start3A_41 = arith.constant 0 : i32
    %dma_start3A_42 = tpu.memref_slice %arg2[%dma_start3A_40, %dma_start3A_41] : memref<10000x128xf32, #tpu.memory_space<hbm>> -> memref<10000x128xf32, #tpu.memory_space<hbm>>
    tpu.enqueue_indirect_dma source(%dma_start3A_42 : memref<10000x128xf32, #tpu.memory_space<hbm>>) target(%dma_start3A_37 : memref<40x128xf32, #tpu.memory_space<vmem>>) offsets(%dma_start3A_39 : memref<40xi32, #tpu.memory_space<vmem>>) semaphore(%arg13 : memref<!tpu.dma_semaphore, #tpu.memory_space<semaphore_mem>>)
    %dma_start3A_43 = arith.constant 40 : i32
    %dma_start3A_44 = arith.constant 0 : i32
    %dma_start3A_45 = tpu.memref_slice %arg9[%dma_start3A_43, %dma_start3A_44] : memref<80x128xf32, #tpu.memory_space<vmem>> -> memref<40x128xf32, #tpu.memory_space<vmem>>
    %dma_start3A_46 = arith.constant 120 : i32
    %dma_start3A_47 = tpu.memref_slice %arg6[%dma_start3A_46] : memref<10000xi32, #tpu.memory_space<vmem>> -> memref<40xi32, #tpu.memory_space<vmem>>
    %dma_start3A_48 = arith.constant 0 : i32
    %dma_start3A_49 = arith.constant 0 : i32
    %dma_start3A_50 = tpu.memref_slice %arg2[%dma_start3A_48, %dma_start3A_49] : memref<10000x128xf32, #tpu.memory_space<hbm>> -> memref<10000x128xf32, #tpu.memory_space<hbm>>
    tpu.enqueue_indirect_dma source(%dma_start3A_50 : memref<10000x128xf32, #tpu.memory_space<hbm>>) target(%dma_start3A_45 : memref<40x128xf32, #tpu.memory_space<vmem>>) offsets(%dma_start3A_47 : memref<40xi32, #tpu.memory_space<vmem>>) semaphore(%arg14 : memref<!tpu.dma_semaphore, #tpu.memory_space<semaphore_mem>>)
    %scan3A_51 = arith.constant 0 : i32
    %scan3A_52 = arith.constant 0 : i32
    %scan3A_53 = arith.constant 62 : i32
    %scan3A_54 = arith.addi %scan3A_52, %scan3A_53 : i32
    %scan3A_55 = arith.constant 1 : i32
    %scan3A_56 = scf.for %scan3A_92 = %scan3A_52 to %scan3A_54 step %scan3A_55 iter_args(%scan3A_93 = %scan3A_51) -> (i32)  : i32 {
      %mul3A_94 = arith.constant 4 : i32
      %mul3A_95 = arith.muli %mul3A_94, %scan3A_92 : i32
      %mul3A_96 = arith.constant 2 : i32
      %mul3A_97 = arith.muli %mul3A_96, %scan3A_92 : i32
      %add3A_98 = arith.constant 1 : i32
      %add3A_99 = arith.addi %mul3A_97, %add3A_98 : i32
      %mul3A_100 = arith.constant 40 : i32
      %mul3A_101 = arith.muli %mul3A_95, %mul3A_100 : i32
      %dma_wait3A_102 = arith.constant 0 : i32
      %dma_wait3A_103 = arith.constant 0 : i32
      %dma_wait3A_104 = tpu.memref_slice %arg8[%dma_wait3A_102, %dma_wait3A_103] : memref<80x128xf32, #tpu.memory_space<vmem>> -> memref<40x128xf32, #tpu.memory_space<vmem>>
      %dma_wait3A_105 = tpu.memref_slice %arg6[%mul3A_101] : memref<10000xi32, #tpu.memory_space<vmem>> -> memref<40xi32, #tpu.memory_space<vmem>>
      %dma_wait3A_106 = arith.constant 0 : i32
      %dma_wait3A_107 = arith.constant 0 : i32
      %dma_wait3A_108 = tpu.memref_slice %arg2[%dma_wait3A_106, %dma_wait3A_107] : memref<10000x128xf32, #tpu.memory_space<hbm>> -> memref<10000x128xf32, #tpu.memory_space<hbm>>
      tpu.wait_indirect_dma semaphore(%arg11 : memref<!tpu.dma_semaphore, #tpu.memory_space<semaphore_mem>>) src(%dma_wait3A_108 : memref<10000x128xf32, #tpu.memory_space<hbm>>) dst(%dma_wait3A_104 : memref<40x128xf32, #tpu.memory_space<vmem>>)
      %add3A_109 = arith.constant 1 : i32
      %add3A_110 = arith.addi %mul3A_95, %add3A_109 : i32
      %mul3A_111 = arith.constant 40 : i32
      %mul3A_112 = arith.muli %add3A_110, %mul3A_111 : i32
      %dma_wait3A_113 = arith.constant 40 : i32
      %dma_wait3A_114 = arith.constant 0 : i32
      %dma_wait3A_115 = tpu.memref_slice %arg8[%dma_wait3A_113, %dma_wait3A_114] : memref<80x128xf32, #tpu.memory_space<vmem>> -> memref<40x128xf32, #tpu.memory_space<vmem>>
      %dma_wait3A_116 = tpu.memref_slice %arg6[%mul3A_112] : memref<10000xi32, #tpu.memory_space<vmem>> -> memref<40xi32, #tpu.memory_space<vmem>>
      %dma_wait3A_117 = arith.constant 0 : i32
      %dma_wait3A_118 = arith.constant 0 : i32
      %dma_wait3A_119 = tpu.memref_slice %arg2[%dma_wait3A_117, %dma_wait3A_118] : memref<10000x128xf32, #tpu.memory_space<hbm>> -> memref<10000x128xf32, #tpu.memory_space<hbm>>
      tpu.wait_indirect_dma semaphore(%arg12 : memref<!tpu.dma_semaphore, #tpu.memory_space<semaphore_mem>>) src(%dma_wait3A_119 : memref<10000x128xf32, #tpu.memory_space<hbm>>) dst(%dma_wait3A_115 : memref<40x128xf32, #tpu.memory_space<vmem>>)
      %dma_start3A_120 = arith.constant 0 : i32
      %dma_start3A_121 = tpu.memref_slice %arg7[%mul3A_97, %dma_start3A_120] : memref<125x80xi32, #tpu.memory_space<vmem>> -> memref<1x80xi32, #tpu.memory_space<vmem>>
      %dma_start3A_122 = tpu.memref_squeeze %dma_start3A_121 : memref<1x80xi32, #tpu.memory_space<vmem>> -> memref<80xi32, #tpu.memory_space<vmem>>
      %dma_start3A_123 = arith.constant 0 : i32
      %dma_start3A_124 = arith.constant 0 : i32
      %dma_start3A_125 = tpu.memref_slice %arg10[%dma_start3A_123, %dma_start3A_124] : memref<10112x128xf32, #tpu.memory_space<vmem_shared>> -> memref<10112x128xf32, #tpu.memory_space<vmem_shared>>
      tpu.enqueue_indirect_dma source(%arg8 : memref<80x128xf32, #tpu.memory_space<vmem>>) target(%dma_start3A_125 : memref<10112x128xf32, #tpu.memory_space<vmem_shared>>) offsets(%dma_start3A_122 : memref<80xi32, #tpu.memory_space<vmem>>) semaphore(%arg15 : memref<!tpu.dma_semaphore, #tpu.memory_space<semaphore_mem>>) {add = true}
      %add3A_126 = arith.constant 2 : i32
      %add3A_127 = arith.addi %mul3A_95, %add3A_126 : i32
      %mul3A_128 = arith.constant 40 : i32
      %mul3A_129 = arith.muli %add3A_127, %mul3A_128 : i32
      %dma_wait3A_130 = arith.constant 0 : i32
      %dma_wait3A_131 = arith.constant 0 : i32
      %dma_wait3A_132 = tpu.memref_slice %arg9[%dma_wait3A_130, %dma_wait3A_131] : memref<80x128xf32, #tpu.memory_space<vmem>> -> memref<40x128xf32, #tpu.memory_space<vmem>>
      %dma_wait3A_133 = tpu.memref_slice %arg6[%mul3A_129] : memref<10000xi32, #tpu.memory_space<vmem>> -> memref<40xi32, #tpu.memory_space<vmem>>
      %dma_wait3A_134 = arith.constant 0 : i32
      %dma_wait3A_135 = arith.constant 0 : i32
      %dma_wait3A_136 = tpu.memref_slice %arg2[%dma_wait3A_134, %dma_wait3A_135] : memref<10000x128xf32, #tpu.memory_space<hbm>> -> memref<10000x128xf32, #tpu.memory_space<hbm>>
      tpu.wait_indirect_dma semaphore(%arg13 : memref<!tpu.dma_semaphore, #tpu.memory_space<semaphore_mem>>) src(%dma_wait3A_136 : memref<10000x128xf32, #tpu.memory_space<hbm>>) dst(%dma_wait3A_132 : memref<40x128xf32, #tpu.memory_space<vmem>>)
      %add3A_137 = arith.constant 3 : i32
      %add3A_138 = arith.addi %mul3A_95, %add3A_137 : i32
      %mul3A_139 = arith.constant 40 : i32
      %mul3A_140 = arith.muli %add3A_138, %mul3A_139 : i32
      %dma_wait3A_141 = arith.constant 40 : i32
      %dma_wait3A_142 = arith.constant 0 : i32
      %dma_wait3A_143 = tpu.memref_slice %arg9[%dma_wait3A_141, %dma_wait3A_142] : memref<80x128xf32, #tpu.memory_space<vmem>> -> memref<40x128xf32, #tpu.memory_space<vmem>>
      %dma_wait3A_144 = tpu.memref_slice %arg6[%mul3A_140] : memref<10000xi32, #tpu.memory_space<vmem>> -> memref<40xi32, #tpu.memory_space<vmem>>
      %dma_wait3A_145 = arith.constant 0 : i32
      %dma_wait3A_146 = arith.constant 0 : i32
      %dma_wait3A_147 = tpu.memref_slice %arg2[%dma_wait3A_145, %dma_wait3A_146] : memref<10000x128xf32, #tpu.memory_space<hbm>> -> memref<10000x128xf32, #tpu.memory_space<hbm>>
      tpu.wait_indirect_dma semaphore(%arg14 : memref<!tpu.dma_semaphore, #tpu.memory_space<semaphore_mem>>) src(%dma_wait3A_147 : memref<10000x128xf32, #tpu.memory_space<hbm>>) dst(%dma_wait3A_143 : memref<40x128xf32, #tpu.memory_space<vmem>>)
      %dma_start3A_148 = arith.constant 0 : i32
      %dma_start3A_149 = tpu.memref_slice %arg7[%add3A_99, %dma_start3A_148] : memref<125x80xi32, #tpu.memory_space<vmem>> -> memref<1x80xi32, #tpu.memory_space<vmem>>
      %dma_start3A_150 = tpu.memref_squeeze %dma_start3A_149 : memref<1x80xi32, #tpu.memory_space<vmem>> -> memref<80xi32, #tpu.memory_space<vmem>>
      %dma_start3A_151 = arith.constant 0 : i32
      %dma_start3A_152 = arith.constant 0 : i32
      %dma_start3A_153 = tpu.memref_slice %arg10[%dma_start3A_151, %dma_start3A_152] : memref<10112x128xf32, #tpu.memory_space<vmem_shared>> -> memref<10112x128xf32, #tpu.memory_space<vmem_shared>>
      tpu.enqueue_indirect_dma source(%arg9 : memref<80x128xf32, #tpu.memory_space<vmem>>) target(%dma_start3A_153 : memref<10112x128xf32, #tpu.memory_space<vmem_shared>>) offsets(%dma_start3A_150 : memref<80xi32, #tpu.memory_space<vmem>>) semaphore(%arg16 : memref<!tpu.dma_semaphore, #tpu.memory_space<semaphore_mem>>) {add = true}
      %dma_wait3A_154 = arith.constant 0 : i32
      %dma_wait3A_155 = tpu.memref_slice %arg7[%mul3A_97, %dma_wait3A_154] : memref<125x80xi32, #tpu.memory_space<vmem>> -> memref<1x80xi32, #tpu.memory_space<vmem>>
      %dma_wait3A_156 = tpu.memref_squeeze %dma_wait3A_155 : memref<1x80xi32, #tpu.memory_space<vmem>> -> memref<80xi32, #tpu.memory_space<vmem>>
      %dma_wait3A_157 = arith.constant 0 : i32
      %dma_wait3A_158 = arith.constant 0 : i32
      %dma_wait3A_159 = tpu.memref_slice %arg10[%dma_wait3A_157, %dma_wait3A_158] : memref<10112x128xf32, #tpu.memory_space<vmem_shared>> -> memref<10112x128xf32, #tpu.memory_space<vmem_shared>>
      tpu.wait_indirect_dma semaphore(%arg15 : memref<!tpu.dma_semaphore, #tpu.memory_space<semaphore_mem>>) src(%arg8 : memref<80x128xf32, #tpu.memory_space<vmem>>) dst(%dma_wait3A_159 : memref<10112x128xf32, #tpu.memory_space<vmem_shared>>)
      %add3A_160 = arith.constant 4 : i32
      %add3A_161 = arith.addi %mul3A_95, %add3A_160 : i32
      %lt3A = arith.constant 250 : i32
      %lt3A_162 = arith.cmpi slt, %add3A_161, %lt3A : i32
      %convert_element_type3A = arith.extui %lt3A_162 : i1 to i32
      %cond3A = arith.constant 0 : i32
      %cond3A_163 = arith.cmpi ne, %convert_element_type3A, %cond3A : i32
      scf.if %cond3A_163 {
        %add3A_192 = arith.constant 4 : i32
        %add3A_193 = arith.addi %mul3A_95, %add3A_192 : i32
        %mul3A_194 = arith.constant 40 : i32
        %mul3A_195 = arith.muli %add3A_193, %mul3A_194 : i32
        %dma_start3A_196 = arith.constant 0 : i32
        %dma_start3A_197 = arith.constant 0 : i32
        %dma_start3A_198 = tpu.memref_slice %arg8[%dma_start3A_196, %dma_start3A_197] : memref<80x128xf32, #tpu.memory_space<vmem>> -> memref<40x128xf32, #tpu.memory_space<vmem>>
        %dma_start3A_199 = tpu.memref_slice %arg6[%mul3A_195] : memref<10000xi32, #tpu.memory_space<vmem>> -> memref<40xi32, #tpu.memory_space<vmem>>
        %dma_start3A_200 = arith.constant 0 : i32
        %dma_start3A_201 = arith.constant 0 : i32
        %dma_start3A_202 = tpu.memref_slice %arg2[%dma_start3A_200, %dma_start3A_201] : memref<10000x128xf32, #tpu.memory_space<hbm>> -> memref<10000x128xf32, #tpu.memory_space<hbm>>
        tpu.enqueue_indirect_dma source(%dma_start3A_202 : memref<10000x128xf32, #tpu.memory_space<hbm>>) target(%dma_start3A_198 : memref<40x128xf32, #tpu.memory_space<vmem>>) offsets(%dma_start3A_199 : memref<40xi32, #tpu.memory_space<vmem>>) semaphore(%arg11 : memref<!tpu.dma_semaphore, #tpu.memory_space<semaphore_mem>>)
      } else {
      }
      %add3A_164 = arith.constant 5 : i32
      %add3A_165 = arith.addi %mul3A_95, %add3A_164 : i32
      %lt3A_166 = arith.constant 250 : i32
      %lt3A_167 = arith.cmpi slt, %add3A_165, %lt3A_166 : i32
      %convert_element_type3A_168 = arith.extui %lt3A_167 : i1 to i32
      %cond3A_169 = arith.constant 0 : i32
      %cond3A_170 = arith.cmpi ne, %convert_element_type3A_168, %cond3A_169 : i32
      scf.if %cond3A_170 {
        %add3A_192 = arith.constant 5 : i32
        %add3A_193 = arith.addi %mul3A_95, %add3A_192 : i32
        %mul3A_194 = arith.constant 40 : i32
        %mul3A_195 = arith.muli %add3A_193, %mul3A_194 : i32
        %dma_start3A_196 = arith.constant 40 : i32
        %dma_start3A_197 = arith.constant 0 : i32
        %dma_start3A_198 = tpu.memref_slice %arg8[%dma_start3A_196, %dma_start3A_197] : memref<80x128xf32, #tpu.memory_space<vmem>> -> memref<40x128xf32, #tpu.memory_space<vmem>>
        %dma_start3A_199 = tpu.memref_slice %arg6[%mul3A_195] : memref<10000xi32, #tpu.memory_space<vmem>> -> memref<40xi32, #tpu.memory_space<vmem>>
        %dma_start3A_200 = arith.constant 0 : i32
        %dma_start3A_201 = arith.constant 0 : i32
        %dma_start3A_202 = tpu.memref_slice %arg2[%dma_start3A_200, %dma_start3A_201] : memref<10000x128xf32, #tpu.memory_space<hbm>> -> memref<10000x128xf32, #tpu.memory_space<hbm>>
        tpu.enqueue_indirect_dma source(%dma_start3A_202 : memref<10000x128xf32, #tpu.memory_space<hbm>>) target(%dma_start3A_198 : memref<40x128xf32, #tpu.memory_space<vmem>>) offsets(%dma_start3A_199 : memref<40xi32, #tpu.memory_space<vmem>>) semaphore(%arg12 : memref<!tpu.dma_semaphore, #tpu.memory_space<semaphore_mem>>)
      } else {
      }
      %dma_wait3A_171 = arith.constant 0 : i32
      %dma_wait3A_172 = tpu.memref_slice %arg7[%add3A_99, %dma_wait3A_171] : memref<125x80xi32, #tpu.memory_space<vmem>> -> memref<1x80xi32, #tpu.memory_space<vmem>>
      %dma_wait3A_173 = tpu.memref_squeeze %dma_wait3A_172 : memref<1x80xi32, #tpu.memory_space<vmem>> -> memref<80xi32, #tpu.memory_space<vmem>>
      %dma_wait3A_174 = arith.constant 0 : i32
      %dma_wait3A_175 = arith.constant 0 : i32
      %dma_wait3A_176 = tpu.memref_slice %arg10[%dma_wait3A_174, %dma_wait3A_175] : memref<10112x128xf32, #tpu.memory_space<vmem_shared>> -> memref<10112x128xf32, #tpu.memory_space<vmem_shared>>
      tpu.wait_indirect_dma semaphore(%arg16 : memref<!tpu.dma_semaphore, #tpu.memory_space<semaphore_mem>>) src(%arg9 : memref<80x128xf32, #tpu.memory_space<vmem>>) dst(%dma_wait3A_176 : memref<10112x128xf32, #tpu.memory_space<vmem_shared>>)
      %add3A_177 = arith.constant 6 : i32
      %add3A_178 = arith.addi %mul3A_95, %add3A_177 : i32
      %lt3A_179 = arith.constant 250 : i32
      %lt3A_180 = arith.cmpi slt, %add3A_178, %lt3A_179 : i32
      %convert_element_type3A_181 = arith.extui %lt3A_180 : i1 to i32
      %cond3A_182 = arith.constant 0 : i32
      %cond3A_183 = arith.cmpi ne, %convert_element_type3A_181, %cond3A_182 : i32
      scf.if %cond3A_183 {
        %add3A_192 = arith.constant 6 : i32
        %add3A_193 = arith.addi %mul3A_95, %add3A_192 : i32
        %mul3A_194 = arith.constant 40 : i32
        %mul3A_195 = arith.muli %add3A_193, %mul3A_194 : i32
        %dma_start3A_196 = arith.constant 0 : i32
        %dma_start3A_197 = arith.constant 0 : i32
        %dma_start3A_198 = tpu.memref_slice %arg9[%dma_start3A_196, %dma_start3A_197] : memref<80x128xf32, #tpu.memory_space<vmem>> -> memref<40x128xf32, #tpu.memory_space<vmem>>
        %dma_start3A_199 = tpu.memref_slice %arg6[%mul3A_195] : memref<10000xi32, #tpu.memory_space<vmem>> -> memref<40xi32, #tpu.memory_space<vmem>>
        %dma_start3A_200 = arith.constant 0 : i32
        %dma_start3A_201 = arith.constant 0 : i32
        %dma_start3A_202 = tpu.memref_slice %arg2[%dma_start3A_200, %dma_start3A_201] : memref<10000x128xf32, #tpu.memory_space<hbm>> -> memref<10000x128xf32, #tpu.memory_space<hbm>>
        tpu.enqueue_indirect_dma source(%dma_start3A_202 : memref<10000x128xf32, #tpu.memory_space<hbm>>) target(%dma_start3A_198 : memref<40x128xf32, #tpu.memory_space<vmem>>) offsets(%dma_start3A_199 : memref<40xi32, #tpu.memory_space<vmem>>) semaphore(%arg13 : memref<!tpu.dma_semaphore, #tpu.memory_space<semaphore_mem>>)
      } else {
      }
      %add3A_184 = arith.constant 7 : i32
      %add3A_185 = arith.addi %mul3A_95, %add3A_184 : i32
      %lt3A_186 = arith.constant 250 : i32
      %lt3A_187 = arith.cmpi slt, %add3A_185, %lt3A_186 : i32
      %convert_element_type3A_188 = arith.extui %lt3A_187 : i1 to i32
      %cond3A_189 = arith.constant 0 : i32
      %cond3A_190 = arith.cmpi ne, %convert_element_type3A_188, %cond3A_189 : i32
      scf.if %cond3A_190 {
        %add3A_192 = arith.constant 7 : i32
        %add3A_193 = arith.addi %mul3A_95, %add3A_192 : i32
        %mul3A_194 = arith.constant 40 : i32
        %mul3A_195 = arith.muli %add3A_193, %mul3A_194 : i32
        %dma_start3A_196 = arith.constant 40 : i32
        %dma_start3A_197 = arith.constant 0 : i32
        %dma_start3A_198 = tpu.memref_slice %arg9[%dma_start3A_196, %dma_start3A_197] : memref<80x128xf32, #tpu.memory_space<vmem>> -> memref<40x128xf32, #tpu.memory_space<vmem>>
        %dma_start3A_199 = tpu.memref_slice %arg6[%mul3A_195] : memref<10000xi32, #tpu.memory_space<vmem>> -> memref<40xi32, #tpu.memory_space<vmem>>
        %dma_start3A_200 = arith.constant 0 : i32
        %dma_start3A_201 = arith.constant 0 : i32
        %dma_start3A_202 = tpu.memref_slice %arg2[%dma_start3A_200, %dma_start3A_201] : memref<10000x128xf32, #tpu.memory_space<hbm>> -> memref<10000x128xf32, #tpu.memory_space<hbm>>
        tpu.enqueue_indirect_dma source(%dma_start3A_202 : memref<10000x128xf32, #tpu.memory_space<hbm>>) target(%dma_start3A_198 : memref<40x128xf32, #tpu.memory_space<vmem>>) offsets(%dma_start3A_199 : memref<40xi32, #tpu.memory_space<vmem>>) semaphore(%arg14 : memref<!tpu.dma_semaphore, #tpu.memory_space<semaphore_mem>>)
      } else {
      }
      %scan3A_191 = arith.constant 0 : i32
      scf.yield %scan3A_191 : i32
    }
    %scan3A_57 = arith.constant 62 : i32
    %dma_wait3A = arith.constant 0 : i32
    %dma_wait3A_58 = arith.constant 0 : i32
    %dma_wait3A_59 = tpu.memref_slice %arg8[%dma_wait3A, %dma_wait3A_58] : memref<80x128xf32, #tpu.memory_space<vmem>> -> memref<40x128xf32, #tpu.memory_space<vmem>>
    %dma_wait3A_60 = arith.constant 9920 : i32
    %dma_wait3A_61 = tpu.memref_slice %arg6[%dma_wait3A_60] : memref<10000xi32, #tpu.memory_space<vmem>> -> memref<40xi32, #tpu.memory_space<vmem>>
    %dma_wait3A_62 = arith.constant 0 : i32
    %dma_wait3A_63 = arith.constant 0 : i32
    %dma_wait3A_64 = tpu.memref_slice %arg2[%dma_wait3A_62, %dma_wait3A_63] : memref<10000x128xf32, #tpu.memory_space<hbm>> -> memref<10000x128xf32, #tpu.memory_space<hbm>>
    tpu.wait_indirect_dma semaphore(%arg11 : memref<!tpu.dma_semaphore, #tpu.memory_space<semaphore_mem>>) src(%dma_wait3A_64 : memref<10000x128xf32, #tpu.memory_space<hbm>>) dst(%dma_wait3A_59 : memref<40x128xf32, #tpu.memory_space<vmem>>)
    %dma_wait3A_65 = arith.constant 40 : i32
    %dma_wait3A_66 = arith.constant 0 : i32
    %dma_wait3A_67 = tpu.memref_slice %arg8[%dma_wait3A_65, %dma_wait3A_66] : memref<80x128xf32, #tpu.memory_space<vmem>> -> memref<40x128xf32, #tpu.memory_space<vmem>>
    %dma_wait3A_68 = arith.constant 9960 : i32
    %dma_wait3A_69 = tpu.memref_slice %arg6[%dma_wait3A_68] : memref<10000xi32, #tpu.memory_space<vmem>> -> memref<40xi32, #tpu.memory_space<vmem>>
    %dma_wait3A_70 = arith.constant 0 : i32
    %dma_wait3A_71 = arith.constant 0 : i32
    %dma_wait3A_72 = tpu.memref_slice %arg2[%dma_wait3A_70, %dma_wait3A_71] : memref<10000x128xf32, #tpu.memory_space<hbm>> -> memref<10000x128xf32, #tpu.memory_space<hbm>>
    tpu.wait_indirect_dma semaphore(%arg12 : memref<!tpu.dma_semaphore, #tpu.memory_space<semaphore_mem>>) src(%dma_wait3A_72 : memref<10000x128xf32, #tpu.memory_space<hbm>>) dst(%dma_wait3A_67 : memref<40x128xf32, #tpu.memory_space<vmem>>)
    %dma_start3A_73 = arith.constant 124 : i32
    %dma_start3A_74 = arith.constant 0 : i32
    %dma_start3A_75 = tpu.memref_slice %arg7[%dma_start3A_73, %dma_start3A_74] : memref<125x80xi32, #tpu.memory_space<vmem>> -> memref<1x80xi32, #tpu.memory_space<vmem>>
    %dma_start3A_76 = tpu.memref_squeeze %dma_start3A_75 : memref<1x80xi32, #tpu.memory_space<vmem>> -> memref<80xi32, #tpu.memory_space<vmem>>
    %dma_start3A_77 = arith.constant 0 : i32
    %dma_start3A_78 = arith.constant 0 : i32
    %dma_start3A_79 = tpu.memref_slice %arg10[%dma_start3A_77, %dma_start3A_78] : memref<10112x128xf32, #tpu.memory_space<vmem_shared>> -> memref<10112x128xf32, #tpu.memory_space<vmem_shared>>
    tpu.enqueue_indirect_dma source(%arg8 : memref<80x128xf32, #tpu.memory_space<vmem>>) target(%dma_start3A_79 : memref<10112x128xf32, #tpu.memory_space<vmem_shared>>) offsets(%dma_start3A_76 : memref<80xi32, #tpu.memory_space<vmem>>) semaphore(%arg15 : memref<!tpu.dma_semaphore, #tpu.memory_space<semaphore_mem>>) {add = true}
    %dma_wait3A_80 = arith.constant 124 : i32
    %dma_wait3A_81 = arith.constant 0 : i32
    %dma_wait3A_82 = tpu.memref_slice %arg7[%dma_wait3A_80, %dma_wait3A_81] : memref<125x80xi32, #tpu.memory_space<vmem>> -> memref<1x80xi32, #tpu.memory_space<vmem>>
    %dma_wait3A_83 = tpu.memref_squeeze %dma_wait3A_82 : memref<1x80xi32, #tpu.memory_space<vmem>> -> memref<80xi32, #tpu.memory_space<vmem>>
    %dma_wait3A_84 = arith.constant 0 : i32
    %dma_wait3A_85 = arith.constant 0 : i32
    %dma_wait3A_86 = tpu.memref_slice %arg10[%dma_wait3A_84, %dma_wait3A_85] : memref<10112x128xf32, #tpu.memory_space<vmem_shared>> -> memref<10112x128xf32, #tpu.memory_space<vmem_shared>>
    tpu.wait_indirect_dma semaphore(%arg15 : memref<!tpu.dma_semaphore, #tpu.memory_space<semaphore_mem>>) src(%arg8 : memref<80x128xf32, #tpu.memory_space<vmem>>) dst(%dma_wait3A_86 : memref<10112x128xf32, #tpu.memory_space<vmem_shared>>)
    %barrier3A_87 = arith.constant 0 : index
    tpu.barrier barrier_id(%barrier3A_87)
    %mul3A_88 = arith.constant 632 : i32
    %mul3A_89 = arith.muli %arg1, %mul3A_88 : i32
    %mul3A_90 = arith.constant 632 : i32
    %mul3A_91 = arith.muli %arg1, %mul3A_90 : i32
    "tpu.region"() ({
      %run_scoped3A = tpu.sem_alloc : memref<!tpu.dma_semaphore, #tpu.memory_space<semaphore_mem>>
      %dma_start3A_92 = arith.constant 0 : i32
      %dma_start3A_93 = tpu.memref_slice %arg5[%arg0, %mul3A_91, %dma_start3A_92] : memref<2x10112x128xf32, #tpu.memory_space<hbm>> -> memref<1x632x128xf32, #tpu.memory_space<hbm>>
      %dma_start3A_94 = tpu.memref_squeeze %dma_start3A_93 : memref<1x632x128xf32, #tpu.memory_space<hbm>> -> memref<632x128xf32, #tpu.memory_space<hbm>>
      %dma_start3A_95 = arith.constant 0 : i32
      %dma_start3A_96 = tpu.memref_slice %arg10[%mul3A_89, %dma_start3A_95] : memref<10112x128xf32, #tpu.memory_space<vmem_shared>> -> memref<632x128xf32, #tpu.memory_space<vmem_shared>>
      tpu.enqueue_dma source(%dma_start3A_96 : memref<632x128xf32, #tpu.memory_space<vmem_shared>>) target(%dma_start3A_94 : memref<632x128xf32, #tpu.memory_space<hbm>>) target_semaphore(%run_scoped3A : memref<!tpu.dma_semaphore, #tpu.memory_space<semaphore_mem>>)
      %dma_wait3A_97 = arith.constant 0 : i32
      %dma_wait3A_98 = tpu.memref_slice %arg5[%arg0, %mul3A_91, %dma_wait3A_97] : memref<2x10112x128xf32, #tpu.memory_space<hbm>> -> memref<1x632x128xf32, #tpu.memory_space<hbm>>
      %dma_wait3A_99 = tpu.memref_squeeze %dma_wait3A_98 : memref<1x632x128xf32, #tpu.memory_space<hbm>> -> memref<632x128xf32, #tpu.memory_space<hbm>>
      %dma_wait3A_100 = arith.constant 0 : i32
      %dma_wait3A_101 = tpu.memref_slice %arg10[%mul3A_89, %dma_wait3A_100] : memref<10112x128xf32, #tpu.memory_space<vmem_shared>> -> memref<632x128xf32, #tpu.memory_space<vmem_shared>>
      tpu.wait_dma2 semaphore(%run_scoped3A : memref<!tpu.dma_semaphore, #tpu.memory_space<semaphore_mem>>) src(%dma_wait3A_101 : memref<632x128xf32, #tpu.memory_space<vmem_shared>>) dst(%dma_wait3A_99 : memref<632x128xf32, #tpu.memory_space<hbm>>)
      tpu.yield
    }) : () -> ()
    return
  }
}

#map = affine_map<(d0, d1) -> (0, 0)>
#map1 = affine_map<(d0, d1) -> (0)>
#map2 = affine_map<(d0, d1) -> (0, 0, 0)>
module attributes {stable_mosaic.version = 14 : i64} {
  func.func @_spmm_body(%arg0: i32, %arg1: i32, %arg2: memref<10000x128xf32, #tpu.memory_space<hbm>>, %arg3: memref<320000xi32, #tpu.memory_space<hbm>>, %arg4: memref<32x125x80xi32, #tpu.memory_space<hbm>>, %arg5: memref<2x10112x128xf32, #tpu.memory_space<hbm>>, %arg6: memref<10000xi32, #tpu.memory_space<vmem>>, %arg7: memref<125x80xi32, #tpu.memory_space<vmem>>, %arg8: memref<80x128xf32, #tpu.memory_space<vmem>>, %arg9: memref<80x128xf32, #tpu.memory_space<vmem>>, %arg10: memref<10112x128xf32, #tpu.memory_space<vmem_shared>>, %arg11: memref<!tpu.dma_semaphore, #tpu.memory_space<semaphore_mem>>, %arg12: memref<!tpu.dma_semaphore, #tpu.memory_space<semaphore_mem>>, %arg13: memref<!tpu.dma_semaphore, #tpu.memory_space<semaphore_mem>>, %arg14: memref<!tpu.dma_semaphore, #tpu.memory_space<semaphore_mem>>, %arg15: memref<!tpu.dma_semaphore, #tpu.memory_space<semaphore_mem>>, %arg16: memref<!tpu.dma_semaphore, #tpu.memory_space<semaphore_mem>>) attributes {dimension_semantics = [#tpu.dimension_semantics<core_parallel>, #tpu.dimension_semantics<subcore_parallel>], iteration_bounds = array<i64: 2, 16>, scalar_prefetch = 0 : i64, scratch_operands = 11 : i64, tpu.core_type = #tpu.core_type<sc_vector_subcore>, window_params = [{transform_indices = #map}, {transform_indices = #map1}, {transform_indices = #map2}, {transform_indices = #map2}]} {
    %mul3A = arith.constant 16 : i32
    %mul3A_0 = arith.muli %arg0, %mul3A : i32
    %add3A = arith.addi %mul3A_0, %arg1 : i32
    %mul3A_1 = arith.constant 10000 : i32
    %mul3A_2 = arith.muli %add3A, %mul3A_1 : i32
    "tpu.region"() ({
      %run_scoped3A = tpu.sem_alloc : memref<!tpu.dma_semaphore, #tpu.memory_space<semaphore_mem>>
      %dma_start3A_92 = tpu.memref_slice %arg3[%mul3A_2] : memref<320000xi32, #tpu.memory_space<hbm>> -> memref<10000xi32, #tpu.memory_space<hbm>>
      %dma_start3A_93 = tpu.memref_slice %arg3[%mul3A_2] : memref<320000xi32, #tpu.memory_space<hbm>> -> memref<10000xi32, #tpu.memory_space<hbm>>
      tpu.enqueue_dma source(%dma_start3A_93 : memref<10000xi32, #tpu.memory_space<hbm>>) target(%arg6 : memref<10000xi32, #tpu.memory_space<vmem>>) target_semaphore(%run_scoped3A : memref<!tpu.dma_semaphore, #tpu.memory_space<semaphore_mem>>)
      %dma_wait3A_94 = tpu.memref_slice %arg3[%mul3A_2] : memref<320000xi32, #tpu.memory_space<hbm>> -> memref<10000xi32, #tpu.memory_space<hbm>>
      %dma_wait3A_95 = tpu.memref_slice %arg3[%mul3A_2] : memref<320000xi32, #tpu.memory_space<hbm>> -> memref<10000xi32, #tpu.memory_space<hbm>>
      tpu.wait_dma2 semaphore(%run_scoped3A : memref<!tpu.dma_semaphore, #tpu.memory_space<semaphore_mem>>) src(%dma_wait3A_95 : memref<10000xi32, #tpu.memory_space<hbm>>) dst(%arg6 : memref<10000xi32, #tpu.memory_space<vmem>>)
      tpu.yield
    }) : () -> ()
    "tpu.region"() ({
      %run_scoped3A = tpu.sem_alloc : memref<!tpu.dma_semaphore, #tpu.memory_space<semaphore_mem>>
      %dma_start3A_92 = arith.constant 0 : i32
      %dma_start3A_93 = arith.constant 0 : i32
      %dma_start3A_94 = tpu.memref_slice %arg4[%add3A, %dma_start3A_92, %dma_start3A_93] : memref<32x125x80xi32, #tpu.memory_space<hbm>> -> memref<1x125x80xi32, #tpu.memory_space<hbm>>
      %dma_start3A_95 = tpu.memref_squeeze %dma_start3A_94 : memref<1x125x80xi32, #tpu.memory_space<hbm>> -> memref<125x80xi32, #tpu.memory_space<hbm>>
      %dma_start3A_96 = arith.constant 0 : i32
      %dma_start3A_97 = arith.constant 0 : i32
      %dma_start3A_98 = tpu.memref_slice %arg4[%add3A, %dma_start3A_96, %dma_start3A_97] : memref<32x125x80xi32, #tpu.memory_space<hbm>> -> memref<1x125x80xi32, #tpu.memory_space<hbm>>
      %dma_start3A_99 = tpu.memref_squeeze %dma_start3A_98 : memref<1x125x80xi32, #tpu.memory_space<hbm>> -> memref<125x80xi32, #tpu.memory_space<hbm>>
      tpu.enqueue_dma source(%dma_start3A_99 : memref<125x80xi32, #tpu.memory_space<hbm>>) target(%arg7 : memref<125x80xi32, #tpu.memory_space<vmem>>) target_semaphore(%run_scoped3A : memref<!tpu.dma_semaphore, #tpu.memory_space<semaphore_mem>>)
      %dma_wait3A_100 = arith.constant 0 : i32
      %dma_wait3A_101 = arith.constant 0 : i32
      %dma_wait3A_102 = tpu.memref_slice %arg4[%add3A, %dma_wait3A_100, %dma_wait3A_101] : memref<32x125x80xi32, #tpu.memory_space<hbm>> -> memref<1x125x80xi32, #tpu.memory_space<hbm>>
      %dma_wait3A_103 = tpu.memref_squeeze %dma_wait3A_102 : memref<1x125x80xi32, #tpu.memory_space<hbm>> -> memref<125x80xi32, #tpu.memory_space<hbm>>
      %dma_wait3A_104 = arith.constant 0 : i32
      %dma_wait3A_105 = arith.constant 0 : i32
      %dma_wait3A_106 = tpu.memref_slice %arg4[%add3A, %dma_wait3A_104, %dma_wait3A_105] : memref<32x125x80xi32, #tpu.memory_space<hbm>> -> memref<1x125x80xi32, #tpu.memory_space<hbm>>
      %dma_wait3A_107 = tpu.memref_squeeze %dma_wait3A_106 : memref<1x125x80xi32, #tpu.memory_space<hbm>> -> memref<125x80xi32, #tpu.memory_space<hbm>>
      tpu.wait_dma2 semaphore(%run_scoped3A : memref<!tpu.dma_semaphore, #tpu.memory_space<semaphore_mem>>) src(%dma_wait3A_107 : memref<125x80xi32, #tpu.memory_space<hbm>>) dst(%arg7 : memref<125x80xi32, #tpu.memory_space<vmem>>)
      tpu.yield
    }) : () -> ()
    %scan3A = arith.constant 0 : i32
    %scan3A_3 = arith.constant 0 : i32
    %scan3A_4 = arith.constant 80 : i32
    %scan3A_5 = arith.addi %scan3A_3, %scan3A_4 : i32
    %scan3A_6 = arith.constant 1 : i32
    %scan3A_7 = scf.for %scan3A_92 = %scan3A_3 to %scan3A_5 step %scan3A_6 iter_args(%scan3A_93 = %scan3A) -> (i32)  : i32 {
      %broadcast_in_dim3A = arith.constant 0.000000e+00 : f32
      %broadcast_in_dim3A_94 = vector.broadcast %broadcast_in_dim3A : f32 to vector<16xf32>
      %swap3A = arith.index_cast %scan3A_92 : i32 to index
      %swap3A_95 = arith.constant 0 : index
      %swap3A_96 = tpu.vector_load %arg8[%swap3A, %swap3A_95] {strides = array<i32>} : memref<80x128xf32, #tpu.memory_space<vmem>>, vector<16xf32>,
      tpu.vector_store %arg8[%swap3A, %swap3A_95], %broadcast_in_dim3A_94 {strides = array<i32>} : memref<80x128xf32, #tpu.memory_space<vmem>>, vector<16xf32>,
      %broadcast_in_dim3A_97 = arith.constant 0.000000e+00 : f32
      %broadcast_in_dim3A_98 = vector.broadcast %broadcast_in_dim3A_97 : f32 to vector<16xf32>
      %swap3A_99 = arith.index_cast %scan3A_92 : i32 to index
      %swap3A_100 = arith.constant 16 : index
      %swap3A_101 = tpu.vector_load %arg8[%swap3A_99, %swap3A_100] {strides = array<i32>} : memref<80x128xf32, #tpu.memory_space<vmem>>, vector<16xf32>,
      tpu.vector_store %arg8[%swap3A_99, %swap3A_100], %broadcast_in_dim3A_98 {strides = array<i32>} : memref<80x128xf32, #tpu.memory_space<vmem>>, vector<16xf32>,
      %broadcast_in_dim3A_102 = arith.constant 0.000000e+00 : f32
      %broadcast_in_dim3A_103 = vector.broadcast %broadcast_in_dim3A_102 : f32 to vector<16xf32>
      %swap3A_104 = arith.index_cast %scan3A_92 : i32 to index
      %swap3A_105 = arith.constant 32 : index
      %swap3A_106 = tpu.vector_load %arg8[%swap3A_104, %swap3A_105] {strides = array<i32>} : memref<80x128xf32, #tpu.memory_space<vmem>>, vector<16xf32>,
      tpu.vector_store %arg8[%swap3A_104, %swap3A_105], %broadcast_in_dim3A_103 {strides = array<i32>} : memref<80x128xf32, #tpu.memory_space<vmem>>, vector<16xf32>,
      %broadcast_in_dim3A_107 = arith.constant 0.000000e+00 : f32
      %broadcast_in_dim3A_108 = vector.broadcast %broadcast_in_dim3A_107 : f32 to vector<16xf32>
      %swap3A_109 = arith.index_cast %scan3A_92 : i32 to index
      %swap3A_110 = arith.constant 48 : index
      %swap3A_111 = tpu.vector_load %arg8[%swap3A_109, %swap3A_110] {strides = array<i32>} : memref<80x128xf32, #tpu.memory_space<vmem>>, vector<16xf32>,
      tpu.vector_store %arg8[%swap3A_109, %swap3A_110], %broadcast_in_dim3A_108 {strides = array<i32>} : memref<80x128xf32, #tpu.memory_space<vmem>>, vector<16xf32>,
      %broadcast_in_dim3A_112 = arith.constant 0.000000e+00 : f32
      %broadcast_in_dim3A_113 = vector.broadcast %broadcast_in_dim3A_112 : f32 to vector<16xf32>
      %swap3A_114 = arith.index_cast %scan3A_92 : i32 to index
      %swap3A_115 = arith.constant 64 : index
      %swap3A_116 = tpu.vector_load %arg8[%swap3A_114, %swap3A_115] {strides = array<i32>} : memref<80x128xf32, #tpu.memory_space<vmem>>, vector<16xf32>,
      tpu.vector_store %arg8[%swap3A_114, %swap3A_115], %broadcast_in_dim3A_113 {strides = array<i32>} : memref<80x128xf32, #tpu.memory_space<vmem>>, vector<16xf32>,
      %broadcast_in_dim3A_117 = arith.constant 0.000000e+00 : f32
      %broadcast_in_dim3A_118 = vector.broadcast %broadcast_in_dim3A_117 : f32 to vector<16xf32>
      %swap3A_119 = arith.index_cast %scan3A_92 : i32 to index
      %swap3A_120 = arith.constant 80 : index
      %swap3A_121 = tpu.vector_load %arg8[%swap3A_119, %swap3A_120] {strides = array<i32>} : memref<80x128xf32, #tpu.memory_space<vmem>>, vector<16xf32>,
      tpu.vector_store %arg8[%swap3A_119, %swap3A_120], %broadcast_in_dim3A_118 {strides = array<i32>} : memref<80x128xf32, #tpu.memory_space<vmem>>, vector<16xf32>,
      %broadcast_in_dim3A_122 = arith.constant 0.000000e+00 : f32
      %broadcast_in_dim3A_123 = vector.broadcast %broadcast_in_dim3A_122 : f32 to vector<16xf32>
      %swap3A_124 = arith.index_cast %scan3A_92 : i32 to index
      %swap3A_125 = arith.constant 96 : index
      %swap3A_126 = tpu.vector_load %arg8[%swap3A_124, %swap3A_125] {strides = array<i32>} : memref<80x128xf32, #tpu.memory_space<vmem>>, vector<16xf32>,
      tpu.vector_store %arg8[%swap3A_124, %swap3A_125], %broadcast_in_dim3A_123 {strides = array<i32>} : memref<80x128xf32, #tpu.memory_space<vmem>>, vector<16xf32>,
      %broadcast_in_dim3A_127 = arith.constant 0.000000e+00 : f32
      %broadcast_in_dim3A_128 = vector.broadcast %broadcast_in_dim3A_127 : f32 to vector<16xf32>
      %swap3A_129 = arith.index_cast %scan3A_92 : i32 to index
      %swap3A_130 = arith.constant 112 : index
      %swap3A_131 = tpu.vector_load %arg8[%swap3A_129, %swap3A_130] {strides = array<i32>} : memref<80x128xf32, #tpu.memory_space<vmem>>, vector<16xf32>,
      tpu.vector_store %arg8[%swap3A_129, %swap3A_130], %broadcast_in_dim3A_128 {strides = array<i32>} : memref<80x128xf32, #tpu.memory_space<vmem>>, vector<16xf32>,
      %scan3A_132 = arith.constant 0 : i32
      scf.yield %scan3A_132 : i32
    }
    %scan3A_8 = arith.constant 80 : i32
    %scan3A_9 = arith.constant 0 : i32
    %scan3A_10 = arith.constant 0 : i32
    %scan3A_11 = arith.constant 7 : i32
    %scan3A_12 = arith.addi %scan3A_10, %scan3A_11 : i32
    %scan3A_13 = arith.constant 1 : i32
    %scan3A_14 = scf.for %scan3A_92 = %scan3A_10 to %scan3A_12 step %scan3A_13 iter_args(%scan3A_93 = %scan3A_9) -> (i32)  : i32 {
      %mul3A_94 = arith.constant 632 : i32
      %mul3A_95 = arith.muli %arg1, %mul3A_94 : i32
      %mul3A_96 = arith.constant 80 : i32
      %mul3A_97 = arith.muli %scan3A_92, %mul3A_96 : i32
      %add3A_98 = arith.addi %mul3A_95, %mul3A_97 : i32
      "tpu.region"() ({
        %run_scoped3A = tpu.sem_alloc : memref<!tpu.dma_semaphore, #tpu.memory_space<semaphore_mem>>
        %dma_start3A_100 = arith.constant 0 : i32
        %dma_start3A_101 = tpu.memref_slice %arg10[%add3A_98, %dma_start3A_100] : memref<10112x128xf32, #tpu.memory_space<vmem_shared>> -> memref<80x128xf32, #tpu.memory_space<vmem_shared>>
        %dma_start3A_102 = arith.constant 0 : i32
        %dma_start3A_103 = tpu.memref_slice %arg10[%add3A_98, %dma_start3A_102] : memref<10112x128xf32, #tpu.memory_space<vmem_shared>> -> memref<80x128xf32, #tpu.memory_space<vmem_shared>>
        tpu.enqueue_dma source(%arg8 : memref<80x128xf32, #tpu.memory_space<vmem>>) target(%dma_start3A_103 : memref<80x128xf32, #tpu.memory_space<vmem_shared>>) target_semaphore(%run_scoped3A : memref<!tpu.dma_semaphore, #tpu.memory_space<semaphore_mem>>)
        %dma_wait3A_104 = arith.constant 0 : i32
        %dma_wait3A_105 = tpu.memref_slice %arg10[%add3A_98, %dma_wait3A_104] : memref<10112x128xf32, #tpu.memory_space<vmem_shared>> -> memref<80x128xf32, #tpu.memory_space<vmem_shared>>
        %dma_wait3A_106 = arith.constant 0 : i32
        %dma_wait3A_107 = tpu.memref_slice %arg10[%add3A_98, %dma_wait3A_106] : memref<10112x128xf32, #tpu.memory_space<vmem_shared>> -> memref<80x128xf32, #tpu.memory_space<vmem_shared>>
        tpu.wait_dma2 semaphore(%run_scoped3A : memref<!tpu.dma_semaphore, #tpu.memory_space<semaphore_mem>>) src(%arg8 : memref<80x128xf32, #tpu.memory_space<vmem>>) dst(%dma_wait3A_107 : memref<80x128xf32, #tpu.memory_space<vmem_shared>>)
        tpu.yield
      }) : () -> ()
      %scan3A_99 = arith.constant 0 : i32
      scf.yield %scan3A_99 : i32
    }
    %scan3A_15 = arith.constant 7 : i32
    %mul3A_16 = arith.constant 632 : i32
    %mul3A_17 = arith.muli %arg1, %mul3A_16 : i32
    %add3A_18 = arith.constant 560 : i32
    %add3A_19 = arith.addi %mul3A_17, %add3A_18 : i32
    "tpu.region"() ({
      %run_scoped3A = tpu.sem_alloc : memref<!tpu.dma_semaphore, #tpu.memory_space<semaphore_mem>>
      %dma_start3A_92 = arith.constant 0 : i32
      %dma_start3A_93 = arith.constant 0 : i32
      %dma_start3A_94 = tpu.memref_slice %arg8[%dma_start3A_92, %dma_start3A_93] : memref<80x128xf32, #tpu.memory_space<vmem>> -> memref<72x128xf32, #tpu.memory_space<vmem>>
      %dma_start3A_95 = arith.constant 0 : i32
      %dma_start3A_96 = tpu.memref_slice %arg10[%add3A_19, %dma_start3A_95] : memref<10112x128xf32, #tpu.memory_space<vmem_shared>> -> memref<72x128xf32, #tpu.memory_space<vmem_shared>>
      %dma_start3A_97 = arith.constant 0 : i32
      %dma_start3A_98 = tpu.memref_slice %arg10[%add3A_19, %dma_start3A_97] : memref<10112x128xf32, #tpu.memory_space<vmem_shared>> -> memref<72x128xf32, #tpu.memory_space<vmem_shared>>
      %dma_start3A_99 = arith.constant 0 : i32
      %dma_start3A_100 = arith.constant 0 : i32
      %dma_start3A_101 = tpu.memref_slice %arg8[%dma_start3A_99, %dma_start3A_100] : memref<80x128xf32, #tpu.memory_space<vmem>> -> memref<72x128xf32, #tpu.memory_space<vmem>>
      tpu.enqueue_dma source(%dma_start3A_101 : memref<72x128xf32, #tpu.memory_space<vmem>>) target(%dma_start3A_98 : memref<72x128xf32, #tpu.memory_space<vmem_shared>>) target_semaphore(%run_scoped3A : memref<!tpu.dma_semaphore, #tpu.memory_space<semaphore_mem>>)
      %dma_wait3A_102 = arith.constant 0 : i32
      %dma_wait3A_103 = arith.constant 0 : i32
      %dma_wait3A_104 = tpu.memref_slice %arg8[%dma_wait3A_102, %dma_wait3A_103] : memref<80x128xf32, #tpu.memory_space<vmem>> -> memref<72x128xf32, #tpu.memory_space<vmem>>
      %dma_wait3A_105 = arith.constant 0 : i32
      %dma_wait3A_106 = tpu.memref_slice %arg10[%add3A_19, %dma_wait3A_105] : memref<10112x128xf32, #tpu.memory_space<vmem_shared>> -> memref<72x128xf32, #tpu.memory_space<vmem_shared>>
      %dma_wait3A_107 = arith.constant 0 : i32
      %dma_wait3A_108 = tpu.memref_slice %arg10[%add3A_19, %dma_wait3A_107] : memref<10112x128xf32, #tpu.memory_space<vmem_shared>> -> memref<72x128xf32, #tpu.memory_space<vmem_shared>>
      %dma_wait3A_109 = arith.constant 0 : i32
      %dma_wait3A_110 = arith.constant 0 : i32
      %dma_wait3A_111 = tpu.memref_slice %arg8[%dma_wait3A_109, %dma_wait3A_110] : memref<80x128xf32, #tpu.memory_space<vmem>> -> memref<72x128xf32, #tpu.memory_space<vmem>>
      tpu.wait_dma2 semaphore(%run_scoped3A : memref<!tpu.dma_semaphore, #tpu.memory_space<semaphore_mem>>) src(%dma_wait3A_111 : memref<72x128xf32, #tpu.memory_space<vmem>>) dst(%dma_wait3A_108 : memref<72x128xf32, #tpu.memory_space<vmem_shared>>)
      tpu.yield
    }) : () -> ()
    %barrier3A = arith.constant 0 : index
    tpu.barrier barrier_id(%barrier3A)
    %dma_start3A = arith.constant 0 : i32
    %dma_start3A_20 = arith.constant 0 : i32
    %dma_start3A_21 = tpu.memref_slice %arg8[%dma_start3A, %dma_start3A_20] : memref<80x128xf32, #tpu.memory_space<vmem>> -> memref<40x128xf32, #tpu.memory_space<vmem>>
    %dma_start3A_22 = arith.constant 0 : i32
    %dma_start3A_23 = tpu.memref_slice %arg6[%dma_start3A_22] : memref<10000xi32, #tpu.memory_space<vmem>> -> memref<40xi32, #tpu.memory_space<vmem>>
    %dma_start3A_24 = arith.constant 0 : i32
    %dma_start3A_25 = arith.constant 0 : i32
    %dma_start3A_26 = tpu.memref_slice %arg2[%dma_start3A_24, %dma_start3A_25] : memref<10000x128xf32, #tpu.memory_space<hbm>> -> memref<10000x128xf32, #tpu.memory_space<hbm>>
    tpu.enqueue_indirect_dma source(%dma_start3A_26 : memref<10000x128xf32, #tpu.memory_space<hbm>>) target(%dma_start3A_21 : memref<40x128xf32, #tpu.memory_space<vmem>>) offsets(%dma_start3A_23 : memref<40xi32, #tpu.memory_space<vmem>>) semaphore(%arg11 : memref<!tpu.dma_semaphore, #tpu.memory_space<semaphore_mem>>)
    %dma_start3A_27 = arith.constant 40 : i32
    %dma_start3A_28 = arith.constant 0 : i32
    %dma_start3A_29 = tpu.memref_slice %arg8[%dma_start3A_27, %dma_start3A_28] : memref<80x128xf32, #tpu.memory_space<vmem>> -> memref<40x128xf32, #tpu.memory_space<vmem>>
    %dma_start3A_30 = arith.constant 40 : i32
    %dma_start3A_31 = tpu.memref_slice %arg6[%dma_start3A_30] : memref<10000xi32, #tpu.memory_space<vmem>> -> memref<40xi32, #tpu.memory_space<vmem>>
    %dma_start3A_32 = arith.constant 0 : i32
    %dma_start3A_33 = arith.constant 0 : i32
    %dma_start3A_34 = tpu.memref_slice %arg2[%dma_start3A_32, %dma_start3A_33] : memref<10000x128xf32, #tpu.memory_space<hbm>> -> memref<10000x128xf32, #tpu.memory_space<hbm>>
    tpu.enqueue_indirect_dma source(%dma_start3A_34 : memref<10000x128xf32, #tpu.memory_space<hbm>>) target(%dma_start3A_29 : memref<40x128xf32, #tpu.memory_space<vmem>>) offsets(%dma_start3A_31 : memref<40xi32, #tpu.memory_space<vmem>>) semaphore(%arg12 : memref<!tpu.dma_semaphore, #tpu.memory_space<semaphore_mem>>)
    %dma_start3A_35 = arith.constant 0 : i32
    %dma_start3A_36 = arith.constant 0 : i32
    %dma_start3A_37 = tpu.memref_slice %arg9[%dma_start3A_35, %dma_start3A_36] : memref<80x128xf32, #tpu.memory_space<vmem>> -> memref<40x128xf32, #tpu.memory_space<vmem>>
    %dma_start3A_38 = arith.constant 80 : i32
    %dma_start3A_39 = tpu.memref_slice %arg6[%dma_start3A_38] : memref<10000xi32, #tpu.memory_space<vmem>> -> memref<40xi32, #tpu.memory_space<vmem>>
    %dma_start3A_40 = arith.constant 0 : i32
    %dma_start3A_41 = arith.constant 0 : i32
    %dma_start3A_42 = tpu.memref_slice %arg2[%dma_start3A_40, %dma_start3A_41] : memref<10000x128xf32, #tpu.memory_space<hbm>> -> memref<10000x128xf32, #tpu.memory_space<hbm>>
    tpu.enqueue_indirect_dma source(%dma_start3A_42 : memref<10000x128xf32, #tpu.memory_space<hbm>>) target(%dma_start3A_37 : memref<40x128xf32, #tpu.memory_space<vmem>>) offsets(%dma_start3A_39 : memref<40xi32, #tpu.memory_space<vmem>>) semaphore(%arg13 : memref<!tpu.dma_semaphore, #tpu.memory_space<semaphore_mem>>)
    %dma_start3A_43 = arith.constant 40 : i32
    %dma_start3A_44 = arith.constant 0 : i32
    %dma_start3A_45 = tpu.memref_slice %arg9[%dma_start3A_43, %dma_start3A_44] : memref<80x128xf32, #tpu.memory_space<vmem>> -> memref<40x128xf32, #tpu.memory_space<vmem>>
    %dma_start3A_46 = arith.constant 120 : i32
    %dma_start3A_47 = tpu.memref_slice %arg6[%dma_start3A_46] : memref<10000xi32, #tpu.memory_space<vmem>> -> memref<40xi32, #tpu.memory_space<vmem>>
    %dma_start3A_48 = arith.constant 0 : i32
    %dma_start3A_49 = arith.constant 0 : i32
    %dma_start3A_50 = tpu.memref_slice %arg2[%dma_start3A_48, %dma_start3A_49] : memref<10000x128xf32, #tpu.memory_space<hbm>> -> memref<10000x128xf32, #tpu.memory_space<hbm>>
    tpu.enqueue_indirect_dma source(%dma_start3A_50 : memref<10000x128xf32, #tpu.memory_space<hbm>>) target(%dma_start3A_45 : memref<40x128xf32, #tpu.memory_space<vmem>>) offsets(%dma_start3A_47 : memref<40xi32, #tpu.memory_space<vmem>>) semaphore(%arg14 : memref<!tpu.dma_semaphore, #tpu.memory_space<semaphore_mem>>)
    %scan3A_51 = arith.constant 0 : i32
    %scan3A_52 = arith.constant 0 : i32
    %scan3A_53 = arith.constant 62 : i32
    %scan3A_54 = arith.addi %scan3A_52, %scan3A_53 : i32
    %scan3A_55 = arith.constant 1 : i32
    %scan3A_56 = scf.for %scan3A_92 = %scan3A_52 to %scan3A_54 step %scan3A_55 iter_args(%scan3A_93 = %scan3A_51) -> (i32)  : i32 {
      %mul3A_94 = arith.constant 4 : i32
      %mul3A_95 = arith.muli %mul3A_94, %scan3A_92 : i32
      %mul3A_96 = arith.constant 2 : i32
      %mul3A_97 = arith.muli %mul3A_96, %scan3A_92 : i32
      %add3A_98 = arith.constant 1 : i32
      %add3A_99 = arith.addi %mul3A_97, %add3A_98 : i32
      %mul3A_100 = arith.constant 40 : i32
      %mul3A_101 = arith.muli %mul3A_95, %mul3A_100 : i32
      %dma_wait3A_102 = arith.constant 0 : i32
      %dma_wait3A_103 = arith.constant 0 : i32
      %dma_wait3A_104 = tpu.memref_slice %arg8[%dma_wait3A_102, %dma_wait3A_103] : memref<80x128xf32, #tpu.memory_space<vmem>> -> memref<40x128xf32, #tpu.memory_space<vmem>>
      %dma_wait3A_105 = tpu.memref_slice %arg6[%mul3A_101] : memref<10000xi32, #tpu.memory_space<vmem>> -> memref<40xi32, #tpu.memory_space<vmem>>
      %dma_wait3A_106 = arith.constant 0 : i32
      %dma_wait3A_107 = arith.constant 0 : i32
      %dma_wait3A_108 = tpu.memref_slice %arg2[%dma_wait3A_106, %dma_wait3A_107] : memref<10000x128xf32, #tpu.memory_space<hbm>> -> memref<10000x128xf32, #tpu.memory_space<hbm>>
      tpu.wait_indirect_dma semaphore(%arg11 : memref<!tpu.dma_semaphore, #tpu.memory_space<semaphore_mem>>) src(%dma_wait3A_108 : memref<10000x128xf32, #tpu.memory_space<hbm>>) dst(%dma_wait3A_104 : memref<40x128xf32, #tpu.memory_space<vmem>>)
      %add3A_109 = arith.constant 1 : i32
      %add3A_110 = arith.addi %mul3A_95, %add3A_109 : i32
      %mul3A_111 = arith.constant 40 : i32
      %mul3A_112 = arith.muli %add3A_110, %mul3A_111 : i32
      %dma_wait3A_113 = arith.constant 40 : i32
      %dma_wait3A_114 = arith.constant 0 : i32
      %dma_wait3A_115 = tpu.memref_slice %arg8[%dma_wait3A_113, %dma_wait3A_114] : memref<80x128xf32, #tpu.memory_space<vmem>> -> memref<40x128xf32, #tpu.memory_space<vmem>>
      %dma_wait3A_116 = tpu.memref_slice %arg6[%mul3A_112] : memref<10000xi32, #tpu.memory_space<vmem>> -> memref<40xi32, #tpu.memory_space<vmem>>
      %dma_wait3A_117 = arith.constant 0 : i32
      %dma_wait3A_118 = arith.constant 0 : i32
      %dma_wait3A_119 = tpu.memref_slice %arg2[%dma_wait3A_117, %dma_wait3A_118] : memref<10000x128xf32, #tpu.memory_space<hbm>> -> memref<10000x128xf32, #tpu.memory_space<hbm>>
      tpu.wait_indirect_dma semaphore(%arg12 : memref<!tpu.dma_semaphore, #tpu.memory_space<semaphore_mem>>) src(%dma_wait3A_119 : memref<10000x128xf32, #tpu.memory_space<hbm>>) dst(%dma_wait3A_115 : memref<40x128xf32, #tpu.memory_space<vmem>>)
      %dma_start3A_120 = arith.constant 0 : i32
      %dma_start3A_121 = tpu.memref_slice %arg7[%mul3A_97, %dma_start3A_120] : memref<125x80xi32, #tpu.memory_space<vmem>> -> memref<1x80xi32, #tpu.memory_space<vmem>>
      %dma_start3A_122 = tpu.memref_squeeze %dma_start3A_121 : memref<1x80xi32, #tpu.memory_space<vmem>> -> memref<80xi32, #tpu.memory_space<vmem>>
      %dma_start3A_123 = arith.constant 0 : i32
      %dma_start3A_124 = arith.constant 0 : i32
      %dma_start3A_125 = tpu.memref_slice %arg10[%dma_start3A_123, %dma_start3A_124] : memref<10112x128xf32, #tpu.memory_space<vmem_shared>> -> memref<10112x128xf32, #tpu.memory_space<vmem_shared>>
      tpu.enqueue_indirect_dma source(%arg8 : memref<80x128xf32, #tpu.memory_space<vmem>>) target(%dma_start3A_125 : memref<10112x128xf32, #tpu.memory_space<vmem_shared>>) offsets(%dma_start3A_122 : memref<80xi32, #tpu.memory_space<vmem>>) semaphore(%arg15 : memref<!tpu.dma_semaphore, #tpu.memory_space<semaphore_mem>>) {add = true}
      %add3A_126 = arith.constant 2 : i32
      %add3A_127 = arith.addi %mul3A_95, %add3A_126 : i32
      %mul3A_128 = arith.constant 40 : i32
      %mul3A_129 = arith.muli %add3A_127, %mul3A_128 : i32
      %dma_wait3A_130 = arith.constant 0 : i32
      %dma_wait3A_131 = arith.constant 0 : i32
      %dma_wait3A_132 = tpu.memref_slice %arg9[%dma_wait3A_130, %dma_wait3A_131] : memref<80x128xf32, #tpu.memory_space<vmem>> -> memref<40x128xf32, #tpu.memory_space<vmem>>
      %dma_wait3A_133 = tpu.memref_slice %arg6[%mul3A_129] : memref<10000xi32, #tpu.memory_space<vmem>> -> memref<40xi32, #tpu.memory_space<vmem>>
      %dma_wait3A_134 = arith.constant 0 : i32
      %dma_wait3A_135 = arith.constant 0 : i32
      %dma_wait3A_136 = tpu.memref_slice %arg2[%dma_wait3A_134, %dma_wait3A_135] : memref<10000x128xf32, #tpu.memory_space<hbm>> -> memref<10000x128xf32, #tpu.memory_space<hbm>>
      tpu.wait_indirect_dma semaphore(%arg13 : memref<!tpu.dma_semaphore, #tpu.memory_space<semaphore_mem>>) src(%dma_wait3A_136 : memref<10000x128xf32, #tpu.memory_space<hbm>>) dst(%dma_wait3A_132 : memref<40x128xf32, #tpu.memory_space<vmem>>)
      %add3A_137 = arith.constant 3 : i32
      %add3A_138 = arith.addi %mul3A_95, %add3A_137 : i32
      %mul3A_139 = arith.constant 40 : i32
      %mul3A_140 = arith.muli %add3A_138, %mul3A_139 : i32
      %dma_wait3A_141 = arith.constant 40 : i32
      %dma_wait3A_142 = arith.constant 0 : i32
      %dma_wait3A_143 = tpu.memref_slice %arg9[%dma_wait3A_141, %dma_wait3A_142] : memref<80x128xf32, #tpu.memory_space<vmem>> -> memref<40x128xf32, #tpu.memory_space<vmem>>
      %dma_wait3A_144 = tpu.memref_slice %arg6[%mul3A_140] : memref<10000xi32, #tpu.memory_space<vmem>> -> memref<40xi32, #tpu.memory_space<vmem>>
      %dma_wait3A_145 = arith.constant 0 : i32
      %dma_wait3A_146 = arith.constant 0 : i32
      %dma_wait3A_147 = tpu.memref_slice %arg2[%dma_wait3A_145, %dma_wait3A_146] : memref<10000x128xf32, #tpu.memory_space<hbm>> -> memref<10000x128xf32, #tpu.memory_space<hbm>>
      tpu.wait_indirect_dma semaphore(%arg14 : memref<!tpu.dma_semaphore, #tpu.memory_space<semaphore_mem>>) src(%dma_wait3A_147 : memref<10000x128xf32, #tpu.memory_space<hbm>>) dst(%dma_wait3A_143 : memref<40x128xf32, #tpu.memory_space<vmem>>)
      %dma_start3A_148 = arith.constant 0 : i32
      %dma_start3A_149 = tpu.memref_slice %arg7[%add3A_99, %dma_start3A_148] : memref<125x80xi32, #tpu.memory_space<vmem>> -> memref<1x80xi32, #tpu.memory_space<vmem>>
      %dma_start3A_150 = tpu.memref_squeeze %dma_start3A_149 : memref<1x80xi32, #tpu.memory_space<vmem>> -> memref<80xi32, #tpu.memory_space<vmem>>
      %dma_start3A_151 = arith.constant 0 : i32
      %dma_start3A_152 = arith.constant 0 : i32
      %dma_start3A_153 = tpu.memref_slice %arg10[%dma_start3A_151, %dma_start3A_152] : memref<10112x128xf32, #tpu.memory_space<vmem_shared>> -> memref<10112x128xf32, #tpu.memory_space<vmem_shared>>
      tpu.enqueue_indirect_dma source(%arg9 : memref<80x128xf32, #tpu.memory_space<vmem>>) target(%dma_start3A_153 : memref<10112x128xf32, #tpu.memory_space<vmem_shared>>) offsets(%dma_start3A_150 : memref<80xi32, #tpu.memory_space<vmem>>) semaphore(%arg16 : memref<!tpu.dma_semaphore, #tpu.memory_space<semaphore_mem>>) {add = true}
      %dma_wait3A_154 = arith.constant 0 : i32
      %dma_wait3A_155 = tpu.memref_slice %arg7[%mul3A_97, %dma_wait3A_154] : memref<125x80xi32, #tpu.memory_space<vmem>> -> memref<1x80xi32, #tpu.memory_space<vmem>>
      %dma_wait3A_156 = tpu.memref_squeeze %dma_wait3A_155 : memref<1x80xi32, #tpu.memory_space<vmem>> -> memref<80xi32, #tpu.memory_space<vmem>>
      %dma_wait3A_157 = arith.constant 0 : i32
      %dma_wait3A_158 = arith.constant 0 : i32
      %dma_wait3A_159 = tpu.memref_slice %arg10[%dma_wait3A_157, %dma_wait3A_158] : memref<10112x128xf32, #tpu.memory_space<vmem_shared>> -> memref<10112x128xf32, #tpu.memory_space<vmem_shared>>
      tpu.wait_indirect_dma semaphore(%arg15 : memref<!tpu.dma_semaphore, #tpu.memory_space<semaphore_mem>>) src(%arg8 : memref<80x128xf32, #tpu.memory_space<vmem>>) dst(%dma_wait3A_159 : memref<10112x128xf32, #tpu.memory_space<vmem_shared>>)
      %add3A_160 = arith.constant 4 : i32
      %add3A_161 = arith.addi %mul3A_95, %add3A_160 : i32
      %lt3A = arith.constant 250 : i32
      %lt3A_162 = arith.cmpi slt, %add3A_161, %lt3A : i32
      %convert_element_type3A = arith.extui %lt3A_162 : i1 to i32
      %cond3A = arith.constant 0 : i32
      %cond3A_163 = arith.cmpi ne, %convert_element_type3A, %cond3A : i32
      scf.if %cond3A_163 {
        %add3A_192 = arith.constant 4 : i32
        %add3A_193 = arith.addi %mul3A_95, %add3A_192 : i32
        %mul3A_194 = arith.constant 40 : i32
        %mul3A_195 = arith.muli %add3A_193, %mul3A_194 : i32
        %dma_start3A_196 = arith.constant 0 : i32
        %dma_start3A_197 = arith.constant 0 : i32
        %dma_start3A_198 = tpu.memref_slice %arg8[%dma_start3A_196, %dma_start3A_197] : memref<80x128xf32, #tpu.memory_space<vmem>> -> memref<40x128xf32, #tpu.memory_space<vmem>>
        %dma_start3A_199 = tpu.memref_slice %arg6[%mul3A_195] : memref<10000xi32, #tpu.memory_space<vmem>> -> memref<40xi32, #tpu.memory_space<vmem>>
        %dma_start3A_200 = arith.constant 0 : i32
        %dma_start3A_201 = arith.constant 0 : i32
        %dma_start3A_202 = tpu.memref_slice %arg2[%dma_start3A_200, %dma_start3A_201] : memref<10000x128xf32, #tpu.memory_space<hbm>> -> memref<10000x128xf32, #tpu.memory_space<hbm>>
        tpu.enqueue_indirect_dma source(%dma_start3A_202 : memref<10000x128xf32, #tpu.memory_space<hbm>>) target(%dma_start3A_198 : memref<40x128xf32, #tpu.memory_space<vmem>>) offsets(%dma_start3A_199 : memref<40xi32, #tpu.memory_space<vmem>>) semaphore(%arg11 : memref<!tpu.dma_semaphore, #tpu.memory_space<semaphore_mem>>)
      } else {
      }
      %add3A_164 = arith.constant 5 : i32
      %add3A_165 = arith.addi %mul3A_95, %add3A_164 : i32
      %lt3A_166 = arith.constant 250 : i32
      %lt3A_167 = arith.cmpi slt, %add3A_165, %lt3A_166 : i32
      %convert_element_type3A_168 = arith.extui %lt3A_167 : i1 to i32
      %cond3A_169 = arith.constant 0 : i32
      %cond3A_170 = arith.cmpi ne, %convert_element_type3A_168, %cond3A_169 : i32
      scf.if %cond3A_170 {
        %add3A_192 = arith.constant 5 : i32
        %add3A_193 = arith.addi %mul3A_95, %add3A_192 : i32
        %mul3A_194 = arith.constant 40 : i32
        %mul3A_195 = arith.muli %add3A_193, %mul3A_194 : i32
        %dma_start3A_196 = arith.constant 40 : i32
        %dma_start3A_197 = arith.constant 0 : i32
        %dma_start3A_198 = tpu.memref_slice %arg8[%dma_start3A_196, %dma_start3A_197] : memref<80x128xf32, #tpu.memory_space<vmem>> -> memref<40x128xf32, #tpu.memory_space<vmem>>
        %dma_start3A_199 = tpu.memref_slice %arg6[%mul3A_195] : memref<10000xi32, #tpu.memory_space<vmem>> -> memref<40xi32, #tpu.memory_space<vmem>>
        %dma_start3A_200 = arith.constant 0 : i32
        %dma_start3A_201 = arith.constant 0 : i32
        %dma_start3A_202 = tpu.memref_slice %arg2[%dma_start3A_200, %dma_start3A_201] : memref<10000x128xf32, #tpu.memory_space<hbm>> -> memref<10000x128xf32, #tpu.memory_space<hbm>>
        tpu.enqueue_indirect_dma source(%dma_start3A_202 : memref<10000x128xf32, #tpu.memory_space<hbm>>) target(%dma_start3A_198 : memref<40x128xf32, #tpu.memory_space<vmem>>) offsets(%dma_start3A_199 : memref<40xi32, #tpu.memory_space<vmem>>) semaphore(%arg12 : memref<!tpu.dma_semaphore, #tpu.memory_space<semaphore_mem>>)
      } else {
      }
      %dma_wait3A_171 = arith.constant 0 : i32
      %dma_wait3A_172 = tpu.memref_slice %arg7[%add3A_99, %dma_wait3A_171] : memref<125x80xi32, #tpu.memory_space<vmem>> -> memref<1x80xi32, #tpu.memory_space<vmem>>
      %dma_wait3A_173 = tpu.memref_squeeze %dma_wait3A_172 : memref<1x80xi32, #tpu.memory_space<vmem>> -> memref<80xi32, #tpu.memory_space<vmem>>
      %dma_wait3A_174 = arith.constant 0 : i32
      %dma_wait3A_175 = arith.constant 0 : i32
      %dma_wait3A_176 = tpu.memref_slice %arg10[%dma_wait3A_174, %dma_wait3A_175] : memref<10112x128xf32, #tpu.memory_space<vmem_shared>> -> memref<10112x128xf32, #tpu.memory_space<vmem_shared>>
      tpu.wait_indirect_dma semaphore(%arg16 : memref<!tpu.dma_semaphore, #tpu.memory_space<semaphore_mem>>) src(%arg9 : memref<80x128xf32, #tpu.memory_space<vmem>>) dst(%dma_wait3A_176 : memref<10112x128xf32, #tpu.memory_space<vmem_shared>>)
      %add3A_177 = arith.constant 6 : i32
      %add3A_178 = arith.addi %mul3A_95, %add3A_177 : i32
      %lt3A_179 = arith.constant 250 : i32
      %lt3A_180 = arith.cmpi slt, %add3A_178, %lt3A_179 : i32
      %convert_element_type3A_181 = arith.extui %lt3A_180 : i1 to i32
      %cond3A_182 = arith.constant 0 : i32
      %cond3A_183 = arith.cmpi ne, %convert_element_type3A_181, %cond3A_182 : i32
      scf.if %cond3A_183 {
        %add3A_192 = arith.constant 6 : i32
        %add3A_193 = arith.addi %mul3A_95, %add3A_192 : i32
        %mul3A_194 = arith.constant 40 : i32
        %mul3A_195 = arith.muli %add3A_193, %mul3A_194 : i32
        %dma_start3A_196 = arith.constant 0 : i32
        %dma_start3A_197 = arith.constant 0 : i32
        %dma_start3A_198 = tpu.memref_slice %arg9[%dma_start3A_196, %dma_start3A_197] : memref<80x128xf32, #tpu.memory_space<vmem>> -> memref<40x128xf32, #tpu.memory_space<vmem>>
        %dma_start3A_199 = tpu.memref_slice %arg6[%mul3A_195] : memref<10000xi32, #tpu.memory_space<vmem>> -> memref<40xi32, #tpu.memory_space<vmem>>
        %dma_start3A_200 = arith.constant 0 : i32
        %dma_start3A_201 = arith.constant 0 : i32
        %dma_start3A_202 = tpu.memref_slice %arg2[%dma_start3A_200, %dma_start3A_201] : memref<10000x128xf32, #tpu.memory_space<hbm>> -> memref<10000x128xf32, #tpu.memory_space<hbm>>
        tpu.enqueue_indirect_dma source(%dma_start3A_202 : memref<10000x128xf32, #tpu.memory_space<hbm>>) target(%dma_start3A_198 : memref<40x128xf32, #tpu.memory_space<vmem>>) offsets(%dma_start3A_199 : memref<40xi32, #tpu.memory_space<vmem>>) semaphore(%arg13 : memref<!tpu.dma_semaphore, #tpu.memory_space<semaphore_mem>>)
      } else {
      }
      %add3A_184 = arith.constant 7 : i32
      %add3A_185 = arith.addi %mul3A_95, %add3A_184 : i32
      %lt3A_186 = arith.constant 250 : i32
      %lt3A_187 = arith.cmpi slt, %add3A_185, %lt3A_186 : i32
      %convert_element_type3A_188 = arith.extui %lt3A_187 : i1 to i32
      %cond3A_189 = arith.constant 0 : i32
      %cond3A_190 = arith.cmpi ne, %convert_element_type3A_188, %cond3A_189 : i32
      scf.if %cond3A_190 {
        %add3A_192 = arith.constant 7 : i32
        %add3A_193 = arith.addi %mul3A_95, %add3A_192 : i32
        %mul3A_194 = arith.constant 40 : i32
        %mul3A_195 = arith.muli %add3A_193, %mul3A_194 : i32
        %dma_start3A_196 = arith.constant 40 : i32
        %dma_start3A_197 = arith.constant 0 : i32
        %dma_start3A_198 = tpu.memref_slice %arg9[%dma_start3A_196, %dma_start3A_197] : memref<80x128xf32, #tpu.memory_space<vmem>> -> memref<40x128xf32, #tpu.memory_space<vmem>>
        %dma_start3A_199 = tpu.memref_slice %arg6[%mul3A_195] : memref<10000xi32, #tpu.memory_space<vmem>> -> memref<40xi32, #tpu.memory_space<vmem>>
        %dma_start3A_200 = arith.constant 0 : i32
        %dma_start3A_201 = arith.constant 0 : i32
        %dma_start3A_202 = tpu.memref_slice %arg2[%dma_start3A_200, %dma_start3A_201] : memref<10000x128xf32, #tpu.memory_space<hbm>> -> memref<10000x128xf32, #tpu.memory_space<hbm>>
        tpu.enqueue_indirect_dma source(%dma_start3A_202 : memref<10000x128xf32, #tpu.memory_space<hbm>>) target(%dma_start3A_198 : memref<40x128xf32, #tpu.memory_space<vmem>>) offsets(%dma_start3A_199 : memref<40xi32, #tpu.memory_space<vmem>>) semaphore(%arg14 : memref<!tpu.dma_semaphore, #tpu.memory_space<semaphore_mem>>)
      } else {
      }
      %scan3A_191 = arith.constant 0 : i32
      scf.yield %scan3A_191 : i32
    }
    %scan3A_57 = arith.constant 62 : i32
    %dma_wait3A = arith.constant 0 : i32
    %dma_wait3A_58 = arith.constant 0 : i32
    %dma_wait3A_59 = tpu.memref_slice %arg8[%dma_wait3A, %dma_wait3A_58] : memref<80x128xf32, #tpu.memory_space<vmem>> -> memref<40x128xf32, #tpu.memory_space<vmem>>
    %dma_wait3A_60 = arith.constant 9920 : i32
    %dma_wait3A_61 = tpu.memref_slice %arg6[%dma_wait3A_60] : memref<10000xi32, #tpu.memory_space<vmem>> -> memref<40xi32, #tpu.memory_space<vmem>>
    %dma_wait3A_62 = arith.constant 0 : i32
    %dma_wait3A_63 = arith.constant 0 : i32
    %dma_wait3A_64 = tpu.memref_slice %arg2[%dma_wait3A_62, %dma_wait3A_63] : memref<10000x128xf32, #tpu.memory_space<hbm>> -> memref<10000x128xf32, #tpu.memory_space<hbm>>
    tpu.wait_indirect_dma semaphore(%arg11 : memref<!tpu.dma_semaphore, #tpu.memory_space<semaphore_mem>>) src(%dma_wait3A_64 : memref<10000x128xf32, #tpu.memory_space<hbm>>) dst(%dma_wait3A_59 : memref<40x128xf32, #tpu.memory_space<vmem>>)
    %dma_wait3A_65 = arith.constant 40 : i32
    %dma_wait3A_66 = arith.constant 0 : i32
    %dma_wait3A_67 = tpu.memref_slice %arg8[%dma_wait3A_65, %dma_wait3A_66] : memref<80x128xf32, #tpu.memory_space<vmem>> -> memref<40x128xf32, #tpu.memory_space<vmem>>
    %dma_wait3A_68 = arith.constant 9960 : i32
    %dma_wait3A_69 = tpu.memref_slice %arg6[%dma_wait3A_68] : memref<10000xi32, #tpu.memory_space<vmem>> -> memref<40xi32, #tpu.memory_space<vmem>>
    %dma_wait3A_70 = arith.constant 0 : i32
    %dma_wait3A_71 = arith.constant 0 : i32
    %dma_wait3A_72 = tpu.memref_slice %arg2[%dma_wait3A_70, %dma_wait3A_71] : memref<10000x128xf32, #tpu.memory_space<hbm>> -> memref<10000x128xf32, #tpu.memory_space<hbm>>
    tpu.wait_indirect_dma semaphore(%arg12 : memref<!tpu.dma_semaphore, #tpu.memory_space<semaphore_mem>>) src(%dma_wait3A_72 : memref<10000x128xf32, #tpu.memory_space<hbm>>) dst(%dma_wait3A_67 : memref<40x128xf32, #tpu.memory_space<vmem>>)
    %dma_start3A_73 = arith.constant 124 : i32
    %dma_start3A_74 = arith.constant 0 : i32
    %dma_start3A_75 = tpu.memref_slice %arg7[%dma_start3A_73, %dma_start3A_74] : memref<125x80xi32, #tpu.memory_space<vmem>> -> memref<1x80xi32, #tpu.memory_space<vmem>>
    %dma_start3A_76 = tpu.memref_squeeze %dma_start3A_75 : memref<1x80xi32, #tpu.memory_space<vmem>> -> memref<80xi32, #tpu.memory_space<vmem>>
    %dma_start3A_77 = arith.constant 0 : i32
    %dma_start3A_78 = arith.constant 0 : i32
    %dma_start3A_79 = tpu.memref_slice %arg10[%dma_start3A_77, %dma_start3A_78] : memref<10112x128xf32, #tpu.memory_space<vmem_shared>> -> memref<10112x128xf32, #tpu.memory_space<vmem_shared>>
    tpu.enqueue_indirect_dma source(%arg8 : memref<80x128xf32, #tpu.memory_space<vmem>>) target(%dma_start3A_79 : memref<10112x128xf32, #tpu.memory_space<vmem_shared>>) offsets(%dma_start3A_76 : memref<80xi32, #tpu.memory_space<vmem>>) semaphore(%arg15 : memref<!tpu.dma_semaphore, #tpu.memory_space<semaphore_mem>>) {add = true}
    %dma_wait3A_80 = arith.constant 124 : i32
    %dma_wait3A_81 = arith.constant 0 : i32
    %dma_wait3A_82 = tpu.memref_slice %arg7[%dma_wait3A_80, %dma_wait3A_81] : memref<125x80xi32, #tpu.memory_space<vmem>> -> memref<1x80xi32, #tpu.memory_space<vmem>>
    %dma_wait3A_83 = tpu.memref_squeeze %dma_wait3A_82 : memref<1x80xi32, #tpu.memory_space<vmem>> -> memref<80xi32, #tpu.memory_space<vmem>>
    %dma_wait3A_84 = arith.constant 0 : i32
    %dma_wait3A_85 = arith.constant 0 : i32
    %dma_wait3A_86 = tpu.memref_slice %arg10[%dma_wait3A_84, %dma_wait3A_85] : memref<10112x128xf32, #tpu.memory_space<vmem_shared>> -> memref<10112x128xf32, #tpu.memory_space<vmem_shared>>
    tpu.wait_indirect_dma semaphore(%arg15 : memref<!tpu.dma_semaphore, #tpu.memory_space<semaphore_mem>>) src(%arg8 : memref<80x128xf32, #tpu.memory_space<vmem>>) dst(%dma_wait3A_86 : memref<10112x128xf32, #tpu.memory_space<vmem_shared>>)
    %barrier3A_87 = arith.constant 0 : index
    tpu.barrier barrier_id(%barrier3A_87)
    %mul3A_88 = arith.constant 632 : i32
    %mul3A_89 = arith.muli %arg1, %mul3A_88 : i32
    %mul3A_90 = arith.constant 632 : i32
    %mul3A_91 = arith.muli %arg1, %mul3A_90 : i32
    "tpu.region"() ({
      %run_scoped3A = tpu.sem_alloc : memref<!tpu.dma_semaphore, #tpu.memory_space<semaphore_mem>>
      %dma_start3A_92 = arith.constant 0 : i32
      %dma_start3A_93 = tpu.memref_slice %arg5[%arg0, %mul3A_91, %dma_start3A_92] : memref<2x10112x128xf32, #tpu.memory_space<hbm>> -> memref<1x632x128xf32, #tpu.memory_space<hbm>>
      %dma_start3A_94 = tpu.memref_squeeze %dma_start3A_93 : memref<1x632x128xf32, #tpu.memory_space<hbm>> -> memref<632x128xf32, #tpu.memory_space<hbm>>
      %dma_start3A_95 = arith.constant 0 : i32
      %dma_start3A_96 = tpu.memref_slice %arg10[%mul3A_89, %dma_start3A_95] : memref<10112x128xf32, #tpu.memory_space<vmem_shared>> -> memref<632x128xf32, #tpu.memory_space<vmem_shared>>
      tpu.enqueue_dma source(%dma_start3A_96 : memref<632x128xf32, #tpu.memory_space<vmem_shared>>) target(%dma_start3A_94 : memref<632x128xf32, #tpu.memory_space<hbm>>) target_semaphore(%run_scoped3A : memref<!tpu.dma_semaphore, #tpu.memory_space<semaphore_mem>>)
      %dma_wait3A_97 = arith.constant 0 : i32
      %dma_wait3A_98 = tpu.memref_slice %arg5[%arg0, %mul3A_91, %dma_wait3A_97] : memref<2x10112x128xf32, #tpu.memory_space<hbm>> -> memref<1x632x128xf32, #tpu.memory_space<hbm>>
      %dma_wait3A_99 = tpu.memref_squeeze %dma_wait3A_98 : memref<1x632x128xf32, #tpu.memory_space<hbm>> -> memref<632x128xf32, #tpu.memory_space<hbm>>
      %dma_wait3A_100 = arith.constant 0 : i32
      %dma_wait3A_101 = tpu.memref_slice %arg10[%mul3A_89, %dma_wait3A_100] : memref<10112x128xf32, #tpu.memory_space<vmem_shared>> -> memref<632x128xf32, #tpu.memory_space<vmem_shared>>
      tpu.wait_dma2 semaphore(%run_scoped3A : memref<!tpu.dma_semaphore, #tpu.memory_space<semaphore_mem>>) src(%dma_wait3A_101 : memref<632x128xf32, #tpu.memory_space<vmem_shared>>) dst(%dma_wait3A_99 : memref<632x128xf32, #tpu.memory_space<hbm>>)
      tpu.yield
    }) : () -> ()
    return
  }
}

#map = affine_map<(d0, d1) -> (0, 0, 0)>
#map1 = affine_map<(d0, d1) -> (0)>
module attributes {stable_mosaic.version = 14 : i64} {
  func.func @_deg_body(%arg0: i32, %arg1: i32, %arg2: memref<32x125x80xi32, #tpu.memory_space<hbm>>, %arg3: memref<32x125x80xi32, #tpu.memory_space<hbm>>, %arg4: memref<323584xf32, #tpu.memory_space<hbm>>, %arg5: memref<32x125x80xi32, #tpu.memory_space<hbm>>, %arg6: memref<125x80xi32, #tpu.memory_space<vmem>>, %arg7: memref<125x80xi32, #tpu.memory_space<vmem>>, %arg8: memref<125x80xi32, #tpu.memory_space<vmem>>, %arg9: memref<10112xf32, #tpu.memory_space<vmem>>) attributes {dimension_semantics = [#tpu.dimension_semantics<core_parallel>, #tpu.dimension_semantics<subcore_parallel>], iteration_bounds = array<i64: 2, 16>, scalar_prefetch = 0 : i64, scratch_operands = 4 : i64, tpu.core_type = #tpu.core_type<sc_vector_subcore>, window_params = [{transform_indices = #map}, {transform_indices = #map}, {transform_indices = #map1}, {transform_indices = #map}]} {
    %mul3A = arith.constant 16 : i32
    %mul3A_0 = arith.muli %arg0, %mul3A : i32
    %add3A = arith.addi %mul3A_0, %arg1 : i32
    "tpu.region"() ({
      %run_scoped3A = tpu.sem_alloc : memref<!tpu.dma_semaphore, #tpu.memory_space<semaphore_mem>>
      %dma_start3A = arith.constant 0 : i32
      %dma_start3A_17 = arith.constant 0 : i32
      %dma_start3A_18 = tpu.memref_slice %arg2[%add3A, %dma_start3A, %dma_start3A_17] : memref<32x125x80xi32, #tpu.memory_space<hbm>> -> memref<1x125x80xi32, #tpu.memory_space<hbm>>
      %dma_start3A_19 = tpu.memref_squeeze %dma_start3A_18 : memref<1x125x80xi32, #tpu.memory_space<hbm>> -> memref<125x80xi32, #tpu.memory_space<hbm>>
      %dma_start3A_20 = arith.constant 0 : i32
      %dma_start3A_21 = arith.constant 0 : i32
      %dma_start3A_22 = tpu.memref_slice %arg2[%add3A, %dma_start3A_20, %dma_start3A_21] : memref<32x125x80xi32, #tpu.memory_space<hbm>> -> memref<1x125x80xi32, #tpu.memory_space<hbm>>
      %dma_start3A_23 = tpu.memref_squeeze %dma_start3A_22 : memref<1x125x80xi32, #tpu.memory_space<hbm>> -> memref<125x80xi32, #tpu.memory_space<hbm>>
      tpu.enqueue_dma source(%dma_start3A_23 : memref<125x80xi32, #tpu.memory_space<hbm>>) target(%arg6 : memref<125x80xi32, #tpu.memory_space<vmem>>) target_semaphore(%run_scoped3A : memref<!tpu.dma_semaphore, #tpu.memory_space<semaphore_mem>>)
      %dma_wait3A = arith.constant 0 : i32
      %dma_wait3A_24 = arith.constant 0 : i32
      %dma_wait3A_25 = tpu.memref_slice %arg2[%add3A, %dma_wait3A, %dma_wait3A_24] : memref<32x125x80xi32, #tpu.memory_space<hbm>> -> memref<1x125x80xi32, #tpu.memory_space<hbm>>
      %dma_wait3A_26 = tpu.memref_squeeze %dma_wait3A_25 : memref<1x125x80xi32, #tpu.memory_space<hbm>> -> memref<125x80xi32, #tpu.memory_space<hbm>>
      %dma_wait3A_27 = arith.constant 0 : i32
      %dma_wait3A_28 = arith.constant 0 : i32
      %dma_wait3A_29 = tpu.memref_slice %arg2[%add3A, %dma_wait3A_27, %dma_wait3A_28] : memref<32x125x80xi32, #tpu.memory_space<hbm>> -> memref<1x125x80xi32, #tpu.memory_space<hbm>>
      %dma_wait3A_30 = tpu.memref_squeeze %dma_wait3A_29 : memref<1x125x80xi32, #tpu.memory_space<hbm>> -> memref<125x80xi32, #tpu.memory_space<hbm>>
      tpu.wait_dma2 semaphore(%run_scoped3A : memref<!tpu.dma_semaphore, #tpu.memory_space<semaphore_mem>>) src(%dma_wait3A_30 : memref<125x80xi32, #tpu.memory_space<hbm>>) dst(%arg6 : memref<125x80xi32, #tpu.memory_space<vmem>>)
      tpu.yield
    }) : () -> ()
    "tpu.region"() ({
      %run_scoped3A = tpu.sem_alloc : memref<!tpu.dma_semaphore, #tpu.memory_space<semaphore_mem>>
      %dma_start3A = arith.constant 0 : i32
      %dma_start3A_17 = arith.constant 0 : i32
      %dma_start3A_18 = tpu.memref_slice %arg3[%add3A, %dma_start3A, %dma_start3A_17] : memref<32x125x80xi32, #tpu.memory_space<hbm>> -> memref<1x125x80xi32, #tpu.memory_space<hbm>>
      %dma_start3A_19 = tpu.memref_squeeze %dma_start3A_18 : memref<1x125x80xi32, #tpu.memory_space<hbm>> -> memref<125x80xi32, #tpu.memory_space<hbm>>
      %dma_start3A_20 = arith.constant 0 : i32
      %dma_start3A_21 = arith.constant 0 : i32
      %dma_start3A_22 = tpu.memref_slice %arg3[%add3A, %dma_start3A_20, %dma_start3A_21] : memref<32x125x80xi32, #tpu.memory_space<hbm>> -> memref<1x125x80xi32, #tpu.memory_space<hbm>>
      %dma_start3A_23 = tpu.memref_squeeze %dma_start3A_22 : memref<1x125x80xi32, #tpu.memory_space<hbm>> -> memref<125x80xi32, #tpu.memory_space<hbm>>
      tpu.enqueue_dma source(%dma_start3A_23 : memref<125x80xi32, #tpu.memory_space<hbm>>) target(%arg7 : memref<125x80xi32, #tpu.memory_space<vmem>>) target_semaphore(%run_scoped3A : memref<!tpu.dma_semaphore, #tpu.memory_space<semaphore_mem>>)
      %dma_wait3A = arith.constant 0 : i32
      %dma_wait3A_24 = arith.constant 0 : i32
      %dma_wait3A_25 = tpu.memref_slice %arg3[%add3A, %dma_wait3A, %dma_wait3A_24] : memref<32x125x80xi32, #tpu.memory_space<hbm>> -> memref<1x125x80xi32, #tpu.memory_space<hbm>>
      %dma_wait3A_26 = tpu.memref_squeeze %dma_wait3A_25 : memref<1x125x80xi32, #tpu.memory_space<hbm>> -> memref<125x80xi32, #tpu.memory_space<hbm>>
      %dma_wait3A_27 = arith.constant 0 : i32
      %dma_wait3A_28 = arith.constant 0 : i32
      %dma_wait3A_29 = tpu.memref_slice %arg3[%add3A, %dma_wait3A_27, %dma_wait3A_28] : memref<32x125x80xi32, #tpu.memory_space<hbm>> -> memref<1x125x80xi32, #tpu.memory_space<hbm>>
      %dma_wait3A_30 = tpu.memref_squeeze %dma_wait3A_29 : memref<1x125x80xi32, #tpu.memory_space<hbm>> -> memref<125x80xi32, #tpu.memory_space<hbm>>
      tpu.wait_dma2 semaphore(%run_scoped3A : memref<!tpu.dma_semaphore, #tpu.memory_space<semaphore_mem>>) src(%dma_wait3A_30 : memref<125x80xi32, #tpu.memory_space<hbm>>) dst(%arg7 : memref<125x80xi32, #tpu.memory_space<vmem>>)
      tpu.yield
    }) : () -> ()
    %scan3A = arith.constant 0 : i32
    %scan3A_1 = arith.constant 0 : i32
    %scan3A_2 = arith.constant 632 : i32
    %scan3A_3 = arith.addi %scan3A_1, %scan3A_2 : i32
    %scan3A_4 = arith.constant 1 : i32
    %scan3A_5 = scf.for %scan3A_17 = %scan3A_1 to %scan3A_3 step %scan3A_4 iter_args(%scan3A_18 = %scan3A) -> (i32)  : i32 {
      %broadcast_in_dim3A_19 = arith.constant 0.000000e+00 : f32
      %broadcast_in_dim3A_20 = vector.broadcast %broadcast_in_dim3A_19 : f32 to vector<16xf32>
      %mul3A_21 = arith.constant 16 : i32
      %mul3A_22 = arith.muli %scan3A_17, %mul3A_21 : i32
      %swap3A = arith.index_cast %mul3A_22 : i32 to index
      %swap3A_23 = tpu.vector_load %arg9[%swap3A] {strides = array<i32>} : memref<10112xf32, #tpu.memory_space<vmem>>, vector<16xf32>,
      tpu.vector_store %arg9[%swap3A], %broadcast_in_dim3A_20 {strides = array<i32>} : memref<10112xf32, #tpu.memory_space<vmem>>, vector<16xf32>,
      %scan3A_24 = arith.constant 0 : i32
      scf.yield %scan3A_24 : i32
    }
    %scan3A_6 = arith.constant 632 : i32
    %broadcast_in_dim3A = arith.constant 1.000000e+00 : f32
    %broadcast_in_dim3A_7 = vector.broadcast %broadcast_in_dim3A : f32 to vector<16xf32>
    %scan3A_8 = arith.constant 0 : i32
    %scan3A_9 = arith.constant 0 : i32
    %scan3A_10 = arith.constant 125 : i32
    %scan3A_11 = arith.addi %scan3A_9, %scan3A_10 : i32
    %scan3A_12 = arith.constant 1 : i32
    %scan3A_13 = scf.for %scan3A_17 = %scan3A_9 to %scan3A_11 step %scan3A_12 iter_args(%scan3A_18 = %scan3A_8) -> (i32)  : i32 {
      %scan3A_19 = arith.constant 0 : i32
      %scan3A_20 = arith.constant 0 : i32
      %scan3A_21 = arith.constant 5 : i32
      %scan3A_22 = arith.addi %scan3A_20, %scan3A_21 : i32
      %scan3A_23 = arith.constant 1 : i32
      %scan3A_24 = scf.for %scan3A_27 = %scan3A_20 to %scan3A_22 step %scan3A_23 iter_args(%scan3A_28 = %scan3A_19) -> (i32)  : i32 {
        %mul3A_29 = arith.constant 16 : i32
        %mul3A_30 = arith.muli %scan3A_27, %mul3A_29 : i32
        %get3A = arith.index_cast %scan3A_17 : i32 to index
        %get3A_31 = arith.index_cast %mul3A_30 : i32 to index
        %get3A_32 = tpu.vector_load %arg6[%get3A, %get3A_31] {strides = array<i32>} : memref<125x80xi32, #tpu.memory_space<vmem>>, vector<16xi32>,
        %mul3A_33 = arith.constant 16 : i32
        %mul3A_34 = arith.muli %scan3A_27, %mul3A_33 : i32
        %get3A_35 = arith.index_cast %scan3A_17 : i32 to index
        %get3A_36 = arith.index_cast %mul3A_34 : i32 to index
        %get3A_37 = tpu.vector_load %arg7[%get3A_35, %get3A_36] {strides = array<i32>} : memref<125x80xi32, #tpu.memory_space<vmem>>, vector<16xi32>,
        %ne3A = arith.cmpi ne, %get3A_32, %get3A_37 : vector<16xi32>
        tpu.vector_store_idx %arg9[%get3A_37], %broadcast_in_dim3A_7 masked %ne3A {add = true} : memref<10112xf32, #tpu.memory_space<vmem>>[vector<16xi32>], vector<16xf32>, vector<16xi1>
        %jit3A = arith.constant 10000 : i32
        %broadcast_in_dim3A_38 = vector.broadcast %jit3A : i32 to vector<16xi32>
        %select_n3A = arith.select %ne3A, %get3A_32, %broadcast_in_dim3A_38 : vector<16xi1>, vector<16xi32>
        %mul3A_39 = arith.constant 16 : i32
        %mul3A_40 = arith.muli %scan3A_27, %mul3A_39 : i32
        %swap3A = arith.index_cast %scan3A_17 : i32 to index
        %swap3A_41 = arith.index_cast %mul3A_40 : i32 to index
        %swap3A_42 = tpu.vector_load %arg8[%swap3A, %swap3A_41] {strides = array<i32>} : memref<125x80xi32, #tpu.memory_space<vmem>>, vector<16xi32>,
        tpu.vector_store %arg8[%swap3A, %swap3A_41], %select_n3A {strides = array<i32>} : memref<125x80xi32, #tpu.memory_space<vmem>>, vector<16xi32>,
        %scan3A_43 = arith.constant 0 : i32
        scf.yield %scan3A_43 : i32
      }
      %scan3A_25 = arith.constant 5 : i32
      %scan3A_26 = arith.constant 0 : i32
      scf.yield %scan3A_26 : i32
    }
    %scan3A_14 = arith.constant 125 : i32
    %mul3A_15 = arith.constant 10112 : i32
    %mul3A_16 = arith.muli %add3A, %mul3A_15 : i32
    "tpu.region"() ({
      %run_scoped3A = tpu.sem_alloc : memref<!tpu.dma_semaphore, #tpu.memory_space<semaphore_mem>>
      %dma_start3A = tpu.memref_slice %arg4[%mul3A_16] : memref<323584xf32, #tpu.memory_space<hbm>> -> memref<10112xf32, #tpu.memory_space<hbm>>
      %dma_start3A_17 = tpu.memref_slice %arg4[%mul3A_16] : memref<323584xf32, #tpu.memory_space<hbm>> -> memref<10112xf32, #tpu.memory_space<hbm>>
      tpu.enqueue_dma source(%arg9 : memref<10112xf32, #tpu.memory_space<vmem>>) target(%dma_start3A_17 : memref<10112xf32, #tpu.memory_space<hbm>>) target_semaphore(%run_scoped3A : memref<!tpu.dma_semaphore, #tpu.memory_space<semaphore_mem>>)
      %dma_wait3A = tpu.memref_slice %arg4[%mul3A_16] : memref<323584xf32, #tpu.memory_space<hbm>> -> memref<10112xf32, #tpu.memory_space<hbm>>
      %dma_wait3A_18 = tpu.memref_slice %arg4[%mul3A_16] : memref<323584xf32, #tpu.memory_space<hbm>> -> memref<10112xf32, #tpu.memory_space<hbm>>
      tpu.wait_dma2 semaphore(%run_scoped3A : memref<!tpu.dma_semaphore, #tpu.memory_space<semaphore_mem>>) src(%arg9 : memref<10112xf32, #tpu.memory_space<vmem>>) dst(%dma_wait3A_18 : memref<10112xf32, #tpu.memory_space<hbm>>)
      tpu.yield
    }) : () -> ()
    "tpu.region"() ({
      %run_scoped3A = tpu.sem_alloc : memref<!tpu.dma_semaphore, #tpu.memory_space<semaphore_mem>>
      %dma_start3A = arith.constant 0 : i32
      %dma_start3A_17 = arith.constant 0 : i32
      %dma_start3A_18 = tpu.memref_slice %arg5[%add3A, %dma_start3A, %dma_start3A_17] : memref<32x125x80xi32, #tpu.memory_space<hbm>> -> memref<1x125x80xi32, #tpu.memory_space<hbm>>
      %dma_start3A_19 = tpu.memref_squeeze %dma_start3A_18 : memref<1x125x80xi32, #tpu.memory_space<hbm>> -> memref<125x80xi32, #tpu.memory_space<hbm>>
      %dma_start3A_20 = arith.constant 0 : i32
      %dma_start3A_21 = arith.constant 0 : i32
      %dma_start3A_22 = tpu.memref_slice %arg5[%add3A, %dma_start3A_20, %dma_start3A_21] : memref<32x125x80xi32, #tpu.memory_space<hbm>> -> memref<1x125x80xi32, #tpu.memory_space<hbm>>
      %dma_start3A_23 = tpu.memref_squeeze %dma_start3A_22 : memref<1x125x80xi32, #tpu.memory_space<hbm>> -> memref<125x80xi32, #tpu.memory_space<hbm>>
      tpu.enqueue_dma source(%arg8 : memref<125x80xi32, #tpu.memory_space<vmem>>) target(%dma_start3A_23 : memref<125x80xi32, #tpu.memory_space<hbm>>) target_semaphore(%run_scoped3A : memref<!tpu.dma_semaphore, #tpu.memory_space<semaphore_mem>>)
      %dma_wait3A = arith.constant 0 : i32
      %dma_wait3A_24 = arith.constant 0 : i32
      %dma_wait3A_25 = tpu.memref_slice %arg5[%add3A, %dma_wait3A, %dma_wait3A_24] : memref<32x125x80xi32, #tpu.memory_space<hbm>> -> memref<1x125x80xi32, #tpu.memory_space<hbm>>
      %dma_wait3A_26 = tpu.memref_squeeze %dma_wait3A_25 : memref<1x125x80xi32, #tpu.memory_space<hbm>> -> memref<125x80xi32, #tpu.memory_space<hbm>>
      %dma_wait3A_27 = arith.constant 0 : i32
      %dma_wait3A_28 = arith.constant 0 : i32
      %dma_wait3A_29 = tpu.memref_slice %arg5[%add3A, %dma_wait3A_27, %dma_wait3A_28] : memref<32x125x80xi32, #tpu.memory_space<hbm>> -> memref<1x125x80xi32, #tpu.memory_space<hbm>>
      %dma_wait3A_30 = tpu.memref_squeeze %dma_wait3A_29 : memref<1x125x80xi32, #tpu.memory_space<hbm>> -> memref<125x80xi32, #tpu.memory_space<hbm>>
      tpu.wait_dma2 semaphore(%run_scoped3A : memref<!tpu.dma_semaphore, #tpu.memory_space<semaphore_mem>>) src(%arg8 : memref<125x80xi32, #tpu.memory_space<vmem>>) dst(%dma_wait3A_30 : memref<125x80xi32, #tpu.memory_space<hbm>>)
      tpu.yield
    }) : () -> ()
    return
  }
}

#map = affine_map<(d0, d1) -> (0, 0)>
#map1 = affine_map<(d0, d1) -> (0)>
#map2 = affine_map<(d0, d1) -> (0, 0, 0)>
module attributes {stable_mosaic.version = 14 : i64} {
  func.func @_spmm_body(%arg0: i32, %arg1: i32, %arg2: memref<10000x128xf32, #tpu.memory_space<hbm>>, %arg3: memref<320000xi32, #tpu.memory_space<hbm>>, %arg4: memref<32x125x80xi32, #tpu.memory_space<hbm>>, %arg5: memref<2x10112x128xf32, #tpu.memory_space<hbm>>, %arg6: memref<10000xi32, #tpu.memory_space<vmem>>, %arg7: memref<125x80xi32, #tpu.memory_space<vmem>>, %arg8: memref<80x128xf32, #tpu.memory_space<vmem>>, %arg9: memref<80x128xf32, #tpu.memory_space<vmem>>, %arg10: memref<10112x128xf32, #tpu.memory_space<vmem_shared>>, %arg11: memref<!tpu.dma_semaphore, #tpu.memory_space<semaphore_mem>>, %arg12: memref<!tpu.dma_semaphore, #tpu.memory_space<semaphore_mem>>, %arg13: memref<!tpu.dma_semaphore, #tpu.memory_space<semaphore_mem>>, %arg14: memref<!tpu.dma_semaphore, #tpu.memory_space<semaphore_mem>>, %arg15: memref<!tpu.dma_semaphore, #tpu.memory_space<semaphore_mem>>, %arg16: memref<!tpu.dma_semaphore, #tpu.memory_space<semaphore_mem>>) attributes {dimension_semantics = [#tpu.dimension_semantics<core_parallel>, #tpu.dimension_semantics<subcore_parallel>], iteration_bounds = array<i64: 2, 16>, scalar_prefetch = 0 : i64, scratch_operands = 11 : i64, tpu.core_type = #tpu.core_type<sc_vector_subcore>, window_params = [{transform_indices = #map}, {transform_indices = #map1}, {transform_indices = #map2}, {transform_indices = #map2}]} {
    %mul3A = arith.constant 16 : i32
    %mul3A_0 = arith.muli %arg0, %mul3A : i32
    %add3A = arith.addi %mul3A_0, %arg1 : i32
    %mul3A_1 = arith.constant 10000 : i32
    %mul3A_2 = arith.muli %add3A, %mul3A_1 : i32
    "tpu.region"() ({
      %run_scoped3A = tpu.sem_alloc : memref<!tpu.dma_semaphore, #tpu.memory_space<semaphore_mem>>
      %dma_start3A_92 = tpu.memref_slice %arg3[%mul3A_2] : memref<320000xi32, #tpu.memory_space<hbm>> -> memref<10000xi32, #tpu.memory_space<hbm>>
      %dma_start3A_93 = tpu.memref_slice %arg3[%mul3A_2] : memref<320000xi32, #tpu.memory_space<hbm>> -> memref<10000xi32, #tpu.memory_space<hbm>>
      tpu.enqueue_dma source(%dma_start3A_93 : memref<10000xi32, #tpu.memory_space<hbm>>) target(%arg6 : memref<10000xi32, #tpu.memory_space<vmem>>) target_semaphore(%run_scoped3A : memref<!tpu.dma_semaphore, #tpu.memory_space<semaphore_mem>>)
      %dma_wait3A_94 = tpu.memref_slice %arg3[%mul3A_2] : memref<320000xi32, #tpu.memory_space<hbm>> -> memref<10000xi32, #tpu.memory_space<hbm>>
      %dma_wait3A_95 = tpu.memref_slice %arg3[%mul3A_2] : memref<320000xi32, #tpu.memory_space<hbm>> -> memref<10000xi32, #tpu.memory_space<hbm>>
      tpu.wait_dma2 semaphore(%run_scoped3A : memref<!tpu.dma_semaphore, #tpu.memory_space<semaphore_mem>>) src(%dma_wait3A_95 : memref<10000xi32, #tpu.memory_space<hbm>>) dst(%arg6 : memref<10000xi32, #tpu.memory_space<vmem>>)
      tpu.yield
    }) : () -> ()
    "tpu.region"() ({
      %run_scoped3A = tpu.sem_alloc : memref<!tpu.dma_semaphore, #tpu.memory_space<semaphore_mem>>
      %dma_start3A_92 = arith.constant 0 : i32
      %dma_start3A_93 = arith.constant 0 : i32
      %dma_start3A_94 = tpu.memref_slice %arg4[%add3A, %dma_start3A_92, %dma_start3A_93] : memref<32x125x80xi32, #tpu.memory_space<hbm>> -> memref<1x125x80xi32, #tpu.memory_space<hbm>>
      %dma_start3A_95 = tpu.memref_squeeze %dma_start3A_94 : memref<1x125x80xi32, #tpu.memory_space<hbm>> -> memref<125x80xi32, #tpu.memory_space<hbm>>
      %dma_start3A_96 = arith.constant 0 : i32
      %dma_start3A_97 = arith.constant 0 : i32
      %dma_start3A_98 = tpu.memref_slice %arg4[%add3A, %dma_start3A_96, %dma_start3A_97] : memref<32x125x80xi32, #tpu.memory_space<hbm>> -> memref<1x125x80xi32, #tpu.memory_space<hbm>>
      %dma_start3A_99 = tpu.memref_squeeze %dma_start3A_98 : memref<1x125x80xi32, #tpu.memory_space<hbm>> -> memref<125x80xi32, #tpu.memory_space<hbm>>
      tpu.enqueue_dma source(%dma_start3A_99 : memref<125x80xi32, #tpu.memory_space<hbm>>) target(%arg7 : memref<125x80xi32, #tpu.memory_space<vmem>>) target_semaphore(%run_scoped3A : memref<!tpu.dma_semaphore, #tpu.memory_space<semaphore_mem>>)
      %dma_wait3A_100 = arith.constant 0 : i32
      %dma_wait3A_101 = arith.constant 0 : i32
      %dma_wait3A_102 = tpu.memref_slice %arg4[%add3A, %dma_wait3A_100, %dma_wait3A_101] : memref<32x125x80xi32, #tpu.memory_space<hbm>> -> memref<1x125x80xi32, #tpu.memory_space<hbm>>
      %dma_wait3A_103 = tpu.memref_squeeze %dma_wait3A_102 : memref<1x125x80xi32, #tpu.memory_space<hbm>> -> memref<125x80xi32, #tpu.memory_space<hbm>>
      %dma_wait3A_104 = arith.constant 0 : i32
      %dma_wait3A_105 = arith.constant 0 : i32
      %dma_wait3A_106 = tpu.memref_slice %arg4[%add3A, %dma_wait3A_104, %dma_wait3A_105] : memref<32x125x80xi32, #tpu.memory_space<hbm>> -> memref<1x125x80xi32, #tpu.memory_space<hbm>>
      %dma_wait3A_107 = tpu.memref_squeeze %dma_wait3A_106 : memref<1x125x80xi32, #tpu.memory_space<hbm>> -> memref<125x80xi32, #tpu.memory_space<hbm>>
      tpu.wait_dma2 semaphore(%run_scoped3A : memref<!tpu.dma_semaphore, #tpu.memory_space<semaphore_mem>>) src(%dma_wait3A_107 : memref<125x80xi32, #tpu.memory_space<hbm>>) dst(%arg7 : memref<125x80xi32, #tpu.memory_space<vmem>>)
      tpu.yield
    }) : () -> ()
    %scan3A = arith.constant 0 : i32
    %scan3A_3 = arith.constant 0 : i32
    %scan3A_4 = arith.constant 80 : i32
    %scan3A_5 = arith.addi %scan3A_3, %scan3A_4 : i32
    %scan3A_6 = arith.constant 1 : i32
    %scan3A_7 = scf.for %scan3A_92 = %scan3A_3 to %scan3A_5 step %scan3A_6 iter_args(%scan3A_93 = %scan3A) -> (i32)  : i32 {
      %broadcast_in_dim3A = arith.constant 0.000000e+00 : f32
      %broadcast_in_dim3A_94 = vector.broadcast %broadcast_in_dim3A : f32 to vector<16xf32>
      %swap3A = arith.index_cast %scan3A_92 : i32 to index
      %swap3A_95 = arith.constant 0 : index
      %swap3A_96 = tpu.vector_load %arg8[%swap3A, %swap3A_95] {strides = array<i32>} : memref<80x128xf32, #tpu.memory_space<vmem>>, vector<16xf32>,
      tpu.vector_store %arg8[%swap3A, %swap3A_95], %broadcast_in_dim3A_94 {strides = array<i32>} : memref<80x128xf32, #tpu.memory_space<vmem>>, vector<16xf32>,
      %broadcast_in_dim3A_97 = arith.constant 0.000000e+00 : f32
      %broadcast_in_dim3A_98 = vector.broadcast %broadcast_in_dim3A_97 : f32 to vector<16xf32>
      %swap3A_99 = arith.index_cast %scan3A_92 : i32 to index
      %swap3A_100 = arith.constant 16 : index
      %swap3A_101 = tpu.vector_load %arg8[%swap3A_99, %swap3A_100] {strides = array<i32>} : memref<80x128xf32, #tpu.memory_space<vmem>>, vector<16xf32>,
      tpu.vector_store %arg8[%swap3A_99, %swap3A_100], %broadcast_in_dim3A_98 {strides = array<i32>} : memref<80x128xf32, #tpu.memory_space<vmem>>, vector<16xf32>,
      %broadcast_in_dim3A_102 = arith.constant 0.000000e+00 : f32
      %broadcast_in_dim3A_103 = vector.broadcast %broadcast_in_dim3A_102 : f32 to vector<16xf32>
      %swap3A_104 = arith.index_cast %scan3A_92 : i32 to index
      %swap3A_105 = arith.constant 32 : index
      %swap3A_106 = tpu.vector_load %arg8[%swap3A_104, %swap3A_105] {strides = array<i32>} : memref<80x128xf32, #tpu.memory_space<vmem>>, vector<16xf32>,
      tpu.vector_store %arg8[%swap3A_104, %swap3A_105], %broadcast_in_dim3A_103 {strides = array<i32>} : memref<80x128xf32, #tpu.memory_space<vmem>>, vector<16xf32>,
      %broadcast_in_dim3A_107 = arith.constant 0.000000e+00 : f32
      %broadcast_in_dim3A_108 = vector.broadcast %broadcast_in_dim3A_107 : f32 to vector<16xf32>
      %swap3A_109 = arith.index_cast %scan3A_92 : i32 to index
      %swap3A_110 = arith.constant 48 : index
      %swap3A_111 = tpu.vector_load %arg8[%swap3A_109, %swap3A_110] {strides = array<i32>} : memref<80x128xf32, #tpu.memory_space<vmem>>, vector<16xf32>,
      tpu.vector_store %arg8[%swap3A_109, %swap3A_110], %broadcast_in_dim3A_108 {strides = array<i32>} : memref<80x128xf32, #tpu.memory_space<vmem>>, vector<16xf32>,
      %broadcast_in_dim3A_112 = arith.constant 0.000000e+00 : f32
      %broadcast_in_dim3A_113 = vector.broadcast %broadcast_in_dim3A_112 : f32 to vector<16xf32>
      %swap3A_114 = arith.index_cast %scan3A_92 : i32 to index
      %swap3A_115 = arith.constant 64 : index
      %swap3A_116 = tpu.vector_load %arg8[%swap3A_114, %swap3A_115] {strides = array<i32>} : memref<80x128xf32, #tpu.memory_space<vmem>>, vector<16xf32>,
      tpu.vector_store %arg8[%swap3A_114, %swap3A_115], %broadcast_in_dim3A_113 {strides = array<i32>} : memref<80x128xf32, #tpu.memory_space<vmem>>, vector<16xf32>,
      %broadcast_in_dim3A_117 = arith.constant 0.000000e+00 : f32
      %broadcast_in_dim3A_118 = vector.broadcast %broadcast_in_dim3A_117 : f32 to vector<16xf32>
      %swap3A_119 = arith.index_cast %scan3A_92 : i32 to index
      %swap3A_120 = arith.constant 80 : index
      %swap3A_121 = tpu.vector_load %arg8[%swap3A_119, %swap3A_120] {strides = array<i32>} : memref<80x128xf32, #tpu.memory_space<vmem>>, vector<16xf32>,
      tpu.vector_store %arg8[%swap3A_119, %swap3A_120], %broadcast_in_dim3A_118 {strides = array<i32>} : memref<80x128xf32, #tpu.memory_space<vmem>>, vector<16xf32>,
      %broadcast_in_dim3A_122 = arith.constant 0.000000e+00 : f32
      %broadcast_in_dim3A_123 = vector.broadcast %broadcast_in_dim3A_122 : f32 to vector<16xf32>
      %swap3A_124 = arith.index_cast %scan3A_92 : i32 to index
      %swap3A_125 = arith.constant 96 : index
      %swap3A_126 = tpu.vector_load %arg8[%swap3A_124, %swap3A_125] {strides = array<i32>} : memref<80x128xf32, #tpu.memory_space<vmem>>, vector<16xf32>,
      tpu.vector_store %arg8[%swap3A_124, %swap3A_125], %broadcast_in_dim3A_123 {strides = array<i32>} : memref<80x128xf32, #tpu.memory_space<vmem>>, vector<16xf32>,
      %broadcast_in_dim3A_127 = arith.constant 0.000000e+00 : f32
      %broadcast_in_dim3A_128 = vector.broadcast %broadcast_in_dim3A_127 : f32 to vector<16xf32>
      %swap3A_129 = arith.index_cast %scan3A_92 : i32 to index
      %swap3A_130 = arith.constant 112 : index
      %swap3A_131 = tpu.vector_load %arg8[%swap3A_129, %swap3A_130] {strides = array<i32>} : memref<80x128xf32, #tpu.memory_space<vmem>>, vector<16xf32>,
      tpu.vector_store %arg8[%swap3A_129, %swap3A_130], %broadcast_in_dim3A_128 {strides = array<i32>} : memref<80x128xf32, #tpu.memory_space<vmem>>, vector<16xf32>,
      %scan3A_132 = arith.constant 0 : i32
      scf.yield %scan3A_132 : i32
    }
    %scan3A_8 = arith.constant 80 : i32
    %scan3A_9 = arith.constant 0 : i32
    %scan3A_10 = arith.constant 0 : i32
    %scan3A_11 = arith.constant 7 : i32
    %scan3A_12 = arith.addi %scan3A_10, %scan3A_11 : i32
    %scan3A_13 = arith.constant 1 : i32
    %scan3A_14 = scf.for %scan3A_92 = %scan3A_10 to %scan3A_12 step %scan3A_13 iter_args(%scan3A_93 = %scan3A_9) -> (i32)  : i32 {
      %mul3A_94 = arith.constant 632 : i32
      %mul3A_95 = arith.muli %arg1, %mul3A_94 : i32
      %mul3A_96 = arith.constant 80 : i32
      %mul3A_97 = arith.muli %scan3A_92, %mul3A_96 : i32
      %add3A_98 = arith.addi %mul3A_95, %mul3A_97 : i32
      "tpu.region"() ({
        %run_scoped3A = tpu.sem_alloc : memref<!tpu.dma_semaphore, #tpu.memory_space<semaphore_mem>>
        %dma_start3A_100 = arith.constant 0 : i32
        %dma_start3A_101 = tpu.memref_slice %arg10[%add3A_98, %dma_start3A_100] : memref<10112x128xf32, #tpu.memory_space<vmem_shared>> -> memref<80x128xf32, #tpu.memory_space<vmem_shared>>
        %dma_start3A_102 = arith.constant 0 : i32
        %dma_start3A_103 = tpu.memref_slice %arg10[%add3A_98, %dma_start3A_102] : memref<10112x128xf32, #tpu.memory_space<vmem_shared>> -> memref<80x128xf32, #tpu.memory_space<vmem_shared>>
        tpu.enqueue_dma source(%arg8 : memref<80x128xf32, #tpu.memory_space<vmem>>) target(%dma_start3A_103 : memref<80x128xf32, #tpu.memory_space<vmem_shared>>) target_semaphore(%run_scoped3A : memref<!tpu.dma_semaphore, #tpu.memory_space<semaphore_mem>>)
        %dma_wait3A_104 = arith.constant 0 : i32
        %dma_wait3A_105 = tpu.memref_slice %arg10[%add3A_98, %dma_wait3A_104] : memref<10112x128xf32, #tpu.memory_space<vmem_shared>> -> memref<80x128xf32, #tpu.memory_space<vmem_shared>>
        %dma_wait3A_106 = arith.constant 0 : i32
        %dma_wait3A_107 = tpu.memref_slice %arg10[%add3A_98, %dma_wait3A_106] : memref<10112x128xf32, #tpu.memory_space<vmem_shared>> -> memref<80x128xf32, #tpu.memory_space<vmem_shared>>
        tpu.wait_dma2 semaphore(%run_scoped3A : memref<!tpu.dma_semaphore, #tpu.memory_space<semaphore_mem>>) src(%arg8 : memref<80x128xf32, #tpu.memory_space<vmem>>) dst(%dma_wait3A_107 : memref<80x128xf32, #tpu.memory_space<vmem_shared>>)
        tpu.yield
      }) : () -> ()
      %scan3A_99 = arith.constant 0 : i32
      scf.yield %scan3A_99 : i32
    }
    %scan3A_15 = arith.constant 7 : i32
    %mul3A_16 = arith.constant 632 : i32
    %mul3A_17 = arith.muli %arg1, %mul3A_16 : i32
    %add3A_18 = arith.constant 560 : i32
    %add3A_19 = arith.addi %mul3A_17, %add3A_18 : i32
    "tpu.region"() ({
      %run_scoped3A = tpu.sem_alloc : memref<!tpu.dma_semaphore, #tpu.memory_space<semaphore_mem>>
      %dma_start3A_92 = arith.constant 0 : i32
      %dma_start3A_93 = arith.constant 0 : i32
      %dma_start3A_94 = tpu.memref_slice %arg8[%dma_start3A_92, %dma_start3A_93] : memref<80x128xf32, #tpu.memory_space<vmem>> -> memref<72x128xf32, #tpu.memory_space<vmem>>
      %dma_start3A_95 = arith.constant 0 : i32
      %dma_start3A_96 = tpu.memref_slice %arg10[%add3A_19, %dma_start3A_95] : memref<10112x128xf32, #tpu.memory_space<vmem_shared>> -> memref<72x128xf32, #tpu.memory_space<vmem_shared>>
      %dma_start3A_97 = arith.constant 0 : i32
      %dma_start3A_98 = tpu.memref_slice %arg10[%add3A_19, %dma_start3A_97] : memref<10112x128xf32, #tpu.memory_space<vmem_shared>> -> memref<72x128xf32, #tpu.memory_space<vmem_shared>>
      %dma_start3A_99 = arith.constant 0 : i32
      %dma_start3A_100 = arith.constant 0 : i32
      %dma_start3A_101 = tpu.memref_slice %arg8[%dma_start3A_99, %dma_start3A_100] : memref<80x128xf32, #tpu.memory_space<vmem>> -> memref<72x128xf32, #tpu.memory_space<vmem>>
      tpu.enqueue_dma source(%dma_start3A_101 : memref<72x128xf32, #tpu.memory_space<vmem>>) target(%dma_start3A_98 : memref<72x128xf32, #tpu.memory_space<vmem_shared>>) target_semaphore(%run_scoped3A : memref<!tpu.dma_semaphore, #tpu.memory_space<semaphore_mem>>)
      %dma_wait3A_102 = arith.constant 0 : i32
      %dma_wait3A_103 = arith.constant 0 : i32
      %dma_wait3A_104 = tpu.memref_slice %arg8[%dma_wait3A_102, %dma_wait3A_103] : memref<80x128xf32, #tpu.memory_space<vmem>> -> memref<72x128xf32, #tpu.memory_space<vmem>>
      %dma_wait3A_105 = arith.constant 0 : i32
      %dma_wait3A_106 = tpu.memref_slice %arg10[%add3A_19, %dma_wait3A_105] : memref<10112x128xf32, #tpu.memory_space<vmem_shared>> -> memref<72x128xf32, #tpu.memory_space<vmem_shared>>
      %dma_wait3A_107 = arith.constant 0 : i32
      %dma_wait3A_108 = tpu.memref_slice %arg10[%add3A_19, %dma_wait3A_107] : memref<10112x128xf32, #tpu.memory_space<vmem_shared>> -> memref<72x128xf32, #tpu.memory_space<vmem_shared>>
      %dma_wait3A_109 = arith.constant 0 : i32
      %dma_wait3A_110 = arith.constant 0 : i32
      %dma_wait3A_111 = tpu.memref_slice %arg8[%dma_wait3A_109, %dma_wait3A_110] : memref<80x128xf32, #tpu.memory_space<vmem>> -> memref<72x128xf32, #tpu.memory_space<vmem>>
      tpu.wait_dma2 semaphore(%run_scoped3A : memref<!tpu.dma_semaphore, #tpu.memory_space<semaphore_mem>>) src(%dma_wait3A_111 : memref<72x128xf32, #tpu.memory_space<vmem>>) dst(%dma_wait3A_108 : memref<72x128xf32, #tpu.memory_space<vmem_shared>>)
      tpu.yield
    }) : () -> ()
    %barrier3A = arith.constant 0 : index
    tpu.barrier barrier_id(%barrier3A)
    %dma_start3A = arith.constant 0 : i32
    %dma_start3A_20 = arith.constant 0 : i32
    %dma_start3A_21 = tpu.memref_slice %arg8[%dma_start3A, %dma_start3A_20] : memref<80x128xf32, #tpu.memory_space<vmem>> -> memref<40x128xf32, #tpu.memory_space<vmem>>
    %dma_start3A_22 = arith.constant 0 : i32
    %dma_start3A_23 = tpu.memref_slice %arg6[%dma_start3A_22] : memref<10000xi32, #tpu.memory_space<vmem>> -> memref<40xi32, #tpu.memory_space<vmem>>
    %dma_start3A_24 = arith.constant 0 : i32
    %dma_start3A_25 = arith.constant 0 : i32
    %dma_start3A_26 = tpu.memref_slice %arg2[%dma_start3A_24, %dma_start3A_25] : memref<10000x128xf32, #tpu.memory_space<hbm>> -> memref<10000x128xf32, #tpu.memory_space<hbm>>
    tpu.enqueue_indirect_dma source(%dma_start3A_26 : memref<10000x128xf32, #tpu.memory_space<hbm>>) target(%dma_start3A_21 : memref<40x128xf32, #tpu.memory_space<vmem>>) offsets(%dma_start3A_23 : memref<40xi32, #tpu.memory_space<vmem>>) semaphore(%arg11 : memref<!tpu.dma_semaphore, #tpu.memory_space<semaphore_mem>>)
    %dma_start3A_27 = arith.constant 40 : i32
    %dma_start3A_28 = arith.constant 0 : i32
    %dma_start3A_29 = tpu.memref_slice %arg8[%dma_start3A_27, %dma_start3A_28] : memref<80x128xf32, #tpu.memory_space<vmem>> -> memref<40x128xf32, #tpu.memory_space<vmem>>
    %dma_start3A_30 = arith.constant 40 : i32
    %dma_start3A_31 = tpu.memref_slice %arg6[%dma_start3A_30] : memref<10000xi32, #tpu.memory_space<vmem>> -> memref<40xi32, #tpu.memory_space<vmem>>
    %dma_start3A_32 = arith.constant 0 : i32
    %dma_start3A_33 = arith.constant 0 : i32
    %dma_start3A_34 = tpu.memref_slice %arg2[%dma_start3A_32, %dma_start3A_33] : memref<10000x128xf32, #tpu.memory_space<hbm>> -> memref<10000x128xf32, #tpu.memory_space<hbm>>
    tpu.enqueue_indirect_dma source(%dma_start3A_34 : memref<10000x128xf32, #tpu.memory_space<hbm>>) target(%dma_start3A_29 : memref<40x128xf32, #tpu.memory_space<vmem>>) offsets(%dma_start3A_31 : memref<40xi32, #tpu.memory_space<vmem>>) semaphore(%arg12 : memref<!tpu.dma_semaphore, #tpu.memory_space<semaphore_mem>>)
    %dma_start3A_35 = arith.constant 0 : i32
    %dma_start3A_36 = arith.constant 0 : i32
    %dma_start3A_37 = tpu.memref_slice %arg9[%dma_start3A_35, %dma_start3A_36] : memref<80x128xf32, #tpu.memory_space<vmem>> -> memref<40x128xf32, #tpu.memory_space<vmem>>
    %dma_start3A_38 = arith.constant 80 : i32
    %dma_start3A_39 = tpu.memref_slice %arg6[%dma_start3A_38] : memref<10000xi32, #tpu.memory_space<vmem>> -> memref<40xi32, #tpu.memory_space<vmem>>
    %dma_start3A_40 = arith.constant 0 : i32
    %dma_start3A_41 = arith.constant 0 : i32
    %dma_start3A_42 = tpu.memref_slice %arg2[%dma_start3A_40, %dma_start3A_41] : memref<10000x128xf32, #tpu.memory_space<hbm>> -> memref<10000x128xf32, #tpu.memory_space<hbm>>
    tpu.enqueue_indirect_dma source(%dma_start3A_42 : memref<10000x128xf32, #tpu.memory_space<hbm>>) target(%dma_start3A_37 : memref<40x128xf32, #tpu.memory_space<vmem>>) offsets(%dma_start3A_39 : memref<40xi32, #tpu.memory_space<vmem>>) semaphore(%arg13 : memref<!tpu.dma_semaphore, #tpu.memory_space<semaphore_mem>>)
    %dma_start3A_43 = arith.constant 40 : i32
    %dma_start3A_44 = arith.constant 0 : i32
    %dma_start3A_45 = tpu.memref_slice %arg9[%dma_start3A_43, %dma_start3A_44] : memref<80x128xf32, #tpu.memory_space<vmem>> -> memref<40x128xf32, #tpu.memory_space<vmem>>
    %dma_start3A_46 = arith.constant 120 : i32
    %dma_start3A_47 = tpu.memref_slice %arg6[%dma_start3A_46] : memref<10000xi32, #tpu.memory_space<vmem>> -> memref<40xi32, #tpu.memory_space<vmem>>
    %dma_start3A_48 = arith.constant 0 : i32
    %dma_start3A_49 = arith.constant 0 : i32
    %dma_start3A_50 = tpu.memref_slice %arg2[%dma_start3A_48, %dma_start3A_49] : memref<10000x128xf32, #tpu.memory_space<hbm>> -> memref<10000x128xf32, #tpu.memory_space<hbm>>
    tpu.enqueue_indirect_dma source(%dma_start3A_50 : memref<10000x128xf32, #tpu.memory_space<hbm>>) target(%dma_start3A_45 : memref<40x128xf32, #tpu.memory_space<vmem>>) offsets(%dma_start3A_47 : memref<40xi32, #tpu.memory_space<vmem>>) semaphore(%arg14 : memref<!tpu.dma_semaphore, #tpu.memory_space<semaphore_mem>>)
    %scan3A_51 = arith.constant 0 : i32
    %scan3A_52 = arith.constant 0 : i32
    %scan3A_53 = arith.constant 62 : i32
    %scan3A_54 = arith.addi %scan3A_52, %scan3A_53 : i32
    %scan3A_55 = arith.constant 1 : i32
    %scan3A_56 = scf.for %scan3A_92 = %scan3A_52 to %scan3A_54 step %scan3A_55 iter_args(%scan3A_93 = %scan3A_51) -> (i32)  : i32 {
      %mul3A_94 = arith.constant 4 : i32
      %mul3A_95 = arith.muli %mul3A_94, %scan3A_92 : i32
      %mul3A_96 = arith.constant 2 : i32
      %mul3A_97 = arith.muli %mul3A_96, %scan3A_92 : i32
      %add3A_98 = arith.constant 1 : i32
      %add3A_99 = arith.addi %mul3A_97, %add3A_98 : i32
      %mul3A_100 = arith.constant 40 : i32
      %mul3A_101 = arith.muli %mul3A_95, %mul3A_100 : i32
      %dma_wait3A_102 = arith.constant 0 : i32
      %dma_wait3A_103 = arith.constant 0 : i32
      %dma_wait3A_104 = tpu.memref_slice %arg8[%dma_wait3A_102, %dma_wait3A_103] : memref<80x128xf32, #tpu.memory_space<vmem>> -> memref<40x128xf32, #tpu.memory_space<vmem>>
      %dma_wait3A_105 = tpu.memref_slice %arg6[%mul3A_101] : memref<10000xi32, #tpu.memory_space<vmem>> -> memref<40xi32, #tpu.memory_space<vmem>>
      %dma_wait3A_106 = arith.constant 0 : i32
      %dma_wait3A_107 = arith.constant 0 : i32
      %dma_wait3A_108 = tpu.memref_slice %arg2[%dma_wait3A_106, %dma_wait3A_107] : memref<10000x128xf32, #tpu.memory_space<hbm>> -> memref<10000x128xf32, #tpu.memory_space<hbm>>
      tpu.wait_indirect_dma semaphore(%arg11 : memref<!tpu.dma_semaphore, #tpu.memory_space<semaphore_mem>>) src(%dma_wait3A_108 : memref<10000x128xf32, #tpu.memory_space<hbm>>) dst(%dma_wait3A_104 : memref<40x128xf32, #tpu.memory_space<vmem>>)
      %add3A_109 = arith.constant 1 : i32
      %add3A_110 = arith.addi %mul3A_95, %add3A_109 : i32
      %mul3A_111 = arith.constant 40 : i32
      %mul3A_112 = arith.muli %add3A_110, %mul3A_111 : i32
      %dma_wait3A_113 = arith.constant 40 : i32
      %dma_wait3A_114 = arith.constant 0 : i32
      %dma_wait3A_115 = tpu.memref_slice %arg8[%dma_wait3A_113, %dma_wait3A_114] : memref<80x128xf32, #tpu.memory_space<vmem>> -> memref<40x128xf32, #tpu.memory_space<vmem>>
      %dma_wait3A_116 = tpu.memref_slice %arg6[%mul3A_112] : memref<10000xi32, #tpu.memory_space<vmem>> -> memref<40xi32, #tpu.memory_space<vmem>>
      %dma_wait3A_117 = arith.constant 0 : i32
      %dma_wait3A_118 = arith.constant 0 : i32
      %dma_wait3A_119 = tpu.memref_slice %arg2[%dma_wait3A_117, %dma_wait3A_118] : memref<10000x128xf32, #tpu.memory_space<hbm>> -> memref<10000x128xf32, #tpu.memory_space<hbm>>
      tpu.wait_indirect_dma semaphore(%arg12 : memref<!tpu.dma_semaphore, #tpu.memory_space<semaphore_mem>>) src(%dma_wait3A_119 : memref<10000x128xf32, #tpu.memory_space<hbm>>) dst(%dma_wait3A_115 : memref<40x128xf32, #tpu.memory_space<vmem>>)
      %dma_start3A_120 = arith.constant 0 : i32
      %dma_start3A_121 = tpu.memref_slice %arg7[%mul3A_97, %dma_start3A_120] : memref<125x80xi32, #tpu.memory_space<vmem>> -> memref<1x80xi32, #tpu.memory_space<vmem>>
      %dma_start3A_122 = tpu.memref_squeeze %dma_start3A_121 : memref<1x80xi32, #tpu.memory_space<vmem>> -> memref<80xi32, #tpu.memory_space<vmem>>
      %dma_start3A_123 = arith.constant 0 : i32
      %dma_start3A_124 = arith.constant 0 : i32
      %dma_start3A_125 = tpu.memref_slice %arg10[%dma_start3A_123, %dma_start3A_124] : memref<10112x128xf32, #tpu.memory_space<vmem_shared>> -> memref<10112x128xf32, #tpu.memory_space<vmem_shared>>
      tpu.enqueue_indirect_dma source(%arg8 : memref<80x128xf32, #tpu.memory_space<vmem>>) target(%dma_start3A_125 : memref<10112x128xf32, #tpu.memory_space<vmem_shared>>) offsets(%dma_start3A_122 : memref<80xi32, #tpu.memory_space<vmem>>) semaphore(%arg15 : memref<!tpu.dma_semaphore, #tpu.memory_space<semaphore_mem>>) {add = true}
      %add3A_126 = arith.constant 2 : i32
      %add3A_127 = arith.addi %mul3A_95, %add3A_126 : i32
      %mul3A_128 = arith.constant 40 : i32
      %mul3A_129 = arith.muli %add3A_127, %mul3A_128 : i32
      %dma_wait3A_130 = arith.constant 0 : i32
      %dma_wait3A_131 = arith.constant 0 : i32
      %dma_wait3A_132 = tpu.memref_slice %arg9[%dma_wait3A_130, %dma_wait3A_131] : memref<80x128xf32, #tpu.memory_space<vmem>> -> memref<40x128xf32, #tpu.memory_space<vmem>>
      %dma_wait3A_133 = tpu.memref_slice %arg6[%mul3A_129] : memref<10000xi32, #tpu.memory_space<vmem>> -> memref<40xi32, #tpu.memory_space<vmem>>
      %dma_wait3A_134 = arith.constant 0 : i32
      %dma_wait3A_135 = arith.constant 0 : i32
      %dma_wait3A_136 = tpu.memref_slice %arg2[%dma_wait3A_134, %dma_wait3A_135] : memref<10000x128xf32, #tpu.memory_space<hbm>> -> memref<10000x128xf32, #tpu.memory_space<hbm>>
      tpu.wait_indirect_dma semaphore(%arg13 : memref<!tpu.dma_semaphore, #tpu.memory_space<semaphore_mem>>) src(%dma_wait3A_136 : memref<10000x128xf32, #tpu.memory_space<hbm>>) dst(%dma_wait3A_132 : memref<40x128xf32, #tpu.memory_space<vmem>>)
      %add3A_137 = arith.constant 3 : i32
      %add3A_138 = arith.addi %mul3A_95, %add3A_137 : i32
      %mul3A_139 = arith.constant 40 : i32
      %mul3A_140 = arith.muli %add3A_138, %mul3A_139 : i32
      %dma_wait3A_141 = arith.constant 40 : i32
      %dma_wait3A_142 = arith.constant 0 : i32
      %dma_wait3A_143 = tpu.memref_slice %arg9[%dma_wait3A_141, %dma_wait3A_142] : memref<80x128xf32, #tpu.memory_space<vmem>> -> memref<40x128xf32, #tpu.memory_space<vmem>>
      %dma_wait3A_144 = tpu.memref_slice %arg6[%mul3A_140] : memref<10000xi32, #tpu.memory_space<vmem>> -> memref<40xi32, #tpu.memory_space<vmem>>
      %dma_wait3A_145 = arith.constant 0 : i32
      %dma_wait3A_146 = arith.constant 0 : i32
      %dma_wait3A_147 = tpu.memref_slice %arg2[%dma_wait3A_145, %dma_wait3A_146] : memref<10000x128xf32, #tpu.memory_space<hbm>> -> memref<10000x128xf32, #tpu.memory_space<hbm>>
      tpu.wait_indirect_dma semaphore(%arg14 : memref<!tpu.dma_semaphore, #tpu.memory_space<semaphore_mem>>) src(%dma_wait3A_147 : memref<10000x128xf32, #tpu.memory_space<hbm>>) dst(%dma_wait3A_143 : memref<40x128xf32, #tpu.memory_space<vmem>>)
      %dma_start3A_148 = arith.constant 0 : i32
      %dma_start3A_149 = tpu.memref_slice %arg7[%add3A_99, %dma_start3A_148] : memref<125x80xi32, #tpu.memory_space<vmem>> -> memref<1x80xi32, #tpu.memory_space<vmem>>
      %dma_start3A_150 = tpu.memref_squeeze %dma_start3A_149 : memref<1x80xi32, #tpu.memory_space<vmem>> -> memref<80xi32, #tpu.memory_space<vmem>>
      %dma_start3A_151 = arith.constant 0 : i32
      %dma_start3A_152 = arith.constant 0 : i32
      %dma_start3A_153 = tpu.memref_slice %arg10[%dma_start3A_151, %dma_start3A_152] : memref<10112x128xf32, #tpu.memory_space<vmem_shared>> -> memref<10112x128xf32, #tpu.memory_space<vmem_shared>>
      tpu.enqueue_indirect_dma source(%arg9 : memref<80x128xf32, #tpu.memory_space<vmem>>) target(%dma_start3A_153 : memref<10112x128xf32, #tpu.memory_space<vmem_shared>>) offsets(%dma_start3A_150 : memref<80xi32, #tpu.memory_space<vmem>>) semaphore(%arg16 : memref<!tpu.dma_semaphore, #tpu.memory_space<semaphore_mem>>) {add = true}
      %dma_wait3A_154 = arith.constant 0 : i32
      %dma_wait3A_155 = tpu.memref_slice %arg7[%mul3A_97, %dma_wait3A_154] : memref<125x80xi32, #tpu.memory_space<vmem>> -> memref<1x80xi32, #tpu.memory_space<vmem>>
      %dma_wait3A_156 = tpu.memref_squeeze %dma_wait3A_155 : memref<1x80xi32, #tpu.memory_space<vmem>> -> memref<80xi32, #tpu.memory_space<vmem>>
      %dma_wait3A_157 = arith.constant 0 : i32
      %dma_wait3A_158 = arith.constant 0 : i32
      %dma_wait3A_159 = tpu.memref_slice %arg10[%dma_wait3A_157, %dma_wait3A_158] : memref<10112x128xf32, #tpu.memory_space<vmem_shared>> -> memref<10112x128xf32, #tpu.memory_space<vmem_shared>>
      tpu.wait_indirect_dma semaphore(%arg15 : memref<!tpu.dma_semaphore, #tpu.memory_space<semaphore_mem>>) src(%arg8 : memref<80x128xf32, #tpu.memory_space<vmem>>) dst(%dma_wait3A_159 : memref<10112x128xf32, #tpu.memory_space<vmem_shared>>)
      %add3A_160 = arith.constant 4 : i32
      %add3A_161 = arith.addi %mul3A_95, %add3A_160 : i32
      %lt3A = arith.constant 250 : i32
      %lt3A_162 = arith.cmpi slt, %add3A_161, %lt3A : i32
      %convert_element_type3A = arith.extui %lt3A_162 : i1 to i32
      %cond3A = arith.constant 0 : i32
      %cond3A_163 = arith.cmpi ne, %convert_element_type3A, %cond3A : i32
      scf.if %cond3A_163 {
        %add3A_192 = arith.constant 4 : i32
        %add3A_193 = arith.addi %mul3A_95, %add3A_192 : i32
        %mul3A_194 = arith.constant 40 : i32
        %mul3A_195 = arith.muli %add3A_193, %mul3A_194 : i32
        %dma_start3A_196 = arith.constant 0 : i32
        %dma_start3A_197 = arith.constant 0 : i32
        %dma_start3A_198 = tpu.memref_slice %arg8[%dma_start3A_196, %dma_start3A_197] : memref<80x128xf32, #tpu.memory_space<vmem>> -> memref<40x128xf32, #tpu.memory_space<vmem>>
        %dma_start3A_199 = tpu.memref_slice %arg6[%mul3A_195] : memref<10000xi32, #tpu.memory_space<vmem>> -> memref<40xi32, #tpu.memory_space<vmem>>
        %dma_start3A_200 = arith.constant 0 : i32
        %dma_start3A_201 = arith.constant 0 : i32
        %dma_start3A_202 = tpu.memref_slice %arg2[%dma_start3A_200, %dma_start3A_201] : memref<10000x128xf32, #tpu.memory_space<hbm>> -> memref<10000x128xf32, #tpu.memory_space<hbm>>
        tpu.enqueue_indirect_dma source(%dma_start3A_202 : memref<10000x128xf32, #tpu.memory_space<hbm>>) target(%dma_start3A_198 : memref<40x128xf32, #tpu.memory_space<vmem>>) offsets(%dma_start3A_199 : memref<40xi32, #tpu.memory_space<vmem>>) semaphore(%arg11 : memref<!tpu.dma_semaphore, #tpu.memory_space<semaphore_mem>>)
      } else {
      }
      %add3A_164 = arith.constant 5 : i32
      %add3A_165 = arith.addi %mul3A_95, %add3A_164 : i32
      %lt3A_166 = arith.constant 250 : i32
      %lt3A_167 = arith.cmpi slt, %add3A_165, %lt3A_166 : i32
      %convert_element_type3A_168 = arith.extui %lt3A_167 : i1 to i32
      %cond3A_169 = arith.constant 0 : i32
      %cond3A_170 = arith.cmpi ne, %convert_element_type3A_168, %cond3A_169 : i32
      scf.if %cond3A_170 {
        %add3A_192 = arith.constant 5 : i32
        %add3A_193 = arith.addi %mul3A_95, %add3A_192 : i32
        %mul3A_194 = arith.constant 40 : i32
        %mul3A_195 = arith.muli %add3A_193, %mul3A_194 : i32
        %dma_start3A_196 = arith.constant 40 : i32
        %dma_start3A_197 = arith.constant 0 : i32
        %dma_start3A_198 = tpu.memref_slice %arg8[%dma_start3A_196, %dma_start3A_197] : memref<80x128xf32, #tpu.memory_space<vmem>> -> memref<40x128xf32, #tpu.memory_space<vmem>>
        %dma_start3A_199 = tpu.memref_slice %arg6[%mul3A_195] : memref<10000xi32, #tpu.memory_space<vmem>> -> memref<40xi32, #tpu.memory_space<vmem>>
        %dma_start3A_200 = arith.constant 0 : i32
        %dma_start3A_201 = arith.constant 0 : i32
        %dma_start3A_202 = tpu.memref_slice %arg2[%dma_start3A_200, %dma_start3A_201] : memref<10000x128xf32, #tpu.memory_space<hbm>> -> memref<10000x128xf32, #tpu.memory_space<hbm>>
        tpu.enqueue_indirect_dma source(%dma_start3A_202 : memref<10000x128xf32, #tpu.memory_space<hbm>>) target(%dma_start3A_198 : memref<40x128xf32, #tpu.memory_space<vmem>>) offsets(%dma_start3A_199 : memref<40xi32, #tpu.memory_space<vmem>>) semaphore(%arg12 : memref<!tpu.dma_semaphore, #tpu.memory_space<semaphore_mem>>)
      } else {
      }
      %dma_wait3A_171 = arith.constant 0 : i32
      %dma_wait3A_172 = tpu.memref_slice %arg7[%add3A_99, %dma_wait3A_171] : memref<125x80xi32, #tpu.memory_space<vmem>> -> memref<1x80xi32, #tpu.memory_space<vmem>>
      %dma_wait3A_173 = tpu.memref_squeeze %dma_wait3A_172 : memref<1x80xi32, #tpu.memory_space<vmem>> -> memref<80xi32, #tpu.memory_space<vmem>>
      %dma_wait3A_174 = arith.constant 0 : i32
      %dma_wait3A_175 = arith.constant 0 : i32
      %dma_wait3A_176 = tpu.memref_slice %arg10[%dma_wait3A_174, %dma_wait3A_175] : memref<10112x128xf32, #tpu.memory_space<vmem_shared>> -> memref<10112x128xf32, #tpu.memory_space<vmem_shared>>
      tpu.wait_indirect_dma semaphore(%arg16 : memref<!tpu.dma_semaphore, #tpu.memory_space<semaphore_mem>>) src(%arg9 : memref<80x128xf32, #tpu.memory_space<vmem>>) dst(%dma_wait3A_176 : memref<10112x128xf32, #tpu.memory_space<vmem_shared>>)
      %add3A_177 = arith.constant 6 : i32
      %add3A_178 = arith.addi %mul3A_95, %add3A_177 : i32
      %lt3A_179 = arith.constant 250 : i32
      %lt3A_180 = arith.cmpi slt, %add3A_178, %lt3A_179 : i32
      %convert_element_type3A_181 = arith.extui %lt3A_180 : i1 to i32
      %cond3A_182 = arith.constant 0 : i32
      %cond3A_183 = arith.cmpi ne, %convert_element_type3A_181, %cond3A_182 : i32
      scf.if %cond3A_183 {
        %add3A_192 = arith.constant 6 : i32
        %add3A_193 = arith.addi %mul3A_95, %add3A_192 : i32
        %mul3A_194 = arith.constant 40 : i32
        %mul3A_195 = arith.muli %add3A_193, %mul3A_194 : i32
        %dma_start3A_196 = arith.constant 0 : i32
        %dma_start3A_197 = arith.constant 0 : i32
        %dma_start3A_198 = tpu.memref_slice %arg9[%dma_start3A_196, %dma_start3A_197] : memref<80x128xf32, #tpu.memory_space<vmem>> -> memref<40x128xf32, #tpu.memory_space<vmem>>
        %dma_start3A_199 = tpu.memref_slice %arg6[%mul3A_195] : memref<10000xi32, #tpu.memory_space<vmem>> -> memref<40xi32, #tpu.memory_space<vmem>>
        %dma_start3A_200 = arith.constant 0 : i32
        %dma_start3A_201 = arith.constant 0 : i32
        %dma_start3A_202 = tpu.memref_slice %arg2[%dma_start3A_200, %dma_start3A_201] : memref<10000x128xf32, #tpu.memory_space<hbm>> -> memref<10000x128xf32, #tpu.memory_space<hbm>>
        tpu.enqueue_indirect_dma source(%dma_start3A_202 : memref<10000x128xf32, #tpu.memory_space<hbm>>) target(%dma_start3A_198 : memref<40x128xf32, #tpu.memory_space<vmem>>) offsets(%dma_start3A_199 : memref<40xi32, #tpu.memory_space<vmem>>) semaphore(%arg13 : memref<!tpu.dma_semaphore, #tpu.memory_space<semaphore_mem>>)
      } else {
      }
      %add3A_184 = arith.constant 7 : i32
      %add3A_185 = arith.addi %mul3A_95, %add3A_184 : i32
      %lt3A_186 = arith.constant 250 : i32
      %lt3A_187 = arith.cmpi slt, %add3A_185, %lt3A_186 : i32
      %convert_element_type3A_188 = arith.extui %lt3A_187 : i1 to i32
      %cond3A_189 = arith.constant 0 : i32
      %cond3A_190 = arith.cmpi ne, %convert_element_type3A_188, %cond3A_189 : i32
      scf.if %cond3A_190 {
        %add3A_192 = arith.constant 7 : i32
        %add3A_193 = arith.addi %mul3A_95, %add3A_192 : i32
        %mul3A_194 = arith.constant 40 : i32
        %mul3A_195 = arith.muli %add3A_193, %mul3A_194 : i32
        %dma_start3A_196 = arith.constant 40 : i32
        %dma_start3A_197 = arith.constant 0 : i32
        %dma_start3A_198 = tpu.memref_slice %arg9[%dma_start3A_196, %dma_start3A_197] : memref<80x128xf32, #tpu.memory_space<vmem>> -> memref<40x128xf32, #tpu.memory_space<vmem>>
        %dma_start3A_199 = tpu.memref_slice %arg6[%mul3A_195] : memref<10000xi32, #tpu.memory_space<vmem>> -> memref<40xi32, #tpu.memory_space<vmem>>
        %dma_start3A_200 = arith.constant 0 : i32
        %dma_start3A_201 = arith.constant 0 : i32
        %dma_start3A_202 = tpu.memref_slice %arg2[%dma_start3A_200, %dma_start3A_201] : memref<10000x128xf32, #tpu.memory_space<hbm>> -> memref<10000x128xf32, #tpu.memory_space<hbm>>
        tpu.enqueue_indirect_dma source(%dma_start3A_202 : memref<10000x128xf32, #tpu.memory_space<hbm>>) target(%dma_start3A_198 : memref<40x128xf32, #tpu.memory_space<vmem>>) offsets(%dma_start3A_199 : memref<40xi32, #tpu.memory_space<vmem>>) semaphore(%arg14 : memref<!tpu.dma_semaphore, #tpu.memory_space<semaphore_mem>>)
      } else {
      }
      %scan3A_191 = arith.constant 0 : i32
      scf.yield %scan3A_191 : i32
    }
    %scan3A_57 = arith.constant 62 : i32
    %dma_wait3A = arith.constant 0 : i32
    %dma_wait3A_58 = arith.constant 0 : i32
    %dma_wait3A_59 = tpu.memref_slice %arg8[%dma_wait3A, %dma_wait3A_58] : memref<80x128xf32, #tpu.memory_space<vmem>> -> memref<40x128xf32, #tpu.memory_space<vmem>>
    %dma_wait3A_60 = arith.constant 9920 : i32
    %dma_wait3A_61 = tpu.memref_slice %arg6[%dma_wait3A_60] : memref<10000xi32, #tpu.memory_space<vmem>> -> memref<40xi32, #tpu.memory_space<vmem>>
    %dma_wait3A_62 = arith.constant 0 : i32
    %dma_wait3A_63 = arith.constant 0 : i32
    %dma_wait3A_64 = tpu.memref_slice %arg2[%dma_wait3A_62, %dma_wait3A_63] : memref<10000x128xf32, #tpu.memory_space<hbm>> -> memref<10000x128xf32, #tpu.memory_space<hbm>>
    tpu.wait_indirect_dma semaphore(%arg11 : memref<!tpu.dma_semaphore, #tpu.memory_space<semaphore_mem>>) src(%dma_wait3A_64 : memref<10000x128xf32, #tpu.memory_space<hbm>>) dst(%dma_wait3A_59 : memref<40x128xf32, #tpu.memory_space<vmem>>)
    %dma_wait3A_65 = arith.constant 40 : i32
    %dma_wait3A_66 = arith.constant 0 : i32
    %dma_wait3A_67 = tpu.memref_slice %arg8[%dma_wait3A_65, %dma_wait3A_66] : memref<80x128xf32, #tpu.memory_space<vmem>> -> memref<40x128xf32, #tpu.memory_space<vmem>>
    %dma_wait3A_68 = arith.constant 9960 : i32
    %dma_wait3A_69 = tpu.memref_slice %arg6[%dma_wait3A_68] : memref<10000xi32, #tpu.memory_space<vmem>> -> memref<40xi32, #tpu.memory_space<vmem>>
    %dma_wait3A_70 = arith.constant 0 : i32
    %dma_wait3A_71 = arith.constant 0 : i32
    %dma_wait3A_72 = tpu.memref_slice %arg2[%dma_wait3A_70, %dma_wait3A_71] : memref<10000x128xf32, #tpu.memory_space<hbm>> -> memref<10000x128xf32, #tpu.memory_space<hbm>>
    tpu.wait_indirect_dma semaphore(%arg12 : memref<!tpu.dma_semaphore, #tpu.memory_space<semaphore_mem>>) src(%dma_wait3A_72 : memref<10000x128xf32, #tpu.memory_space<hbm>>) dst(%dma_wait3A_67 : memref<40x128xf32, #tpu.memory_space<vmem>>)
    %dma_start3A_73 = arith.constant 124 : i32
    %dma_start3A_74 = arith.constant 0 : i32
    %dma_start3A_75 = tpu.memref_slice %arg7[%dma_start3A_73, %dma_start3A_74] : memref<125x80xi32, #tpu.memory_space<vmem>> -> memref<1x80xi32, #tpu.memory_space<vmem>>
    %dma_start3A_76 = tpu.memref_squeeze %dma_start3A_75 : memref<1x80xi32, #tpu.memory_space<vmem>> -> memref<80xi32, #tpu.memory_space<vmem>>
    %dma_start3A_77 = arith.constant 0 : i32
    %dma_start3A_78 = arith.constant 0 : i32
    %dma_start3A_79 = tpu.memref_slice %arg10[%dma_start3A_77, %dma_start3A_78] : memref<10112x128xf32, #tpu.memory_space<vmem_shared>> -> memref<10112x128xf32, #tpu.memory_space<vmem_shared>>
    tpu.enqueue_indirect_dma source(%arg8 : memref<80x128xf32, #tpu.memory_space<vmem>>) target(%dma_start3A_79 : memref<10112x128xf32, #tpu.memory_space<vmem_shared>>) offsets(%dma_start3A_76 : memref<80xi32, #tpu.memory_space<vmem>>) semaphore(%arg15 : memref<!tpu.dma_semaphore, #tpu.memory_space<semaphore_mem>>) {add = true}
    %dma_wait3A_80 = arith.constant 124 : i32
    %dma_wait3A_81 = arith.constant 0 : i32
    %dma_wait3A_82 = tpu.memref_slice %arg7[%dma_wait3A_80, %dma_wait3A_81] : memref<125x80xi32, #tpu.memory_space<vmem>> -> memref<1x80xi32, #tpu.memory_space<vmem>>
    %dma_wait3A_83 = tpu.memref_squeeze %dma_wait3A_82 : memref<1x80xi32, #tpu.memory_space<vmem>> -> memref<80xi32, #tpu.memory_space<vmem>>
    %dma_wait3A_84 = arith.constant 0 : i32
    %dma_wait3A_85 = arith.constant 0 : i32
    %dma_wait3A_86 = tpu.memref_slice %arg10[%dma_wait3A_84, %dma_wait3A_85] : memref<10112x128xf32, #tpu.memory_space<vmem_shared>> -> memref<10112x128xf32, #tpu.memory_space<vmem_shared>>
    tpu.wait_indirect_dma semaphore(%arg15 : memref<!tpu.dma_semaphore, #tpu.memory_space<semaphore_mem>>) src(%arg8 : memref<80x128xf32, #tpu.memory_space<vmem>>) dst(%dma_wait3A_86 : memref<10112x128xf32, #tpu.memory_space<vmem_shared>>)
    %barrier3A_87 = arith.constant 0 : index
    tpu.barrier barrier_id(%barrier3A_87)
    %mul3A_88 = arith.constant 632 : i32
    %mul3A_89 = arith.muli %arg1, %mul3A_88 : i32
    %mul3A_90 = arith.constant 632 : i32
    %mul3A_91 = arith.muli %arg1, %mul3A_90 : i32
    "tpu.region"() ({
      %run_scoped3A = tpu.sem_alloc : memref<!tpu.dma_semaphore, #tpu.memory_space<semaphore_mem>>
      %dma_start3A_92 = arith.constant 0 : i32
      %dma_start3A_93 = tpu.memref_slice %arg5[%arg0, %mul3A_91, %dma_start3A_92] : memref<2x10112x128xf32, #tpu.memory_space<hbm>> -> memref<1x632x128xf32, #tpu.memory_space<hbm>>
      %dma_start3A_94 = tpu.memref_squeeze %dma_start3A_93 : memref<1x632x128xf32, #tpu.memory_space<hbm>> -> memref<632x128xf32, #tpu.memory_space<hbm>>
      %dma_start3A_95 = arith.constant 0 : i32
      %dma_start3A_96 = tpu.memref_slice %arg10[%mul3A_89, %dma_start3A_95] : memref<10112x128xf32, #tpu.memory_space<vmem_shared>> -> memref<632x128xf32, #tpu.memory_space<vmem_shared>>
      tpu.enqueue_dma source(%dma_start3A_96 : memref<632x128xf32, #tpu.memory_space<vmem_shared>>) target(%dma_start3A_94 : memref<632x128xf32, #tpu.memory_space<hbm>>) target_semaphore(%run_scoped3A : memref<!tpu.dma_semaphore, #tpu.memory_space<semaphore_mem>>)
      %dma_wait3A_97 = arith.constant 0 : i32
      %dma_wait3A_98 = tpu.memref_slice %arg5[%arg0, %mul3A_91, %dma_wait3A_97] : memref<2x10112x128xf32, #tpu.memory_space<hbm>> -> memref<1x632x128xf32, #tpu.memory_space<hbm>>
      %dma_wait3A_99 = tpu.memref_squeeze %dma_wait3A_98 : memref<1x632x128xf32, #tpu.memory_space<hbm>> -> memref<632x128xf32, #tpu.memory_space<hbm>>
      %dma_wait3A_100 = arith.constant 0 : i32
      %dma_wait3A_101 = tpu.memref_slice %arg10[%mul3A_89, %dma_wait3A_100] : memref<10112x128xf32, #tpu.memory_space<vmem_shared>> -> memref<632x128xf32, #tpu.memory_space<vmem_shared>>
      tpu.wait_dma2 semaphore(%run_scoped3A : memref<!tpu.dma_semaphore, #tpu.memory_space<semaphore_mem>>) src(%dma_wait3A_101 : memref<632x128xf32, #tpu.memory_space<vmem_shared>>) dst(%dma_wait3A_99 : memref<632x128xf32, #tpu.memory_space<hbm>>)
      tpu.yield
    }) : () -> ()
    return
  }
}

#map = affine_map<(d0, d1) -> (0, 0)>
#map1 = affine_map<(d0, d1) -> (0)>
#map2 = affine_map<(d0, d1) -> (0, 0, 0)>
module attributes {stable_mosaic.version = 14 : i64} {
  func.func @_spmm_body(%arg0: i32, %arg1: i32, %arg2: memref<10000x128xf32, #tpu.memory_space<hbm>>, %arg3: memref<320000xi32, #tpu.memory_space<hbm>>, %arg4: memref<32x125x80xi32, #tpu.memory_space<hbm>>, %arg5: memref<2x10112x128xf32, #tpu.memory_space<hbm>>, %arg6: memref<10000xi32, #tpu.memory_space<vmem>>, %arg7: memref<125x80xi32, #tpu.memory_space<vmem>>, %arg8: memref<80x128xf32, #tpu.memory_space<vmem>>, %arg9: memref<80x128xf32, #tpu.memory_space<vmem>>, %arg10: memref<10112x128xf32, #tpu.memory_space<vmem_shared>>, %arg11: memref<!tpu.dma_semaphore, #tpu.memory_space<semaphore_mem>>, %arg12: memref<!tpu.dma_semaphore, #tpu.memory_space<semaphore_mem>>, %arg13: memref<!tpu.dma_semaphore, #tpu.memory_space<semaphore_mem>>, %arg14: memref<!tpu.dma_semaphore, #tpu.memory_space<semaphore_mem>>, %arg15: memref<!tpu.dma_semaphore, #tpu.memory_space<semaphore_mem>>, %arg16: memref<!tpu.dma_semaphore, #tpu.memory_space<semaphore_mem>>) attributes {dimension_semantics = [#tpu.dimension_semantics<core_parallel>, #tpu.dimension_semantics<subcore_parallel>], iteration_bounds = array<i64: 2, 16>, scalar_prefetch = 0 : i64, scratch_operands = 11 : i64, tpu.core_type = #tpu.core_type<sc_vector_subcore>, window_params = [{transform_indices = #map}, {transform_indices = #map1}, {transform_indices = #map2}, {transform_indices = #map2}]} {
    %mul3A = arith.constant 16 : i32
    %mul3A_0 = arith.muli %arg0, %mul3A : i32
    %add3A = arith.addi %mul3A_0, %arg1 : i32
    %mul3A_1 = arith.constant 10000 : i32
    %mul3A_2 = arith.muli %add3A, %mul3A_1 : i32
    "tpu.region"() ({
      %run_scoped3A = tpu.sem_alloc : memref<!tpu.dma_semaphore, #tpu.memory_space<semaphore_mem>>
      %dma_start3A_92 = tpu.memref_slice %arg3[%mul3A_2] : memref<320000xi32, #tpu.memory_space<hbm>> -> memref<10000xi32, #tpu.memory_space<hbm>>
      %dma_start3A_93 = tpu.memref_slice %arg3[%mul3A_2] : memref<320000xi32, #tpu.memory_space<hbm>> -> memref<10000xi32, #tpu.memory_space<hbm>>
      tpu.enqueue_dma source(%dma_start3A_93 : memref<10000xi32, #tpu.memory_space<hbm>>) target(%arg6 : memref<10000xi32, #tpu.memory_space<vmem>>) target_semaphore(%run_scoped3A : memref<!tpu.dma_semaphore, #tpu.memory_space<semaphore_mem>>)
      %dma_wait3A_94 = tpu.memref_slice %arg3[%mul3A_2] : memref<320000xi32, #tpu.memory_space<hbm>> -> memref<10000xi32, #tpu.memory_space<hbm>>
      %dma_wait3A_95 = tpu.memref_slice %arg3[%mul3A_2] : memref<320000xi32, #tpu.memory_space<hbm>> -> memref<10000xi32, #tpu.memory_space<hbm>>
      tpu.wait_dma2 semaphore(%run_scoped3A : memref<!tpu.dma_semaphore, #tpu.memory_space<semaphore_mem>>) src(%dma_wait3A_95 : memref<10000xi32, #tpu.memory_space<hbm>>) dst(%arg6 : memref<10000xi32, #tpu.memory_space<vmem>>)
      tpu.yield
    }) : () -> ()
    "tpu.region"() ({
      %run_scoped3A = tpu.sem_alloc : memref<!tpu.dma_semaphore, #tpu.memory_space<semaphore_mem>>
      %dma_start3A_92 = arith.constant 0 : i32
      %dma_start3A_93 = arith.constant 0 : i32
      %dma_start3A_94 = tpu.memref_slice %arg4[%add3A, %dma_start3A_92, %dma_start3A_93] : memref<32x125x80xi32, #tpu.memory_space<hbm>> -> memref<1x125x80xi32, #tpu.memory_space<hbm>>
      %dma_start3A_95 = tpu.memref_squeeze %dma_start3A_94 : memref<1x125x80xi32, #tpu.memory_space<hbm>> -> memref<125x80xi32, #tpu.memory_space<hbm>>
      %dma_start3A_96 = arith.constant 0 : i32
      %dma_start3A_97 = arith.constant 0 : i32
      %dma_start3A_98 = tpu.memref_slice %arg4[%add3A, %dma_start3A_96, %dma_start3A_97] : memref<32x125x80xi32, #tpu.memory_space<hbm>> -> memref<1x125x80xi32, #tpu.memory_space<hbm>>
      %dma_start3A_99 = tpu.memref_squeeze %dma_start3A_98 : memref<1x125x80xi32, #tpu.memory_space<hbm>> -> memref<125x80xi32, #tpu.memory_space<hbm>>
      tpu.enqueue_dma source(%dma_start3A_99 : memref<125x80xi32, #tpu.memory_space<hbm>>) target(%arg7 : memref<125x80xi32, #tpu.memory_space<vmem>>) target_semaphore(%run_scoped3A : memref<!tpu.dma_semaphore, #tpu.memory_space<semaphore_mem>>)
      %dma_wait3A_100 = arith.constant 0 : i32
      %dma_wait3A_101 = arith.constant 0 : i32
      %dma_wait3A_102 = tpu.memref_slice %arg4[%add3A, %dma_wait3A_100, %dma_wait3A_101] : memref<32x125x80xi32, #tpu.memory_space<hbm>> -> memref<1x125x80xi32, #tpu.memory_space<hbm>>
      %dma_wait3A_103 = tpu.memref_squeeze %dma_wait3A_102 : memref<1x125x80xi32, #tpu.memory_space<hbm>> -> memref<125x80xi32, #tpu.memory_space<hbm>>
      %dma_wait3A_104 = arith.constant 0 : i32
      %dma_wait3A_105 = arith.constant 0 : i32
      %dma_wait3A_106 = tpu.memref_slice %arg4[%add3A, %dma_wait3A_104, %dma_wait3A_105] : memref<32x125x80xi32, #tpu.memory_space<hbm>> -> memref<1x125x80xi32, #tpu.memory_space<hbm>>
      %dma_wait3A_107 = tpu.memref_squeeze %dma_wait3A_106 : memref<1x125x80xi32, #tpu.memory_space<hbm>> -> memref<125x80xi32, #tpu.memory_space<hbm>>
      tpu.wait_dma2 semaphore(%run_scoped3A : memref<!tpu.dma_semaphore, #tpu.memory_space<semaphore_mem>>) src(%dma_wait3A_107 : memref<125x80xi32, #tpu.memory_space<hbm>>) dst(%arg7 : memref<125x80xi32, #tpu.memory_space<vmem>>)
      tpu.yield
    }) : () -> ()
    %scan3A = arith.constant 0 : i32
    %scan3A_3 = arith.constant 0 : i32
    %scan3A_4 = arith.constant 80 : i32
    %scan3A_5 = arith.addi %scan3A_3, %scan3A_4 : i32
    %scan3A_6 = arith.constant 1 : i32
    %scan3A_7 = scf.for %scan3A_92 = %scan3A_3 to %scan3A_5 step %scan3A_6 iter_args(%scan3A_93 = %scan3A) -> (i32)  : i32 {
      %broadcast_in_dim3A = arith.constant 0.000000e+00 : f32
      %broadcast_in_dim3A_94 = vector.broadcast %broadcast_in_dim3A : f32 to vector<16xf32>
      %swap3A = arith.index_cast %scan3A_92 : i32 to index
      %swap3A_95 = arith.constant 0 : index
      %swap3A_96 = tpu.vector_load %arg8[%swap3A, %swap3A_95] {strides = array<i32>} : memref<80x128xf32, #tpu.memory_space<vmem>>, vector<16xf32>,
      tpu.vector_store %arg8[%swap3A, %swap3A_95], %broadcast_in_dim3A_94 {strides = array<i32>} : memref<80x128xf32, #tpu.memory_space<vmem>>, vector<16xf32>,
      %broadcast_in_dim3A_97 = arith.constant 0.000000e+00 : f32
      %broadcast_in_dim3A_98 = vector.broadcast %broadcast_in_dim3A_97 : f32 to vector<16xf32>
      %swap3A_99 = arith.index_cast %scan3A_92 : i32 to index
      %swap3A_100 = arith.constant 16 : index
      %swap3A_101 = tpu.vector_load %arg8[%swap3A_99, %swap3A_100] {strides = array<i32>} : memref<80x128xf32, #tpu.memory_space<vmem>>, vector<16xf32>,
      tpu.vector_store %arg8[%swap3A_99, %swap3A_100], %broadcast_in_dim3A_98 {strides = array<i32>} : memref<80x128xf32, #tpu.memory_space<vmem>>, vector<16xf32>,
      %broadcast_in_dim3A_102 = arith.constant 0.000000e+00 : f32
      %broadcast_in_dim3A_103 = vector.broadcast %broadcast_in_dim3A_102 : f32 to vector<16xf32>
      %swap3A_104 = arith.index_cast %scan3A_92 : i32 to index
      %swap3A_105 = arith.constant 32 : index
      %swap3A_106 = tpu.vector_load %arg8[%swap3A_104, %swap3A_105] {strides = array<i32>} : memref<80x128xf32, #tpu.memory_space<vmem>>, vector<16xf32>,
      tpu.vector_store %arg8[%swap3A_104, %swap3A_105], %broadcast_in_dim3A_103 {strides = array<i32>} : memref<80x128xf32, #tpu.memory_space<vmem>>, vector<16xf32>,
      %broadcast_in_dim3A_107 = arith.constant 0.000000e+00 : f32
      %broadcast_in_dim3A_108 = vector.broadcast %broadcast_in_dim3A_107 : f32 to vector<16xf32>
      %swap3A_109 = arith.index_cast %scan3A_92 : i32 to index
      %swap3A_110 = arith.constant 48 : index
      %swap3A_111 = tpu.vector_load %arg8[%swap3A_109, %swap3A_110] {strides = array<i32>} : memref<80x128xf32, #tpu.memory_space<vmem>>, vector<16xf32>,
      tpu.vector_store %arg8[%swap3A_109, %swap3A_110], %broadcast_in_dim3A_108 {strides = array<i32>} : memref<80x128xf32, #tpu.memory_space<vmem>>, vector<16xf32>,
      %broadcast_in_dim3A_112 = arith.constant 0.000000e+00 : f32
      %broadcast_in_dim3A_113 = vector.broadcast %broadcast_in_dim3A_112 : f32 to vector<16xf32>
      %swap3A_114 = arith.index_cast %scan3A_92 : i32 to index
      %swap3A_115 = arith.constant 64 : index
      %swap3A_116 = tpu.vector_load %arg8[%swap3A_114, %swap3A_115] {strides = array<i32>} : memref<80x128xf32, #tpu.memory_space<vmem>>, vector<16xf32>,
      tpu.vector_store %arg8[%swap3A_114, %swap3A_115], %broadcast_in_dim3A_113 {strides = array<i32>} : memref<80x128xf32, #tpu.memory_space<vmem>>, vector<16xf32>,
      %broadcast_in_dim3A_117 = arith.constant 0.000000e+00 : f32
      %broadcast_in_dim3A_118 = vector.broadcast %broadcast_in_dim3A_117 : f32 to vector<16xf32>
      %swap3A_119 = arith.index_cast %scan3A_92 : i32 to index
      %swap3A_120 = arith.constant 80 : index
      %swap3A_121 = tpu.vector_load %arg8[%swap3A_119, %swap3A_120] {strides = array<i32>} : memref<80x128xf32, #tpu.memory_space<vmem>>, vector<16xf32>,
      tpu.vector_store %arg8[%swap3A_119, %swap3A_120], %broadcast_in_dim3A_118 {strides = array<i32>} : memref<80x128xf32, #tpu.memory_space<vmem>>, vector<16xf32>,
      %broadcast_in_dim3A_122 = arith.constant 0.000000e+00 : f32
      %broadcast_in_dim3A_123 = vector.broadcast %broadcast_in_dim3A_122 : f32 to vector<16xf32>
      %swap3A_124 = arith.index_cast %scan3A_92 : i32 to index
      %swap3A_125 = arith.constant 96 : index
      %swap3A_126 = tpu.vector_load %arg8[%swap3A_124, %swap3A_125] {strides = array<i32>} : memref<80x128xf32, #tpu.memory_space<vmem>>, vector<16xf32>,
      tpu.vector_store %arg8[%swap3A_124, %swap3A_125], %broadcast_in_dim3A_123 {strides = array<i32>} : memref<80x128xf32, #tpu.memory_space<vmem>>, vector<16xf32>,
      %broadcast_in_dim3A_127 = arith.constant 0.000000e+00 : f32
      %broadcast_in_dim3A_128 = vector.broadcast %broadcast_in_dim3A_127 : f32 to vector<16xf32>
      %swap3A_129 = arith.index_cast %scan3A_92 : i32 to index
      %swap3A_130 = arith.constant 112 : index
      %swap3A_131 = tpu.vector_load %arg8[%swap3A_129, %swap3A_130] {strides = array<i32>} : memref<80x128xf32, #tpu.memory_space<vmem>>, vector<16xf32>,
      tpu.vector_store %arg8[%swap3A_129, %swap3A_130], %broadcast_in_dim3A_128 {strides = array<i32>} : memref<80x128xf32, #tpu.memory_space<vmem>>, vector<16xf32>,
      %scan3A_132 = arith.constant 0 : i32
      scf.yield %scan3A_132 : i32
    }
    %scan3A_8 = arith.constant 80 : i32
    %scan3A_9 = arith.constant 0 : i32
    %scan3A_10 = arith.constant 0 : i32
    %scan3A_11 = arith.constant 7 : i32
    %scan3A_12 = arith.addi %scan3A_10, %scan3A_11 : i32
    %scan3A_13 = arith.constant 1 : i32
    %scan3A_14 = scf.for %scan3A_92 = %scan3A_10 to %scan3A_12 step %scan3A_13 iter_args(%scan3A_93 = %scan3A_9) -> (i32)  : i32 {
      %mul3A_94 = arith.constant 632 : i32
      %mul3A_95 = arith.muli %arg1, %mul3A_94 : i32
      %mul3A_96 = arith.constant 80 : i32
      %mul3A_97 = arith.muli %scan3A_92, %mul3A_96 : i32
      %add3A_98 = arith.addi %mul3A_95, %mul3A_97 : i32
      "tpu.region"() ({
        %run_scoped3A = tpu.sem_alloc : memref<!tpu.dma_semaphore, #tpu.memory_space<semaphore_mem>>
        %dma_start3A_100 = arith.constant 0 : i32
        %dma_start3A_101 = tpu.memref_slice %arg10[%add3A_98, %dma_start3A_100] : memref<10112x128xf32, #tpu.memory_space<vmem_shared>> -> memref<80x128xf32, #tpu.memory_space<vmem_shared>>
        %dma_start3A_102 = arith.constant 0 : i32
        %dma_start3A_103 = tpu.memref_slice %arg10[%add3A_98, %dma_start3A_102] : memref<10112x128xf32, #tpu.memory_space<vmem_shared>> -> memref<80x128xf32, #tpu.memory_space<vmem_shared>>
        tpu.enqueue_dma source(%arg8 : memref<80x128xf32, #tpu.memory_space<vmem>>) target(%dma_start3A_103 : memref<80x128xf32, #tpu.memory_space<vmem_shared>>) target_semaphore(%run_scoped3A : memref<!tpu.dma_semaphore, #tpu.memory_space<semaphore_mem>>)
        %dma_wait3A_104 = arith.constant 0 : i32
        %dma_wait3A_105 = tpu.memref_slice %arg10[%add3A_98, %dma_wait3A_104] : memref<10112x128xf32, #tpu.memory_space<vmem_shared>> -> memref<80x128xf32, #tpu.memory_space<vmem_shared>>
        %dma_wait3A_106 = arith.constant 0 : i32
        %dma_wait3A_107 = tpu.memref_slice %arg10[%add3A_98, %dma_wait3A_106] : memref<10112x128xf32, #tpu.memory_space<vmem_shared>> -> memref<80x128xf32, #tpu.memory_space<vmem_shared>>
        tpu.wait_dma2 semaphore(%run_scoped3A : memref<!tpu.dma_semaphore, #tpu.memory_space<semaphore_mem>>) src(%arg8 : memref<80x128xf32, #tpu.memory_space<vmem>>) dst(%dma_wait3A_107 : memref<80x128xf32, #tpu.memory_space<vmem_shared>>)
        tpu.yield
      }) : () -> ()
      %scan3A_99 = arith.constant 0 : i32
      scf.yield %scan3A_99 : i32
    }
    %scan3A_15 = arith.constant 7 : i32
    %mul3A_16 = arith.constant 632 : i32
    %mul3A_17 = arith.muli %arg1, %mul3A_16 : i32
    %add3A_18 = arith.constant 560 : i32
    %add3A_19 = arith.addi %mul3A_17, %add3A_18 : i32
    "tpu.region"() ({
      %run_scoped3A = tpu.sem_alloc : memref<!tpu.dma_semaphore, #tpu.memory_space<semaphore_mem>>
      %dma_start3A_92 = arith.constant 0 : i32
      %dma_start3A_93 = arith.constant 0 : i32
      %dma_start3A_94 = tpu.memref_slice %arg8[%dma_start3A_92, %dma_start3A_93] : memref<80x128xf32, #tpu.memory_space<vmem>> -> memref<72x128xf32, #tpu.memory_space<vmem>>
      %dma_start3A_95 = arith.constant 0 : i32
      %dma_start3A_96 = tpu.memref_slice %arg10[%add3A_19, %dma_start3A_95] : memref<10112x128xf32, #tpu.memory_space<vmem_shared>> -> memref<72x128xf32, #tpu.memory_space<vmem_shared>>
      %dma_start3A_97 = arith.constant 0 : i32
      %dma_start3A_98 = tpu.memref_slice %arg10[%add3A_19, %dma_start3A_97] : memref<10112x128xf32, #tpu.memory_space<vmem_shared>> -> memref<72x128xf32, #tpu.memory_space<vmem_shared>>
      %dma_start3A_99 = arith.constant 0 : i32
      %dma_start3A_100 = arith.constant 0 : i32
      %dma_start3A_101 = tpu.memref_slice %arg8[%dma_start3A_99, %dma_start3A_100] : memref<80x128xf32, #tpu.memory_space<vmem>> -> memref<72x128xf32, #tpu.memory_space<vmem>>
      tpu.enqueue_dma source(%dma_start3A_101 : memref<72x128xf32, #tpu.memory_space<vmem>>) target(%dma_start3A_98 : memref<72x128xf32, #tpu.memory_space<vmem_shared>>) target_semaphore(%run_scoped3A : memref<!tpu.dma_semaphore, #tpu.memory_space<semaphore_mem>>)
      %dma_wait3A_102 = arith.constant 0 : i32
      %dma_wait3A_103 = arith.constant 0 : i32
      %dma_wait3A_104 = tpu.memref_slice %arg8[%dma_wait3A_102, %dma_wait3A_103] : memref<80x128xf32, #tpu.memory_space<vmem>> -> memref<72x128xf32, #tpu.memory_space<vmem>>
      %dma_wait3A_105 = arith.constant 0 : i32
      %dma_wait3A_106 = tpu.memref_slice %arg10[%add3A_19, %dma_wait3A_105] : memref<10112x128xf32, #tpu.memory_space<vmem_shared>> -> memref<72x128xf32, #tpu.memory_space<vmem_shared>>
      %dma_wait3A_107 = arith.constant 0 : i32
      %dma_wait3A_108 = tpu.memref_slice %arg10[%add3A_19, %dma_wait3A_107] : memref<10112x128xf32, #tpu.memory_space<vmem_shared>> -> memref<72x128xf32, #tpu.memory_space<vmem_shared>>
      %dma_wait3A_109 = arith.constant 0 : i32
      %dma_wait3A_110 = arith.constant 0 : i32
      %dma_wait3A_111 = tpu.memref_slice %arg8[%dma_wait3A_109, %dma_wait3A_110] : memref<80x128xf32, #tpu.memory_space<vmem>> -> memref<72x128xf32, #tpu.memory_space<vmem>>
      tpu.wait_dma2 semaphore(%run_scoped3A : memref<!tpu.dma_semaphore, #tpu.memory_space<semaphore_mem>>) src(%dma_wait3A_111 : memref<72x128xf32, #tpu.memory_space<vmem>>) dst(%dma_wait3A_108 : memref<72x128xf32, #tpu.memory_space<vmem_shared>>)
      tpu.yield
    }) : () -> ()
    %barrier3A = arith.constant 0 : index
    tpu.barrier barrier_id(%barrier3A)
    %dma_start3A = arith.constant 0 : i32
    %dma_start3A_20 = arith.constant 0 : i32
    %dma_start3A_21 = tpu.memref_slice %arg8[%dma_start3A, %dma_start3A_20] : memref<80x128xf32, #tpu.memory_space<vmem>> -> memref<40x128xf32, #tpu.memory_space<vmem>>
    %dma_start3A_22 = arith.constant 0 : i32
    %dma_start3A_23 = tpu.memref_slice %arg6[%dma_start3A_22] : memref<10000xi32, #tpu.memory_space<vmem>> -> memref<40xi32, #tpu.memory_space<vmem>>
    %dma_start3A_24 = arith.constant 0 : i32
    %dma_start3A_25 = arith.constant 0 : i32
    %dma_start3A_26 = tpu.memref_slice %arg2[%dma_start3A_24, %dma_start3A_25] : memref<10000x128xf32, #tpu.memory_space<hbm>> -> memref<10000x128xf32, #tpu.memory_space<hbm>>
    tpu.enqueue_indirect_dma source(%dma_start3A_26 : memref<10000x128xf32, #tpu.memory_space<hbm>>) target(%dma_start3A_21 : memref<40x128xf32, #tpu.memory_space<vmem>>) offsets(%dma_start3A_23 : memref<40xi32, #tpu.memory_space<vmem>>) semaphore(%arg11 : memref<!tpu.dma_semaphore, #tpu.memory_space<semaphore_mem>>)
    %dma_start3A_27 = arith.constant 40 : i32
    %dma_start3A_28 = arith.constant 0 : i32
    %dma_start3A_29 = tpu.memref_slice %arg8[%dma_start3A_27, %dma_start3A_28] : memref<80x128xf32, #tpu.memory_space<vmem>> -> memref<40x128xf32, #tpu.memory_space<vmem>>
    %dma_start3A_30 = arith.constant 40 : i32
    %dma_start3A_31 = tpu.memref_slice %arg6[%dma_start3A_30] : memref<10000xi32, #tpu.memory_space<vmem>> -> memref<40xi32, #tpu.memory_space<vmem>>
    %dma_start3A_32 = arith.constant 0 : i32
    %dma_start3A_33 = arith.constant 0 : i32
    %dma_start3A_34 = tpu.memref_slice %arg2[%dma_start3A_32, %dma_start3A_33] : memref<10000x128xf32, #tpu.memory_space<hbm>> -> memref<10000x128xf32, #tpu.memory_space<hbm>>
    tpu.enqueue_indirect_dma source(%dma_start3A_34 : memref<10000x128xf32, #tpu.memory_space<hbm>>) target(%dma_start3A_29 : memref<40x128xf32, #tpu.memory_space<vmem>>) offsets(%dma_start3A_31 : memref<40xi32, #tpu.memory_space<vmem>>) semaphore(%arg12 : memref<!tpu.dma_semaphore, #tpu.memory_space<semaphore_mem>>)
    %dma_start3A_35 = arith.constant 0 : i32
    %dma_start3A_36 = arith.constant 0 : i32
    %dma_start3A_37 = tpu.memref_slice %arg9[%dma_start3A_35, %dma_start3A_36] : memref<80x128xf32, #tpu.memory_space<vmem>> -> memref<40x128xf32, #tpu.memory_space<vmem>>
    %dma_start3A_38 = arith.constant 80 : i32
    %dma_start3A_39 = tpu.memref_slice %arg6[%dma_start3A_38] : memref<10000xi32, #tpu.memory_space<vmem>> -> memref<40xi32, #tpu.memory_space<vmem>>
    %dma_start3A_40 = arith.constant 0 : i32
    %dma_start3A_41 = arith.constant 0 : i32
    %dma_start3A_42 = tpu.memref_slice %arg2[%dma_start3A_40, %dma_start3A_41] : memref<10000x128xf32, #tpu.memory_space<hbm>> -> memref<10000x128xf32, #tpu.memory_space<hbm>>
    tpu.enqueue_indirect_dma source(%dma_start3A_42 : memref<10000x128xf32, #tpu.memory_space<hbm>>) target(%dma_start3A_37 : memref<40x128xf32, #tpu.memory_space<vmem>>) offsets(%dma_start3A_39 : memref<40xi32, #tpu.memory_space<vmem>>) semaphore(%arg13 : memref<!tpu.dma_semaphore, #tpu.memory_space<semaphore_mem>>)
    %dma_start3A_43 = arith.constant 40 : i32
    %dma_start3A_44 = arith.constant 0 : i32
    %dma_start3A_45 = tpu.memref_slice %arg9[%dma_start3A_43, %dma_start3A_44] : memref<80x128xf32, #tpu.memory_space<vmem>> -> memref<40x128xf32, #tpu.memory_space<vmem>>
    %dma_start3A_46 = arith.constant 120 : i32
    %dma_start3A_47 = tpu.memref_slice %arg6[%dma_start3A_46] : memref<10000xi32, #tpu.memory_space<vmem>> -> memref<40xi32, #tpu.memory_space<vmem>>
    %dma_start3A_48 = arith.constant 0 : i32
    %dma_start3A_49 = arith.constant 0 : i32
    %dma_start3A_50 = tpu.memref_slice %arg2[%dma_start3A_48, %dma_start3A_49] : memref<10000x128xf32, #tpu.memory_space<hbm>> -> memref<10000x128xf32, #tpu.memory_space<hbm>>
    tpu.enqueue_indirect_dma source(%dma_start3A_50 : memref<10000x128xf32, #tpu.memory_space<hbm>>) target(%dma_start3A_45 : memref<40x128xf32, #tpu.memory_space<vmem>>) offsets(%dma_start3A_47 : memref<40xi32, #tpu.memory_space<vmem>>) semaphore(%arg14 : memref<!tpu.dma_semaphore, #tpu.memory_space<semaphore_mem>>)
    %scan3A_51 = arith.constant 0 : i32
    %scan3A_52 = arith.constant 0 : i32
    %scan3A_53 = arith.constant 62 : i32
    %scan3A_54 = arith.addi %scan3A_52, %scan3A_53 : i32
    %scan3A_55 = arith.constant 1 : i32
    %scan3A_56 = scf.for %scan3A_92 = %scan3A_52 to %scan3A_54 step %scan3A_55 iter_args(%scan3A_93 = %scan3A_51) -> (i32)  : i32 {
      %mul3A_94 = arith.constant 4 : i32
      %mul3A_95 = arith.muli %mul3A_94, %scan3A_92 : i32
      %mul3A_96 = arith.constant 2 : i32
      %mul3A_97 = arith.muli %mul3A_96, %scan3A_92 : i32
      %add3A_98 = arith.constant 1 : i32
      %add3A_99 = arith.addi %mul3A_97, %add3A_98 : i32
      %mul3A_100 = arith.constant 40 : i32
      %mul3A_101 = arith.muli %mul3A_95, %mul3A_100 : i32
      %dma_wait3A_102 = arith.constant 0 : i32
      %dma_wait3A_103 = arith.constant 0 : i32
      %dma_wait3A_104 = tpu.memref_slice %arg8[%dma_wait3A_102, %dma_wait3A_103] : memref<80x128xf32, #tpu.memory_space<vmem>> -> memref<40x128xf32, #tpu.memory_space<vmem>>
      %dma_wait3A_105 = tpu.memref_slice %arg6[%mul3A_101] : memref<10000xi32, #tpu.memory_space<vmem>> -> memref<40xi32, #tpu.memory_space<vmem>>
      %dma_wait3A_106 = arith.constant 0 : i32
      %dma_wait3A_107 = arith.constant 0 : i32
      %dma_wait3A_108 = tpu.memref_slice %arg2[%dma_wait3A_106, %dma_wait3A_107] : memref<10000x128xf32, #tpu.memory_space<hbm>> -> memref<10000x128xf32, #tpu.memory_space<hbm>>
      tpu.wait_indirect_dma semaphore(%arg11 : memref<!tpu.dma_semaphore, #tpu.memory_space<semaphore_mem>>) src(%dma_wait3A_108 : memref<10000x128xf32, #tpu.memory_space<hbm>>) dst(%dma_wait3A_104 : memref<40x128xf32, #tpu.memory_space<vmem>>)
      %add3A_109 = arith.constant 1 : i32
      %add3A_110 = arith.addi %mul3A_95, %add3A_109 : i32
      %mul3A_111 = arith.constant 40 : i32
      %mul3A_112 = arith.muli %add3A_110, %mul3A_111 : i32
      %dma_wait3A_113 = arith.constant 40 : i32
      %dma_wait3A_114 = arith.constant 0 : i32
      %dma_wait3A_115 = tpu.memref_slice %arg8[%dma_wait3A_113, %dma_wait3A_114] : memref<80x128xf32, #tpu.memory_space<vmem>> -> memref<40x128xf32, #tpu.memory_space<vmem>>
      %dma_wait3A_116 = tpu.memref_slice %arg6[%mul3A_112] : memref<10000xi32, #tpu.memory_space<vmem>> -> memref<40xi32, #tpu.memory_space<vmem>>
      %dma_wait3A_117 = arith.constant 0 : i32
      %dma_wait3A_118 = arith.constant 0 : i32
      %dma_wait3A_119 = tpu.memref_slice %arg2[%dma_wait3A_117, %dma_wait3A_118] : memref<10000x128xf32, #tpu.memory_space<hbm>> -> memref<10000x128xf32, #tpu.memory_space<hbm>>
      tpu.wait_indirect_dma semaphore(%arg12 : memref<!tpu.dma_semaphore, #tpu.memory_space<semaphore_mem>>) src(%dma_wait3A_119 : memref<10000x128xf32, #tpu.memory_space<hbm>>) dst(%dma_wait3A_115 : memref<40x128xf32, #tpu.memory_space<vmem>>)
      %dma_start3A_120 = arith.constant 0 : i32
      %dma_start3A_121 = tpu.memref_slice %arg7[%mul3A_97, %dma_start3A_120] : memref<125x80xi32, #tpu.memory_space<vmem>> -> memref<1x80xi32, #tpu.memory_space<vmem>>
      %dma_start3A_122 = tpu.memref_squeeze %dma_start3A_121 : memref<1x80xi32, #tpu.memory_space<vmem>> -> memref<80xi32, #tpu.memory_space<vmem>>
      %dma_start3A_123 = arith.constant 0 : i32
      %dma_start3A_124 = arith.constant 0 : i32
      %dma_start3A_125 = tpu.memref_slice %arg10[%dma_start3A_123, %dma_start3A_124] : memref<10112x128xf32, #tpu.memory_space<vmem_shared>> -> memref<10112x128xf32, #tpu.memory_space<vmem_shared>>
      tpu.enqueue_indirect_dma source(%arg8 : memref<80x128xf32, #tpu.memory_space<vmem>>) target(%dma_start3A_125 : memref<10112x128xf32, #tpu.memory_space<vmem_shared>>) offsets(%dma_start3A_122 : memref<80xi32, #tpu.memory_space<vmem>>) semaphore(%arg15 : memref<!tpu.dma_semaphore, #tpu.memory_space<semaphore_mem>>) {add = true}
      %add3A_126 = arith.constant 2 : i32
      %add3A_127 = arith.addi %mul3A_95, %add3A_126 : i32
      %mul3A_128 = arith.constant 40 : i32
      %mul3A_129 = arith.muli %add3A_127, %mul3A_128 : i32
      %dma_wait3A_130 = arith.constant 0 : i32
      %dma_wait3A_131 = arith.constant 0 : i32
      %dma_wait3A_132 = tpu.memref_slice %arg9[%dma_wait3A_130, %dma_wait3A_131] : memref<80x128xf32, #tpu.memory_space<vmem>> -> memref<40x128xf32, #tpu.memory_space<vmem>>
      %dma_wait3A_133 = tpu.memref_slice %arg6[%mul3A_129] : memref<10000xi32, #tpu.memory_space<vmem>> -> memref<40xi32, #tpu.memory_space<vmem>>
      %dma_wait3A_134 = arith.constant 0 : i32
      %dma_wait3A_135 = arith.constant 0 : i32
      %dma_wait3A_136 = tpu.memref_slice %arg2[%dma_wait3A_134, %dma_wait3A_135] : memref<10000x128xf32, #tpu.memory_space<hbm>> -> memref<10000x128xf32, #tpu.memory_space<hbm>>
      tpu.wait_indirect_dma semaphore(%arg13 : memref<!tpu.dma_semaphore, #tpu.memory_space<semaphore_mem>>) src(%dma_wait3A_136 : memref<10000x128xf32, #tpu.memory_space<hbm>>) dst(%dma_wait3A_132 : memref<40x128xf32, #tpu.memory_space<vmem>>)
      %add3A_137 = arith.constant 3 : i32
      %add3A_138 = arith.addi %mul3A_95, %add3A_137 : i32
      %mul3A_139 = arith.constant 40 : i32
      %mul3A_140 = arith.muli %add3A_138, %mul3A_139 : i32
      %dma_wait3A_141 = arith.constant 40 : i32
      %dma_wait3A_142 = arith.constant 0 : i32
      %dma_wait3A_143 = tpu.memref_slice %arg9[%dma_wait3A_141, %dma_wait3A_142] : memref<80x128xf32, #tpu.memory_space<vmem>> -> memref<40x128xf32, #tpu.memory_space<vmem>>
      %dma_wait3A_144 = tpu.memref_slice %arg6[%mul3A_140] : memref<10000xi32, #tpu.memory_space<vmem>> -> memref<40xi32, #tpu.memory_space<vmem>>
      %dma_wait3A_145 = arith.constant 0 : i32
      %dma_wait3A_146 = arith.constant 0 : i32
      %dma_wait3A_147 = tpu.memref_slice %arg2[%dma_wait3A_145, %dma_wait3A_146] : memref<10000x128xf32, #tpu.memory_space<hbm>> -> memref<10000x128xf32, #tpu.memory_space<hbm>>
      tpu.wait_indirect_dma semaphore(%arg14 : memref<!tpu.dma_semaphore, #tpu.memory_space<semaphore_mem>>) src(%dma_wait3A_147 : memref<10000x128xf32, #tpu.memory_space<hbm>>) dst(%dma_wait3A_143 : memref<40x128xf32, #tpu.memory_space<vmem>>)
      %dma_start3A_148 = arith.constant 0 : i32
      %dma_start3A_149 = tpu.memref_slice %arg7[%add3A_99, %dma_start3A_148] : memref<125x80xi32, #tpu.memory_space<vmem>> -> memref<1x80xi32, #tpu.memory_space<vmem>>
      %dma_start3A_150 = tpu.memref_squeeze %dma_start3A_149 : memref<1x80xi32, #tpu.memory_space<vmem>> -> memref<80xi32, #tpu.memory_space<vmem>>
      %dma_start3A_151 = arith.constant 0 : i32
      %dma_start3A_152 = arith.constant 0 : i32
      %dma_start3A_153 = tpu.memref_slice %arg10[%dma_start3A_151, %dma_start3A_152] : memref<10112x128xf32, #tpu.memory_space<vmem_shared>> -> memref<10112x128xf32, #tpu.memory_space<vmem_shared>>
      tpu.enqueue_indirect_dma source(%arg9 : memref<80x128xf32, #tpu.memory_space<vmem>>) target(%dma_start3A_153 : memref<10112x128xf32, #tpu.memory_space<vmem_shared>>) offsets(%dma_start3A_150 : memref<80xi32, #tpu.memory_space<vmem>>) semaphore(%arg16 : memref<!tpu.dma_semaphore, #tpu.memory_space<semaphore_mem>>) {add = true}
      %dma_wait3A_154 = arith.constant 0 : i32
      %dma_wait3A_155 = tpu.memref_slice %arg7[%mul3A_97, %dma_wait3A_154] : memref<125x80xi32, #tpu.memory_space<vmem>> -> memref<1x80xi32, #tpu.memory_space<vmem>>
      %dma_wait3A_156 = tpu.memref_squeeze %dma_wait3A_155 : memref<1x80xi32, #tpu.memory_space<vmem>> -> memref<80xi32, #tpu.memory_space<vmem>>
      %dma_wait3A_157 = arith.constant 0 : i32
      %dma_wait3A_158 = arith.constant 0 : i32
      %dma_wait3A_159 = tpu.memref_slice %arg10[%dma_wait3A_157, %dma_wait3A_158] : memref<10112x128xf32, #tpu.memory_space<vmem_shared>> -> memref<10112x128xf32, #tpu.memory_space<vmem_shared>>
      tpu.wait_indirect_dma semaphore(%arg15 : memref<!tpu.dma_semaphore, #tpu.memory_space<semaphore_mem>>) src(%arg8 : memref<80x128xf32, #tpu.memory_space<vmem>>) dst(%dma_wait3A_159 : memref<10112x128xf32, #tpu.memory_space<vmem_shared>>)
      %add3A_160 = arith.constant 4 : i32
      %add3A_161 = arith.addi %mul3A_95, %add3A_160 : i32
      %lt3A = arith.constant 250 : i32
      %lt3A_162 = arith.cmpi slt, %add3A_161, %lt3A : i32
      %convert_element_type3A = arith.extui %lt3A_162 : i1 to i32
      %cond3A = arith.constant 0 : i32
      %cond3A_163 = arith.cmpi ne, %convert_element_type3A, %cond3A : i32
      scf.if %cond3A_163 {
        %add3A_192 = arith.constant 4 : i32
        %add3A_193 = arith.addi %mul3A_95, %add3A_192 : i32
        %mul3A_194 = arith.constant 40 : i32
        %mul3A_195 = arith.muli %add3A_193, %mul3A_194 : i32
        %dma_start3A_196 = arith.constant 0 : i32
        %dma_start3A_197 = arith.constant 0 : i32
        %dma_start3A_198 = tpu.memref_slice %arg8[%dma_start3A_196, %dma_start3A_197] : memref<80x128xf32, #tpu.memory_space<vmem>> -> memref<40x128xf32, #tpu.memory_space<vmem>>
        %dma_start3A_199 = tpu.memref_slice %arg6[%mul3A_195] : memref<10000xi32, #tpu.memory_space<vmem>> -> memref<40xi32, #tpu.memory_space<vmem>>
        %dma_start3A_200 = arith.constant 0 : i32
        %dma_start3A_201 = arith.constant 0 : i32
        %dma_start3A_202 = tpu.memref_slice %arg2[%dma_start3A_200, %dma_start3A_201] : memref<10000x128xf32, #tpu.memory_space<hbm>> -> memref<10000x128xf32, #tpu.memory_space<hbm>>
        tpu.enqueue_indirect_dma source(%dma_start3A_202 : memref<10000x128xf32, #tpu.memory_space<hbm>>) target(%dma_start3A_198 : memref<40x128xf32, #tpu.memory_space<vmem>>) offsets(%dma_start3A_199 : memref<40xi32, #tpu.memory_space<vmem>>) semaphore(%arg11 : memref<!tpu.dma_semaphore, #tpu.memory_space<semaphore_mem>>)
      } else {
      }
      %add3A_164 = arith.constant 5 : i32
      %add3A_165 = arith.addi %mul3A_95, %add3A_164 : i32
      %lt3A_166 = arith.constant 250 : i32
      %lt3A_167 = arith.cmpi slt, %add3A_165, %lt3A_166 : i32
      %convert_element_type3A_168 = arith.extui %lt3A_167 : i1 to i32
      %cond3A_169 = arith.constant 0 : i32
      %cond3A_170 = arith.cmpi ne, %convert_element_type3A_168, %cond3A_169 : i32
      scf.if %cond3A_170 {
        %add3A_192 = arith.constant 5 : i32
        %add3A_193 = arith.addi %mul3A_95, %add3A_192 : i32
        %mul3A_194 = arith.constant 40 : i32
        %mul3A_195 = arith.muli %add3A_193, %mul3A_194 : i32
        %dma_start3A_196 = arith.constant 40 : i32
        %dma_start3A_197 = arith.constant 0 : i32
        %dma_start3A_198 = tpu.memref_slice %arg8[%dma_start3A_196, %dma_start3A_197] : memref<80x128xf32, #tpu.memory_space<vmem>> -> memref<40x128xf32, #tpu.memory_space<vmem>>
        %dma_start3A_199 = tpu.memref_slice %arg6[%mul3A_195] : memref<10000xi32, #tpu.memory_space<vmem>> -> memref<40xi32, #tpu.memory_space<vmem>>
        %dma_start3A_200 = arith.constant 0 : i32
        %dma_start3A_201 = arith.constant 0 : i32
        %dma_start3A_202 = tpu.memref_slice %arg2[%dma_start3A_200, %dma_start3A_201] : memref<10000x128xf32, #tpu.memory_space<hbm>> -> memref<10000x128xf32, #tpu.memory_space<hbm>>
        tpu.enqueue_indirect_dma source(%dma_start3A_202 : memref<10000x128xf32, #tpu.memory_space<hbm>>) target(%dma_start3A_198 : memref<40x128xf32, #tpu.memory_space<vmem>>) offsets(%dma_start3A_199 : memref<40xi32, #tpu.memory_space<vmem>>) semaphore(%arg12 : memref<!tpu.dma_semaphore, #tpu.memory_space<semaphore_mem>>)
      } else {
      }
      %dma_wait3A_171 = arith.constant 0 : i32
      %dma_wait3A_172 = tpu.memref_slice %arg7[%add3A_99, %dma_wait3A_171] : memref<125x80xi32, #tpu.memory_space<vmem>> -> memref<1x80xi32, #tpu.memory_space<vmem>>
      %dma_wait3A_173 = tpu.memref_squeeze %dma_wait3A_172 : memref<1x80xi32, #tpu.memory_space<vmem>> -> memref<80xi32, #tpu.memory_space<vmem>>
      %dma_wait3A_174 = arith.constant 0 : i32
      %dma_wait3A_175 = arith.constant 0 : i32
      %dma_wait3A_176 = tpu.memref_slice %arg10[%dma_wait3A_174, %dma_wait3A_175] : memref<10112x128xf32, #tpu.memory_space<vmem_shared>> -> memref<10112x128xf32, #tpu.memory_space<vmem_shared>>
      tpu.wait_indirect_dma semaphore(%arg16 : memref<!tpu.dma_semaphore, #tpu.memory_space<semaphore_mem>>) src(%arg9 : memref<80x128xf32, #tpu.memory_space<vmem>>) dst(%dma_wait3A_176 : memref<10112x128xf32, #tpu.memory_space<vmem_shared>>)
      %add3A_177 = arith.constant 6 : i32
      %add3A_178 = arith.addi %mul3A_95, %add3A_177 : i32
      %lt3A_179 = arith.constant 250 : i32
      %lt3A_180 = arith.cmpi slt, %add3A_178, %lt3A_179 : i32
      %convert_element_type3A_181 = arith.extui %lt3A_180 : i1 to i32
      %cond3A_182 = arith.constant 0 : i32
      %cond3A_183 = arith.cmpi ne, %convert_element_type3A_181, %cond3A_182 : i32
      scf.if %cond3A_183 {
        %add3A_192 = arith.constant 6 : i32
        %add3A_193 = arith.addi %mul3A_95, %add3A_192 : i32
        %mul3A_194 = arith.constant 40 : i32
        %mul3A_195 = arith.muli %add3A_193, %mul3A_194 : i32
        %dma_start3A_196 = arith.constant 0 : i32
        %dma_start3A_197 = arith.constant 0 : i32
        %dma_start3A_198 = tpu.memref_slice %arg9[%dma_start3A_196, %dma_start3A_197] : memref<80x128xf32, #tpu.memory_space<vmem>> -> memref<40x128xf32, #tpu.memory_space<vmem>>
        %dma_start3A_199 = tpu.memref_slice %arg6[%mul3A_195] : memref<10000xi32, #tpu.memory_space<vmem>> -> memref<40xi32, #tpu.memory_space<vmem>>
        %dma_start3A_200 = arith.constant 0 : i32
        %dma_start3A_201 = arith.constant 0 : i32
        %dma_start3A_202 = tpu.memref_slice %arg2[%dma_start3A_200, %dma_start3A_201] : memref<10000x128xf32, #tpu.memory_space<hbm>> -> memref<10000x128xf32, #tpu.memory_space<hbm>>
        tpu.enqueue_indirect_dma source(%dma_start3A_202 : memref<10000x128xf32, #tpu.memory_space<hbm>>) target(%dma_start3A_198 : memref<40x128xf32, #tpu.memory_space<vmem>>) offsets(%dma_start3A_199 : memref<40xi32, #tpu.memory_space<vmem>>) semaphore(%arg13 : memref<!tpu.dma_semaphore, #tpu.memory_space<semaphore_mem>>)
      } else {
      }
      %add3A_184 = arith.constant 7 : i32
      %add3A_185 = arith.addi %mul3A_95, %add3A_184 : i32
      %lt3A_186 = arith.constant 250 : i32
      %lt3A_187 = arith.cmpi slt, %add3A_185, %lt3A_186 : i32
      %convert_element_type3A_188 = arith.extui %lt3A_187 : i1 to i32
      %cond3A_189 = arith.constant 0 : i32
      %cond3A_190 = arith.cmpi ne, %convert_element_type3A_188, %cond3A_189 : i32
      scf.if %cond3A_190 {
        %add3A_192 = arith.constant 7 : i32
        %add3A_193 = arith.addi %mul3A_95, %add3A_192 : i32
        %mul3A_194 = arith.constant 40 : i32
        %mul3A_195 = arith.muli %add3A_193, %mul3A_194 : i32
        %dma_start3A_196 = arith.constant 40 : i32
        %dma_start3A_197 = arith.constant 0 : i32
        %dma_start3A_198 = tpu.memref_slice %arg9[%dma_start3A_196, %dma_start3A_197] : memref<80x128xf32, #tpu.memory_space<vmem>> -> memref<40x128xf32, #tpu.memory_space<vmem>>
        %dma_start3A_199 = tpu.memref_slice %arg6[%mul3A_195] : memref<10000xi32, #tpu.memory_space<vmem>> -> memref<40xi32, #tpu.memory_space<vmem>>
        %dma_start3A_200 = arith.constant 0 : i32
        %dma_start3A_201 = arith.constant 0 : i32
        %dma_start3A_202 = tpu.memref_slice %arg2[%dma_start3A_200, %dma_start3A_201] : memref<10000x128xf32, #tpu.memory_space<hbm>> -> memref<10000x128xf32, #tpu.memory_space<hbm>>
        tpu.enqueue_indirect_dma source(%dma_start3A_202 : memref<10000x128xf32, #tpu.memory_space<hbm>>) target(%dma_start3A_198 : memref<40x128xf32, #tpu.memory_space<vmem>>) offsets(%dma_start3A_199 : memref<40xi32, #tpu.memory_space<vmem>>) semaphore(%arg14 : memref<!tpu.dma_semaphore, #tpu.memory_space<semaphore_mem>>)
      } else {
      }
      %scan3A_191 = arith.constant 0 : i32
      scf.yield %scan3A_191 : i32
    }
    %scan3A_57 = arith.constant 62 : i32
    %dma_wait3A = arith.constant 0 : i32
    %dma_wait3A_58 = arith.constant 0 : i32
    %dma_wait3A_59 = tpu.memref_slice %arg8[%dma_wait3A, %dma_wait3A_58] : memref<80x128xf32, #tpu.memory_space<vmem>> -> memref<40x128xf32, #tpu.memory_space<vmem>>
    %dma_wait3A_60 = arith.constant 9920 : i32
    %dma_wait3A_61 = tpu.memref_slice %arg6[%dma_wait3A_60] : memref<10000xi32, #tpu.memory_space<vmem>> -> memref<40xi32, #tpu.memory_space<vmem>>
    %dma_wait3A_62 = arith.constant 0 : i32
    %dma_wait3A_63 = arith.constant 0 : i32
    %dma_wait3A_64 = tpu.memref_slice %arg2[%dma_wait3A_62, %dma_wait3A_63] : memref<10000x128xf32, #tpu.memory_space<hbm>> -> memref<10000x128xf32, #tpu.memory_space<hbm>>
    tpu.wait_indirect_dma semaphore(%arg11 : memref<!tpu.dma_semaphore, #tpu.memory_space<semaphore_mem>>) src(%dma_wait3A_64 : memref<10000x128xf32, #tpu.memory_space<hbm>>) dst(%dma_wait3A_59 : memref<40x128xf32, #tpu.memory_space<vmem>>)
    %dma_wait3A_65 = arith.constant 40 : i32
    %dma_wait3A_66 = arith.constant 0 : i32
    %dma_wait3A_67 = tpu.memref_slice %arg8[%dma_wait3A_65, %dma_wait3A_66] : memref<80x128xf32, #tpu.memory_space<vmem>> -> memref<40x128xf32, #tpu.memory_space<vmem>>
    %dma_wait3A_68 = arith.constant 9960 : i32
    %dma_wait3A_69 = tpu.memref_slice %arg6[%dma_wait3A_68] : memref<10000xi32, #tpu.memory_space<vmem>> -> memref<40xi32, #tpu.memory_space<vmem>>
    %dma_wait3A_70 = arith.constant 0 : i32
    %dma_wait3A_71 = arith.constant 0 : i32
    %dma_wait3A_72 = tpu.memref_slice %arg2[%dma_wait3A_70, %dma_wait3A_71] : memref<10000x128xf32, #tpu.memory_space<hbm>> -> memref<10000x128xf32, #tpu.memory_space<hbm>>
    tpu.wait_indirect_dma semaphore(%arg12 : memref<!tpu.dma_semaphore, #tpu.memory_space<semaphore_mem>>) src(%dma_wait3A_72 : memref<10000x128xf32, #tpu.memory_space<hbm>>) dst(%dma_wait3A_67 : memref<40x128xf32, #tpu.memory_space<vmem>>)
    %dma_start3A_73 = arith.constant 124 : i32
    %dma_start3A_74 = arith.constant 0 : i32
    %dma_start3A_75 = tpu.memref_slice %arg7[%dma_start3A_73, %dma_start3A_74] : memref<125x80xi32, #tpu.memory_space<vmem>> -> memref<1x80xi32, #tpu.memory_space<vmem>>
    %dma_start3A_76 = tpu.memref_squeeze %dma_start3A_75 : memref<1x80xi32, #tpu.memory_space<vmem>> -> memref<80xi32, #tpu.memory_space<vmem>>
    %dma_start3A_77 = arith.constant 0 : i32
    %dma_start3A_78 = arith.constant 0 : i32
    %dma_start3A_79 = tpu.memref_slice %arg10[%dma_start3A_77, %dma_start3A_78] : memref<10112x128xf32, #tpu.memory_space<vmem_shared>> -> memref<10112x128xf32, #tpu.memory_space<vmem_shared>>
    tpu.enqueue_indirect_dma source(%arg8 : memref<80x128xf32, #tpu.memory_space<vmem>>) target(%dma_start3A_79 : memref<10112x128xf32, #tpu.memory_space<vmem_shared>>) offsets(%dma_start3A_76 : memref<80xi32, #tpu.memory_space<vmem>>) semaphore(%arg15 : memref<!tpu.dma_semaphore, #tpu.memory_space<semaphore_mem>>) {add = true}
    %dma_wait3A_80 = arith.constant 124 : i32
    %dma_wait3A_81 = arith.constant 0 : i32
    %dma_wait3A_82 = tpu.memref_slice %arg7[%dma_wait3A_80, %dma_wait3A_81] : memref<125x80xi32, #tpu.memory_space<vmem>> -> memref<1x80xi32, #tpu.memory_space<vmem>>
    %dma_wait3A_83 = tpu.memref_squeeze %dma_wait3A_82 : memref<1x80xi32, #tpu.memory_space<vmem>> -> memref<80xi32, #tpu.memory_space<vmem>>
    %dma_wait3A_84 = arith.constant 0 : i32
    %dma_wait3A_85 = arith.constant 0 : i32
    %dma_wait3A_86 = tpu.memref_slice %arg10[%dma_wait3A_84, %dma_wait3A_85] : memref<10112x128xf32, #tpu.memory_space<vmem_shared>> -> memref<10112x128xf32, #tpu.memory_space<vmem_shared>>
    tpu.wait_indirect_dma semaphore(%arg15 : memref<!tpu.dma_semaphore, #tpu.memory_space<semaphore_mem>>) src(%arg8 : memref<80x128xf32, #tpu.memory_space<vmem>>) dst(%dma_wait3A_86 : memref<10112x128xf32, #tpu.memory_space<vmem_shared>>)
    %barrier3A_87 = arith.constant 0 : index
    tpu.barrier barrier_id(%barrier3A_87)
    %mul3A_88 = arith.constant 632 : i32
    %mul3A_89 = arith.muli %arg1, %mul3A_88 : i32
    %mul3A_90 = arith.constant 632 : i32
    %mul3A_91 = arith.muli %arg1, %mul3A_90 : i32
    "tpu.region"() ({
      %run_scoped3A = tpu.sem_alloc : memref<!tpu.dma_semaphore, #tpu.memory_space<semaphore_mem>>
      %dma_start3A_92 = arith.constant 0 : i32
      %dma_start3A_93 = tpu.memref_slice %arg5[%arg0, %mul3A_91, %dma_start3A_92] : memref<2x10112x128xf32, #tpu.memory_space<hbm>> -> memref<1x632x128xf32, #tpu.memory_space<hbm>>
      %dma_start3A_94 = tpu.memref_squeeze %dma_start3A_93 : memref<1x632x128xf32, #tpu.memory_space<hbm>> -> memref<632x128xf32, #tpu.memory_space<hbm>>
      %dma_start3A_95 = arith.constant 0 : i32
      %dma_start3A_96 = tpu.memref_slice %arg10[%mul3A_89, %dma_start3A_95] : memref<10112x128xf32, #tpu.memory_space<vmem_shared>> -> memref<632x128xf32, #tpu.memory_space<vmem_shared>>
      tpu.enqueue_dma source(%dma_start3A_96 : memref<632x128xf32, #tpu.memory_space<vmem_shared>>) target(%dma_start3A_94 : memref<632x128xf32, #tpu.memory_space<hbm>>) target_semaphore(%run_scoped3A : memref<!tpu.dma_semaphore, #tpu.memory_space<semaphore_mem>>)
      %dma_wait3A_97 = arith.constant 0 : i32
      %dma_wait3A_98 = tpu.memref_slice %arg5[%arg0, %mul3A_91, %dma_wait3A_97] : memref<2x10112x128xf32, #tpu.memory_space<hbm>> -> memref<1x632x128xf32, #tpu.memory_space<hbm>>
      %dma_wait3A_99 = tpu.memref_squeeze %dma_wait3A_98 : memref<1x632x128xf32, #tpu.memory_space<hbm>> -> memref<632x128xf32, #tpu.memory_space<hbm>>
      %dma_wait3A_100 = arith.constant 0 : i32
      %dma_wait3A_101 = tpu.memref_slice %arg10[%mul3A_89, %dma_wait3A_100] : memref<10112x128xf32, #tpu.memory_space<vmem_shared>> -> memref<632x128xf32, #tpu.memory_space<vmem_shared>>
      tpu.wait_dma2 semaphore(%run_scoped3A : memref<!tpu.dma_semaphore, #tpu.memory_space<semaphore_mem>>) src(%dma_wait3A_101 : memref<632x128xf32, #tpu.memory_space<vmem_shared>>) dst(%dma_wait3A_99 : memref<632x128xf32, #tpu.memory_space<hbm>>)
      tpu.yield
    }) : () -> ()
    return
  }
}

#map = affine_map<(d0, d1) -> (0, 0)>
#map1 = affine_map<(d0, d1) -> (0)>
#map2 = affine_map<(d0, d1) -> (0, 0, 0)>
module attributes {stable_mosaic.version = 14 : i64} {
  func.func @_spmm_body(%arg0: i32, %arg1: i32, %arg2: memref<10000x128xf32, #tpu.memory_space<hbm>>, %arg3: memref<320000xi32, #tpu.memory_space<hbm>>, %arg4: memref<32x125x80xi32, #tpu.memory_space<hbm>>, %arg5: memref<2x10112x128xf32, #tpu.memory_space<hbm>>, %arg6: memref<10000xi32, #tpu.memory_space<vmem>>, %arg7: memref<125x80xi32, #tpu.memory_space<vmem>>, %arg8: memref<80x128xf32, #tpu.memory_space<vmem>>, %arg9: memref<80x128xf32, #tpu.memory_space<vmem>>, %arg10: memref<10112x128xf32, #tpu.memory_space<vmem_shared>>, %arg11: memref<!tpu.dma_semaphore, #tpu.memory_space<semaphore_mem>>, %arg12: memref<!tpu.dma_semaphore, #tpu.memory_space<semaphore_mem>>, %arg13: memref<!tpu.dma_semaphore, #tpu.memory_space<semaphore_mem>>, %arg14: memref<!tpu.dma_semaphore, #tpu.memory_space<semaphore_mem>>, %arg15: memref<!tpu.dma_semaphore, #tpu.memory_space<semaphore_mem>>, %arg16: memref<!tpu.dma_semaphore, #tpu.memory_space<semaphore_mem>>) attributes {dimension_semantics = [#tpu.dimension_semantics<core_parallel>, #tpu.dimension_semantics<subcore_parallel>], iteration_bounds = array<i64: 2, 16>, scalar_prefetch = 0 : i64, scratch_operands = 11 : i64, tpu.core_type = #tpu.core_type<sc_vector_subcore>, window_params = [{transform_indices = #map}, {transform_indices = #map1}, {transform_indices = #map2}, {transform_indices = #map2}]} {
    %mul3A = arith.constant 16 : i32
    %mul3A_0 = arith.muli %arg0, %mul3A : i32
    %add3A = arith.addi %mul3A_0, %arg1 : i32
    %mul3A_1 = arith.constant 10000 : i32
    %mul3A_2 = arith.muli %add3A, %mul3A_1 : i32
    "tpu.region"() ({
      %run_scoped3A = tpu.sem_alloc : memref<!tpu.dma_semaphore, #tpu.memory_space<semaphore_mem>>
      %dma_start3A_92 = tpu.memref_slice %arg3[%mul3A_2] : memref<320000xi32, #tpu.memory_space<hbm>> -> memref<10000xi32, #tpu.memory_space<hbm>>
      %dma_start3A_93 = tpu.memref_slice %arg3[%mul3A_2] : memref<320000xi32, #tpu.memory_space<hbm>> -> memref<10000xi32, #tpu.memory_space<hbm>>
      tpu.enqueue_dma source(%dma_start3A_93 : memref<10000xi32, #tpu.memory_space<hbm>>) target(%arg6 : memref<10000xi32, #tpu.memory_space<vmem>>) target_semaphore(%run_scoped3A : memref<!tpu.dma_semaphore, #tpu.memory_space<semaphore_mem>>)
      %dma_wait3A_94 = tpu.memref_slice %arg3[%mul3A_2] : memref<320000xi32, #tpu.memory_space<hbm>> -> memref<10000xi32, #tpu.memory_space<hbm>>
      %dma_wait3A_95 = tpu.memref_slice %arg3[%mul3A_2] : memref<320000xi32, #tpu.memory_space<hbm>> -> memref<10000xi32, #tpu.memory_space<hbm>>
      tpu.wait_dma2 semaphore(%run_scoped3A : memref<!tpu.dma_semaphore, #tpu.memory_space<semaphore_mem>>) src(%dma_wait3A_95 : memref<10000xi32, #tpu.memory_space<hbm>>) dst(%arg6 : memref<10000xi32, #tpu.memory_space<vmem>>)
      tpu.yield
    }) : () -> ()
    "tpu.region"() ({
      %run_scoped3A = tpu.sem_alloc : memref<!tpu.dma_semaphore, #tpu.memory_space<semaphore_mem>>
      %dma_start3A_92 = arith.constant 0 : i32
      %dma_start3A_93 = arith.constant 0 : i32
      %dma_start3A_94 = tpu.memref_slice %arg4[%add3A, %dma_start3A_92, %dma_start3A_93] : memref<32x125x80xi32, #tpu.memory_space<hbm>> -> memref<1x125x80xi32, #tpu.memory_space<hbm>>
      %dma_start3A_95 = tpu.memref_squeeze %dma_start3A_94 : memref<1x125x80xi32, #tpu.memory_space<hbm>> -> memref<125x80xi32, #tpu.memory_space<hbm>>
      %dma_start3A_96 = arith.constant 0 : i32
      %dma_start3A_97 = arith.constant 0 : i32
      %dma_start3A_98 = tpu.memref_slice %arg4[%add3A, %dma_start3A_96, %dma_start3A_97] : memref<32x125x80xi32, #tpu.memory_space<hbm>> -> memref<1x125x80xi32, #tpu.memory_space<hbm>>
      %dma_start3A_99 = tpu.memref_squeeze %dma_start3A_98 : memref<1x125x80xi32, #tpu.memory_space<hbm>> -> memref<125x80xi32, #tpu.memory_space<hbm>>
      tpu.enqueue_dma source(%dma_start3A_99 : memref<125x80xi32, #tpu.memory_space<hbm>>) target(%arg7 : memref<125x80xi32, #tpu.memory_space<vmem>>) target_semaphore(%run_scoped3A : memref<!tpu.dma_semaphore, #tpu.memory_space<semaphore_mem>>)
      %dma_wait3A_100 = arith.constant 0 : i32
      %dma_wait3A_101 = arith.constant 0 : i32
      %dma_wait3A_102 = tpu.memref_slice %arg4[%add3A, %dma_wait3A_100, %dma_wait3A_101] : memref<32x125x80xi32, #tpu.memory_space<hbm>> -> memref<1x125x80xi32, #tpu.memory_space<hbm>>
      %dma_wait3A_103 = tpu.memref_squeeze %dma_wait3A_102 : memref<1x125x80xi32, #tpu.memory_space<hbm>> -> memref<125x80xi32, #tpu.memory_space<hbm>>
      %dma_wait3A_104 = arith.constant 0 : i32
      %dma_wait3A_105 = arith.constant 0 : i32
      %dma_wait3A_106 = tpu.memref_slice %arg4[%add3A, %dma_wait3A_104, %dma_wait3A_105] : memref<32x125x80xi32, #tpu.memory_space<hbm>> -> memref<1x125x80xi32, #tpu.memory_space<hbm>>
      %dma_wait3A_107 = tpu.memref_squeeze %dma_wait3A_106 : memref<1x125x80xi32, #tpu.memory_space<hbm>> -> memref<125x80xi32, #tpu.memory_space<hbm>>
      tpu.wait_dma2 semaphore(%run_scoped3A : memref<!tpu.dma_semaphore, #tpu.memory_space<semaphore_mem>>) src(%dma_wait3A_107 : memref<125x80xi32, #tpu.memory_space<hbm>>) dst(%arg7 : memref<125x80xi32, #tpu.memory_space<vmem>>)
      tpu.yield
    }) : () -> ()
    %scan3A = arith.constant 0 : i32
    %scan3A_3 = arith.constant 0 : i32
    %scan3A_4 = arith.constant 80 : i32
    %scan3A_5 = arith.addi %scan3A_3, %scan3A_4 : i32
    %scan3A_6 = arith.constant 1 : i32
    %scan3A_7 = scf.for %scan3A_92 = %scan3A_3 to %scan3A_5 step %scan3A_6 iter_args(%scan3A_93 = %scan3A) -> (i32)  : i32 {
      %broadcast_in_dim3A = arith.constant 0.000000e+00 : f32
      %broadcast_in_dim3A_94 = vector.broadcast %broadcast_in_dim3A : f32 to vector<16xf32>
      %swap3A = arith.index_cast %scan3A_92 : i32 to index
      %swap3A_95 = arith.constant 0 : index
      %swap3A_96 = tpu.vector_load %arg8[%swap3A, %swap3A_95] {strides = array<i32>} : memref<80x128xf32, #tpu.memory_space<vmem>>, vector<16xf32>,
      tpu.vector_store %arg8[%swap3A, %swap3A_95], %broadcast_in_dim3A_94 {strides = array<i32>} : memref<80x128xf32, #tpu.memory_space<vmem>>, vector<16xf32>,
      %broadcast_in_dim3A_97 = arith.constant 0.000000e+00 : f32
      %broadcast_in_dim3A_98 = vector.broadcast %broadcast_in_dim3A_97 : f32 to vector<16xf32>
      %swap3A_99 = arith.index_cast %scan3A_92 : i32 to index
      %swap3A_100 = arith.constant 16 : index
      %swap3A_101 = tpu.vector_load %arg8[%swap3A_99, %swap3A_100] {strides = array<i32>} : memref<80x128xf32, #tpu.memory_space<vmem>>, vector<16xf32>,
      tpu.vector_store %arg8[%swap3A_99, %swap3A_100], %broadcast_in_dim3A_98 {strides = array<i32>} : memref<80x128xf32, #tpu.memory_space<vmem>>, vector<16xf32>,
      %broadcast_in_dim3A_102 = arith.constant 0.000000e+00 : f32
      %broadcast_in_dim3A_103 = vector.broadcast %broadcast_in_dim3A_102 : f32 to vector<16xf32>
      %swap3A_104 = arith.index_cast %scan3A_92 : i32 to index
      %swap3A_105 = arith.constant 32 : index
      %swap3A_106 = tpu.vector_load %arg8[%swap3A_104, %swap3A_105] {strides = array<i32>} : memref<80x128xf32, #tpu.memory_space<vmem>>, vector<16xf32>,
      tpu.vector_store %arg8[%swap3A_104, %swap3A_105], %broadcast_in_dim3A_103 {strides = array<i32>} : memref<80x128xf32, #tpu.memory_space<vmem>>, vector<16xf32>,
      %broadcast_in_dim3A_107 = arith.constant 0.000000e+00 : f32
      %broadcast_in_dim3A_108 = vector.broadcast %broadcast_in_dim3A_107 : f32 to vector<16xf32>
      %swap3A_109 = arith.index_cast %scan3A_92 : i32 to index
      %swap3A_110 = arith.constant 48 : index
      %swap3A_111 = tpu.vector_load %arg8[%swap3A_109, %swap3A_110] {strides = array<i32>} : memref<80x128xf32, #tpu.memory_space<vmem>>, vector<16xf32>,
      tpu.vector_store %arg8[%swap3A_109, %swap3A_110], %broadcast_in_dim3A_108 {strides = array<i32>} : memref<80x128xf32, #tpu.memory_space<vmem>>, vector<16xf32>,
      %broadcast_in_dim3A_112 = arith.constant 0.000000e+00 : f32
      %broadcast_in_dim3A_113 = vector.broadcast %broadcast_in_dim3A_112 : f32 to vector<16xf32>
      %swap3A_114 = arith.index_cast %scan3A_92 : i32 to index
      %swap3A_115 = arith.constant 64 : index
      %swap3A_116 = tpu.vector_load %arg8[%swap3A_114, %swap3A_115] {strides = array<i32>} : memref<80x128xf32, #tpu.memory_space<vmem>>, vector<16xf32>,
      tpu.vector_store %arg8[%swap3A_114, %swap3A_115], %broadcast_in_dim3A_113 {strides = array<i32>} : memref<80x128xf32, #tpu.memory_space<vmem>>, vector<16xf32>,
      %broadcast_in_dim3A_117 = arith.constant 0.000000e+00 : f32
      %broadcast_in_dim3A_118 = vector.broadcast %broadcast_in_dim3A_117 : f32 to vector<16xf32>
      %swap3A_119 = arith.index_cast %scan3A_92 : i32 to index
      %swap3A_120 = arith.constant 80 : index
      %swap3A_121 = tpu.vector_load %arg8[%swap3A_119, %swap3A_120] {strides = array<i32>} : memref<80x128xf32, #tpu.memory_space<vmem>>, vector<16xf32>,
      tpu.vector_store %arg8[%swap3A_119, %swap3A_120], %broadcast_in_dim3A_118 {strides = array<i32>} : memref<80x128xf32, #tpu.memory_space<vmem>>, vector<16xf32>,
      %broadcast_in_dim3A_122 = arith.constant 0.000000e+00 : f32
      %broadcast_in_dim3A_123 = vector.broadcast %broadcast_in_dim3A_122 : f32 to vector<16xf32>
      %swap3A_124 = arith.index_cast %scan3A_92 : i32 to index
      %swap3A_125 = arith.constant 96 : index
      %swap3A_126 = tpu.vector_load %arg8[%swap3A_124, %swap3A_125] {strides = array<i32>} : memref<80x128xf32, #tpu.memory_space<vmem>>, vector<16xf32>,
      tpu.vector_store %arg8[%swap3A_124, %swap3A_125], %broadcast_in_dim3A_123 {strides = array<i32>} : memref<80x128xf32, #tpu.memory_space<vmem>>, vector<16xf32>,
      %broadcast_in_dim3A_127 = arith.constant 0.000000e+00 : f32
      %broadcast_in_dim3A_128 = vector.broadcast %broadcast_in_dim3A_127 : f32 to vector<16xf32>
      %swap3A_129 = arith.index_cast %scan3A_92 : i32 to index
      %swap3A_130 = arith.constant 112 : index
      %swap3A_131 = tpu.vector_load %arg8[%swap3A_129, %swap3A_130] {strides = array<i32>} : memref<80x128xf32, #tpu.memory_space<vmem>>, vector<16xf32>,
      tpu.vector_store %arg8[%swap3A_129, %swap3A_130], %broadcast_in_dim3A_128 {strides = array<i32>} : memref<80x128xf32, #tpu.memory_space<vmem>>, vector<16xf32>,
      %scan3A_132 = arith.constant 0 : i32
      scf.yield %scan3A_132 : i32
    }
    %scan3A_8 = arith.constant 80 : i32
    %scan3A_9 = arith.constant 0 : i32
    %scan3A_10 = arith.constant 0 : i32
    %scan3A_11 = arith.constant 7 : i32
    %scan3A_12 = arith.addi %scan3A_10, %scan3A_11 : i32
    %scan3A_13 = arith.constant 1 : i32
    %scan3A_14 = scf.for %scan3A_92 = %scan3A_10 to %scan3A_12 step %scan3A_13 iter_args(%scan3A_93 = %scan3A_9) -> (i32)  : i32 {
      %mul3A_94 = arith.constant 632 : i32
      %mul3A_95 = arith.muli %arg1, %mul3A_94 : i32
      %mul3A_96 = arith.constant 80 : i32
      %mul3A_97 = arith.muli %scan3A_92, %mul3A_96 : i32
      %add3A_98 = arith.addi %mul3A_95, %mul3A_97 : i32
      "tpu.region"() ({
        %run_scoped3A = tpu.sem_alloc : memref<!tpu.dma_semaphore, #tpu.memory_space<semaphore_mem>>
        %dma_start3A_100 = arith.constant 0 : i32
        %dma_start3A_101 = tpu.memref_slice %arg10[%add3A_98, %dma_start3A_100] : memref<10112x128xf32, #tpu.memory_space<vmem_shared>> -> memref<80x128xf32, #tpu.memory_space<vmem_shared>>
        %dma_start3A_102 = arith.constant 0 : i32
        %dma_start3A_103 = tpu.memref_slice %arg10[%add3A_98, %dma_start3A_102] : memref<10112x128xf32, #tpu.memory_space<vmem_shared>> -> memref<80x128xf32, #tpu.memory_space<vmem_shared>>
        tpu.enqueue_dma source(%arg8 : memref<80x128xf32, #tpu.memory_space<vmem>>) target(%dma_start3A_103 : memref<80x128xf32, #tpu.memory_space<vmem_shared>>) target_semaphore(%run_scoped3A : memref<!tpu.dma_semaphore, #tpu.memory_space<semaphore_mem>>)
        %dma_wait3A_104 = arith.constant 0 : i32
        %dma_wait3A_105 = tpu.memref_slice %arg10[%add3A_98, %dma_wait3A_104] : memref<10112x128xf32, #tpu.memory_space<vmem_shared>> -> memref<80x128xf32, #tpu.memory_space<vmem_shared>>
        %dma_wait3A_106 = arith.constant 0 : i32
        %dma_wait3A_107 = tpu.memref_slice %arg10[%add3A_98, %dma_wait3A_106] : memref<10112x128xf32, #tpu.memory_space<vmem_shared>> -> memref<80x128xf32, #tpu.memory_space<vmem_shared>>
        tpu.wait_dma2 semaphore(%run_scoped3A : memref<!tpu.dma_semaphore, #tpu.memory_space<semaphore_mem>>) src(%arg8 : memref<80x128xf32, #tpu.memory_space<vmem>>) dst(%dma_wait3A_107 : memref<80x128xf32, #tpu.memory_space<vmem_shared>>)
        tpu.yield
      }) : () -> ()
      %scan3A_99 = arith.constant 0 : i32
      scf.yield %scan3A_99 : i32
    }
    %scan3A_15 = arith.constant 7 : i32
    %mul3A_16 = arith.constant 632 : i32
    %mul3A_17 = arith.muli %arg1, %mul3A_16 : i32
    %add3A_18 = arith.constant 560 : i32
    %add3A_19 = arith.addi %mul3A_17, %add3A_18 : i32
    "tpu.region"() ({
      %run_scoped3A = tpu.sem_alloc : memref<!tpu.dma_semaphore, #tpu.memory_space<semaphore_mem>>
      %dma_start3A_92 = arith.constant 0 : i32
      %dma_start3A_93 = arith.constant 0 : i32
      %dma_start3A_94 = tpu.memref_slice %arg8[%dma_start3A_92, %dma_start3A_93] : memref<80x128xf32, #tpu.memory_space<vmem>> -> memref<72x128xf32, #tpu.memory_space<vmem>>
      %dma_start3A_95 = arith.constant 0 : i32
      %dma_start3A_96 = tpu.memref_slice %arg10[%add3A_19, %dma_start3A_95] : memref<10112x128xf32, #tpu.memory_space<vmem_shared>> -> memref<72x128xf32, #tpu.memory_space<vmem_shared>>
      %dma_start3A_97 = arith.constant 0 : i32
      %dma_start3A_98 = tpu.memref_slice %arg10[%add3A_19, %dma_start3A_97] : memref<10112x128xf32, #tpu.memory_space<vmem_shared>> -> memref<72x128xf32, #tpu.memory_space<vmem_shared>>
      %dma_start3A_99 = arith.constant 0 : i32
      %dma_start3A_100 = arith.constant 0 : i32
      %dma_start3A_101 = tpu.memref_slice %arg8[%dma_start3A_99, %dma_start3A_100] : memref<80x128xf32, #tpu.memory_space<vmem>> -> memref<72x128xf32, #tpu.memory_space<vmem>>
      tpu.enqueue_dma source(%dma_start3A_101 : memref<72x128xf32, #tpu.memory_space<vmem>>) target(%dma_start3A_98 : memref<72x128xf32, #tpu.memory_space<vmem_shared>>) target_semaphore(%run_scoped3A : memref<!tpu.dma_semaphore, #tpu.memory_space<semaphore_mem>>)
      %dma_wait3A_102 = arith.constant 0 : i32
      %dma_wait3A_103 = arith.constant 0 : i32
      %dma_wait3A_104 = tpu.memref_slice %arg8[%dma_wait3A_102, %dma_wait3A_103] : memref<80x128xf32, #tpu.memory_space<vmem>> -> memref<72x128xf32, #tpu.memory_space<vmem>>
      %dma_wait3A_105 = arith.constant 0 : i32
      %dma_wait3A_106 = tpu.memref_slice %arg10[%add3A_19, %dma_wait3A_105] : memref<10112x128xf32, #tpu.memory_space<vmem_shared>> -> memref<72x128xf32, #tpu.memory_space<vmem_shared>>
      %dma_wait3A_107 = arith.constant 0 : i32
      %dma_wait3A_108 = tpu.memref_slice %arg10[%add3A_19, %dma_wait3A_107] : memref<10112x128xf32, #tpu.memory_space<vmem_shared>> -> memref<72x128xf32, #tpu.memory_space<vmem_shared>>
      %dma_wait3A_109 = arith.constant 0 : i32
      %dma_wait3A_110 = arith.constant 0 : i32
      %dma_wait3A_111 = tpu.memref_slice %arg8[%dma_wait3A_109, %dma_wait3A_110] : memref<80x128xf32, #tpu.memory_space<vmem>> -> memref<72x128xf32, #tpu.memory_space<vmem>>
      tpu.wait_dma2 semaphore(%run_scoped3A : memref<!tpu.dma_semaphore, #tpu.memory_space<semaphore_mem>>) src(%dma_wait3A_111 : memref<72x128xf32, #tpu.memory_space<vmem>>) dst(%dma_wait3A_108 : memref<72x128xf32, #tpu.memory_space<vmem_shared>>)
      tpu.yield
    }) : () -> ()
    %barrier3A = arith.constant 0 : index
    tpu.barrier barrier_id(%barrier3A)
    %dma_start3A = arith.constant 0 : i32
    %dma_start3A_20 = arith.constant 0 : i32
    %dma_start3A_21 = tpu.memref_slice %arg8[%dma_start3A, %dma_start3A_20] : memref<80x128xf32, #tpu.memory_space<vmem>> -> memref<40x128xf32, #tpu.memory_space<vmem>>
    %dma_start3A_22 = arith.constant 0 : i32
    %dma_start3A_23 = tpu.memref_slice %arg6[%dma_start3A_22] : memref<10000xi32, #tpu.memory_space<vmem>> -> memref<40xi32, #tpu.memory_space<vmem>>
    %dma_start3A_24 = arith.constant 0 : i32
    %dma_start3A_25 = arith.constant 0 : i32
    %dma_start3A_26 = tpu.memref_slice %arg2[%dma_start3A_24, %dma_start3A_25] : memref<10000x128xf32, #tpu.memory_space<hbm>> -> memref<10000x128xf32, #tpu.memory_space<hbm>>
    tpu.enqueue_indirect_dma source(%dma_start3A_26 : memref<10000x128xf32, #tpu.memory_space<hbm>>) target(%dma_start3A_21 : memref<40x128xf32, #tpu.memory_space<vmem>>) offsets(%dma_start3A_23 : memref<40xi32, #tpu.memory_space<vmem>>) semaphore(%arg11 : memref<!tpu.dma_semaphore, #tpu.memory_space<semaphore_mem>>)
    %dma_start3A_27 = arith.constant 40 : i32
    %dma_start3A_28 = arith.constant 0 : i32
    %dma_start3A_29 = tpu.memref_slice %arg8[%dma_start3A_27, %dma_start3A_28] : memref<80x128xf32, #tpu.memory_space<vmem>> -> memref<40x128xf32, #tpu.memory_space<vmem>>
    %dma_start3A_30 = arith.constant 40 : i32
    %dma_start3A_31 = tpu.memref_slice %arg6[%dma_start3A_30] : memref<10000xi32, #tpu.memory_space<vmem>> -> memref<40xi32, #tpu.memory_space<vmem>>
    %dma_start3A_32 = arith.constant 0 : i32
    %dma_start3A_33 = arith.constant 0 : i32
    %dma_start3A_34 = tpu.memref_slice %arg2[%dma_start3A_32, %dma_start3A_33] : memref<10000x128xf32, #tpu.memory_space<hbm>> -> memref<10000x128xf32, #tpu.memory_space<hbm>>
    tpu.enqueue_indirect_dma source(%dma_start3A_34 : memref<10000x128xf32, #tpu.memory_space<hbm>>) target(%dma_start3A_29 : memref<40x128xf32, #tpu.memory_space<vmem>>) offsets(%dma_start3A_31 : memref<40xi32, #tpu.memory_space<vmem>>) semaphore(%arg12 : memref<!tpu.dma_semaphore, #tpu.memory_space<semaphore_mem>>)
    %dma_start3A_35 = arith.constant 0 : i32
    %dma_start3A_36 = arith.constant 0 : i32
    %dma_start3A_37 = tpu.memref_slice %arg9[%dma_start3A_35, %dma_start3A_36] : memref<80x128xf32, #tpu.memory_space<vmem>> -> memref<40x128xf32, #tpu.memory_space<vmem>>
    %dma_start3A_38 = arith.constant 80 : i32
    %dma_start3A_39 = tpu.memref_slice %arg6[%dma_start3A_38] : memref<10000xi32, #tpu.memory_space<vmem>> -> memref<40xi32, #tpu.memory_space<vmem>>
    %dma_start3A_40 = arith.constant 0 : i32
    %dma_start3A_41 = arith.constant 0 : i32
    %dma_start3A_42 = tpu.memref_slice %arg2[%dma_start3A_40, %dma_start3A_41] : memref<10000x128xf32, #tpu.memory_space<hbm>> -> memref<10000x128xf32, #tpu.memory_space<hbm>>
    tpu.enqueue_indirect_dma source(%dma_start3A_42 : memref<10000x128xf32, #tpu.memory_space<hbm>>) target(%dma_start3A_37 : memref<40x128xf32, #tpu.memory_space<vmem>>) offsets(%dma_start3A_39 : memref<40xi32, #tpu.memory_space<vmem>>) semaphore(%arg13 : memref<!tpu.dma_semaphore, #tpu.memory_space<semaphore_mem>>)
    %dma_start3A_43 = arith.constant 40 : i32
    %dma_start3A_44 = arith.constant 0 : i32
    %dma_start3A_45 = tpu.memref_slice %arg9[%dma_start3A_43, %dma_start3A_44] : memref<80x128xf32, #tpu.memory_space<vmem>> -> memref<40x128xf32, #tpu.memory_space<vmem>>
    %dma_start3A_46 = arith.constant 120 : i32
    %dma_start3A_47 = tpu.memref_slice %arg6[%dma_start3A_46] : memref<10000xi32, #tpu.memory_space<vmem>> -> memref<40xi32, #tpu.memory_space<vmem>>
    %dma_start3A_48 = arith.constant 0 : i32
    %dma_start3A_49 = arith.constant 0 : i32
    %dma_start3A_50 = tpu.memref_slice %arg2[%dma_start3A_48, %dma_start3A_49] : memref<10000x128xf32, #tpu.memory_space<hbm>> -> memref<10000x128xf32, #tpu.memory_space<hbm>>
    tpu.enqueue_indirect_dma source(%dma_start3A_50 : memref<10000x128xf32, #tpu.memory_space<hbm>>) target(%dma_start3A_45 : memref<40x128xf32, #tpu.memory_space<vmem>>) offsets(%dma_start3A_47 : memref<40xi32, #tpu.memory_space<vmem>>) semaphore(%arg14 : memref<!tpu.dma_semaphore, #tpu.memory_space<semaphore_mem>>)
    %scan3A_51 = arith.constant 0 : i32
    %scan3A_52 = arith.constant 0 : i32
    %scan3A_53 = arith.constant 62 : i32
    %scan3A_54 = arith.addi %scan3A_52, %scan3A_53 : i32
    %scan3A_55 = arith.constant 1 : i32
    %scan3A_56 = scf.for %scan3A_92 = %scan3A_52 to %scan3A_54 step %scan3A_55 iter_args(%scan3A_93 = %scan3A_51) -> (i32)  : i32 {
      %mul3A_94 = arith.constant 4 : i32
      %mul3A_95 = arith.muli %mul3A_94, %scan3A_92 : i32
      %mul3A_96 = arith.constant 2 : i32
      %mul3A_97 = arith.muli %mul3A_96, %scan3A_92 : i32
      %add3A_98 = arith.constant 1 : i32
      %add3A_99 = arith.addi %mul3A_97, %add3A_98 : i32
      %mul3A_100 = arith.constant 40 : i32
      %mul3A_101 = arith.muli %mul3A_95, %mul3A_100 : i32
      %dma_wait3A_102 = arith.constant 0 : i32
      %dma_wait3A_103 = arith.constant 0 : i32
      %dma_wait3A_104 = tpu.memref_slice %arg8[%dma_wait3A_102, %dma_wait3A_103] : memref<80x128xf32, #tpu.memory_space<vmem>> -> memref<40x128xf32, #tpu.memory_space<vmem>>
      %dma_wait3A_105 = tpu.memref_slice %arg6[%mul3A_101] : memref<10000xi32, #tpu.memory_space<vmem>> -> memref<40xi32, #tpu.memory_space<vmem>>
      %dma_wait3A_106 = arith.constant 0 : i32
      %dma_wait3A_107 = arith.constant 0 : i32
      %dma_wait3A_108 = tpu.memref_slice %arg2[%dma_wait3A_106, %dma_wait3A_107] : memref<10000x128xf32, #tpu.memory_space<hbm>> -> memref<10000x128xf32, #tpu.memory_space<hbm>>
      tpu.wait_indirect_dma semaphore(%arg11 : memref<!tpu.dma_semaphore, #tpu.memory_space<semaphore_mem>>) src(%dma_wait3A_108 : memref<10000x128xf32, #tpu.memory_space<hbm>>) dst(%dma_wait3A_104 : memref<40x128xf32, #tpu.memory_space<vmem>>)
      %add3A_109 = arith.constant 1 : i32
      %add3A_110 = arith.addi %mul3A_95, %add3A_109 : i32
      %mul3A_111 = arith.constant 40 : i32
      %mul3A_112 = arith.muli %add3A_110, %mul3A_111 : i32
      %dma_wait3A_113 = arith.constant 40 : i32
      %dma_wait3A_114 = arith.constant 0 : i32
      %dma_wait3A_115 = tpu.memref_slice %arg8[%dma_wait3A_113, %dma_wait3A_114] : memref<80x128xf32, #tpu.memory_space<vmem>> -> memref<40x128xf32, #tpu.memory_space<vmem>>
      %dma_wait3A_116 = tpu.memref_slice %arg6[%mul3A_112] : memref<10000xi32, #tpu.memory_space<vmem>> -> memref<40xi32, #tpu.memory_space<vmem>>
      %dma_wait3A_117 = arith.constant 0 : i32
      %dma_wait3A_118 = arith.constant 0 : i32
      %dma_wait3A_119 = tpu.memref_slice %arg2[%dma_wait3A_117, %dma_wait3A_118] : memref<10000x128xf32, #tpu.memory_space<hbm>> -> memref<10000x128xf32, #tpu.memory_space<hbm>>
      tpu.wait_indirect_dma semaphore(%arg12 : memref<!tpu.dma_semaphore, #tpu.memory_space<semaphore_mem>>) src(%dma_wait3A_119 : memref<10000x128xf32, #tpu.memory_space<hbm>>) dst(%dma_wait3A_115 : memref<40x128xf32, #tpu.memory_space<vmem>>)
      %dma_start3A_120 = arith.constant 0 : i32
      %dma_start3A_121 = tpu.memref_slice %arg7[%mul3A_97, %dma_start3A_120] : memref<125x80xi32, #tpu.memory_space<vmem>> -> memref<1x80xi32, #tpu.memory_space<vmem>>
      %dma_start3A_122 = tpu.memref_squeeze %dma_start3A_121 : memref<1x80xi32, #tpu.memory_space<vmem>> -> memref<80xi32, #tpu.memory_space<vmem>>
      %dma_start3A_123 = arith.constant 0 : i32
      %dma_start3A_124 = arith.constant 0 : i32
      %dma_start3A_125 = tpu.memref_slice %arg10[%dma_start3A_123, %dma_start3A_124] : memref<10112x128xf32, #tpu.memory_space<vmem_shared>> -> memref<10112x128xf32, #tpu.memory_space<vmem_shared>>
      tpu.enqueue_indirect_dma source(%arg8 : memref<80x128xf32, #tpu.memory_space<vmem>>) target(%dma_start3A_125 : memref<10112x128xf32, #tpu.memory_space<vmem_shared>>) offsets(%dma_start3A_122 : memref<80xi32, #tpu.memory_space<vmem>>) semaphore(%arg15 : memref<!tpu.dma_semaphore, #tpu.memory_space<semaphore_mem>>) {add = true}
      %add3A_126 = arith.constant 2 : i32
      %add3A_127 = arith.addi %mul3A_95, %add3A_126 : i32
      %mul3A_128 = arith.constant 40 : i32
      %mul3A_129 = arith.muli %add3A_127, %mul3A_128 : i32
      %dma_wait3A_130 = arith.constant 0 : i32
      %dma_wait3A_131 = arith.constant 0 : i32
      %dma_wait3A_132 = tpu.memref_slice %arg9[%dma_wait3A_130, %dma_wait3A_131] : memref<80x128xf32, #tpu.memory_space<vmem>> -> memref<40x128xf32, #tpu.memory_space<vmem>>
      %dma_wait3A_133 = tpu.memref_slice %arg6[%mul3A_129] : memref<10000xi32, #tpu.memory_space<vmem>> -> memref<40xi32, #tpu.memory_space<vmem>>
      %dma_wait3A_134 = arith.constant 0 : i32
      %dma_wait3A_135 = arith.constant 0 : i32
      %dma_wait3A_136 = tpu.memref_slice %arg2[%dma_wait3A_134, %dma_wait3A_135] : memref<10000x128xf32, #tpu.memory_space<hbm>> -> memref<10000x128xf32, #tpu.memory_space<hbm>>
      tpu.wait_indirect_dma semaphore(%arg13 : memref<!tpu.dma_semaphore, #tpu.memory_space<semaphore_mem>>) src(%dma_wait3A_136 : memref<10000x128xf32, #tpu.memory_space<hbm>>) dst(%dma_wait3A_132 : memref<40x128xf32, #tpu.memory_space<vmem>>)
      %add3A_137 = arith.constant 3 : i32
      %add3A_138 = arith.addi %mul3A_95, %add3A_137 : i32
      %mul3A_139 = arith.constant 40 : i32
      %mul3A_140 = arith.muli %add3A_138, %mul3A_139 : i32
      %dma_wait3A_141 = arith.constant 40 : i32
      %dma_wait3A_142 = arith.constant 0 : i32
      %dma_wait3A_143 = tpu.memref_slice %arg9[%dma_wait3A_141, %dma_wait3A_142] : memref<80x128xf32, #tpu.memory_space<vmem>> -> memref<40x128xf32, #tpu.memory_space<vmem>>
      %dma_wait3A_144 = tpu.memref_slice %arg6[%mul3A_140] : memref<10000xi32, #tpu.memory_space<vmem>> -> memref<40xi32, #tpu.memory_space<vmem>>
      %dma_wait3A_145 = arith.constant 0 : i32
      %dma_wait3A_146 = arith.constant 0 : i32
      %dma_wait3A_147 = tpu.memref_slice %arg2[%dma_wait3A_145, %dma_wait3A_146] : memref<10000x128xf32, #tpu.memory_space<hbm>> -> memref<10000x128xf32, #tpu.memory_space<hbm>>
      tpu.wait_indirect_dma semaphore(%arg14 : memref<!tpu.dma_semaphore, #tpu.memory_space<semaphore_mem>>) src(%dma_wait3A_147 : memref<10000x128xf32, #tpu.memory_space<hbm>>) dst(%dma_wait3A_143 : memref<40x128xf32, #tpu.memory_space<vmem>>)
      %dma_start3A_148 = arith.constant 0 : i32
      %dma_start3A_149 = tpu.memref_slice %arg7[%add3A_99, %dma_start3A_148] : memref<125x80xi32, #tpu.memory_space<vmem>> -> memref<1x80xi32, #tpu.memory_space<vmem>>
      %dma_start3A_150 = tpu.memref_squeeze %dma_start3A_149 : memref<1x80xi32, #tpu.memory_space<vmem>> -> memref<80xi32, #tpu.memory_space<vmem>>
      %dma_start3A_151 = arith.constant 0 : i32
      %dma_start3A_152 = arith.constant 0 : i32
      %dma_start3A_153 = tpu.memref_slice %arg10[%dma_start3A_151, %dma_start3A_152] : memref<10112x128xf32, #tpu.memory_space<vmem_shared>> -> memref<10112x128xf32, #tpu.memory_space<vmem_shared>>
      tpu.enqueue_indirect_dma source(%arg9 : memref<80x128xf32, #tpu.memory_space<vmem>>) target(%dma_start3A_153 : memref<10112x128xf32, #tpu.memory_space<vmem_shared>>) offsets(%dma_start3A_150 : memref<80xi32, #tpu.memory_space<vmem>>) semaphore(%arg16 : memref<!tpu.dma_semaphore, #tpu.memory_space<semaphore_mem>>) {add = true}
      %dma_wait3A_154 = arith.constant 0 : i32
      %dma_wait3A_155 = tpu.memref_slice %arg7[%mul3A_97, %dma_wait3A_154] : memref<125x80xi32, #tpu.memory_space<vmem>> -> memref<1x80xi32, #tpu.memory_space<vmem>>
      %dma_wait3A_156 = tpu.memref_squeeze %dma_wait3A_155 : memref<1x80xi32, #tpu.memory_space<vmem>> -> memref<80xi32, #tpu.memory_space<vmem>>
      %dma_wait3A_157 = arith.constant 0 : i32
      %dma_wait3A_158 = arith.constant 0 : i32
      %dma_wait3A_159 = tpu.memref_slice %arg10[%dma_wait3A_157, %dma_wait3A_158] : memref<10112x128xf32, #tpu.memory_space<vmem_shared>> -> memref<10112x128xf32, #tpu.memory_space<vmem_shared>>
      tpu.wait_indirect_dma semaphore(%arg15 : memref<!tpu.dma_semaphore, #tpu.memory_space<semaphore_mem>>) src(%arg8 : memref<80x128xf32, #tpu.memory_space<vmem>>) dst(%dma_wait3A_159 : memref<10112x128xf32, #tpu.memory_space<vmem_shared>>)
      %add3A_160 = arith.constant 4 : i32
      %add3A_161 = arith.addi %mul3A_95, %add3A_160 : i32
      %lt3A = arith.constant 250 : i32
      %lt3A_162 = arith.cmpi slt, %add3A_161, %lt3A : i32
      %convert_element_type3A = arith.extui %lt3A_162 : i1 to i32
      %cond3A = arith.constant 0 : i32
      %cond3A_163 = arith.cmpi ne, %convert_element_type3A, %cond3A : i32
      scf.if %cond3A_163 {
        %add3A_192 = arith.constant 4 : i32
        %add3A_193 = arith.addi %mul3A_95, %add3A_192 : i32
        %mul3A_194 = arith.constant 40 : i32
        %mul3A_195 = arith.muli %add3A_193, %mul3A_194 : i32
        %dma_start3A_196 = arith.constant 0 : i32
        %dma_start3A_197 = arith.constant 0 : i32
        %dma_start3A_198 = tpu.memref_slice %arg8[%dma_start3A_196, %dma_start3A_197] : memref<80x128xf32, #tpu.memory_space<vmem>> -> memref<40x128xf32, #tpu.memory_space<vmem>>
        %dma_start3A_199 = tpu.memref_slice %arg6[%mul3A_195] : memref<10000xi32, #tpu.memory_space<vmem>> -> memref<40xi32, #tpu.memory_space<vmem>>
        %dma_start3A_200 = arith.constant 0 : i32
        %dma_start3A_201 = arith.constant 0 : i32
        %dma_start3A_202 = tpu.memref_slice %arg2[%dma_start3A_200, %dma_start3A_201] : memref<10000x128xf32, #tpu.memory_space<hbm>> -> memref<10000x128xf32, #tpu.memory_space<hbm>>
        tpu.enqueue_indirect_dma source(%dma_start3A_202 : memref<10000x128xf32, #tpu.memory_space<hbm>>) target(%dma_start3A_198 : memref<40x128xf32, #tpu.memory_space<vmem>>) offsets(%dma_start3A_199 : memref<40xi32, #tpu.memory_space<vmem>>) semaphore(%arg11 : memref<!tpu.dma_semaphore, #tpu.memory_space<semaphore_mem>>)
      } else {
      }
      %add3A_164 = arith.constant 5 : i32
      %add3A_165 = arith.addi %mul3A_95, %add3A_164 : i32
      %lt3A_166 = arith.constant 250 : i32
      %lt3A_167 = arith.cmpi slt, %add3A_165, %lt3A_166 : i32
      %convert_element_type3A_168 = arith.extui %lt3A_167 : i1 to i32
      %cond3A_169 = arith.constant 0 : i32
      %cond3A_170 = arith.cmpi ne, %convert_element_type3A_168, %cond3A_169 : i32
      scf.if %cond3A_170 {
        %add3A_192 = arith.constant 5 : i32
        %add3A_193 = arith.addi %mul3A_95, %add3A_192 : i32
        %mul3A_194 = arith.constant 40 : i32
        %mul3A_195 = arith.muli %add3A_193, %mul3A_194 : i32
        %dma_start3A_196 = arith.constant 40 : i32
        %dma_start3A_197 = arith.constant 0 : i32
        %dma_start3A_198 = tpu.memref_slice %arg8[%dma_start3A_196, %dma_start3A_197] : memref<80x128xf32, #tpu.memory_space<vmem>> -> memref<40x128xf32, #tpu.memory_space<vmem>>
        %dma_start3A_199 = tpu.memref_slice %arg6[%mul3A_195] : memref<10000xi32, #tpu.memory_space<vmem>> -> memref<40xi32, #tpu.memory_space<vmem>>
        %dma_start3A_200 = arith.constant 0 : i32
        %dma_start3A_201 = arith.constant 0 : i32
        %dma_start3A_202 = tpu.memref_slice %arg2[%dma_start3A_200, %dma_start3A_201] : memref<10000x128xf32, #tpu.memory_space<hbm>> -> memref<10000x128xf32, #tpu.memory_space<hbm>>
        tpu.enqueue_indirect_dma source(%dma_start3A_202 : memref<10000x128xf32, #tpu.memory_space<hbm>>) target(%dma_start3A_198 : memref<40x128xf32, #tpu.memory_space<vmem>>) offsets(%dma_start3A_199 : memref<40xi32, #tpu.memory_space<vmem>>) semaphore(%arg12 : memref<!tpu.dma_semaphore, #tpu.memory_space<semaphore_mem>>)
      } else {
      }
      %dma_wait3A_171 = arith.constant 0 : i32
      %dma_wait3A_172 = tpu.memref_slice %arg7[%add3A_99, %dma_wait3A_171] : memref<125x80xi32, #tpu.memory_space<vmem>> -> memref<1x80xi32, #tpu.memory_space<vmem>>
      %dma_wait3A_173 = tpu.memref_squeeze %dma_wait3A_172 : memref<1x80xi32, #tpu.memory_space<vmem>> -> memref<80xi32, #tpu.memory_space<vmem>>
      %dma_wait3A_174 = arith.constant 0 : i32
      %dma_wait3A_175 = arith.constant 0 : i32
      %dma_wait3A_176 = tpu.memref_slice %arg10[%dma_wait3A_174, %dma_wait3A_175] : memref<10112x128xf32, #tpu.memory_space<vmem_shared>> -> memref<10112x128xf32, #tpu.memory_space<vmem_shared>>
      tpu.wait_indirect_dma semaphore(%arg16 : memref<!tpu.dma_semaphore, #tpu.memory_space<semaphore_mem>>) src(%arg9 : memref<80x128xf32, #tpu.memory_space<vmem>>) dst(%dma_wait3A_176 : memref<10112x128xf32, #tpu.memory_space<vmem_shared>>)
      %add3A_177 = arith.constant 6 : i32
      %add3A_178 = arith.addi %mul3A_95, %add3A_177 : i32
      %lt3A_179 = arith.constant 250 : i32
      %lt3A_180 = arith.cmpi slt, %add3A_178, %lt3A_179 : i32
      %convert_element_type3A_181 = arith.extui %lt3A_180 : i1 to i32
      %cond3A_182 = arith.constant 0 : i32
      %cond3A_183 = arith.cmpi ne, %convert_element_type3A_181, %cond3A_182 : i32
      scf.if %cond3A_183 {
        %add3A_192 = arith.constant 6 : i32
        %add3A_193 = arith.addi %mul3A_95, %add3A_192 : i32
        %mul3A_194 = arith.constant 40 : i32
        %mul3A_195 = arith.muli %add3A_193, %mul3A_194 : i32
        %dma_start3A_196 = arith.constant 0 : i32
        %dma_start3A_197 = arith.constant 0 : i32
        %dma_start3A_198 = tpu.memref_slice %arg9[%dma_start3A_196, %dma_start3A_197] : memref<80x128xf32, #tpu.memory_space<vmem>> -> memref<40x128xf32, #tpu.memory_space<vmem>>
        %dma_start3A_199 = tpu.memref_slice %arg6[%mul3A_195] : memref<10000xi32, #tpu.memory_space<vmem>> -> memref<40xi32, #tpu.memory_space<vmem>>
        %dma_start3A_200 = arith.constant 0 : i32
        %dma_start3A_201 = arith.constant 0 : i32
        %dma_start3A_202 = tpu.memref_slice %arg2[%dma_start3A_200, %dma_start3A_201] : memref<10000x128xf32, #tpu.memory_space<hbm>> -> memref<10000x128xf32, #tpu.memory_space<hbm>>
        tpu.enqueue_indirect_dma source(%dma_start3A_202 : memref<10000x128xf32, #tpu.memory_space<hbm>>) target(%dma_start3A_198 : memref<40x128xf32, #tpu.memory_space<vmem>>) offsets(%dma_start3A_199 : memref<40xi32, #tpu.memory_space<vmem>>) semaphore(%arg13 : memref<!tpu.dma_semaphore, #tpu.memory_space<semaphore_mem>>)
      } else {
      }
      %add3A_184 = arith.constant 7 : i32
      %add3A_185 = arith.addi %mul3A_95, %add3A_184 : i32
      %lt3A_186 = arith.constant 250 : i32
      %lt3A_187 = arith.cmpi slt, %add3A_185, %lt3A_186 : i32
      %convert_element_type3A_188 = arith.extui %lt3A_187 : i1 to i32
      %cond3A_189 = arith.constant 0 : i32
      %cond3A_190 = arith.cmpi ne, %convert_element_type3A_188, %cond3A_189 : i32
      scf.if %cond3A_190 {
        %add3A_192 = arith.constant 7 : i32
        %add3A_193 = arith.addi %mul3A_95, %add3A_192 : i32
        %mul3A_194 = arith.constant 40 : i32
        %mul3A_195 = arith.muli %add3A_193, %mul3A_194 : i32
        %dma_start3A_196 = arith.constant 40 : i32
        %dma_start3A_197 = arith.constant 0 : i32
        %dma_start3A_198 = tpu.memref_slice %arg9[%dma_start3A_196, %dma_start3A_197] : memref<80x128xf32, #tpu.memory_space<vmem>> -> memref<40x128xf32, #tpu.memory_space<vmem>>
        %dma_start3A_199 = tpu.memref_slice %arg6[%mul3A_195] : memref<10000xi32, #tpu.memory_space<vmem>> -> memref<40xi32, #tpu.memory_space<vmem>>
        %dma_start3A_200 = arith.constant 0 : i32
        %dma_start3A_201 = arith.constant 0 : i32
        %dma_start3A_202 = tpu.memref_slice %arg2[%dma_start3A_200, %dma_start3A_201] : memref<10000x128xf32, #tpu.memory_space<hbm>> -> memref<10000x128xf32, #tpu.memory_space<hbm>>
        tpu.enqueue_indirect_dma source(%dma_start3A_202 : memref<10000x128xf32, #tpu.memory_space<hbm>>) target(%dma_start3A_198 : memref<40x128xf32, #tpu.memory_space<vmem>>) offsets(%dma_start3A_199 : memref<40xi32, #tpu.memory_space<vmem>>) semaphore(%arg14 : memref<!tpu.dma_semaphore, #tpu.memory_space<semaphore_mem>>)
      } else {
      }
      %scan3A_191 = arith.constant 0 : i32
      scf.yield %scan3A_191 : i32
    }
    %scan3A_57 = arith.constant 62 : i32
    %dma_wait3A = arith.constant 0 : i32
    %dma_wait3A_58 = arith.constant 0 : i32
    %dma_wait3A_59 = tpu.memref_slice %arg8[%dma_wait3A, %dma_wait3A_58] : memref<80x128xf32, #tpu.memory_space<vmem>> -> memref<40x128xf32, #tpu.memory_space<vmem>>
    %dma_wait3A_60 = arith.constant 9920 : i32
    %dma_wait3A_61 = tpu.memref_slice %arg6[%dma_wait3A_60] : memref<10000xi32, #tpu.memory_space<vmem>> -> memref<40xi32, #tpu.memory_space<vmem>>
    %dma_wait3A_62 = arith.constant 0 : i32
    %dma_wait3A_63 = arith.constant 0 : i32
    %dma_wait3A_64 = tpu.memref_slice %arg2[%dma_wait3A_62, %dma_wait3A_63] : memref<10000x128xf32, #tpu.memory_space<hbm>> -> memref<10000x128xf32, #tpu.memory_space<hbm>>
    tpu.wait_indirect_dma semaphore(%arg11 : memref<!tpu.dma_semaphore, #tpu.memory_space<semaphore_mem>>) src(%dma_wait3A_64 : memref<10000x128xf32, #tpu.memory_space<hbm>>) dst(%dma_wait3A_59 : memref<40x128xf32, #tpu.memory_space<vmem>>)
    %dma_wait3A_65 = arith.constant 40 : i32
    %dma_wait3A_66 = arith.constant 0 : i32
    %dma_wait3A_67 = tpu.memref_slice %arg8[%dma_wait3A_65, %dma_wait3A_66] : memref<80x128xf32, #tpu.memory_space<vmem>> -> memref<40x128xf32, #tpu.memory_space<vmem>>
    %dma_wait3A_68 = arith.constant 9960 : i32
    %dma_wait3A_69 = tpu.memref_slice %arg6[%dma_wait3A_68] : memref<10000xi32, #tpu.memory_space<vmem>> -> memref<40xi32, #tpu.memory_space<vmem>>
    %dma_wait3A_70 = arith.constant 0 : i32
    %dma_wait3A_71 = arith.constant 0 : i32
    %dma_wait3A_72 = tpu.memref_slice %arg2[%dma_wait3A_70, %dma_wait3A_71] : memref<10000x128xf32, #tpu.memory_space<hbm>> -> memref<10000x128xf32, #tpu.memory_space<hbm>>
    tpu.wait_indirect_dma semaphore(%arg12 : memref<!tpu.dma_semaphore, #tpu.memory_space<semaphore_mem>>) src(%dma_wait3A_72 : memref<10000x128xf32, #tpu.memory_space<hbm>>) dst(%dma_wait3A_67 : memref<40x128xf32, #tpu.memory_space<vmem>>)
    %dma_start3A_73 = arith.constant 124 : i32
    %dma_start3A_74 = arith.constant 0 : i32
    %dma_start3A_75 = tpu.memref_slice %arg7[%dma_start3A_73, %dma_start3A_74] : memref<125x80xi32, #tpu.memory_space<vmem>> -> memref<1x80xi32, #tpu.memory_space<vmem>>
    %dma_start3A_76 = tpu.memref_squeeze %dma_start3A_75 : memref<1x80xi32, #tpu.memory_space<vmem>> -> memref<80xi32, #tpu.memory_space<vmem>>
    %dma_start3A_77 = arith.constant 0 : i32
    %dma_start3A_78 = arith.constant 0 : i32
    %dma_start3A_79 = tpu.memref_slice %arg10[%dma_start3A_77, %dma_start3A_78] : memref<10112x128xf32, #tpu.memory_space<vmem_shared>> -> memref<10112x128xf32, #tpu.memory_space<vmem_shared>>
    tpu.enqueue_indirect_dma source(%arg8 : memref<80x128xf32, #tpu.memory_space<vmem>>) target(%dma_start3A_79 : memref<10112x128xf32, #tpu.memory_space<vmem_shared>>) offsets(%dma_start3A_76 : memref<80xi32, #tpu.memory_space<vmem>>) semaphore(%arg15 : memref<!tpu.dma_semaphore, #tpu.memory_space<semaphore_mem>>) {add = true}
    %dma_wait3A_80 = arith.constant 124 : i32
    %dma_wait3A_81 = arith.constant 0 : i32
    %dma_wait3A_82 = tpu.memref_slice %arg7[%dma_wait3A_80, %dma_wait3A_81] : memref<125x80xi32, #tpu.memory_space<vmem>> -> memref<1x80xi32, #tpu.memory_space<vmem>>
    %dma_wait3A_83 = tpu.memref_squeeze %dma_wait3A_82 : memref<1x80xi32, #tpu.memory_space<vmem>> -> memref<80xi32, #tpu.memory_space<vmem>>
    %dma_wait3A_84 = arith.constant 0 : i32
    %dma_wait3A_85 = arith.constant 0 : i32
    %dma_wait3A_86 = tpu.memref_slice %arg10[%dma_wait3A_84, %dma_wait3A_85] : memref<10112x128xf32, #tpu.memory_space<vmem_shared>> -> memref<10112x128xf32, #tpu.memory_space<vmem_shared>>
    tpu.wait_indirect_dma semaphore(%arg15 : memref<!tpu.dma_semaphore, #tpu.memory_space<semaphore_mem>>) src(%arg8 : memref<80x128xf32, #tpu.memory_space<vmem>>) dst(%dma_wait3A_86 : memref<10112x128xf32, #tpu.memory_space<vmem_shared>>)
    %barrier3A_87 = arith.constant 0 : index
    tpu.barrier barrier_id(%barrier3A_87)
    %mul3A_88 = arith.constant 632 : i32
    %mul3A_89 = arith.muli %arg1, %mul3A_88 : i32
    %mul3A_90 = arith.constant 632 : i32
    %mul3A_91 = arith.muli %arg1, %mul3A_90 : i32
    "tpu.region"() ({
      %run_scoped3A = tpu.sem_alloc : memref<!tpu.dma_semaphore, #tpu.memory_space<semaphore_mem>>
      %dma_start3A_92 = arith.constant 0 : i32
      %dma_start3A_93 = tpu.memref_slice %arg5[%arg0, %mul3A_91, %dma_start3A_92] : memref<2x10112x128xf32, #tpu.memory_space<hbm>> -> memref<1x632x128xf32, #tpu.memory_space<hbm>>
      %dma_start3A_94 = tpu.memref_squeeze %dma_start3A_93 : memref<1x632x128xf32, #tpu.memory_space<hbm>> -> memref<632x128xf32, #tpu.memory_space<hbm>>
      %dma_start3A_95 = arith.constant 0 : i32
      %dma_start3A_96 = tpu.memref_slice %arg10[%mul3A_89, %dma_start3A_95] : memref<10112x128xf32, #tpu.memory_space<vmem_shared>> -> memref<632x128xf32, #tpu.memory_space<vmem_shared>>
      tpu.enqueue_dma source(%dma_start3A_96 : memref<632x128xf32, #tpu.memory_space<vmem_shared>>) target(%dma_start3A_94 : memref<632x128xf32, #tpu.memory_space<hbm>>) target_semaphore(%run_scoped3A : memref<!tpu.dma_semaphore, #tpu.memory_space<semaphore_mem>>)
      %dma_wait3A_97 = arith.constant 0 : i32
      %dma_wait3A_98 = tpu.memref_slice %arg5[%arg0, %mul3A_91, %dma_wait3A_97] : memref<2x10112x128xf32, #tpu.memory_space<hbm>> -> memref<1x632x128xf32, #tpu.memory_space<hbm>>
      %dma_wait3A_99 = tpu.memref_squeeze %dma_wait3A_98 : memref<1x632x128xf32, #tpu.memory_space<hbm>> -> memref<632x128xf32, #tpu.memory_space<hbm>>
      %dma_wait3A_100 = arith.constant 0 : i32
      %dma_wait3A_101 = tpu.memref_slice %arg10[%mul3A_89, %dma_wait3A_100] : memref<10112x128xf32, #tpu.memory_space<vmem_shared>> -> memref<632x128xf32, #tpu.memory_space<vmem_shared>>
      tpu.wait_dma2 semaphore(%run_scoped3A : memref<!tpu.dma_semaphore, #tpu.memory_space<semaphore_mem>>) src(%dma_wait3A_101 : memref<632x128xf32, #tpu.memory_space<vmem_shared>>) dst(%dma_wait3A_99 : memref<632x128xf32, #tpu.memory_space<hbm>>)
      tpu.yield
    }) : () -> ()
    return
  }
}

module attributes {stable_mosaic.version = 14 : i64} {
  func.func @_deg_finish_body(%arg0: memref<32x10112xf32, #tpu.memory_space<vmem>>, %arg1: memref<10112xf32, #tpu.memory_space<vmem>>, %arg2: memref<10112xf32, #tpu.memory_space<vmem>>) attributes {dimension_semantics = [], scalar_prefetch = 0 : i64, scratch_operands = 0 : i64, tpu.core_type = #tpu.core_type<tc>} {
    %get3A = arith.constant 0 : index
    %get3A_0 = arith.constant 0 : index
    %get3A_1 = vector.load %arg0[%get3A, %get3A_0] : memref<32x10112xf32, #tpu.memory_space<vmem>>, vector<32x10112xf32>
    %reduce_sum3A = arith.constant dense<0.000000e+00> : vector<10112xf32>
    %reduce_sum3A_2 = vector.multi_reduction <add>, %get3A_1, %reduce_sum3A [0] : vector<32x10112xf32> to vector<10112xf32>
    %add3A = arith.constant 1.000000e+00 : f32
    %add3A_3 = vector.broadcast %add3A : f32 to vector<10112xf32>
    %add3A_4 = arith.addf %reduce_sum3A_2, %add3A_3 : vector<10112xf32>
    %rsqrt3A = math.rsqrt %add3A_4 : vector<10112xf32>
    %swap3A = arith.constant 0 : index
    %swap3A_5 = vector.load %arg1[%swap3A] : memref<10112xf32, #tpu.memory_space<vmem>>, vector<10112xf32>
    tpu.vector_store %arg1[%swap3A], %rsqrt3A {strides = array<i32>} : memref<10112xf32, #tpu.memory_space<vmem>>, vector<10112xf32>,
    %div3A = arith.constant 1.000000e+00 : f32
    %div3A_6 = vector.broadcast %div3A : f32 to vector<10112xf32>
    %div3A_7 = arith.divf %div3A_6, %add3A_4 : vector<10112xf32>
    %swap3A_8 = arith.constant 0 : index
    %swap3A_9 = vector.load %arg2[%swap3A_8] : memref<10112xf32, #tpu.memory_space<vmem>>, vector<10112xf32>
    tpu.vector_store %arg2[%swap3A_8], %div3A_7 {strides = array<i32>} : memref<10112xf32, #tpu.memory_space<vmem>>, vector<10112xf32>,
    return
  }
}

module attributes {stable_mosaic.version = 14 : i64} {
  func.func @_in_pre_body(%arg0: i32, %arg1: memref<2048x128xf32, #tpu.memory_space<vmem>>, %arg2: memref<128x128xf32, #tpu.memory_space<vmem>>, %arg3: memref<128xf32, #tpu.memory_space<vmem>>, %arg4: memref<128x128xf32, #tpu.memory_space<vmem>>, %arg5: memref<2048x1xf32, #tpu.memory_space<vmem>>, %arg6: memref<2048x128xf32, #tpu.memory_space<vmem>>, %arg7: memref<2048x128xf32, #tpu.memory_space<vmem>>, %arg8: memref<2048x128xf32, #tpu.memory_space<vmem>>) attributes {dimension_semantics = [#tpu.dimension_semantics<arbitrary>], iteration_bounds = array<i64: 5>, scalar_prefetch = 0 : i64, scratch_operands = 0 : i64, tpu.core_type = #tpu.core_type<tc>, window_params = [{transform_indices = @transform_0, window_bounds = array<i64: 2048, 128>}, {pipeline_mode = #tpu.pipeline_mode<synchronous>, transform_indices = @transform_1, window_bounds = array<i64: 128, 128>}, {pipeline_mode = #tpu.pipeline_mode<synchronous>, transform_indices = @transform_2, window_bounds = array<i64: 128>}, {pipeline_mode = #tpu.pipeline_mode<synchronous>, transform_indices = @transform_3, window_bounds = array<i64: 128, 128>}, {transform_indices = @transform_4, window_bounds = array<i64: 2048, 1>}, {transform_indices = @transform_5, window_bounds = array<i64: 2048, 128>}, {transform_indices = @transform_6, window_bounds = array<i64: 2048, 128>}, {transform_indices = @transform_7, window_bounds = array<i64: 2048, 128>}]} {
    %get3A = arith.constant 0 : index
    %get3A_0 = arith.constant 0 : index
    %get3A_1 = vector.load %arg1[%get3A, %get3A_0] : memref<2048x128xf32, #tpu.memory_space<vmem>>, vector<2048x128xf32>
    %get3A_2 = arith.constant 0 : index
    %get3A_3 = arith.constant 0 : index
    %get3A_4 = vector.load %arg2[%get3A_2, %get3A_3] : memref<128x128xf32, #tpu.memory_space<vmem>>, vector<128x128xf32>
    %dot_general3A = arith.constant dense<0.000000e+00> : vector<2048x128xf32>
    %dot_general3A_5 = tpu.matmul %get3A_1, %get3A_4, %dot_general3A {dimension_numbers = #tpu.dot_dimension_numbers<[1], [0], [0], [1], [0, 0, 1, 1], [], []>, transpose_lhs_hint = false} : vector<2048x128xf32>, vector<128x128xf32>, vector<2048x128xf32> -> vector<2048x128xf32>
    %get3A_6 = arith.constant 0 : index
    %get3A_7 = vector.load %arg3[%get3A_6] : memref<128xf32, #tpu.memory_space<vmem>>, vector<128xf32>
    %broadcast_in_dim3A = vector.shape_cast %get3A_7 : vector<128xf32> to vector<1x128xf32>
    %add3A = vector.broadcast %broadcast_in_dim3A : vector<1x128xf32> to vector<2048x128xf32>
    %add3A_8 = arith.addf %dot_general3A_5, %add3A : vector<2048x128xf32>
    %max3A = arith.constant 0.000000e+00 : f32
    %max3A_9 = vector.broadcast %max3A : f32 to vector<2048x128xf32>
    %max3A_10 = arith.maximumf %add3A_8, %max3A_9 : vector<2048x128xf32>
    %swap3A = arith.constant 0 : index
    %swap3A_11 = arith.constant 0 : index
    %swap3A_12 = vector.load %arg6[%swap3A, %swap3A_11] : memref<2048x128xf32, #tpu.memory_space<vmem>>, vector<2048x128xf32>
    tpu.vector_store %arg6[%swap3A, %swap3A_11], %max3A_10 {strides = array<i32>} : memref<2048x128xf32, #tpu.memory_space<vmem>>, vector<2048x128xf32>,
    %get3A_13 = arith.constant 0 : index
    %get3A_14 = arith.constant 0 : index
    %get3A_15 = vector.load %arg4[%get3A_13, %get3A_14] : memref<128x128xf32, #tpu.memory_space<vmem>>, vector<128x128xf32>
    %dot_general3A_16 = arith.constant dense<0.000000e+00> : vector<2048x128xf32>
    %dot_general3A_17 = tpu.matmul %max3A_10, %get3A_15, %dot_general3A_16 {dimension_numbers = #tpu.dot_dimension_numbers<[1], [0], [0], [1], [0, 0, 1, 1], [], []>, transpose_lhs_hint = false} : vector<2048x128xf32>, vector<128x128xf32>, vector<2048x128xf32> -> vector<2048x128xf32>
    %logistic3A = arith.negf %dot_general3A_17 : vector<2048x128xf32>
    %logistic3A_18 = math.exp %logistic3A : vector<2048x128xf32>
    %logistic3A_19 = arith.constant 1.000000e+00 : f32
    %logistic3A_20 = vector.broadcast %logistic3A_19 : f32 to vector<2048x128xf32>
    %logistic3A_21 = arith.addf %logistic3A_20, %logistic3A_18 : vector<2048x128xf32>
    %logistic3A_22 = arith.divf %logistic3A_20, %logistic3A_21 : vector<2048x128xf32>
    %swap3A_23 = arith.constant 0 : index
    %swap3A_24 = arith.constant 0 : index
    %swap3A_25 = vector.load %arg7[%swap3A_23, %swap3A_24] : memref<2048x128xf32, #tpu.memory_space<vmem>>, vector<2048x128xf32>
    tpu.vector_store %arg7[%swap3A_23, %swap3A_24], %logistic3A_22 {strides = array<i32>} : memref<2048x128xf32, #tpu.memory_space<vmem>>, vector<2048x128xf32>,
    %get3A_26 = arith.constant 0 : index
    %get3A_27 = arith.constant 0 : index
    %get3A_28 = vector.load %arg5[%get3A_26, %get3A_27] : memref<2048x1xf32, #tpu.memory_space<vmem>>, vector<2048x1xf32>
    %mul3A = vector.broadcast %get3A_28 : vector<2048x1xf32> to vector<2048x128xf32>
    %mul3A_29 = arith.mulf %mul3A, %logistic3A_22 : vector<2048x128xf32>
    %swap3A_30 = arith.constant 0 : index
    %swap3A_31 = arith.constant 0 : index
    %swap3A_32 = vector.load %arg8[%swap3A_30, %swap3A_31] : memref<2048x128xf32, #tpu.memory_space<vmem>>, vector<2048x128xf32>
    tpu.vector_store %arg8[%swap3A_30, %swap3A_31], %mul3A_29 {strides = array<i32>} : memref<2048x128xf32, #tpu.memory_space<vmem>>, vector<2048x128xf32>,
    return
  }
  func.func @transform_0(%arg0: i32) -> (i32, i32) {
    %c0_i32 = arith.constant 0 : i32
    %c0_i32_0 = arith.constant 0 : i32
    return %arg0, %c0_i32 : i32, i32
  }
  func.func @transform_1(%arg0: i32) -> (i32, i32) {
    %c0_i32 = arith.constant 0 : i32
    %c0_i32_0 = arith.constant 0 : i32
    %c0_i32_1 = arith.constant 0 : i32
    return %c0_i32, %c0_i32_0 : i32, i32
  }
  func.func @transform_2(%arg0: i32) -> i32 {
    %c0_i32 = arith.constant 0 : i32
    %c0_i32_0 = arith.constant 0 : i32
    return %c0_i32 : i32
  }
  func.func @transform_3(%arg0: i32) -> (i32, i32) {
    %c0_i32 = arith.constant 0 : i32
    %c0_i32_0 = arith.constant 0 : i32
    %c0_i32_1 = arith.constant 0 : i32
    return %c0_i32, %c0_i32_0 : i32, i32
  }
  func.func @transform_4(%arg0: i32) -> (i32, i32) {
    %c0_i32 = arith.constant 0 : i32
    %c0_i32_0 = arith.constant 0 : i32
    return %arg0, %c0_i32 : i32, i32
  }
  func.func @transform_5(%arg0: i32) -> (i32, i32) {
    %c0_i32 = arith.constant 0 : i32
    %c0_i32_0 = arith.constant 0 : i32
    return %arg0, %c0_i32 : i32, i32
  }
  func.func @transform_6(%arg0: i32) -> (i32, i32) {
    %c0_i32 = arith.constant 0 : i32
    %c0_i32_0 = arith.constant 0 : i32
    return %arg0, %c0_i32 : i32, i32
  }
  func.func @transform_7(%arg0: i32) -> (i32, i32) {
    %c0_i32 = arith.constant 0 : i32
    %c0_i32_0 = arith.constant 0 : i32
    return %arg0, %c0_i32 : i32, i32
  }
}

module attributes {stable_mosaic.version = 14 : i64} {
  func.func @_combine0_body(%arg0: i32, %arg1: memref<2x2048x128xf32, #tpu.memory_space<vmem>>, %arg2: memref<2048x128xf32, #tpu.memory_space<vmem>>, %arg3: memref<2048x128xf32, #tpu.memory_space<vmem>>, %arg4: memref<128x128xf32, #tpu.memory_space<vmem>>, %arg5: memref<2048x1xf32, #tpu.memory_space<vmem>>, %arg6: memref<2048x1xf32, #tpu.memory_space<vmem>>, %arg7: memref<2048x128xf32, #tpu.memory_space<vmem>>, %arg8: memref<2048x128xf32, #tpu.memory_space<vmem>>) attributes {dimension_semantics = [#tpu.dimension_semantics<arbitrary>], iteration_bounds = array<i64: 5>, scalar_prefetch = 0 : i64, scratch_operands = 0 : i64, tpu.core_type = #tpu.core_type<tc>, window_params = [{transform_indices = @transform_0, window_bounds = array<i64: 2, 2048, 128>}, {transform_indices = @transform_1, window_bounds = array<i64: 2048, 128>}, {transform_indices = @transform_2, window_bounds = array<i64: 2048, 128>}, {pipeline_mode = #tpu.pipeline_mode<synchronous>, transform_indices = @transform_3, window_bounds = array<i64: 128, 128>}, {transform_indices = @transform_4, window_bounds = array<i64: 2048, 1>}, {transform_indices = @transform_5, window_bounds = array<i64: 2048, 1>}, {transform_indices = @transform_6, window_bounds = array<i64: 2048, 128>}, {transform_indices = @transform_7, window_bounds = array<i64: 2048, 128>}]} {
    %get3A = arith.constant 0 : index
    %get3A_0 = arith.constant 0 : index
    %get3A_1 = vector.load %arg5[%get3A, %get3A_0] : memref<2048x1xf32, #tpu.memory_space<vmem>>, vector<2048x1xf32>
    %get3A_2 = arith.constant 0 : index
    %get3A_3 = arith.constant 0 : index
    %get3A_4 = arith.constant 0 : index
    %get3A_5 = vector.load %arg1[%get3A_2, %get3A_3, %get3A_4] : memref<2x2048x128xf32, #tpu.memory_space<vmem>>, vector<1x2048x128xf32>
    %get3A_6 = vector.shape_cast %get3A_5 : vector<1x2048x128xf32> to vector<2048x128xf32>
    %get3A_7 = arith.constant 1 : index
    %get3A_8 = arith.constant 0 : index
    %get3A_9 = arith.constant 0 : index
    %get3A_10 = vector.load %arg1[%get3A_7, %get3A_8, %get3A_9] : memref<2x2048x128xf32, #tpu.memory_space<vmem>>, vector<1x2048x128xf32>
    %get3A_11 = vector.shape_cast %get3A_10 : vector<1x2048x128xf32> to vector<2048x128xf32>
    %add3A = arith.addf %get3A_6, %get3A_11 : vector<2048x128xf32>
    %mul3A = vector.broadcast %get3A_1 : vector<2048x1xf32> to vector<2048x128xf32>
    %mul3A_12 = arith.mulf %mul3A, %add3A : vector<2048x128xf32>
    %get3A_13 = arith.constant 0 : index
    %get3A_14 = arith.constant 0 : index
    %get3A_15 = vector.load %arg6[%get3A_13, %get3A_14] : memref<2048x1xf32, #tpu.memory_space<vmem>>, vector<2048x1xf32>
    %get3A_16 = arith.constant 0 : index
    %get3A_17 = arith.constant 0 : index
    %get3A_18 = vector.load %arg2[%get3A_16, %get3A_17] : memref<2048x128xf32, #tpu.memory_space<vmem>>, vector<2048x128xf32>
    %mul3A_19 = vector.broadcast %get3A_15 : vector<2048x1xf32> to vector<2048x128xf32>
    %mul3A_20 = arith.mulf %mul3A_19, %get3A_18 : vector<2048x128xf32>
    %add3A_21 = arith.addf %mul3A_12, %mul3A_20 : vector<2048x128xf32>
    %get3A_22 = arith.constant 0 : index
    %get3A_23 = arith.constant 0 : index
    %get3A_24 = vector.load %arg4[%get3A_22, %get3A_23] : memref<128x128xf32, #tpu.memory_space<vmem>>, vector<128x128xf32>
    %dot_general3A = arith.constant dense<0.000000e+00> : vector<2048x128xf32>
    %dot_general3A_25 = tpu.matmul %add3A_21, %get3A_24, %dot_general3A {dimension_numbers = #tpu.dot_dimension_numbers<[1], [0], [0], [1], [0, 0, 1, 1], [], []>, transpose_lhs_hint = false} : vector<2048x128xf32>, vector<128x128xf32>, vector<2048x128xf32> -> vector<2048x128xf32>
    %get3A_26 = arith.constant 0 : index
    %get3A_27 = arith.constant 0 : index
    %get3A_28 = vector.load %arg3[%get3A_26, %get3A_27] : memref<2048x128xf32, #tpu.memory_space<vmem>>, vector<2048x128xf32>
    %mul3A_29 = arith.mulf %get3A_28, %get3A_28 : vector<2048x128xf32>
    %mul3A_30 = arith.mulf %mul3A_29, %dot_general3A_25 : vector<2048x128xf32>
    %swap3A = arith.constant 0 : index
    %swap3A_31 = arith.constant 0 : index
    %swap3A_32 = vector.load %arg7[%swap3A, %swap3A_31] : memref<2048x128xf32, #tpu.memory_space<vmem>>, vector<2048x128xf32>
    tpu.vector_store %arg7[%swap3A, %swap3A_31], %mul3A_30 {strides = array<i32>} : memref<2048x128xf32, #tpu.memory_space<vmem>>, vector<2048x128xf32>,
    %get3A_33 = arith.constant 0 : index
    %get3A_34 = arith.constant 0 : index
    %get3A_35 = vector.load %arg5[%get3A_33, %get3A_34] : memref<2048x1xf32, #tpu.memory_space<vmem>>, vector<2048x1xf32>
    %mul3A_36 = vector.broadcast %get3A_35 : vector<2048x1xf32> to vector<2048x128xf32>
    %mul3A_37 = arith.mulf %mul3A_36, %mul3A_30 : vector<2048x128xf32>
    %swap3A_38 = arith.constant 0 : index
    %swap3A_39 = arith.constant 0 : index
    %swap3A_40 = vector.load %arg8[%swap3A_38, %swap3A_39] : memref<2048x128xf32, #tpu.memory_space<vmem>>, vector<2048x128xf32>
    tpu.vector_store %arg8[%swap3A_38, %swap3A_39], %mul3A_37 {strides = array<i32>} : memref<2048x128xf32, #tpu.memory_space<vmem>>, vector<2048x128xf32>,
    return
  }
  func.func @transform_0(%arg0: i32) -> (i32, i32, i32) {
    %c0_i32 = arith.constant 0 : i32
    %c0_i32_0 = arith.constant 0 : i32
    %c0_i32_1 = arith.constant 0 : i32
    return %c0_i32, %arg0, %c0_i32_0 : i32, i32, i32
  }
  func.func @transform_1(%arg0: i32) -> (i32, i32) {
    %c0_i32 = arith.constant 0 : i32
    %c0_i32_0 = arith.constant 0 : i32
    return %arg0, %c0_i32 : i32, i32
  }
  func.func @transform_2(%arg0: i32) -> (i32, i32) {
    %c0_i32 = arith.constant 0 : i32
    %c0_i32_0 = arith.constant 0 : i32
    return %arg0, %c0_i32 : i32, i32
  }
  func.func @transform_3(%arg0: i32) -> (i32, i32) {
    %c0_i32 = arith.constant 0 : i32
    %c0_i32_0 = arith.constant 0 : i32
    %c0_i32_1 = arith.constant 0 : i32
    return %c0_i32, %c0_i32_0 : i32, i32
  }
  func.func @transform_4(%arg0: i32) -> (i32, i32) {
    %c0_i32 = arith.constant 0 : i32
    %c0_i32_0 = arith.constant 0 : i32
    return %arg0, %c0_i32 : i32, i32
  }
  func.func @transform_5(%arg0: i32) -> (i32, i32) {
    %c0_i32 = arith.constant 0 : i32
    %c0_i32_0 = arith.constant 0 : i32
    return %arg0, %c0_i32 : i32, i32
  }
  func.func @transform_6(%arg0: i32) -> (i32, i32) {
    %c0_i32 = arith.constant 0 : i32
    %c0_i32_0 = arith.constant 0 : i32
    return %arg0, %c0_i32 : i32, i32
  }
  func.func @transform_7(%arg0: i32) -> (i32, i32) {
    %c0_i32 = arith.constant 0 : i32
    %c0_i32_0 = arith.constant 0 : i32
    return %arg0, %c0_i32 : i32, i32
  }
}

module attributes {stable_mosaic.version = 14 : i64} {
  func.func @_combine1_pre_body(%arg0: i32, %arg1: memref<2x2048x128xf32, #tpu.memory_space<vmem>>, %arg2: memref<2048x128xf32, #tpu.memory_space<vmem>>, %arg3: memref<2048x128xf32, #tpu.memory_space<vmem>>, %arg4: memref<128x128xf32, #tpu.memory_space<vmem>>, %arg5: memref<2048x1xf32, #tpu.memory_space<vmem>>, %arg6: memref<2048x1xf32, #tpu.memory_space<vmem>>, %arg7: memref<2048x128xf32, #tpu.memory_space<vmem>>, %arg8: memref<128x128xf32, #tpu.memory_space<vmem>>, %arg9: memref<2048x128xf32, #tpu.memory_space<vmem>>, %arg10: memref<2048x128xf32, #tpu.memory_space<vmem>>, %arg11: memref<2048x128xf32, #tpu.memory_space<vmem>>) attributes {dimension_semantics = [#tpu.dimension_semantics<arbitrary>], iteration_bounds = array<i64: 5>, scalar_prefetch = 0 : i64, scratch_operands = 0 : i64, tpu.core_type = #tpu.core_type<tc>, window_params = [{transform_indices = @transform_0, window_bounds = array<i64: 2, 2048, 128>}, {transform_indices = @transform_1, window_bounds = array<i64: 2048, 128>}, {transform_indices = @transform_2, window_bounds = array<i64: 2048, 128>}, {pipeline_mode = #tpu.pipeline_mode<synchronous>, transform_indices = @transform_3, window_bounds = array<i64: 128, 128>}, {transform_indices = @transform_4, window_bounds = array<i64: 2048, 1>}, {transform_indices = @transform_5, window_bounds = array<i64: 2048, 1>}, {transform_indices = @transform_6, window_bounds = array<i64: 2048, 128>}, {pipeline_mode = #tpu.pipeline_mode<synchronous>, transform_indices = @transform_7, window_bounds = array<i64: 128, 128>}, {transform_indices = @transform_8, window_bounds = array<i64: 2048, 128>}, {transform_indices = @transform_9, window_bounds = array<i64: 2048, 128>}, {transform_indices = @transform_10, window_bounds = array<i64: 2048, 128>}]} {
    %get3A = arith.constant 0 : index
    %get3A_0 = arith.constant 0 : index
    %get3A_1 = vector.load %arg5[%get3A, %get3A_0] : memref<2048x1xf32, #tpu.memory_space<vmem>>, vector<2048x1xf32>
    %get3A_2 = arith.constant 0 : index
    %get3A_3 = arith.constant 0 : index
    %get3A_4 = arith.constant 0 : index
    %get3A_5 = vector.load %arg1[%get3A_2, %get3A_3, %get3A_4] : memref<2x2048x128xf32, #tpu.memory_space<vmem>>, vector<1x2048x128xf32>
    %get3A_6 = vector.shape_cast %get3A_5 : vector<1x2048x128xf32> to vector<2048x128xf32>
    %get3A_7 = arith.constant 1 : index
    %get3A_8 = arith.constant 0 : index
    %get3A_9 = arith.constant 0 : index
    %get3A_10 = vector.load %arg1[%get3A_7, %get3A_8, %get3A_9] : memref<2x2048x128xf32, #tpu.memory_space<vmem>>, vector<1x2048x128xf32>
    %get3A_11 = vector.shape_cast %get3A_10 : vector<1x2048x128xf32> to vector<2048x128xf32>
    %add3A = arith.addf %get3A_6, %get3A_11 : vector<2048x128xf32>
    %mul3A = vector.broadcast %get3A_1 : vector<2048x1xf32> to vector<2048x128xf32>
    %mul3A_12 = arith.mulf %mul3A, %add3A : vector<2048x128xf32>
    %get3A_13 = arith.constant 0 : index
    %get3A_14 = arith.constant 0 : index
    %get3A_15 = vector.load %arg6[%get3A_13, %get3A_14] : memref<2048x1xf32, #tpu.memory_space<vmem>>, vector<2048x1xf32>
    %get3A_16 = arith.constant 0 : index
    %get3A_17 = arith.constant 0 : index
    %get3A_18 = vector.load %arg2[%get3A_16, %get3A_17] : memref<2048x128xf32, #tpu.memory_space<vmem>>, vector<2048x128xf32>
    %mul3A_19 = vector.broadcast %get3A_15 : vector<2048x1xf32> to vector<2048x128xf32>
    %mul3A_20 = arith.mulf %mul3A_19, %get3A_18 : vector<2048x128xf32>
    %add3A_21 = arith.addf %mul3A_12, %mul3A_20 : vector<2048x128xf32>
    %get3A_22 = arith.constant 0 : index
    %get3A_23 = arith.constant 0 : index
    %get3A_24 = vector.load %arg4[%get3A_22, %get3A_23] : memref<128x128xf32, #tpu.memory_space<vmem>>, vector<128x128xf32>
    %dot_general3A = arith.constant dense<0.000000e+00> : vector<2048x128xf32>
    %dot_general3A_25 = tpu.matmul %add3A_21, %get3A_24, %dot_general3A {dimension_numbers = #tpu.dot_dimension_numbers<[1], [0], [0], [1], [0, 0, 1, 1], [], []>, transpose_lhs_hint = false} : vector<2048x128xf32>, vector<128x128xf32>, vector<2048x128xf32> -> vector<2048x128xf32>
    %get3A_26 = arith.constant 0 : index
    %get3A_27 = arith.constant 0 : index
    %get3A_28 = vector.load %arg3[%get3A_26, %get3A_27] : memref<2048x128xf32, #tpu.memory_space<vmem>>, vector<2048x128xf32>
    %mul3A_29 = arith.mulf %get3A_28, %dot_general3A_25 : vector<2048x128xf32>
    %max3A = arith.constant 0.000000e+00 : f32
    %max3A_30 = vector.broadcast %max3A : f32 to vector<2048x128xf32>
    %max3A_31 = arith.maximumf %mul3A_29, %max3A_30 : vector<2048x128xf32>
    %get3A_32 = arith.constant 0 : index
    %get3A_33 = arith.constant 0 : index
    %get3A_34 = vector.load %arg7[%get3A_32, %get3A_33] : memref<2048x128xf32, #tpu.memory_space<vmem>>, vector<2048x128xf32>
    %add3A_35 = arith.addf %max3A_31, %get3A_34 : vector<2048x128xf32>
    %swap3A = arith.constant 0 : index
    %swap3A_36 = arith.constant 0 : index
    %swap3A_37 = vector.load %arg9[%swap3A, %swap3A_36] : memref<2048x128xf32, #tpu.memory_space<vmem>>, vector<2048x128xf32>
    tpu.vector_store %arg9[%swap3A, %swap3A_36], %add3A_35 {strides = array<i32>} : memref<2048x128xf32, #tpu.memory_space<vmem>>, vector<2048x128xf32>,
    %get3A_38 = arith.constant 0 : index
    %get3A_39 = arith.constant 0 : index
    %get3A_40 = vector.load %arg8[%get3A_38, %get3A_39] : memref<128x128xf32, #tpu.memory_space<vmem>>, vector<128x128xf32>
    %dot_general3A_41 = arith.constant dense<0.000000e+00> : vector<2048x128xf32>
    %dot_general3A_42 = tpu.matmul %add3A_35, %get3A_40, %dot_general3A_41 {dimension_numbers = #tpu.dot_dimension_numbers<[1], [0], [0], [1], [0, 0, 1, 1], [], []>, transpose_lhs_hint = false} : vector<2048x128xf32>, vector<128x128xf32>, vector<2048x128xf32> -> vector<2048x128xf32>
    %logistic3A = arith.negf %dot_general3A_42 : vector<2048x128xf32>
    %logistic3A_43 = math.exp %logistic3A : vector<2048x128xf32>
    %logistic3A_44 = arith.constant 1.000000e+00 : f32
    %logistic3A_45 = vector.broadcast %logistic3A_44 : f32 to vector<2048x128xf32>
    %logistic3A_46 = arith.addf %logistic3A_45, %logistic3A_43 : vector<2048x128xf32>
    %logistic3A_47 = arith.divf %logistic3A_45, %logistic3A_46 : vector<2048x128xf32>
    %swap3A_48 = arith.constant 0 : index
    %swap3A_49 = arith.constant 0 : index
    %swap3A_50 = vector.load %arg10[%swap3A_48, %swap3A_49] : memref<2048x128xf32, #tpu.memory_space<vmem>>, vector<2048x128xf32>
    tpu.vector_store %arg10[%swap3A_48, %swap3A_49], %logistic3A_47 {strides = array<i32>} : memref<2048x128xf32, #tpu.memory_space<vmem>>, vector<2048x128xf32>,
    %get3A_51 = arith.constant 0 : index
    %get3A_52 = arith.constant 0 : index
    %get3A_53 = vector.load %arg5[%get3A_51, %get3A_52] : memref<2048x1xf32, #tpu.memory_space<vmem>>, vector<2048x1xf32>
    %mul3A_54 = vector.broadcast %get3A_53 : vector<2048x1xf32> to vector<2048x128xf32>
    %mul3A_55 = arith.mulf %mul3A_54, %logistic3A_47 : vector<2048x128xf32>
    %swap3A_56 = arith.constant 0 : index
    %swap3A_57 = arith.constant 0 : index
    %swap3A_58 = vector.load %arg11[%swap3A_56, %swap3A_57] : memref<2048x128xf32, #tpu.memory_space<vmem>>, vector<2048x128xf32>
    tpu.vector_store %arg11[%swap3A_56, %swap3A_57], %mul3A_55 {strides = array<i32>} : memref<2048x128xf32, #tpu.memory_space<vmem>>, vector<2048x128xf32>,
    return
  }
  func.func @transform_0(%arg0: i32) -> (i32, i32, i32) {
    %c0_i32 = arith.constant 0 : i32
    %c0_i32_0 = arith.constant 0 : i32
    %c0_i32_1 = arith.constant 0 : i32
    return %c0_i32, %arg0, %c0_i32_0 : i32, i32, i32
  }
  func.func @transform_1(%arg0: i32) -> (i32, i32) {
    %c0_i32 = arith.constant 0 : i32
    %c0_i32_0 = arith.constant 0 : i32
    return %arg0, %c0_i32 : i32, i32
  }
  func.func @transform_2(%arg0: i32) -> (i32, i32) {
    %c0_i32 = arith.constant 0 : i32
    %c0_i32_0 = arith.constant 0 : i32
    return %arg0, %c0_i32 : i32, i32
  }
  func.func @transform_3(%arg0: i32) -> (i32, i32) {
    %c0_i32 = arith.constant 0 : i32
    %c0_i32_0 = arith.constant 0 : i32
    %c0_i32_1 = arith.constant 0 : i32
    return %c0_i32, %c0_i32_0 : i32, i32
  }
  func.func @transform_4(%arg0: i32) -> (i32, i32) {
    %c0_i32 = arith.constant 0 : i32
    %c0_i32_0 = arith.constant 0 : i32
    return %arg0, %c0_i32 : i32, i32
  }
  func.func @transform_5(%arg0: i32) -> (i32, i32) {
    %c0_i32 = arith.constant 0 : i32
    %c0_i32_0 = arith.constant 0 : i32
    return %arg0, %c0_i32 : i32, i32
  }
  func.func @transform_6(%arg0: i32) -> (i32, i32) {
    %c0_i32 = arith.constant 0 : i32
    %c0_i32_0 = arith.constant 0 : i32
    return %arg0, %c0_i32 : i32, i32
  }
  func.func @transform_7(%arg0: i32) -> (i32, i32) {
    %c0_i32 = arith.constant 0 : i32
    %c0_i32_0 = arith.constant 0 : i32
    %c0_i32_1 = arith.constant 0 : i32
    return %c0_i32, %c0_i32_0 : i32, i32
  }
  func.func @transform_8(%arg0: i32) -> (i32, i32) {
    %c0_i32 = arith.constant 0 : i32
    %c0_i32_0 = arith.constant 0 : i32
    return %arg0, %c0_i32 : i32, i32
  }
  func.func @transform_9(%arg0: i32) -> (i32, i32) {
    %c0_i32 = arith.constant 0 : i32
    %c0_i32_0 = arith.constant 0 : i32
    return %arg0, %c0_i32 : i32, i32
  }
  func.func @transform_10(%arg0: i32) -> (i32, i32) {
    %c0_i32 = arith.constant 0 : i32
    %c0_i32_0 = arith.constant 0 : i32
    return %arg0, %c0_i32 : i32, i32
  }
}

module attributes {stable_mosaic.version = 14 : i64} {
  func.func @_combine1_pre_body(%arg0: i32, %arg1: memref<2x2048x128xf32, #tpu.memory_space<vmem>>, %arg2: memref<2048x128xf32, #tpu.memory_space<vmem>>, %arg3: memref<2048x128xf32, #tpu.memory_space<vmem>>, %arg4: memref<128x128xf32, #tpu.memory_space<vmem>>, %arg5: memref<2048x1xf32, #tpu.memory_space<vmem>>, %arg6: memref<2048x1xf32, #tpu.memory_space<vmem>>, %arg7: memref<2048x128xf32, #tpu.memory_space<vmem>>, %arg8: memref<128x128xf32, #tpu.memory_space<vmem>>, %arg9: memref<2048x128xf32, #tpu.memory_space<vmem>>, %arg10: memref<2048x128xf32, #tpu.memory_space<vmem>>, %arg11: memref<2048x128xf32, #tpu.memory_space<vmem>>) attributes {dimension_semantics = [#tpu.dimension_semantics<arbitrary>], iteration_bounds = array<i64: 5>, scalar_prefetch = 0 : i64, scratch_operands = 0 : i64, tpu.core_type = #tpu.core_type<tc>, window_params = [{transform_indices = @transform_0, window_bounds = array<i64: 2, 2048, 128>}, {transform_indices = @transform_1, window_bounds = array<i64: 2048, 128>}, {transform_indices = @transform_2, window_bounds = array<i64: 2048, 128>}, {pipeline_mode = #tpu.pipeline_mode<synchronous>, transform_indices = @transform_3, window_bounds = array<i64: 128, 128>}, {transform_indices = @transform_4, window_bounds = array<i64: 2048, 1>}, {transform_indices = @transform_5, window_bounds = array<i64: 2048, 1>}, {transform_indices = @transform_6, window_bounds = array<i64: 2048, 128>}, {pipeline_mode = #tpu.pipeline_mode<synchronous>, transform_indices = @transform_7, window_bounds = array<i64: 128, 128>}, {transform_indices = @transform_8, window_bounds = array<i64: 2048, 128>}, {transform_indices = @transform_9, window_bounds = array<i64: 2048, 128>}, {transform_indices = @transform_10, window_bounds = array<i64: 2048, 128>}]} {
    %get3A = arith.constant 0 : index
    %get3A_0 = arith.constant 0 : index
    %get3A_1 = vector.load %arg5[%get3A, %get3A_0] : memref<2048x1xf32, #tpu.memory_space<vmem>>, vector<2048x1xf32>
    %get3A_2 = arith.constant 0 : index
    %get3A_3 = arith.constant 0 : index
    %get3A_4 = arith.constant 0 : index
    %get3A_5 = vector.load %arg1[%get3A_2, %get3A_3, %get3A_4] : memref<2x2048x128xf32, #tpu.memory_space<vmem>>, vector<1x2048x128xf32>
    %get3A_6 = vector.shape_cast %get3A_5 : vector<1x2048x128xf32> to vector<2048x128xf32>
    %get3A_7 = arith.constant 1 : index
    %get3A_8 = arith.constant 0 : index
    %get3A_9 = arith.constant 0 : index
    %get3A_10 = vector.load %arg1[%get3A_7, %get3A_8, %get3A_9] : memref<2x2048x128xf32, #tpu.memory_space<vmem>>, vector<1x2048x128xf32>
    %get3A_11 = vector.shape_cast %get3A_10 : vector<1x2048x128xf32> to vector<2048x128xf32>
    %add3A = arith.addf %get3A_6, %get3A_11 : vector<2048x128xf32>
    %mul3A = vector.broadcast %get3A_1 : vector<2048x1xf32> to vector<2048x128xf32>
    %mul3A_12 = arith.mulf %mul3A, %add3A : vector<2048x128xf32>
    %get3A_13 = arith.constant 0 : index
    %get3A_14 = arith.constant 0 : index
    %get3A_15 = vector.load %arg6[%get3A_13, %get3A_14] : memref<2048x1xf32, #tpu.memory_space<vmem>>, vector<2048x1xf32>
    %get3A_16 = arith.constant 0 : index
    %get3A_17 = arith.constant 0 : index
    %get3A_18 = vector.load %arg2[%get3A_16, %get3A_17] : memref<2048x128xf32, #tpu.memory_space<vmem>>, vector<2048x128xf32>
    %mul3A_19 = vector.broadcast %get3A_15 : vector<2048x1xf32> to vector<2048x128xf32>
    %mul3A_20 = arith.mulf %mul3A_19, %get3A_18 : vector<2048x128xf32>
    %add3A_21 = arith.addf %mul3A_12, %mul3A_20 : vector<2048x128xf32>
    %get3A_22 = arith.constant 0 : index
    %get3A_23 = arith.constant 0 : index
    %get3A_24 = vector.load %arg4[%get3A_22, %get3A_23] : memref<128x128xf32, #tpu.memory_space<vmem>>, vector<128x128xf32>
    %dot_general3A = arith.constant dense<0.000000e+00> : vector<2048x128xf32>
    %dot_general3A_25 = tpu.matmul %add3A_21, %get3A_24, %dot_general3A {dimension_numbers = #tpu.dot_dimension_numbers<[1], [0], [0], [1], [0, 0, 1, 1], [], []>, transpose_lhs_hint = false} : vector<2048x128xf32>, vector<128x128xf32>, vector<2048x128xf32> -> vector<2048x128xf32>
    %get3A_26 = arith.constant 0 : index
    %get3A_27 = arith.constant 0 : index
    %get3A_28 = vector.load %arg3[%get3A_26, %get3A_27] : memref<2048x128xf32, #tpu.memory_space<vmem>>, vector<2048x128xf32>
    %mul3A_29 = arith.mulf %get3A_28, %dot_general3A_25 : vector<2048x128xf32>
    %max3A = arith.constant 0.000000e+00 : f32
    %max3A_30 = vector.broadcast %max3A : f32 to vector<2048x128xf32>
    %max3A_31 = arith.maximumf %mul3A_29, %max3A_30 : vector<2048x128xf32>
    %get3A_32 = arith.constant 0 : index
    %get3A_33 = arith.constant 0 : index
    %get3A_34 = vector.load %arg7[%get3A_32, %get3A_33] : memref<2048x128xf32, #tpu.memory_space<vmem>>, vector<2048x128xf32>
    %add3A_35 = arith.addf %max3A_31, %get3A_34 : vector<2048x128xf32>
    %swap3A = arith.constant 0 : index
    %swap3A_36 = arith.constant 0 : index
    %swap3A_37 = vector.load %arg9[%swap3A, %swap3A_36] : memref<2048x128xf32, #tpu.memory_space<vmem>>, vector<2048x128xf32>
    tpu.vector_store %arg9[%swap3A, %swap3A_36], %add3A_35 {strides = array<i32>} : memref<2048x128xf32, #tpu.memory_space<vmem>>, vector<2048x128xf32>,
    %get3A_38 = arith.constant 0 : index
    %get3A_39 = arith.constant 0 : index
    %get3A_40 = vector.load %arg8[%get3A_38, %get3A_39] : memref<128x128xf32, #tpu.memory_space<vmem>>, vector<128x128xf32>
    %dot_general3A_41 = arith.constant dense<0.000000e+00> : vector<2048x128xf32>
    %dot_general3A_42 = tpu.matmul %add3A_35, %get3A_40, %dot_general3A_41 {dimension_numbers = #tpu.dot_dimension_numbers<[1], [0], [0], [1], [0, 0, 1, 1], [], []>, transpose_lhs_hint = false} : vector<2048x128xf32>, vector<128x128xf32>, vector<2048x128xf32> -> vector<2048x128xf32>
    %logistic3A = arith.negf %dot_general3A_42 : vector<2048x128xf32>
    %logistic3A_43 = math.exp %logistic3A : vector<2048x128xf32>
    %logistic3A_44 = arith.constant 1.000000e+00 : f32
    %logistic3A_45 = vector.broadcast %logistic3A_44 : f32 to vector<2048x128xf32>
    %logistic3A_46 = arith.addf %logistic3A_45, %logistic3A_43 : vector<2048x128xf32>
    %logistic3A_47 = arith.divf %logistic3A_45, %logistic3A_46 : vector<2048x128xf32>
    %swap3A_48 = arith.constant 0 : index
    %swap3A_49 = arith.constant 0 : index
    %swap3A_50 = vector.load %arg10[%swap3A_48, %swap3A_49] : memref<2048x128xf32, #tpu.memory_space<vmem>>, vector<2048x128xf32>
    tpu.vector_store %arg10[%swap3A_48, %swap3A_49], %logistic3A_47 {strides = array<i32>} : memref<2048x128xf32, #tpu.memory_space<vmem>>, vector<2048x128xf32>,
    %get3A_51 = arith.constant 0 : index
    %get3A_52 = arith.constant 0 : index
    %get3A_53 = vector.load %arg5[%get3A_51, %get3A_52] : memref<2048x1xf32, #tpu.memory_space<vmem>>, vector<2048x1xf32>
    %mul3A_54 = vector.broadcast %get3A_53 : vector<2048x1xf32> to vector<2048x128xf32>
    %mul3A_55 = arith.mulf %mul3A_54, %logistic3A_47 : vector<2048x128xf32>
    %swap3A_56 = arith.constant 0 : index
    %swap3A_57 = arith.constant 0 : index
    %swap3A_58 = vector.load %arg11[%swap3A_56, %swap3A_57] : memref<2048x128xf32, #tpu.memory_space<vmem>>, vector<2048x128xf32>
    tpu.vector_store %arg11[%swap3A_56, %swap3A_57], %mul3A_55 {strides = array<i32>} : memref<2048x128xf32, #tpu.memory_space<vmem>>, vector<2048x128xf32>,
    return
  }
  func.func @transform_0(%arg0: i32) -> (i32, i32, i32) {
    %c0_i32 = arith.constant 0 : i32
    %c0_i32_0 = arith.constant 0 : i32
    %c0_i32_1 = arith.constant 0 : i32
    return %c0_i32, %arg0, %c0_i32_0 : i32, i32, i32
  }
  func.func @transform_1(%arg0: i32) -> (i32, i32) {
    %c0_i32 = arith.constant 0 : i32
    %c0_i32_0 = arith.constant 0 : i32
    return %arg0, %c0_i32 : i32, i32
  }
  func.func @transform_2(%arg0: i32) -> (i32, i32) {
    %c0_i32 = arith.constant 0 : i32
    %c0_i32_0 = arith.constant 0 : i32
    return %arg0, %c0_i32 : i32, i32
  }
  func.func @transform_3(%arg0: i32) -> (i32, i32) {
    %c0_i32 = arith.constant 0 : i32
    %c0_i32_0 = arith.constant 0 : i32
    %c0_i32_1 = arith.constant 0 : i32
    return %c0_i32, %c0_i32_0 : i32, i32
  }
  func.func @transform_4(%arg0: i32) -> (i32, i32) {
    %c0_i32 = arith.constant 0 : i32
    %c0_i32_0 = arith.constant 0 : i32
    return %arg0, %c0_i32 : i32, i32
  }
  func.func @transform_5(%arg0: i32) -> (i32, i32) {
    %c0_i32 = arith.constant 0 : i32
    %c0_i32_0 = arith.constant 0 : i32
    return %arg0, %c0_i32 : i32, i32
  }
  func.func @transform_6(%arg0: i32) -> (i32, i32) {
    %c0_i32 = arith.constant 0 : i32
    %c0_i32_0 = arith.constant 0 : i32
    return %arg0, %c0_i32 : i32, i32
  }
  func.func @transform_7(%arg0: i32) -> (i32, i32) {
    %c0_i32 = arith.constant 0 : i32
    %c0_i32_0 = arith.constant 0 : i32
    %c0_i32_1 = arith.constant 0 : i32
    return %c0_i32, %c0_i32_0 : i32, i32
  }
  func.func @transform_8(%arg0: i32) -> (i32, i32) {
    %c0_i32 = arith.constant 0 : i32
    %c0_i32_0 = arith.constant 0 : i32
    return %arg0, %c0_i32 : i32, i32
  }
  func.func @transform_9(%arg0: i32) -> (i32, i32) {
    %c0_i32 = arith.constant 0 : i32
    %c0_i32_0 = arith.constant 0 : i32
    return %arg0, %c0_i32 : i32, i32
  }
  func.func @transform_10(%arg0: i32) -> (i32, i32) {
    %c0_i32 = arith.constant 0 : i32
    %c0_i32_0 = arith.constant 0 : i32
    return %arg0, %c0_i32 : i32, i32
  }
}

module attributes {stable_mosaic.version = 14 : i64} {
  func.func @_combine1_last_body(%arg0: i32, %arg1: memref<2x2048x128xf32, #tpu.memory_space<vmem>>, %arg2: memref<2048x128xf32, #tpu.memory_space<vmem>>, %arg3: memref<2048x128xf32, #tpu.memory_space<vmem>>, %arg4: memref<128x128xf32, #tpu.memory_space<vmem>>, %arg5: memref<2048x1xf32, #tpu.memory_space<vmem>>, %arg6: memref<2048x1xf32, #tpu.memory_space<vmem>>, %arg7: memref<2048x128xf32, #tpu.memory_space<vmem>>) attributes {dimension_semantics = [#tpu.dimension_semantics<arbitrary>], iteration_bounds = array<i64: 5>, scalar_prefetch = 0 : i64, scratch_operands = 0 : i64, tpu.core_type = #tpu.core_type<tc>, window_params = [{transform_indices = @transform_0, window_bounds = array<i64: 2, 2048, 128>}, {transform_indices = @transform_1, window_bounds = array<i64: 2048, 128>}, {transform_indices = @transform_2, window_bounds = array<i64: 2048, 128>}, {pipeline_mode = #tpu.pipeline_mode<synchronous>, transform_indices = @transform_3, window_bounds = array<i64: 128, 128>}, {transform_indices = @transform_4, window_bounds = array<i64: 2048, 1>}, {transform_indices = @transform_5, window_bounds = array<i64: 2048, 1>}, {transform_indices = @transform_6, window_bounds = array<i64: 2048, 128>}]} {
    %get3A = arith.constant 0 : index
    %get3A_0 = arith.constant 0 : index
    %get3A_1 = vector.load %arg5[%get3A, %get3A_0] : memref<2048x1xf32, #tpu.memory_space<vmem>>, vector<2048x1xf32>
    %get3A_2 = arith.constant 0 : index
    %get3A_3 = arith.constant 0 : index
    %get3A_4 = arith.constant 0 : index
    %get3A_5 = vector.load %arg1[%get3A_2, %get3A_3, %get3A_4] : memref<2x2048x128xf32, #tpu.memory_space<vmem>>, vector<1x2048x128xf32>
    %get3A_6 = vector.shape_cast %get3A_5 : vector<1x2048x128xf32> to vector<2048x128xf32>
    %get3A_7 = arith.constant 1 : index
    %get3A_8 = arith.constant 0 : index
    %get3A_9 = arith.constant 0 : index
    %get3A_10 = vector.load %arg1[%get3A_7, %get3A_8, %get3A_9] : memref<2x2048x128xf32, #tpu.memory_space<vmem>>, vector<1x2048x128xf32>
    %get3A_11 = vector.shape_cast %get3A_10 : vector<1x2048x128xf32> to vector<2048x128xf32>
    %add3A = arith.addf %get3A_6, %get3A_11 : vector<2048x128xf32>
    %mul3A = vector.broadcast %get3A_1 : vector<2048x1xf32> to vector<2048x128xf32>
    %mul3A_12 = arith.mulf %mul3A, %add3A : vector<2048x128xf32>
    %get3A_13 = arith.constant 0 : index
    %get3A_14 = arith.constant 0 : index
    %get3A_15 = vector.load %arg6[%get3A_13, %get3A_14] : memref<2048x1xf32, #tpu.memory_space<vmem>>, vector<2048x1xf32>
    %get3A_16 = arith.constant 0 : index
    %get3A_17 = arith.constant 0 : index
    %get3A_18 = vector.load %arg2[%get3A_16, %get3A_17] : memref<2048x128xf32, #tpu.memory_space<vmem>>, vector<2048x128xf32>
    %mul3A_19 = vector.broadcast %get3A_15 : vector<2048x1xf32> to vector<2048x128xf32>
    %mul3A_20 = arith.mulf %mul3A_19, %get3A_18 : vector<2048x128xf32>
    %add3A_21 = arith.addf %mul3A_12, %mul3A_20 : vector<2048x128xf32>
    %get3A_22 = arith.constant 0 : index
    %get3A_23 = arith.constant 0 : index
    %get3A_24 = vector.load %arg4[%get3A_22, %get3A_23] : memref<128x128xf32, #tpu.memory_space<vmem>>, vector<128x128xf32>
    %dot_general3A = arith.constant dense<0.000000e+00> : vector<2048x128xf32>
    %dot_general3A_25 = tpu.matmul %add3A_21, %get3A_24, %dot_general3A {dimension_numbers = #tpu.dot_dimension_numbers<[1], [0], [0], [1], [0, 0, 1, 1], [], []>, transpose_lhs_hint = false} : vector<2048x128xf32>, vector<128x128xf32>, vector<2048x128xf32> -> vector<2048x128xf32>
    %get3A_26 = arith.constant 0 : index
    %get3A_27 = arith.constant 0 : index
    %get3A_28 = vector.load %arg3[%get3A_26, %get3A_27] : memref<2048x128xf32, #tpu.memory_space<vmem>>, vector<2048x128xf32>
    %mul3A_29 = arith.mulf %get3A_28, %dot_general3A_25 : vector<2048x128xf32>
    %swap3A = arith.constant 0 : index
    %swap3A_30 = arith.constant 0 : index
    %swap3A_31 = vector.load %arg7[%swap3A, %swap3A_30] : memref<2048x128xf32, #tpu.memory_space<vmem>>, vector<2048x128xf32>
    tpu.vector_store %arg7[%swap3A, %swap3A_30], %mul3A_29 {strides = array<i32>} : memref<2048x128xf32, #tpu.memory_space<vmem>>, vector<2048x128xf32>,
    return
  }
  func.func @transform_0(%arg0: i32) -> (i32, i32, i32) {
    %c0_i32 = arith.constant 0 : i32
    %c0_i32_0 = arith.constant 0 : i32
    %c0_i32_1 = arith.constant 0 : i32
    return %c0_i32, %arg0, %c0_i32_0 : i32, i32, i32
  }
  func.func @transform_1(%arg0: i32) -> (i32, i32) {
    %c0_i32 = arith.constant 0 : i32
    %c0_i32_0 = arith.constant 0 : i32
    return %arg0, %c0_i32 : i32, i32
  }
  func.func @transform_2(%arg0: i32) -> (i32, i32) {
    %c0_i32 = arith.constant 0 : i32
    %c0_i32_0 = arith.constant 0 : i32
    return %arg0, %c0_i32 : i32, i32
  }
  func.func @transform_3(%arg0: i32) -> (i32, i32) {
    %c0_i32 = arith.constant 0 : i32
    %c0_i32_0 = arith.constant 0 : i32
    %c0_i32_1 = arith.constant 0 : i32
    return %c0_i32, %c0_i32_0 : i32, i32
  }
  func.func @transform_4(%arg0: i32) -> (i32, i32) {
    %c0_i32 = arith.constant 0 : i32
    %c0_i32_0 = arith.constant 0 : i32
    return %arg0, %c0_i32 : i32, i32
  }
  func.func @transform_5(%arg0: i32) -> (i32, i32) {
    %c0_i32 = arith.constant 0 : i32
    %c0_i32_0 = arith.constant 0 : i32
    return %arg0, %c0_i32 : i32, i32
  }
  func.func @transform_6(%arg0: i32) -> (i32, i32) {
    %c0_i32 = arith.constant 0 : i32
    %c0_i32_0 = arith.constant 0 : i32
    return %arg0, %c0_i32 : i32, i32
  }
}

module attributes {stable_mosaic.version = 14 : i64} {
  func.func @_out_mlp_body(%arg0: i32, %arg1: memref<2048x128xf32, #tpu.memory_space<vmem>>, %arg2: memref<128x128xf32, #tpu.memory_space<vmem>>, %arg3: memref<128xf32, #tpu.memory_space<vmem>>, %arg4: memref<128x128xf32, #tpu.memory_space<vmem>>, %arg5: memref<128xf32, #tpu.memory_space<vmem>>, %arg6: memref<2048x128xf32, #tpu.memory_space<vmem>>) attributes {dimension_semantics = [#tpu.dimension_semantics<arbitrary>], iteration_bounds = array<i64: 5>, scalar_prefetch = 0 : i64, scratch_operands = 0 : i64, tpu.core_type = #tpu.core_type<tc>, window_params = [{transform_indices = @transform_0, window_bounds = array<i64: 2048, 128>}, {pipeline_mode = #tpu.pipeline_mode<synchronous>, transform_indices = @transform_1, window_bounds = array<i64: 128, 128>}, {pipeline_mode = #tpu.pipeline_mode<synchronous>, transform_indices = @transform_2, window_bounds = array<i64: 128>}, {pipeline_mode = #tpu.pipeline_mode<synchronous>, transform_indices = @transform_3, window_bounds = array<i64: 128, 128>}, {pipeline_mode = #tpu.pipeline_mode<synchronous>, transform_indices = @transform_4, window_bounds = array<i64: 128>}, {transform_indices = @transform_5, window_bounds = array<i64: 2048, 128>}]} {
    %get3A = arith.constant 0 : index
    %get3A_0 = arith.constant 0 : index
    %get3A_1 = vector.load %arg1[%get3A, %get3A_0] : memref<2048x128xf32, #tpu.memory_space<vmem>>, vector<2048x128xf32>
    %get3A_2 = arith.constant 0 : index
    %get3A_3 = arith.constant 0 : index
    %get3A_4 = vector.load %arg2[%get3A_2, %get3A_3] : memref<128x128xf32, #tpu.memory_space<vmem>>, vector<128x128xf32>
    %dot_general3A = arith.constant dense<0.000000e+00> : vector<2048x128xf32>
    %dot_general3A_5 = tpu.matmul %get3A_1, %get3A_4, %dot_general3A {dimension_numbers = #tpu.dot_dimension_numbers<[1], [0], [0], [1], [0, 0, 1, 1], [], []>, transpose_lhs_hint = false} : vector<2048x128xf32>, vector<128x128xf32>, vector<2048x128xf32> -> vector<2048x128xf32>
    %get3A_6 = arith.constant 0 : index
    %get3A_7 = vector.load %arg3[%get3A_6] : memref<128xf32, #tpu.memory_space<vmem>>, vector<128xf32>
    %broadcast_in_dim3A = vector.shape_cast %get3A_7 : vector<128xf32> to vector<1x128xf32>
    %add3A = vector.broadcast %broadcast_in_dim3A : vector<1x128xf32> to vector<2048x128xf32>
    %add3A_8 = arith.addf %dot_general3A_5, %add3A : vector<2048x128xf32>
    %max3A = arith.constant 0.000000e+00 : f32
    %max3A_9 = vector.broadcast %max3A : f32 to vector<2048x128xf32>
    %max3A_10 = arith.maximumf %add3A_8, %max3A_9 : vector<2048x128xf32>
    %get3A_11 = arith.constant 0 : index
    %get3A_12 = arith.constant 0 : index
    %get3A_13 = vector.load %arg4[%get3A_11, %get3A_12] : memref<128x128xf32, #tpu.memory_space<vmem>>, vector<128x128xf32>
    %dot_general3A_14 = arith.constant dense<0.000000e+00> : vector<2048x128xf32>
    %dot_general3A_15 = tpu.matmul %max3A_10, %get3A_13, %dot_general3A_14 {dimension_numbers = #tpu.dot_dimension_numbers<[1], [0], [0], [1], [0, 0, 1, 1], [], []>, transpose_lhs_hint = false} : vector<2048x128xf32>, vector<128x128xf32>, vector<2048x128xf32> -> vector<2048x128xf32>
    %get3A_16 = arith.constant 0 : index
    %get3A_17 = vector.load %arg5[%get3A_16] : memref<128xf32, #tpu.memory_space<vmem>>, vector<128xf32>
    %broadcast_in_dim3A_18 = vector.shape_cast %get3A_17 : vector<128xf32> to vector<1x128xf32>
    %add3A_19 = vector.broadcast %broadcast_in_dim3A_18 : vector<1x128xf32> to vector<2048x128xf32>
    %add3A_20 = arith.addf %dot_general3A_15, %add3A_19 : vector<2048x128xf32>
    %swap3A = arith.constant 0 : index
    %swap3A_21 = arith.constant 0 : index
    %swap3A_22 = vector.load %arg6[%swap3A, %swap3A_21] : memref<2048x128xf32, #tpu.memory_space<vmem>>, vector<2048x128xf32>
    tpu.vector_store %arg6[%swap3A, %swap3A_21], %add3A_20 {strides = array<i32>} : memref<2048x128xf32, #tpu.memory_space<vmem>>, vector<2048x128xf32>,
    return
  }
  func.func @transform_0(%arg0: i32) -> (i32, i32) {
    %c0_i32 = arith.constant 0 : i32
    %c0_i32_0 = arith.constant 0 : i32
    return %arg0, %c0_i32 : i32, i32
  }
  func.func @transform_1(%arg0: i32) -> (i32, i32) {
    %c0_i32 = arith.constant 0 : i32
    %c0_i32_0 = arith.constant 0 : i32
    %c0_i32_1 = arith.constant 0 : i32
    return %c0_i32, %c0_i32_0 : i32, i32
  }
  func.func @transform_2(%arg0: i32) -> i32 {
    %c0_i32 = arith.constant 0 : i32
    %c0_i32_0 = arith.constant 0 : i32
    return %c0_i32 : i32
  }
  func.func @transform_3(%arg0: i32) -> (i32, i32) {
    %c0_i32 = arith.constant 0 : i32
    %c0_i32_0 = arith.constant 0 : i32
    %c0_i32_1 = arith.constant 0 : i32
    return %c0_i32, %c0_i32_0 : i32, i32
  }
  func.func @transform_4(%arg0: i32) -> i32 {
    %c0_i32 = arith.constant 0 : i32
    %c0_i32_0 = arith.constant 0 : i32
    return %c0_i32 : i32
  }
  func.func @transform_5(%arg0: i32) -> (i32, i32) {
    %c0_i32 = arith.constant 0 : i32
    %c0_i32_0 = arith.constant 0 : i32
    return %arg0, %c0_i32 : i32, i32
  }
}

</mosaic_0001>

<sc_bundles>
// kernel: kernel.18.cloned.1.call-start
scs
__scs_entry_jumppad:
0x0: {  	(pc) =	sbr.rel $0x88, $3  }
0x1: {  	(tag) =	ssettag $0x0;
	lr =	simm.s32 $0x1  }
0x2: {  	[smem:$0x3F93] =	sst lr;
	_ =	strace $0xD0000000  }
0x3: {  	_ = 	snop  }
0x4: {  	_ = 	snop  }
0x5: {  	_ = 	snop  }
0x6: {  	_ = 	snop  }
0x7: {  	_ = 	snop  }
__scs_overlays_trampoline_lowered:
0x8: {  	[smem:$0x3FA2] =	sst s0  }
0x9: {  	[smem:$0x3FA3] =	sst s1  }
0xa: {  	[smem:$0x3FA4] =	sst s2  }
0xb: {  	[smem:$0x3FA5] =	sst s3  }
0xc: {  	[smem:$0x3FA6] =	sst s4  }
0xd: {  	[smem:$0x3FA7] =	sst s5  }
0xe: {  	[smem:$0x3FA8] =	sst s6  }
0xf: {  	[smem:$0x3FA9] =	sst s7  }
0x10: {  	[smem:$0x3FAA] =	sst s8  }
0x11: {  	[smem:$0x3FAB] =	sst s9;
	s0 =	simm.s32 @!p0 $0x0  }
0x12: {  	s1 =	sld [smem:$0x3F91];
	s0 =	simm.s32 @p0 $0x1  }
0x13: {  	[smem:$0x3FAC] =	sst s0;
	s0 =	simm.s32 @!p1 $0x0  }
0x14: {  	s2 =	sld [smem:$0x3F90];
	s0 =	simm.s32 @p1 $0x1  }
0x15: {  	[smem:$0x3FAD] =	sst s0;
	s0 =	simm.s32 @!p2 $0x0  }
0x16: {  	s3 =	sld [smem:$0x3FDB];
	s0 =	simm.s32 @p2 $0x1  }
0x17: {  	s4 =	simm.s32 $0x1BF5;
	[smem:$0x3FAF] =	sst s0  }
0x18: {  	s0 =	sld [smem:$0x3F92];
	_ =	swait.ge [sflag:s4], $0x0  }
0x19: {  	s7 =	sld [smem:$0x3F93]  }
0x1a: {  	s8 =	sadd.s32 $0xFFFFE003, lr  }
0x1b: {  	s9 =	sadd.s32 $0xFFFFFEF7, lr;
	s5 =	simm.s32 $0xFFFFFFFF;
	p2 =	slt.u32 s8, $0xFFFFF086  }
0x1c: {  	p1 =	slt.u32 s9, $0xF7A;
	s5 =	simm.s32 @!p2 $0x0  }
0x1d: {  	s5 =	simm.s32 @p1 $0x1;
	p0 =	seq.s32 s7, s2  }
0x1e: {  	s7 =	smul.u32 @!p0 $0xF7A, s2;
	p2 =	seq.s32 @!p0 s5, $0x0  }
0x1f: {  	s9 =	smul.u32 $0xF7A, s1;
	s8 =	simm.s32 @!p0 $0x1BF5;
	p2 =	por !p2, p0  }
0x20: {  	[sflag:s8] =	ssyncset.s32 @!p0 $0xFFFFF086;
	s6 =	sadd.s32 @!p0 s3, s7;
	s7 =	simm.s32 @!p0 $0x108  }
0x21: {  	s3 =	sadd.s32 s3, s9;
	s6 =	sadd.s32 @!p0 $0x88, s6;
	s7 =	simm.s32 @p2 $0x1082  }
0x22: {  	[simem:s7], [sflag:s8] =	dma.local @!p0 [hbm:s6], $0xF7A  }
0x23: {  	s9 =	sor.u32 $0xD0000000, s2;
	s6 =	simm.s32 $0x108;
	_ =	swait.ge @!p0 [sflag:s8], $0x0  }
0x24: {  	s3 =	sadd.s32 $0x88, s3;
	s6 =	simm.s32 @!p1 $0x1082;
	[sflag:s4] =	ssyncset.s32 $0xFFFFF086  }
0x25: {  	[simem:s6], [sflag:s4] =	dma.local [hbm:s3], $0xF7A  }
0x26: {  	[smem:$0x3F93] =	sst s1;
	(tag) =	ssettag s2;
	_ =	strace s9  }
0x27: {  	s1 =	sld [smem:$0x3FA3]  }
0x28: {  	s2 =	sld [smem:$0x3FA4]  }
0x29: {  	s4 =	sld [smem:$0x3FA6]  }
0x2a: {  	p0 =	seq.s32 s5, $0x0;
	s5 =	sld [smem:$0x3FA7]  }
0x2b: {  	s6 =	sld [smem:$0x3FA8]  }
0x2c: {  	s7 =	sld [smem:$0x3FA9]  }
0x2d: {  	s3 =	simm.s32 $0x108;
	s8 =	sld [smem:$0x3FAA]  }
0x2e: {  	s3 =	simm.s32 @!p0 $0x1082;
	s9 =	sld [smem:$0x3FAB]  }
0x2f: {  	lr =	sadd.s32 s0, s3;
	s0 =	sld [smem:$0x3FA2]  }
0x30: {  	s3 =	sld [smem:$0x3FA5]  }
0x31: {  	[smem:$0x3FAE] =	sst s10  }
0x32: {  	s10 =	sld [smem:$0x3FAC];
	_ =	sdelay $0x3  }
0x33: {  	p0 =	seq.s32 s10, $0x1;
	s10 =	sld [smem:$0x3FAE];
	_ =	sdelay $0x3  }
0x34: {  	[smem:$0x3FAE] =	sst s10  }
0x35: {  	s10 =	sld [smem:$0x3FAD];
	_ =	sdelay $0x3  }
0x36: {  	p1 =	seq.s32 s10, $0x1;
	s10 =	sld [smem:$0x3FAE];
	_ =	sdelay $0x3  }
0x37: {  	[smem:$0x3FAE] =	sst s10  }
0x38: {  	s10 =	sld [smem:$0x3FAF]  }
0x39: {  	_ = 	snop;
	(pc) =	sbr.ind lr, $3  }
0x3a: {  	_ = 	snop  }
0x3b: {  	_ = 	snop  }
0x3c: {  	p2 =	seq.s32 s10, $0x1;
	s10 =	sld [smem:$0x3FAE]  }
0x3d: {  	_ =	shalt  }
0x3e: {  	_ =	shalt  }
0x3f: {  	_ =	shalt  }
0x40: {  	_ =	shalt  }
0x41: {  	_ =	shalt  }
0x42: {  	_ =	shalt  }
0x43: {  	_ =	shalt  }
0x44: {  	_ =	shalt  }
0x45: {  	_ =	shalt  }
0x46: {  	_ =	shalt  }
0x47: {  	_ =	shalt  }
0x48: {  	_ =	shalt  }
0x49: {  	_ =	shalt  }
0x4a: {  	_ =	shalt  }
0x4b: {  	_ =	shalt  }
0x4c: {  	_ =	shalt  }
0x4d: {  	_ =	shalt  }
0x4e: {  	_ =	shalt  }
0x4f: {  	_ =	shalt  }
0x50: {  	_ =	shalt  }
0x51: {  	_ =	shalt  }
0x52: {  	_ =	shalt  }
0x53: {  	_ =	shalt  }
0x54: {  	_ =	shalt  }
0x55: {  	_ =	shalt  }
0x56: {  	_ =	shalt  }
0x57: {  	_ =	shalt  }
0x58: {  	_ =	shalt  }
0x59: {  	_ =	shalt  }
0x5a: {  	_ =	shalt  }
0x5b: {  	_ =	shalt  }
0x5c: {  	_ =	shalt  }
0x5d: {  	_ =	shalt  }
0x5e: {  	_ =	shalt  }
0x5f: {  	_ =	shalt  }
0x60: {  	_ =	shalt  }
0x61: {  	_ =	shalt  }
0x62: {  	_ =	shalt  }
0x63: {  	_ =	shalt  }
0x64: {  	_ =	shalt  }
0x65: {  	_ =	shalt  }
0x66: {  	_ =	shalt  }
0x67: {  	_ =	shalt  }
0x68: {  	_ =	shalt  }
0x69: {  	_ =	shalt  }
0x6a: {  	_ =	shalt  }
0x6b: {  	_ =	shalt  }
0x6c: {  	_ =	shalt  }
0x6d: {  	_ =	shalt  }
0x6e: {  	_ =	shalt  }
0x6f: {  	_ =	shalt  }
0x70: {  	_ =	shalt  }
0x71: {  	_ =	shalt  }
0x72: {  	_ =	shalt  }
0x73: {  	_ =	shalt  }
0x74: {  	_ =	shalt  }
0x75: {  	_ =	shalt  }
0x76: {  	_ =	shalt  }
0x77: {  	_ =	shalt  }
0x78: {  	_ =	shalt  }
0x79: {  	_ =	shalt  }
0x7a: {  	_ =	shalt  }
0x7b: {  	_ =	shalt  }
0x7c: {  	_ =	shalt  }
0x7d: {  	_ =	shalt  }
0x7e: {  	_ =	shalt  }
0x7f: {  	_ =	shalt  }
0x80: {  	_ =	shalt  }
0x81: {  	_ =	shalt  }
0x82: {  	_ =	shalt  }
0x83: {  	_ =	shalt  }
0x84: {  	_ =	shalt  }
0x85: {  	_ =	shalt  }
0x86: {  	_ =	shalt  }
0x87: {  	_ =	shalt  }
.Lfunc_end0:
.L_simem_size_0:
called_computation_lowered:
.L_overlay_start_0:
0x88: {  	s2 =	sld [smem:$0x3FD9]  }
0x89: {  	s3 =	sld [smem:$0x3FFE];
	_ =	sdelay $0x1  }
0x8a: {  	s1 =	srdreg.scid  }
0x8b: {  	s0 =	sand.u32 $0x1, s1  }
0x8c: {  	s17 =	sshll.u32 s0, $0xA;
	s2 =	sadd.s32 s3, s2  }
0x8d: {  	s2 =	sadd.s32 s2, s17  }
0x8e: {  	[smem:$0x3FBA] =	sst s2  }
0x8f: {  	_ = 	snop  }
0x90: {  	s2 =	sld [smem:$0x3FD0];
	(tm) =	ssettm $0x1  }
0x91: {  	s18 =	sld [smem:$0x3FFB];
	_ =	sdelay $0x3  }
0x92: {  	_ =	strace s18  }
0x93: {  	s3 =	sld [smem:$0x3FFC];
	_ =	sdelay $0x3  }
0x94: {  	_ =	strace s3  }
0x95: {  	s3 =	sld [smem:$0x3FFD];
	_ =	sdelay $0x3  }
0x96: {  	_ =	strace s3  }
0x97: {  	_ =	strace $0x8FFFFFFF  }
0x98: {  	s19 =	sld [smem:$0x3FDB];
	_ =	sdelay $0x1  }
0x99: {  	s4 =	simm.s32 $_scs_section_size  }
0x9a: {  	s5 =	simm.s32 $_size__tile_overlayer_lowered;
	s6 =	simm.s32 $_tile_overlayer_lowered  }
0x9b: {  	s22 =	simm.s32 $0x1BFF;
	s21 =	sshll.u32 s6, $0x1;
	s3 =	sadd.s32 s4, s19  }
0x9c: {  	s7 =	simm.s32 $0x0;
	s20 =	sshll.u32 s5, $0x1;
	s5 =	sadd.s32 s21, s3  }
0x9d: {  	[timem:s7], [sflag:s22] =	dma.local [hbm:s5], s20  }
0x9e: {  	_ =	swait.ge [sflag:s22], s20  }
0x9f: {  	s4 =	ssub.s32 $0x0, s20;
	[sflag:s22] =	ssyncset.done $0x0  }
0xa0: {  	[sflag:s22] =	ssyncadd.s32 s4;
	_ =	sdelay $0x1  }
0xa1: {  	s23 =	simm.s32 $0x1B8B  }
0xa2: {  	_ =	swait.ge [sflag:s23], $0x1  }
0xa3: {  	[sflag:s23] =	ssyncset.done $0x0  }
0xa4: {  	s25 =	simm.s32 $0x1B8E;
	s24 =	sld [smem:$0x3FFE];
	[sflag:s23] =	ssyncadd.s32 $0xFFFFFFFF  }
0xa5: {  	s26 =	simm.s32 $execute0_lowered;
	[smem:$0x3FD2] =	sst s25  }
0xa6: {  	s5 =	sshll.u32 s26, $0x1;
	_ =	strace $0x80000046;
	[dreg:$0x1] =	wrdreg $0xFFFFFFFF  }
0xa7: {  	s28 =	simm.s32 $_size_execute0_lowered;
	s3 =	sadd.s32 s3, s5;
	[dreg:$0x0] =	wrdreg $0x0  }
0xa8: {  	s5 =	sshll.u32 s28, $0x1;
	[dreg:$0x2] =	wrdreg s3  }
0xa9: {  	[dreg:$0x3] =	wrdreg s5  }
0xaa: {  	[dreg:$0x4] =	wrdreg $0xC0  }
0xab: {  	_ =	task [dreg:s7], $0x5FFFF  }
0xac: {  	[dreg:$0x1] =	wrdreg $0xFFFFFFFF  }
0xad: {  	[dreg:$0x0] =	wrdreg $0x60  }
0xae: {  	[dreg:$0x2] =	wrdreg s2  }
0xaf: {  	[dreg:$0x3] =	wrdreg s24  }
0xb0: {  	[dreg:$0x4] =	wrdreg $0x9  }
0xb1: {  	_ =	task.clear_ibuf [dreg:s7], $0x5FFFF;
	_ =	strace $0x90000046  }
0xb2: {  	s29 =	simm.s32 $0x9;
	_ =	strace $0x80000048  }
0xb3: {  	_ =	swait.ge [sflag:s29], $0x1  }
0xb4: {  	[sflag:s29] =	ssyncadd.s32 $0xFFFFFFFF  }
0xb5: {  	_ =	strace $0x90000048  }
0xb6: {  	_ =	sfence  }
0xb7: {  	s30 =	sld [smem:$0x0];
	_ =	sdelay $0x2  }
0xb8: {  	s31 =	sshll.u32 s1, $0xD;
	s1 =	sshrl.u32 s1, $0x2  }
0xb9: {  	s3 =	sand.u32 $0x4000, s31;
	s1 =	sadd.s32 s1, s30  }
0xba: {  	s0 =	sor.u32 s3, s0;
	s1 =	sshll.u32 s1, $0x11  }
0xbb: {  	s0 =	sor.u32 s1, s0  }
0xbc: {  	s0 =	sadd.s32 $0x8F2B, s0  }
0xbd: {  	[sflag:s0] =	ssyncadd.remote.s32 $0x1  }
0xbe: {  	_ =	sfence.sel $0xFFFF  }
0xbf: {  	[dreg:$0x0] =	wrdreg $0xFFFFFFFF;
	(pc) =	sbr.abs _section_cstart, $3  }
0xc0: {  	[dreg:$0x1] =	wrdreg $0xFFFFFFFF  }
0xc1: {  	_ =	task.clear_ibuf [dreg:s7], $0x2FFFF;
	_ =	strace $0x9FFFFFFF  }
0xc2: {  	(tm) =	ssettm $0x7FFFFFFF  }
0xc3: {  	_ =	shalt  }
tec
execute0_lowered:
.L_overlay_start_1:
0x0: {  	(tag) =	ssettag $0x1  }
0x1: {  	s0 =	srdreg.scid;
	s3 =	rddreg [dreg:$0x0]  }
0x2: {  	s5 =	rddreg [dreg:$0x1];
	s1 =	stileid.u32  }
0x3: {  	s2 =	simm.s32 $0x0;
	s10 =	simm.s32 $0xC000;
	s4 =	sand.u32 $0x1, s0  }
0x4: {  	s11 =	simm.s32 $0x8000;
	s12 =	simm.s32 $0x0;
	s6 =	sshll.u32 s4, $0x4  }
0x5: {  	s0 =	rddreg [dreg:$0x2];
	s4 =	ssub.s32 $0x2, s4;
	s6 =	sor.u32 s1, s6  }
0x6: {  	[smem:$0x7FF] =	sst s2;
	s8 =	sshrl.u32 s4, $0x1;
	s7 =	smul.u32 $0x4F0, s6  }
0x7: {  	_ =	strace $0x80000047;
	s6 =	sshll.u32 s6, $0xB;
	s8 =	ssub.s32 s4, s8  }
0x8: {  	s9 =	sadd.s32 s6, s5;
	s3 =	sadd.s32 s3, s6;
	s7 =	sadd.s32 s7, s5  }
0x9: {  	s4 =	sadd.s32 $0x11200, s9;
	s6 =	sadd.s32 $0x2B000, s9;
	s9 =	simm.s32 $0x4000  }
0xa: {  	v0 =	vimm.f32 $0.0e+00;
	v1 =	vimm.f32 $1.000000000e+00;
	s5 =	sadd.s32 $0x21200, s7;
	s7 =	smax.u32 s8, $0x1;
	s8 =	simm.s32 $0x1  }
.LBB2_1:
0xb: {  	[tilespmem:s2], [sflag:$0x1] =	stream.linear.gather [hbm4b:s3+s2], $0x3E80, $0x38;
	[tilespmem:$0xE780] =	vst v63  }
0xc: {  	_ =	swait.ge [sflag:s8], $0x3E80  }
0xd: {  	[sflag:s8] =	ssyncset.done $0x0  }
0xe: {  	[sflag:s8] =	ssyncadd.s32 $0xFFFFC180  }
0xf: {  	[tilespmem:s9], [sflag:$0x1] =	stream.linear.gather [hbm4b:s4+s2], $0x3E80, $0x38;
	[tilespmem:$0xE780] =	vst v63  }
0x10: {  	_ =	swait.ge [sflag:s8], $0x3E80  }
0x11: {  	[sflag:s8] =	ssyncset.done $0x0  }
0x12: {  	s13 =	simm.s32 $0x0;
	[sflag:s8] =	ssyncadd.s32 $0xFFFFC180  }
.LBB2_2:
0x13: {  	p0 =	sne.s32 s13, $0x9DC0  }
.Ltmp0:
0x14: {  	_ = 	snop;
	(pc) =	sbr.rel @p0 .LBB2_2-.Ltmp0, $3  }
0x15: {  	_ =	sdelay $0x1  }
0x16: {  	s14 =	sshra.s32 s13, $0x2  }
0x17: {  	s13 =	sadd.s32 $0x40, s13;
	[tilespmem:s14+$0xC000] =	vst v0  }
0x18: {  	s13 =	simm.s32 $0x0  }
.LBB2_4:
0x19: {  	s14 =	sshra.s32 s13, $0x2  }
0x1a: {  	v2 =	vld [tilespmem:s14+$0x0]  }
0x1b: {  	v3 =	vld [tilespmem:s14+$0x4000];
	_ =	sdelay $0x4  }
0x1c: {  	vm0 =	vne.s32 v2, v3;
	_ =	sdelay $0x5  }
0x1d: {  	[tilespmem:v3+s10+$0x0] =	vst.idx.add.f32.msk vm0, v1  }
0x1e: {  	v3 =	vld [tilespmem:s14+$0x10]  }
0x1f: {  	v4 =	vld [tilespmem:s14+$0x4010];
	_ =	sdelay $0x4  }
0x20: {  	vm1 =	vne.s32 v3, v4;
	_ =	sdelay $0x3  }
0x21: {  	v2 =	vnsel vm0, $0x2710, v2  }
0x22: {  	[tilespmem:s14+$0x8000] =	vst v2  }
0x23: {  	[tilespmem:v4+s10+$0x0] =	vst.idx.add.f32.msk vm1, v1  }
0x24: {  	v2 =	vld [tilespmem:s14+$0x20]  }
0x25: {  	v4 =	vld [tilespmem:s14+$0x4020];
	_ =	sdelay $0x4  }
0x26: {  	vm13 =	vne.s32 v2, v4;
	_ =	sdelay $0x3  }
0x27: {  	v3 =	vnsel vm1, $0x2710, v3  }
0x28: {  	[tilespmem:s14+$0x8010] =	vst v3  }
0x29: {  	[tilespmem:v4+s10+$0x0] =	vst.idx.add.f32.msk vm13, v1  }
0x2a: {  	v3 =	vld [tilespmem:s14+$0x30]  }
0x2b: {  	v4 =	vld [tilespmem:s14+$0x4030];
	_ =	sdelay $0x4  }
0x2c: {  	vm14 =	vne.s32 v3, v4;
	_ =	sdelay $0x3  }
0x2d: {  	v2 =	vnsel vm13, $0x2710, v2  }
0x2e: {  	[tilespmem:s14+$0x8020] =	vst v2  }
0x2f: {  	[tilespmem:v4+s10+$0x0] =	vst.idx.add.f32.msk vm14, v1  }
0x30: {  	v2 =	vld [tilespmem:s14+$0x40]  }
0x31: {  	v4 =	vld [tilespmem:s14+$0x4040];
	_ =	sdelay $0x4  }
0x32: {  	vm15 =	vne.s32 v2, v4;
	_ =	sdelay $0x1  }
0x33: {  	p0 =	sne.s32 s13, $0xF800  }
.Ltmp1:
0x34: {  	_ = 	snop;
	(pc) =	sbr.rel @p0 .LBB2_4-.Ltmp1, $4  }
0x35: {  	v3 =	vnsel vm14, $0x2710, v3  }
0x36: {  	[tilespmem:s14+$0x8030] =	vst v3  }
0x37: {  	v2 =	vnsel vm15, $0x2710, v2;
	[tilespmem:v4+s10+$0x0] =	vst.idx.add.f32.msk vm15, v1  }
0x38: {  	s13 =	sadd.s32 $0x200, s13;
	[tilespmem:s14+$0x8040] =	vst v2  }
0x39: {  	[hbm4b:s5+s2] =	stream.linear.scatter [tilespmem:s10], [sflag:$0x1], $0x2780, $0x38;
	[tilespmem:$0xE780] =	vst v63  }
0x3a: {  	s12 =	sadd.s32 $0x1, s12;
	_ =	swait.ge [sflag:s8], $0x2780  }
0x3b: {  	p0 =	sne.s32 s12, s7;
	[sflag:s8] =	ssyncset.done $0x0  }
.Ltmp2:
0x3c: {  	[sflag:s8] =	ssyncadd.s32 $0xFFFFD880;
	(pc) =	sbr.rel @p0 .LBB2_1-.Ltmp2, $4  }
0x3d: {  	[hbm4b:s6+s2] =	stream.linear.scatter [tilespmem:s11], [sflag:$0x1], $0x3E80, $0x38;
	[tilespmem:$0xE780] =	vst v63  }
0x3e: {  	_ =	swait.ge [sflag:s8], $0x3E80  }
0x3f: {  	[sflag:s8] =	ssyncset.done $0x0  }
0x40: {  	[sflag:s8] =	ssyncadd.s32 $0xFFFFC180  }
0x41: {  	_ =	sfence.sel $0x180000  }
0x42: {  	[bflag:$0x0] =	sbarrier.arrive $0xFFFF  }
0x43: {  	p0 =	sne.s32 s1, $0x0;
	_ =	strace $0x90000047  }
0x44: {  	s0 =	sadd.s32 @!p0 $0x100000, s0;
	[bflag:$0x2] =	sbarrier.arrive $0xFFFF  }
0x45: {  	[sflag:s0] =	ssyncadd.tile.s32 @!p0 $0x1;
	_ =	shalt  }
.Lfunc_end2:
_tile_overlayer_lowered:
.L_overlay_start_2:
0x46: {  	(tag) =	ssettag $0x2  }
0x47: {  	s0 =	rddreg [dreg:$0x0];
	s2 =	stileid.u32  }
0x48: {  	s1 =	rddreg [dreg:$0x1];
	p0 =	sne.s32 s2, $0x0  }
0x49: {  	s3 =	rddreg [dreg:$0x2];
	[bflag:$0x3] =	sbarrier.arrive $0xFFFF;
	s2 =	simm.s32 @!p0 $0x1C01  }
0x4a: {  	[timem:s3], [sflag:s2] =	dma.local @!p0 [hbm:s0], s1  }
0x4b: {  	s0 =	simm.s32 @!p0 $0x1  }
0x4c: {  	_ =	swait.ge @!p0 [sflag:s0], s1  }
0x4d: {  	s1 =	ssub.s32 @!p0 $0x0, s1;
	[sflag:s0] =	ssyncset.done @!p0 $0x0  }
0x4e: {  	[sflag:s0] =	ssyncadd.s32 @!p0 s1  }
0x4f: {  	[bflag:$0x3] =	sbarrier.arrive $0xFFFF  }
0x50: {  	_ =	shalt  }

// kernel: kernel.21.cloned.1.call-start
scs
__scs_entry_jumppad:
0x0: {  	(pc) =	sbr.rel $0x88, $3  }
0x1: {  	(tag) =	ssettag $0x0;
	lr =	simm.s32 $0x1  }
0x2: {  	[smem:$0x3F93] =	sst lr;
	_ =	strace $0xD0000000  }
0x3: {  	_ = 	snop  }
0x4: {  	_ = 	snop  }
0x5: {  	_ = 	snop  }
0x6: {  	_ = 	snop  }
0x7: {  	_ = 	snop  }
__scs_overlays_trampoline_lowered:
0x8: {  	[smem:$0x3FA2] =	sst s0  }
0x9: {  	[smem:$0x3FA3] =	sst s1  }
0xa: {  	[smem:$0x3FA4] =	sst s2  }
0xb: {  	[smem:$0x3FA5] =	sst s3  }
0xc: {  	[smem:$0x3FA6] =	sst s4  }
0xd: {  	[smem:$0x3FA7] =	sst s5  }
0xe: {  	[smem:$0x3FA8] =	sst s6  }
0xf: {  	[smem:$0x3FA9] =	sst s7  }
0x10: {  	[smem:$0x3FAA] =	sst s8  }
0x11: {  	[smem:$0x3FAB] =	sst s9;
	s0 =	simm.s32 @!p0 $0x0  }
0x12: {  	s1 =	sld [smem:$0x3F91];
	s0 =	simm.s32 @p0 $0x1  }
0x13: {  	[smem:$0x3FAC] =	sst s0;
	s0 =	simm.s32 @!p1 $0x0  }
0x14: {  	s2 =	sld [smem:$0x3F90];
	s0 =	simm.s32 @p1 $0x1  }
0x15: {  	[smem:$0x3FAD] =	sst s0;
	s0 =	simm.s32 @!p2 $0x0  }
0x16: {  	s3 =	sld [smem:$0x3FDB];
	s0 =	simm.s32 @p2 $0x1  }
0x17: {  	s4 =	simm.s32 $0x1BF5;
	[smem:$0x3FAF] =	sst s0  }
0x18: {  	s0 =	sld [smem:$0x3F92];
	_ =	swait.ge [sflag:s4], $0x0  }
0x19: {  	s7 =	sld [smem:$0x3F93]  }
0x1a: {  	s8 =	sadd.s32 $0xFFFFE003, lr  }
0x1b: {  	s9 =	sadd.s32 $0xFFFFFEF7, lr;
	s5 =	simm.s32 $0xFFFFFFFF;
	p2 =	slt.u32 s8, $0xFFFFF086  }
0x1c: {  	p1 =	slt.u32 s9, $0xF7A;
	s5 =	simm.s32 @!p2 $0x0  }
0x1d: {  	s5 =	simm.s32 @p1 $0x1;
	p0 =	seq.s32 s7, s2  }
0x1e: {  	s7 =	smul.u32 @!p0 $0xF7A, s2;
	p2 =	seq.s32 @!p0 s5, $0x0  }
0x1f: {  	s9 =	smul.u32 $0xF7A, s1;
	s8 =	simm.s32 @!p0 $0x1BF5;
	p2 =	por !p2, p0  }
0x20: {  	[sflag:s8] =	ssyncset.s32 @!p0 $0xFFFFF086;
	s6 =	sadd.s32 @!p0 s3, s7;
	s7 =	simm.s32 @!p0 $0x108  }
0x21: {  	s3 =	sadd.s32 s3, s9;
	s6 =	sadd.s32 @!p0 $0x88, s6;
	s7 =	simm.s32 @p2 $0x1082  }
0x22: {  	[simem:s7], [sflag:s8] =	dma.local @!p0 [hbm:s6], $0xF7A  }
0x23: {  	s9 =	sor.u32 $0xD0000000, s2;
	s6 =	simm.s32 $0x108;
	_ =	swait.ge @!p0 [sflag:s8], $0x0  }
0x24: {  	s3 =	sadd.s32 $0x88, s3;
	s6 =	simm.s32 @!p1 $0x1082;
	[sflag:s4] =	ssyncset.s32 $0xFFFFF086  }
0x25: {  	[simem:s6], [sflag:s4] =	dma.local [hbm:s3], $0xF7A  }
0x26: {  	[smem:$0x3F93] =	sst s1;
	(tag) =	ssettag s2;
	_ =	strace s9  }
0x27: {  	s1 =	sld [smem:$0x3FA3]  }
0x28: {  	s2 =	sld [smem:$0x3FA4]  }
0x29: {  	s4 =	sld [smem:$0x3FA6]  }
0x2a: {  	p0 =	seq.s32 s5, $0x0;
	s5 =	sld [smem:$0x3FA7]  }
0x2b: {  	s6 =	sld [smem:$0x3FA8]  }
0x2c: {  	s7 =	sld [smem:$0x3FA9]  }
0x2d: {  	s3 =	simm.s32 $0x108;
	s8 =	sld [smem:$0x3FAA]  }
0x2e: {  	s3 =	simm.s32 @!p0 $0x1082;
	s9 =	sld [smem:$0x3FAB]  }
0x2f: {  	lr =	sadd.s32 s0, s3;
	s0 =	sld [smem:$0x3FA2]  }
0x30: {  	s3 =	sld [smem:$0x3FA5]  }
0x31: {  	[smem:$0x3FAE] =	sst s10  }
0x32: {  	s10 =	sld [smem:$0x3FAC];
	_ =	sdelay $0x3  }
0x33: {  	p0 =	seq.s32 s10, $0x1;
	s10 =	sld [smem:$0x3FAE];
	_ =	sdelay $0x3  }
0x34: {  	[smem:$0x3FAE] =	sst s10  }
0x35: {  	s10 =	sld [smem:$0x3FAD];
	_ =	sdelay $0x3  }
0x36: {  	p1 =	seq.s32 s10, $0x1;
	s10 =	sld [smem:$0x3FAE];
	_ =	sdelay $0x3  }
0x37: {  	[smem:$0x3FAE] =	sst s10  }
0x38: {  	s10 =	sld [smem:$0x3FAF]  }
0x39: {  	_ = 	snop;
	(pc) =	sbr.ind lr, $3  }
0x3a: {  	_ = 	snop  }
0x3b: {  	_ = 	snop  }
0x3c: {  	p2 =	seq.s32 s10, $0x1;
	s10 =	sld [smem:$0x3FAE]  }
0x3d: {  	_ =	shalt  }
0x3e: {  	_ =	shalt  }
0x3f: {  	_ =	shalt  }
0x40: {  	_ =	shalt  }
0x41: {  	_ =	shalt  }
0x42: {  	_ =	shalt  }
0x43: {  	_ =	shalt  }
0x44: {  	_ =	shalt  }
0x45: {  	_ =	shalt  }
0x46: {  	_ =	shalt  }
0x47: {  	_ =	shalt  }
0x48: {  	_ =	shalt  }
0x49: {  	_ =	shalt  }
0x4a: {  	_ =	shalt  }
0x4b: {  	_ =	shalt  }
0x4c: {  	_ =	shalt  }
0x4d: {  	_ =	shalt  }
0x4e: {  	_ =	shalt  }
0x4f: {  	_ =	shalt  }
0x50: {  	_ =	shalt  }
0x51: {  	_ =	shalt  }
0x52: {  	_ =	shalt  }
0x53: {  	_ =	shalt  }
0x54: {  	_ =	shalt  }
0x55: {  	_ =	shalt  }
0x56: {  	_ =	shalt  }
0x57: {  	_ =	shalt  }
0x58: {  	_ =	shalt  }
0x59: {  	_ =	shalt  }
0x5a: {  	_ =	shalt  }
0x5b: {  	_ =	shalt  }
0x5c: {  	_ =	shalt  }
0x5d: {  	_ =	shalt  }
0x5e: {  	_ =	shalt  }
0x5f: {  	_ =	shalt  }
0x60: {  	_ =	shalt  }
0x61: {  	_ =	shalt  }
0x62: {  	_ =	shalt  }
0x63: {  	_ =	shalt  }
0x64: {  	_ =	shalt  }
0x65: {  	_ =	shalt  }
0x66: {  	_ =	shalt  }
0x67: {  	_ =	shalt  }
0x68: {  	_ =	shalt  }
0x69: {  	_ =	shalt  }
0x6a: {  	_ =	shalt  }
0x6b: {  	_ =	shalt  }
0x6c: {  	_ =	shalt  }
0x6d: {  	_ =	shalt  }
0x6e: {  	_ =	shalt  }
0x6f: {  	_ =	shalt  }
0x70: {  	_ =	shalt  }
0x71: {  	_ =	shalt  }
0x72: {  	_ =	shalt  }
0x73: {  	_ =	shalt  }
0x74: {  	_ =	shalt  }
0x75: {  	_ =	shalt  }
0x76: {  	_ =	shalt  }
0x77: {  	_ =	shalt  }
0x78: {  	_ =	shalt  }
0x79: {  	_ =	shalt  }
0x7a: {  	_ =	shalt  }
0x7b: {  	_ =	shalt  }
0x7c: {  	_ =	shalt  }
0x7d: {  	_ =	shalt  }
0x7e: {  	_ =	shalt  }
0x7f: {  	_ =	shalt  }
0x80: {  	_ =	shalt  }
0x81: {  	_ =	shalt  }
0x82: {  	_ =	shalt  }
0x83: {  	_ =	shalt  }
0x84: {  	_ =	shalt  }
0x85: {  	_ =	shalt  }
0x86: {  	_ =	shalt  }
0x87: {  	_ =	shalt  }
.Lfunc_end0:
.L_simem_size_0:
called_computation.1_lowered:
.L_overlay_start_0:
0x88: {  	s2 =	sld [smem:$0x3FD9]  }
0x89: {  	s3 =	sld [smem:$0x3FFE];
	_ =	sdelay $0x1  }
0x8a: {  	s1 =	srdreg.scid  }
0x8b: {  	s0 =	sand.u32 $0x1, s1  }
0x8c: {  	s17 =	sshll.u32 s0, $0xA;
	s2 =	sadd.s32 s3, s2  }
0x8d: {  	s2 =	sadd.s32 s2, s17  }
0x8e: {  	[smem:$0x3FBA] =	sst s2  }
0x8f: {  	_ = 	snop  }
0x90: {  	s2 =	sld [smem:$0x3FD0];
	(tm) =	ssettm $0x1  }
0x91: {  	s18 =	sld [smem:$0x3FFB];
	_ =	sdelay $0x3  }
0x92: {  	_ =	strace s18  }
0x93: {  	s3 =	sld [smem:$0x3FFC];
	_ =	sdelay $0x3  }
0x94: {  	_ =	strace s3  }
0x95: {  	s3 =	sld [smem:$0x3FFD];
	_ =	sdelay $0x3  }
0x96: {  	_ =	strace s3  }
0x97: {  	_ =	strace $0x8FFFFFFF  }
0x98: {  	s19 =	sld [smem:$0x3FDB];
	_ =	sdelay $0x1  }
0x99: {  	s4 =	simm.s32 $_scs_section_size  }
0x9a: {  	s5 =	simm.s32 $_size__tile_overlayer_lowered;
	s6 =	simm.s32 $_tile_overlayer_lowered  }
0x9b: {  	s22 =	simm.s32 $0x1BFF;
	s21 =	sshll.u32 s6, $0x1;
	s3 =	sadd.s32 s4, s19  }
0x9c: {  	s7 =	simm.s32 $0x0;
	s20 =	sshll.u32 s5, $0x1;
	s5 =	sadd.s32 s21, s3  }
0x9d: {  	[timem:s7], [sflag:s22] =	dma.local [hbm:s5], s20  }
0x9e: {  	_ =	swait.ge [sflag:s22], s20  }
0x9f: {  	s4 =	ssub.s32 $0x0, s20;
	[sflag:s22] =	ssyncset.done $0x0  }
0xa0: {  	[sflag:s22] =	ssyncadd.s32 s4;
	_ =	sdelay $0x1  }
0xa1: {  	s23 =	simm.s32 $0x1B8B  }
0xa2: {  	_ =	swait.ge [sflag:s23], $0x1  }
0xa3: {  	[sflag:s23] =	ssyncset.done $0x0  }
0xa4: {  	s25 =	simm.s32 $0x1B8E;
	s24 =	sld [smem:$0x3FFE];
	[sflag:s23] =	ssyncadd.s32 $0xFFFFFFFF  }
0xa5: {  	s26 =	simm.s32 $execute0_lowered;
	[smem:$0x3FD2] =	sst s25  }
0xa6: {  	s5 =	sshll.u32 s26, $0x1;
	_ =	strace $0x80000049;
	[dreg:$0x1] =	wrdreg $0xFFFFFFFF  }
0xa7: {  	s28 =	simm.s32 $_size_execute0_lowered;
	s3 =	sadd.s32 s3, s5;
	[dreg:$0x0] =	wrdreg $0x0  }
0xa8: {  	s5 =	sshll.u32 s28, $0x1;
	[dreg:$0x2] =	wrdreg s3  }
0xa9: {  	[dreg:$0x3] =	wrdreg s5  }
0xaa: {  	[dreg:$0x4] =	wrdreg $0xC0  }
0xab: {  	_ =	task [dreg:s7], $0x5FFFF  }
0xac: {  	[dreg:$0x1] =	wrdreg $0xFFFFFFFF  }
0xad: {  	[dreg:$0x0] =	wrdreg $0x60  }
0xae: {  	[dreg:$0x2] =	wrdreg s2  }
0xaf: {  	[dreg:$0x3] =	wrdreg s24  }
0xb0: {  	[dreg:$0x4] =	wrdreg $0xB7800  }
0xb1: {  	[dreg:$0x5] =	wrdreg $0x9  }
0xb2: {  	_ =	task.clear_ibuf [dreg:s7], $0x6FFFF;
	_ =	strace $0x90000049  }
0xb3: {  	s29 =	simm.s32 $0x9;
	_ =	strace $0x8000004B  }
0xb4: {  	_ =	swait.ge [sflag:s29], $0x1  }
0xb5: {  	[sflag:s29] =	ssyncadd.s32 $0xFFFFFFFF  }
0xb6: {  	_ =	strace $0x9000004B  }
0xb7: {  	_ =	sfence  }
0xb8: {  	s30 =	sld [smem:$0x0];
	_ =	sdelay $0x2  }
0xb9: {  	s31 =	sshll.u32 s1, $0xD;
	s1 =	sshrl.u32 s1, $0x2  }
0xba: {  	s3 =	sand.u32 $0x4000, s31;
	s1 =	sadd.s32 s1, s30  }
0xbb: {  	s0 =	sor.u32 s3, s0;
	s1 =	sshll.u32 s1, $0x11  }
0xbc: {  	s0 =	sor.u32 s1, s0  }
0xbd: {  	s0 =	sadd.s32 $0x8F2B, s0  }
0xbe: {  	[sflag:s0] =	ssyncadd.remote.s32 $0x1  }
0xbf: {  	_ =	sfence.sel $0xFFFF  }
0xc0: {  	[dreg:$0x0] =	wrdreg $0xFFFFFFFF;
	(pc) =	sbr.abs _section_cstart, $3  }
0xc1: {  	[dreg:$0x1] =	wrdreg $0xFFFFFFFF  }
0xc2: {  	_ =	task.clear_ibuf [dreg:s7], $0x2FFFF;
	_ =	strace $0x9FFFFFFF  }
0xc3: {  	(tm) =	ssettm $0x7FFFFFFF  }
tec
execute0_lowered:
.L_overlay_start_1:
0x0: {  	(tag) =	ssettag $0x1  }
0x1: {  	s0 =	srdreg.scid;
	s1 =	rddreg [dreg:$0x0]  }
0x2: {  	s8 =	stileid.u32;
	s4 =	rddreg [dreg:$0x1]  }
0x3: {  	s3 =	rddreg [dreg:$0x2];
	s7 =	simm.s32 $0x0;
	s17 =	simm.s32 $0x7  }
0x4: {  	s19 =	simm.s32 $0x6780;
	s20 =	simm.s32 $0x28;
	s21 =	simm.s32 $0x7B80  }
0x5: {  	s22 =	simm.s32 $0x50;
	s23 =	simm.s32 $0x8F80;
	s28 =	simm.s32 $0x2  }
0x6: {  	s29 =	simm.s32 $0x3;
	s30 =	simm.s32 $0x4;
	s24 =	smul.u32 $0x13C00, s8  }
0x7: {  	s31 =	simm.s32 $0x5;
	s0 =	sand.u32 $0x1, s0;
	s25 =	smul.u32 $0x4F000, s8  }
0x8: {  	[smem:$0x7FF] =	sst s7;
	s2 =	sshll.u32 s0, $0x4;
	s6 =	smul.u32 $0x13C000, s0  }
0x9: {  	_ =	strace $0x8000004A;
	s0 =	ssub.s32 $0x2, s0;
	s2 =	sor.u32 s8, s2  }
0xa: {  	s26 =	sshrl.u32 s0, $0x1;
	s7 =	sshrl.u32 s25, $0x2;
	s25 =	simm.s32 $0xA380  }
0xb: {  	s5 =	smul.u32 $0x4E2, s2;
	s2 =	sshll.u32 s2, $0xB;
	s6 =	sadd.s32 s24, s6  }
0xc: {  	s0 =	ssub.s32 s0, s26;
	s7 =	sadd.s32 s7, s3;
	s26 =	simm.s32 $0x1  }
0xd: {  	s24 =	simm.s32 $0x0;
	s2 =	sadd.s32 s2, s4;
	s6 =	sshrl.u32 s6, $0x3  }
0xe: {  	s8 =	sadd.s32 $0x11800, s7;
	s10 =	smax.u32 s0, $0x1;
	s11 =	sadd.s32 $0x2800, s7  }
0xf: {  	s12 =	sadd.s32 $0x5000, s7;
	s13 =	sadd.s32 $0x7800, s7;
	s14 =	sadd.s32 $0xA000, s7  }
0x10: {  	s15 =	sadd.s32 $0xC800, s7;
	s16 =	sadd.s32 $0xF000, s7;
	s5 =	sadd.s32 s5, s4  }
0x11: {  	s4 =	sadd.s32 s6, s4;
	s6 =	sadd.s32 $0x2B000, s2;
	s5 =	sadd.s32 $0x7400, s5  }
0x12: {  	v0 =	vimm.f32 $0.0e+00;
	s2 =	simm.s32 $0x6;
	s9 =	sadd.s32 $0xB0C00, s4;
	[dreg:$0x4] =	wrdreg s5  }
.LBB2_1:
0x13: {  	s0 =	simm.s32 $0x0;
	s4 =	rddreg [dreg:$0x4]  }
0x14: {  	[tilespmem:s0], [sflag:$0x7] =	stream.linear.gather [hbm4b:s4+s0], $0x2710, $0x38;
	[tilespmem:$0x1F380] =	vst v63  }
0x15: {  	_ =	swait.ge [sflag:s17], $0x2710  }
0x16: {  	[sflag:s17] =	ssyncset.done $0x0  }
0x17: {  	s18 =	simm.s32 $0x2780;
	[sflag:s17] =	ssyncadd.s32 $0xFFFFD8F0  }
0x18: {  	[tilespmem:s18], [sflag:$0x7] =	stream.linear.gather [hbm4b:s6+s0], $0x3E80, $0x38;
	[tilespmem:$0x1F380] =	vst v63  }
0x19: {  	_ =	swait.ge [sflag:s17], $0x3E80  }
0x1a: {  	[sflag:s17] =	ssyncset.done $0x0  }
0x1b: {  	s0 =	simm.s32 $0x0;
	s18 =	simm.s32 $0x200;
	[sflag:s17] =	ssyncadd.s32 $0xFFFFC180  }
.LBB2_2:
0x1c: {  	p0 =	sne.s32 s18, $0x9E00;
	[tilespmem:s0+$0x67F0] =	vst v0  }
0x1d: {  	[tilespmem:s0+$0x6780] =	vst v0  }
0x1e: {  	[tilespmem:s0+$0x6790] =	vst v0  }
.Ltmp0:
0x1f: {  	[tilespmem:s0+$0x67A0] =	vst v0;
	(pc) =	sbr.rel @p0 .LBB2_2-.Ltmp0, $4  }
0x20: {  	[tilespmem:s0+$0x67B0] =	vst v0  }
0x21: {  	[tilespmem:s0+$0x67C0] =	vst v0  }
0x22: {  	[tilespmem:s0+$0x67D0] =	vst v0  }
0x23: {  	[tilespmem:s0+$0x67E0] =	vst v0;
	s0 =	sshra.s32 s18, $0x2;
	s18 =	sadd.s32 $0x200, s18  }
0x24: {  	[tilespmem:s0+$0x67F0] =	vst v0  }
0x25: {  	[tilespmem:s0+$0x6780] =	vst v0  }
0x26: {  	[tilespmem:s0+$0x6790] =	vst v0  }
0x27: {  	[tilespmem:s0+$0x67A0] =	vst v0  }
0x28: {  	[tilespmem:s0+$0x67B0] =	vst v0  }
0x29: {  	[tilespmem:s0+$0x67C0] =	vst v0  }
0x2a: {  	[tilespmem:s0+$0x67D0] =	vst v0  }
0x2b: {  	[tilespmem:s0+$0x67E0] =	vst v0  }
0x2c: {  	[spmem:s7] =	stream.linear.scatter [tilespmem:s19], [sflag:$0x7], $0x2800, $0x38;
	[tilespmem:$0x1F380] =	vst v63  }
0x2d: {  	_ =	swait.ge [sflag:s17], $0x2800  }
0x2e: {  	[sflag:s17] =	ssyncset.done $0x0  }
0x2f: {  	[sflag:s17] =	ssyncadd.s32 $0xFFFFD800  }
0x30: {  	[spmem:s11] =	stream.linear.scatter [tilespmem:s19], [sflag:$0x7], $0x2800, $0x38;
	[tilespmem:$0x1F380] =	vst v63  }
0x31: {  	_ =	swait.ge [sflag:s17], $0x2800  }
0x32: {  	[sflag:s17] =	ssyncset.done $0x0  }
0x33: {  	[sflag:s17] =	ssyncadd.s32 $0xFFFFD800  }
0x34: {  	[spmem:s12] =	stream.linear.scatter [tilespmem:s19], [sflag:$0x7], $0x2800, $0x38;
	[tilespmem:$0x1F380] =	vst v63  }
0x35: {  	_ =	swait.ge [sflag:s17], $0x2800  }
0x36: {  	[sflag:s17] =	ssyncset.done $0x0  }
0x37: {  	[sflag:s17] =	ssyncadd.s32 $0xFFFFD800  }
0x38: {  	[spmem:s13] =	stream.linear.scatter [tilespmem:s19], [sflag:$0x7], $0x2800, $0x38;
	[tilespmem:$0x1F380] =	vst v63  }
0x39: {  	_ =	swait.ge [sflag:s17], $0x2800  }
0x3a: {  	[sflag:s17] =	ssyncset.done $0x0  }
0x3b: {  	[sflag:s17] =	ssyncadd.s32 $0xFFFFD800  }
0x3c: {  	[spmem:s14] =	stream.linear.scatter [tilespmem:s19], [sflag:$0x7], $0x2800, $0x38;
	[tilespmem:$0x1F380] =	vst v63  }
0x3d: {  	_ =	swait.ge [sflag:s17], $0x2800  }
0x3e: {  	[sflag:s17] =	ssyncset.done $0x0  }
0x3f: {  	[sflag:s17] =	ssyncadd.s32 $0xFFFFD800  }
0x40: {  	[spmem:s15] =	stream.linear.scatter [tilespmem:s19], [sflag:$0x7], $0x2800, $0x38;
	[tilespmem:$0x1F380] =	vst v63  }
0x41: {  	_ =	swait.ge [sflag:s17], $0x2800  }
0x42: {  	[sflag:s17] =	ssyncset.done $0x0  }
0x43: {  	[sflag:s17] =	ssyncadd.s32 $0xFFFFD800  }
0x44: {  	[spmem:s16] =	stream.linear.scatter [tilespmem:s19], [sflag:$0x7], $0x2800, $0x38;
	[tilespmem:$0x1F380] =	vst v63  }
0x45: {  	_ =	swait.ge [sflag:s17], $0x2800  }
0x46: {  	[sflag:s17] =	ssyncset.done $0x0  }
0x47: {  	[sflag:s17] =	ssyncadd.s32 $0xFFFFD800  }
0x48: {  	[spmem:s8] =	stream.linear.scatter [tilespmem:s19], [sflag:$0x7], $0x2400, $0x38;
	[tilespmem:$0x1F380] =	vst v63  }
0x49: {  	_ =	swait.ge [sflag:s17], $0x2400  }
0x4a: {  	[sflag:s17] =	ssyncset.done $0x0  }
0x4b: {  	[sflag:s17] =	ssyncadd.s32 $0xFFFFDC00  }
0x4c: {  	s18 =	simm.s32 $0x0;
	[bflag:$0x0] =	sbarrier.arrive $0xFFFF  }
0x4d: {  	[tilespmem:s19], [sflag:$0x1] =	stream.indirect.gather [hbm4b:s1+s20], $0x80, s18, s20, $0xb8;
	[tilespmem:$0x1F380] =	vst v63  }
0x4e: {  	_ = 	snop  }
0x4f: {  	[tilespmem:s21], [sflag:$0x2] =	stream.indirect.gather [hbm4b:s1+s20], $0x80, s20, s20, $0xb8;
	[tilespmem:$0x1F380] =	vst v63  }
0x50: {  	_ = 	snop  }
0x51: {  	[tilespmem:s23], [sflag:$0x3] =	stream.indirect.gather [hbm4b:s1+s20], $0x80, s22, s20, $0xb8;
	[tilespmem:$0x1F380] =	vst v63  }
0x52: {  	s4 =	simm.s32 $0x78  }
0x53: {  	[tilespmem:s25], [sflag:$0x4] =	stream.indirect.gather [hbm4b:s1+s20], $0x80, s4, s20, $0xb8;
	[tilespmem:$0x1F380] =	vst v63  }
0x54: {  	_ =	swait.ge [sflag:s26], $0x1400  }
0x55: {  	[sflag:s26] =	ssyncset.done $0x0  }
0x56: {  	[sflag:s26] =	ssyncadd.s32 $0xFFFFEC00  }
0x57: {  	_ =	swait.ge [sflag:s28], $0x1400  }
0x58: {  	[sflag:s28] =	ssyncset.done $0x0  }
0x59: {  	s5 =	simm.s32 $0x2780;
	[sflag:s28] =	ssyncadd.s32 $0xFFFFEC00  }
0x5a: {  	[spmem:s3] =	stream.indirect.scatter.add.f32 [tilespmem:s19], [sflag:$0x5], $0x80, s5, s22, $0xb8;
	[tilespmem:$0x1F380] =	vst v63  }
0x5b: {  	_ =	swait.ge [sflag:s29], $0x1400  }
0x5c: {  	[sflag:s29] =	ssyncset.done $0x0  }
0x5d: {  	[sflag:s29] =	ssyncadd.s32 $0xFFFFEC00  }
0x5e: {  	_ =	swait.ge [sflag:s30], $0x1400  }
0x5f: {  	[sflag:s30] =	ssyncset.done $0x0  }
0x60: {  	s18 =	simm.s32 $0x2800;
	[sflag:s30] =	ssyncadd.s32 $0xFFFFEC00  }
0x61: {  	[spmem:s3] =	stream.indirect.scatter.add.f32 [tilespmem:s23], [sflag:$0x6], $0x80, s18, s22, $0xb8;
	[tilespmem:$0x1F380] =	vst v63  }
0x62: {  	_ =	swait.ge [sflag:s31], $0x2800  }
0x63: {  	[sflag:s31] =	ssyncset.done $0x0  }
0x64: {  	s4 =	simm.s32 $0xA0;
	[sflag:s31] =	ssyncadd.s32 $0xFFFFD800  }
0x65: {  	[tilespmem:s19], [sflag:$0x1] =	stream.indirect.gather [hbm4b:s1+s20], $0x80, s4, s20, $0xb8;
	[tilespmem:$0x1F380] =	vst v63  }
0x66: {  	s5 =	simm.s32 $0xC8  }
0x67: {  	[tilespmem:s21], [sflag:$0x2] =	stream.indirect.gather [hbm4b:s1+s20], $0x80, s5, s20, $0xb8;
	[tilespmem:$0x1F380] =	vst v63  }
0x68: {  	_ =	swait.ge [sflag:s2], $0x2800  }
0x69: {  	[sflag:s2] =	ssyncset.done $0x0  }
0x6a: {  	s18 =	simm.s32 $0xF0;
	[sflag:s2] =	ssyncadd.s32 $0xFFFFD800  }
0x6b: {  	[tilespmem:s23], [sflag:$0x3] =	stream.indirect.gather [hbm4b:s1+s20], $0x80, s18, s20, $0xb8;
	[tilespmem:$0x1F380] =	vst v63  }
0x6c: {  	s0 =	simm.s32 $0x280;
	s4 =	simm.s32 $0x118;
	s18 =	simm.s32 $0x2900  }
.LBB2_4:
0x6d: {  	[tilespmem:s25], [sflag:$0x4] =	stream.indirect.gather [hbm4b:s1+s20], $0x80, s4, s20, $0xb8;
	[tilespmem:$0x1F380] =	vst v63  }
0x6e: {  	s4 =	smov.u32 s0  }
0x6f: {  	p0 =	sne.s32 s0, $0x9600;
	s0 =	sadd.s32 $0x280, s0;
	_ =	swait.ge [sflag:s26], $0x1400  }
0x70: {  	[sflag:s26] =	ssyncset.done $0x0  }
0x71: {  	[sflag:s26] =	ssyncadd.s32 $0xFFFFEC00  }
0x72: {  	_ =	swait.ge [sflag:s28], $0x1400  }
0x73: {  	[sflag:s28] =	ssyncset.done $0x0  }
0x74: {  	s5 =	sadd.s32 $0xFFFFFF80, s18;
	[sflag:s28] =	ssyncadd.s32 $0xFFFFEC00  }
0x75: {  	[spmem:s3] =	stream.indirect.scatter.add.f32 [tilespmem:s19], [sflag:$0x5], $0x80, s5, s22, $0xb8;
	[tilespmem:$0x1F380] =	vst v63  }
0x76: {  	_ =	swait.ge [sflag:s29], $0x1400  }
0x77: {  	[sflag:s29] =	ssyncset.done $0x0  }
0x78: {  	[sflag:s29] =	ssyncadd.s32 $0xFFFFEC00  }
0x79: {  	_ =	swait.ge [sflag:s30], $0x1400  }
0x7a: {  	[sflag:s30] =	ssyncset.done $0x0  }
0x7b: {  	[sflag:s30] =	ssyncadd.s32 $0xFFFFEC00  }
0x7c: {  	[spmem:s3] =	stream.indirect.scatter.add.f32 [tilespmem:s23], [sflag:$0x6], $0x80, s18, s22, $0xb8;
	[tilespmem:$0x1F380] =	vst v63  }
0x7d: {  	_ =	swait.ge [sflag:s31], $0x2800  }
0x7e: {  	s4 =	sshra.s32 s4, $0x2;
	[sflag:s31] =	ssyncset.done $0x0  }
0x7f: {  	s5 =	sadd.s32 $0xA0, s4;
	[sflag:s31] =	ssyncadd.s32 $0xFFFFD800  }
0x80: {  	[tilespmem:s19], [sflag:$0x1] =	stream.indirect.gather [hbm4b:s1+s20], $0x80, s5, s20, $0xb8;
	[tilespmem:$0x1F380] =	vst v63  }
0x81: {  	s5 =	sadd.s32 $0xC8, s4  }
0x82: {  	[tilespmem:s21], [sflag:$0x2] =	stream.indirect.gather [hbm4b:s1+s20], $0x80, s5, s20, $0xb8;
	[tilespmem:$0x1F380] =	vst v63  }
.Ltmp1:
0x83: {  	_ =	swait.ge [sflag:s2], $0x2800;
	(pc) =	sbr.rel @p0 .LBB2_4-.Ltmp1, $4  }
0x84: {  	[sflag:s2] =	ssyncset.done $0x0  }
0x85: {  	s5 =	sadd.s32 $0xF0, s4;
	[sflag:s2] =	ssyncadd.s32 $0xFFFFD800  }
0x86: {  	[tilespmem:s23], [sflag:$0x3] =	stream.indirect.gather [hbm4b:s1+s20], $0x80, s5, s20, $0xb8;
	[tilespmem:$0x1F380] =	vst v63  }
0x87: {  	s18 =	sadd.s32 $0x100, s18;
	s4 =	sadd.s32 $0x118, s4  }
0x88: {  	[tilespmem:s25], [sflag:$0x4] =	stream.indirect.gather [hbm4b:s1+s20], $0x80, s4, s20, $0xb8;
	[tilespmem:$0x1F380] =	vst v63  }
0x89: {  	_ =	swait.ge [sflag:s26], $0x1400  }
0x8a: {  	[sflag:s26] =	ssyncset.done $0x0  }
0x8b: {  	[sflag:s26] =	ssyncadd.s32 $0xFFFFEC00  }
0x8c: {  	_ =	swait.ge [sflag:s28], $0x1400  }
0x8d: {  	[sflag:s28] =	ssyncset.done $0x0  }
0x8e: {  	s0 =	simm.s32 $0x6480;
	[sflag:s28] =	ssyncadd.s32 $0xFFFFEC00  }
0x8f: {  	[spmem:s3] =	stream.indirect.scatter.add.f32 [tilespmem:s19], [sflag:$0x5], $0x80, s0, s22, $0xb8;
	[tilespmem:$0x1F380] =	vst v63  }
0x90: {  	_ =	swait.ge [sflag:s29], $0x1400  }
0x91: {  	[sflag:s29] =	ssyncset.done $0x0  }
0x92: {  	[sflag:s29] =	ssyncadd.s32 $0xFFFFEC00  }
0x93: {  	_ =	swait.ge [sflag:s30], $0x1400  }
0x94: {  	[sflag:s30] =	ssyncset.done $0x0  }
0x95: {  	s4 =	simm.s32 $0x6500;
	[sflag:s30] =	ssyncadd.s32 $0xFFFFEC00  }
0x96: {  	[spmem:s3] =	stream.indirect.scatter.add.f32 [tilespmem:s23], [sflag:$0x6], $0x80, s4, s22, $0xb8;
	[tilespmem:$0x1F380] =	vst v63  }
0x97: {  	_ =	swait.ge [sflag:s31], $0x2800  }
0x98: {  	[sflag:s31] =	ssyncset.done $0x0  }
0x99: {  	s5 =	simm.s32 $0x26C0;
	[sflag:s31] =	ssyncadd.s32 $0xFFFFD800  }
0x9a: {  	[tilespmem:s19], [sflag:$0x1] =	stream.indirect.gather [hbm4b:s1+s20], $0x80, s5, s20, $0xb8;
	[tilespmem:$0x1F380] =	vst v63  }
0x9b: {  	s18 =	simm.s32 $0x26E8  }
0x9c: {  	[tilespmem:s21], [sflag:$0x2] =	stream.indirect.gather [hbm4b:s1+s20], $0x80, s18, s20, $0xb8;
	[tilespmem:$0x1F380] =	vst v63  }
0x9d: {  	_ =	swait.ge [sflag:s2], $0x2800  }
0x9e: {  	[sflag:s2] =	ssyncset.done $0x0  }
0x9f: {  	[sflag:s2] =	ssyncadd.s32 $0xFFFFD800  }
0xa0: {  	_ =	swait.ge [sflag:s26], $0x1400  }
0xa1: {  	[sflag:s26] =	ssyncset.done $0x0  }
0xa2: {  	[sflag:s26] =	ssyncadd.s32 $0xFFFFEC00  }
0xa3: {  	_ =	swait.ge [sflag:s28], $0x1400  }
0xa4: {  	[sflag:s28] =	ssyncset.done $0x0  }
0xa5: {  	s4 =	simm.s32 $0x6580;
	[sflag:s28] =	ssyncadd.s32 $0xFFFFEC00  }
0xa6: {  	[spmem:s3] =	stream.indirect.scatter.add.f32 [tilespmem:s19], [sflag:$0x5], $0x80, s4, s22, $0xb8;
	[tilespmem:$0x1F380] =	vst v63  }
0xa7: {  	s5 =	stileid.u32;
	_ =	swait.ge [sflag:s31], $0x2800  }
0xa8: {  	s24 =	sadd.s32 $0x1, s24;
	s0 =	sshll.u32 s5, $0x6;
	[sflag:s31] =	ssyncset.done $0x0  }
0xa9: {  	p0 =	sne.s32 s24, s10;
	s0 =	sor.u32 $0x1C07, s0;
	[sflag:s31] =	ssyncadd.s32 $0xFFFFD800  }
.Ltmp2:
0xaa: {  	s18 =	sshrl.u32 s7, $0x3;
	[bflag:$0x0] =	sbarrier.arrive $0xFFFF;
	(pc) =	sbr.rel @p0 .LBB2_1-.Ltmp2, $4  }
0xab: {  	[hbm:s9], [sflag:s0] =	dma.local [spmem:s18], $0x2780  }
0xac: {  	_ =	swait.ge [sflag:s17], $0x2780  }
0xad: {  	[sflag:s17] =	ssyncset.done $0x0  }
0xae: {  	[sflag:s17] =	ssyncadd.s32 $0xFFFFD880  }
0xaf: {  	_ =	sfence.sel $0x180000  }
0xb0: {  	[bflag:$0x0] =	sbarrier.arrive $0xFFFF  }
0xb1: {  	_ =	strace $0x9000004A  }
0xb2: {  	s0 =	stileid.u32;
	[bflag:$0x2] =	sbarrier.arrive $0xFFFF  }
0xb3: {  	p0 =	sne.s32 s0, $0x0;
	s0 =	rddreg [dreg:$0x3]  }
0xb4: {  	s0 =	sadd.s32 @!p0 $0x100000, s0  }
0xb5: {  	[sflag:s0] =	ssyncadd.tile.s32 @!p0 $0x1;
	_ =	shalt  }
.Lfunc_end2:
_tile_overlayer_lowered:
.L_overlay_start_2:
0xb6: {  	(tag) =	ssettag $0x2  }
0xb7: {  	s0 =	rddreg [dreg:$0x0];
	s2 =	stileid.u32  }
0xb8: {  	s1 =	rddreg [dreg:$0x1];
	p0 =	sne.s32 s2, $0x0  }
0xb9: {  	s3 =	rddreg [dreg:$0x2];
	[bflag:$0x3] =	sbarrier.arrive $0xFFFF;
	s2 =	simm.s32 @!p0 $0x1C07  }
0xba: {  	[timem:s3], [sflag:s2] =	dma.local @!p0 [hbm:s0], s1  }
0xbb: {  	s0 =	simm.s32 @!p0 $0x7  }
0xbc: {  	_ =	swait.ge @!p0 [sflag:s0], s1  }
0xbd: {  	s1 =	ssub.s32 @!p0 $0x0, s1;
	[sflag:s0] =	ssyncset.done @!p0 $0x0  }
0xbe: {  	[sflag:s0] =	ssyncadd.s32 @!p0 s1  }
0xbf: {  	[bflag:$0x3] =	sbarrier.arrive $0xFFFF  }
0xc0: {  	_ =	shalt  }

// kernel: kernel.24.cloned.1.call-start
scs
__scs_entry_jumppad:
0x0: {  	(pc) =	sbr.rel $0x88, $3  }
0x1: {  	(tag) =	ssettag $0x0;
	lr =	simm.s32 $0x1  }
0x2: {  	[smem:$0x3F93] =	sst lr;
	_ =	strace $0xD0000000  }
0x3: {  	_ = 	snop  }
0x4: {  	_ = 	snop  }
0x5: {  	_ = 	snop  }
0x6: {  	_ = 	snop  }
0x7: {  	_ = 	snop  }
__scs_overlays_trampoline_lowered:
0x8: {  	[smem:$0x3FA2] =	sst s0  }
0x9: {  	[smem:$0x3FA3] =	sst s1  }
0xa: {  	[smem:$0x3FA4] =	sst s2  }
0xb: {  	[smem:$0x3FA5] =	sst s3  }
0xc: {  	[smem:$0x3FA6] =	sst s4  }
0xd: {  	[smem:$0x3FA7] =	sst s5  }
0xe: {  	[smem:$0x3FA8] =	sst s6  }
0xf: {  	[smem:$0x3FA9] =	sst s7  }
0x10: {  	[smem:$0x3FAA] =	sst s8  }
0x11: {  	[smem:$0x3FAB] =	sst s9;
	s0 =	simm.s32 @!p0 $0x0  }
0x12: {  	s1 =	sld [smem:$0x3F91];
	s0 =	simm.s32 @p0 $0x1  }
0x13: {  	[smem:$0x3FAC] =	sst s0;
	s0 =	simm.s32 @!p1 $0x0  }
0x14: {  	s2 =	sld [smem:$0x3F90];
	s0 =	simm.s32 @p1 $0x1  }
0x15: {  	[smem:$0x3FAD] =	sst s0;
	s0 =	simm.s32 @!p2 $0x0  }
0x16: {  	s3 =	sld [smem:$0x3FDB];
	s0 =	simm.s32 @p2 $0x1  }
0x17: {  	s4 =	simm.s32 $0x1BF5;
	[smem:$0x3FAF] =	sst s0  }
0x18: {  	s0 =	sld [smem:$0x3F92];
	_ =	swait.ge [sflag:s4], $0x0  }
0x19: {  	s7 =	sld [smem:$0x3F93]  }
0x1a: {  	s8 =	sadd.s32 $0xFFFFE003, lr  }
0x1b: {  	s9 =	sadd.s32 $0xFFFFFEF7, lr;
	s5 =	simm.s32 $0xFFFFFFFF;
	p2 =	slt.u32 s8, $0xFFFFF086  }
0x1c: {  	p1 =	slt.u32 s9, $0xF7A;
	s5 =	simm.s32 @!p2 $0x0  }
0x1d: {  	s5 =	simm.s32 @p1 $0x1;
	p0 =	seq.s32 s7, s2  }
0x1e: {  	s7 =	smul.u32 @!p0 $0xF7A, s2;
	p2 =	seq.s32 @!p0 s5, $0x0  }
0x1f: {  	s9 =	smul.u32 $0xF7A, s1;
	s8 =	simm.s32 @!p0 $0x1BF5;
	p2 =	por !p2, p0  }
0x20: {  	[sflag:s8] =	ssyncset.s32 @!p0 $0xFFFFF086;
	s6 =	sadd.s32 @!p0 s3, s7;
	s7 =	simm.s32 @!p0 $0x108  }
0x21: {  	s3 =	sadd.s32 s3, s9;
	s6 =	sadd.s32 @!p0 $0x88, s6;
	s7 =	simm.s32 @p2 $0x1082  }
0x22: {  	[simem:s7], [sflag:s8] =	dma.local @!p0 [hbm:s6], $0xF7A  }
0x23: {  	s9 =	sor.u32 $0xD0000000, s2;
	s6 =	simm.s32 $0x108;
	_ =	swait.ge @!p0 [sflag:s8], $0x0  }
0x24: {  	s3 =	sadd.s32 $0x88, s3;
	s6 =	simm.s32 @!p1 $0x1082;
	[sflag:s4] =	ssyncset.s32 $0xFFFFF086  }
0x25: {  	[simem:s6], [sflag:s4] =	dma.local [hbm:s3], $0xF7A  }
0x26: {  	[smem:$0x3F93] =	sst s1;
	(tag) =	ssettag s2;
	_ =	strace s9  }
0x27: {  	s1 =	sld [smem:$0x3FA3]  }
0x28: {  	s2 =	sld [smem:$0x3FA4]  }
0x29: {  	s4 =	sld [smem:$0x3FA6]  }
0x2a: {  	p0 =	seq.s32 s5, $0x0;
	s5 =	sld [smem:$0x3FA7]  }
0x2b: {  	s6 =	sld [smem:$0x3FA8]  }
0x2c: {  	s7 =	sld [smem:$0x3FA9]  }
0x2d: {  	s3 =	simm.s32 $0x108;
	s8 =	sld [smem:$0x3FAA]  }
0x2e: {  	s3 =	simm.s32 @!p0 $0x1082;
	s9 =	sld [smem:$0x3FAB]  }
0x2f: {  	lr =	sadd.s32 s0, s3;
	s0 =	sld [smem:$0x3FA2]  }
0x30: {  	s3 =	sld [smem:$0x3FA5]  }
0x31: {  	[smem:$0x3FAE] =	sst s10  }
0x32: {  	s10 =	sld [smem:$0x3FAC];
	_ =	sdelay $0x3  }
0x33: {  	p0 =	seq.s32 s10, $0x1;
	s10 =	sld [smem:$0x3FAE];
	_ =	sdelay $0x3  }
0x34: {  	[smem:$0x3FAE] =	sst s10  }
0x35: {  	s10 =	sld [smem:$0x3FAD];
	_ =	sdelay $0x3  }
0x36: {  	p1 =	seq.s32 s10, $0x1;
	s10 =	sld [smem:$0x3FAE];
	_ =	sdelay $0x3  }
0x37: {  	[smem:$0x3FAE] =	sst s10  }
0x38: {  	s10 =	sld [smem:$0x3FAF]  }
0x39: {  	_ = 	snop;
	(pc) =	sbr.ind lr, $3  }
0x3a: {  	_ = 	snop  }
0x3b: {  	_ = 	snop  }
0x3c: {  	p2 =	seq.s32 s10, $0x1;
	s10 =	sld [smem:$0x3FAE]  }
0x3d: {  	_ =	shalt  }
0x3e: {  	_ =	shalt  }
0x3f: {  	_ =	shalt  }
0x40: {  	_ =	shalt  }
0x41: {  	_ =	shalt  }
0x42: {  	_ =	shalt  }
0x43: {  	_ =	shalt  }
0x44: {  	_ =	shalt  }
0x45: {  	_ =	shalt  }
0x46: {  	_ =	shalt  }
0x47: {  	_ =	shalt  }
0x48: {  	_ =	shalt  }
0x49: {  	_ =	shalt  }
0x4a: {  	_ =	shalt  }
0x4b: {  	_ =	shalt  }
0x4c: {  	_ =	shalt  }
0x4d: {  	_ =	shalt  }
0x4e: {  	_ =	shalt  }
0x4f: {  	_ =	shalt  }
0x50: {  	_ =	shalt  }
0x51: {  	_ =	shalt  }
0x52: {  	_ =	shalt  }
0x53: {  	_ =	shalt  }
0x54: {  	_ =	shalt  }
0x55: {  	_ =	shalt  }
0x56: {  	_ =	shalt  }
0x57: {  	_ =	shalt  }
0x58: {  	_ =	shalt  }
0x59: {  	_ =	shalt  }
0x5a: {  	_ =	shalt  }
0x5b: {  	_ =	shalt  }
0x5c: {  	_ =	shalt  }
0x5d: {  	_ =	shalt  }
0x5e: {  	_ =	shalt  }
0x5f: {  	_ =	shalt  }
0x60: {  	_ =	shalt  }
0x61: {  	_ =	shalt  }
0x62: {  	_ =	shalt  }
0x63: {  	_ =	shalt  }
0x64: {  	_ =	shalt  }
0x65: {  	_ =	shalt  }
0x66: {  	_ =	shalt  }
0x67: {  	_ =	shalt  }
0x68: {  	_ =	shalt  }
0x69: {  	_ =	shalt  }
0x6a: {  	_ =	shalt  }
0x6b: {  	_ =	shalt  }
0x6c: {  	_ =	shalt  }
0x6d: {  	_ =	shalt  }
0x6e: {  	_ =	shalt  }
0x6f: {  	_ =	shalt  }
0x70: {  	_ =	shalt  }
0x71: {  	_ =	shalt  }
0x72: {  	_ =	shalt  }
0x73: {  	_ =	shalt  }
0x74: {  	_ =	shalt  }
0x75: {  	_ =	shalt  }
0x76: {  	_ =	shalt  }
0x77: {  	_ =	shalt  }
0x78: {  	_ =	shalt  }
0x79: {  	_ =	shalt  }
0x7a: {  	_ =	shalt  }
0x7b: {  	_ =	shalt  }
0x7c: {  	_ =	shalt  }
0x7d: {  	_ =	shalt  }
0x7e: {  	_ =	shalt  }
0x7f: {  	_ =	shalt  }
0x80: {  	_ =	shalt  }
0x81: {  	_ =	shalt  }
0x82: {  	_ =	shalt  }
0x83: {  	_ =	shalt  }
0x84: {  	_ =	shalt  }
0x85: {  	_ =	shalt  }
0x86: {  	_ =	shalt  }
0x87: {  	_ =	shalt  }
.Lfunc_end0:
.L_simem_size_0:
called_computation.2_lowered:
.L_overlay_start_0:
0x88: {  	s2 =	sld [smem:$0x3FD9]  }
0x89: {  	s3 =	sld [smem:$0x3FFE];
	_ =	sdelay $0x1  }
0x8a: {  	s1 =	srdreg.scid  }
0x8b: {  	s0 =	sand.u32 $0x1, s1  }
0x8c: {  	s17 =	sshll.u32 s0, $0xA;
	s2 =	sadd.s32 s3, s2  }
0x8d: {  	s2 =	sadd.s32 s2, s17  }
0x8e: {  	[smem:$0x3FBA] =	sst s2  }
0x8f: {  	_ = 	snop  }
0x90: {  	s2 =	sld [smem:$0x3FD0];
	(tm) =	ssettm $0x1  }
0x91: {  	s18 =	sld [smem:$0x3FFB];
	_ =	sdelay $0x3  }
0x92: {  	_ =	strace s18  }
0x93: {  	s3 =	sld [smem:$0x3FFC];
	_ =	sdelay $0x3  }
0x94: {  	_ =	strace s3  }
0x95: {  	s3 =	sld [smem:$0x3FFD];
	_ =	sdelay $0x3  }
0x96: {  	_ =	strace s3  }
0x97: {  	_ =	strace $0x8FFFFFFF  }
0x98: {  	s19 =	sld [smem:$0x3FDB];
	_ =	sdelay $0x1  }
0x99: {  	s4 =	simm.s32 $_scs_section_size  }
0x9a: {  	s5 =	simm.s32 $_size__tile_overlayer_lowered;
	s6 =	simm.s32 $_tile_overlayer_lowered  }
0x9b: {  	s22 =	simm.s32 $0x1BFF;
	s21 =	sshll.u32 s6, $0x1;
	s3 =	sadd.s32 s4, s19  }
0x9c: {  	s7 =	simm.s32 $0x0;
	s20 =	sshll.u32 s5, $0x1;
	s5 =	sadd.s32 s21, s3  }
0x9d: {  	[timem:s7], [sflag:s22] =	dma.local [hbm:s5], s20  }
0x9e: {  	_ =	swait.ge [sflag:s22], s20  }
0x9f: {  	s4 =	ssub.s32 $0x0, s20;
	[sflag:s22] =	ssyncset.done $0x0  }
0xa0: {  	[sflag:s22] =	ssyncadd.s32 s4;
	_ =	sdelay $0x1  }
0xa1: {  	s23 =	simm.s32 $0x1B8B  }
0xa2: {  	_ =	swait.ge [sflag:s23], $0x1  }
0xa3: {  	[sflag:s23] =	ssyncset.done $0x0  }
0xa4: {  	s25 =	simm.s32 $0x1B8E;
	s24 =	sld [smem:$0x3FFE];
	[sflag:s23] =	ssyncadd.s32 $0xFFFFFFFF  }
0xa5: {  	s26 =	simm.s32 $execute0_lowered;
	[smem:$0x3FD2] =	sst s25  }
0xa6: {  	s5 =	sshll.u32 s26, $0x1;
	_ =	strace $0x8000004C;
	[dreg:$0x1] =	wrdreg $0xFFFFFFFF  }
0xa7: {  	s28 =	simm.s32 $_size_execute0_lowered;
	s3 =	sadd.s32 s3, s5;
	[dreg:$0x0] =	wrdreg $0x0  }
0xa8: {  	s5 =	sshll.u32 s28, $0x1;
	[dreg:$0x2] =	wrdreg s3  }
0xa9: {  	[dreg:$0x3] =	wrdreg s5  }
0xaa: {  	[dreg:$0x4] =	wrdreg $0xC0  }
0xab: {  	_ =	task [dreg:s7], $0x5FFFF  }
0xac: {  	[dreg:$0x1] =	wrdreg $0xFFFFFFFF  }
0xad: {  	[dreg:$0x0] =	wrdreg $0x60  }
0xae: {  	[dreg:$0x2] =	wrdreg s2  }
0xaf: {  	[dreg:$0x3] =	wrdreg s24  }
0xb0: {  	[dreg:$0x4] =	wrdreg $0xB7800  }
0xb1: {  	[dreg:$0x5] =	wrdreg $0x9  }
0xb2: {  	_ =	task.clear_ibuf [dreg:s7], $0x6FFFF;
	_ =	strace $0x9000004C  }
0xb3: {  	s29 =	simm.s32 $0x9;
	_ =	strace $0x8000004E  }
0xb4: {  	_ =	swait.ge [sflag:s29], $0x1  }
0xb5: {  	[sflag:s29] =	ssyncadd.s32 $0xFFFFFFFF  }
0xb6: {  	_ =	strace $0x9000004E  }
0xb7: {  	_ =	sfence  }
0xb8: {  	s30 =	sld [smem:$0x0];
	_ =	sdelay $0x2  }
0xb9: {  	s31 =	sshll.u32 s1, $0xD;
	s1 =	sshrl.u32 s1, $0x2  }
0xba: {  	s3 =	sand.u32 $0x4000, s31;
	s1 =	sadd.s32 s1, s30  }
0xbb: {  	s0 =	sor.u32 s3, s0;
	s1 =	sshll.u32 s1, $0x11  }
0xbc: {  	s0 =	sor.u32 s1, s0  }
0xbd: {  	s0 =	sadd.s32 $0x8F2B, s0  }
0xbe: {  	[sflag:s0] =	ssyncadd.remote.s32 $0x1  }
0xbf: {  	_ =	sfence.sel $0xFFFF  }
0xc0: {  	[dreg:$0x0] =	wrdreg $0xFFFFFFFF;
	(pc) =	sbr.abs _section_cstart, $3  }
0xc1: {  	[dreg:$0x1] =	wrdreg $0xFFFFFFFF  }
0xc2: {  	_ =	task.clear_ibuf [dreg:s7], $0x2FFFF;
	_ =	strace $0x9FFFFFFF  }
0xc3: {  	(tm) =	ssettm $0x7FFFFFFF  }
tec
execute0_lowered:
.L_overlay_start_1:
0x0: {  	(tag) =	ssettag $0x1  }
0x1: {  	s0 =	srdreg.scid;
	s1 =	rddreg [dreg:$0x0]  }
0x2: {  	s8 =	stileid.u32;
	s4 =	rddreg [dreg:$0x1]  }
0x3: {  	s3 =	rddreg [dreg:$0x2];
	s7 =	simm.s32 $0x0;
	s17 =	simm.s32 $0x7  }
0x4: {  	s19 =	simm.s32 $0x6780;
	s20 =	simm.s32 $0x28;
	s21 =	simm.s32 $0x7B80  }
0x5: {  	s22 =	simm.s32 $0x50;
	s23 =	simm.s32 $0x8F80;
	s28 =	simm.s32 $0x2  }
0x6: {  	s29 =	simm.s32 $0x3;
	s30 =	simm.s32 $0x4;
	s24 =	smul.u32 $0x13C00, s8  }
0x7: {  	s31 =	simm.s32 $0x5;
	s0 =	sand.u32 $0x1, s0;
	s25 =	smul.u32 $0x4F000, s8  }
0x8: {  	[smem:$0x7FF] =	sst s7;
	s2 =	sshll.u32 s0, $0x4;
	s6 =	smul.u32 $0x13C000, s0  }
0x9: {  	_ =	strace $0x8000004D;
	s0 =	ssub.s32 $0x2, s0;
	s2 =	sor.u32 s8, s2  }
0xa: {  	s26 =	sshrl.u32 s0, $0x1;
	s7 =	sshrl.u32 s25, $0x2;
	s25 =	simm.s32 $0xA380  }
0xb: {  	s5 =	smul.u32 $0x4E2, s2;
	s2 =	sshll.u32 s2, $0xB;
	s6 =	sadd.s32 s24, s6  }
0xc: {  	s0 =	ssub.s32 s0, s26;
	s7 =	sadd.s32 s7, s3;
	s26 =	simm.s32 $0x1  }
0xd: {  	s24 =	simm.s32 $0x0;
	s2 =	sadd.s32 s2, s4;
	s6 =	sshrl.u32 s6, $0x3  }
0xe: {  	s8 =	sadd.s32 $0x11800, s7;
	s10 =	smax.u32 s0, $0x1;
	s11 =	sadd.s32 $0x2800, s7  }
0xf: {  	s12 =	sadd.s32 $0x5000, s7;
	s13 =	sadd.s32 $0x7800, s7;
	s14 =	sadd.s32 $0xA000, s7  }
0x10: {  	s15 =	sadd.s32 $0xC800, s7;
	s16 =	sadd.s32 $0xF000, s7;
	s5 =	sadd.s32 s5, s4  }
0x11: {  	s4 =	sadd.s32 s6, s4;
	s6 =	sadd.s32 $0x2B000, s2;
	s5 =	sadd.s32 $0x7400, s5  }
0x12: {  	v0 =	vimm.f32 $0.0e+00;
	s2 =	simm.s32 $0x6;
	s9 =	sadd.s32 $0xB0C00, s4;
	[dreg:$0x4] =	wrdreg s5  }
.LBB2_1:
0x13: {  	s0 =	simm.s32 $0x0;
	s4 =	rddreg [dreg:$0x4]  }
0x14: {  	[tilespmem:s0], [sflag:$0x7] =	stream.linear.gather [hbm4b:s4+s0], $0x2710, $0x38;
	[tilespmem:$0x1F380] =	vst v63  }
0x15: {  	_ =	swait.ge [sflag:s17], $0x2710  }
0x16: {  	[sflag:s17] =	ssyncset.done $0x0  }
0x17: {  	s18 =	simm.s32 $0x2780;
	[sflag:s17] =	ssyncadd.s32 $0xFFFFD8F0  }
0x18: {  	[tilespmem:s18], [sflag:$0x7] =	stream.linear.gather [hbm4b:s6+s0], $0x3E80, $0x38;
	[tilespmem:$0x1F380] =	vst v63  }
0x19: {  	_ =	swait.ge [sflag:s17], $0x3E80  }
0x1a: {  	[sflag:s17] =	ssyncset.done $0x0  }
0x1b: {  	s0 =	simm.s32 $0x0;
	s18 =	simm.s32 $0x200;
	[sflag:s17] =	ssyncadd.s32 $0xFFFFC180  }
.LBB2_2:
0x1c: {  	p0 =	sne.s32 s18, $0x9E00;
	[tilespmem:s0+$0x67F0] =	vst v0  }
0x1d: {  	[tilespmem:s0+$0x6780] =	vst v0  }
0x1e: {  	[tilespmem:s0+$0x6790] =	vst v0  }
.Ltmp0:
0x1f: {  	[tilespmem:s0+$0x67A0] =	vst v0;
	(pc) =	sbr.rel @p0 .LBB2_2-.Ltmp0, $4  }
0x20: {  	[tilespmem:s0+$0x67B0] =	vst v0  }
0x21: {  	[tilespmem:s0+$0x67C0] =	vst v0  }
0x22: {  	[tilespmem:s0+$0x67D0] =	vst v0  }
0x23: {  	[tilespmem:s0+$0x67E0] =	vst v0;
	s0 =	sshra.s32 s18, $0x2;
	s18 =	sadd.s32 $0x200, s18  }
0x24: {  	[tilespmem:s0+$0x67F0] =	vst v0  }
0x25: {  	[tilespmem:s0+$0x6780] =	vst v0  }
0x26: {  	[tilespmem:s0+$0x6790] =	vst v0  }
0x27: {  	[tilespmem:s0+$0x67A0] =	vst v0  }
0x28: {  	[tilespmem:s0+$0x67B0] =	vst v0  }
0x29: {  	[tilespmem:s0+$0x67C0] =	vst v0  }
0x2a: {  	[tilespmem:s0+$0x67D0] =	vst v0  }
0x2b: {  	[tilespmem:s0+$0x67E0] =	vst v0  }
0x2c: {  	[spmem:s7] =	stream.linear.scatter [tilespmem:s19], [sflag:$0x7], $0x2800, $0x38;
	[tilespmem:$0x1F380] =	vst v63  }
0x2d: {  	_ =	swait.ge [sflag:s17], $0x2800  }
0x2e: {  	[sflag:s17] =	ssyncset.done $0x0  }
0x2f: {  	[sflag:s17] =	ssyncadd.s32 $0xFFFFD800  }
0x30: {  	[spmem:s11] =	stream.linear.scatter [tilespmem:s19], [sflag:$0x7], $0x2800, $0x38;
	[tilespmem:$0x1F380] =	vst v63  }
0x31: {  	_ =	swait.ge [sflag:s17], $0x2800  }
0x32: {  	[sflag:s17] =	ssyncset.done $0x0  }
0x33: {  	[sflag:s17] =	ssyncadd.s32 $0xFFFFD800  }
0x34: {  	[spmem:s12] =	stream.linear.scatter [tilespmem:s19], [sflag:$0x7], $0x2800, $0x38;
	[tilespmem:$0x1F380] =	vst v63  }
0x35: {  	_ =	swait.ge [sflag:s17], $0x2800  }
0x36: {  	[sflag:s17] =	ssyncset.done $0x0  }
0x37: {  	[sflag:s17] =	ssyncadd.s32 $0xFFFFD800  }
0x38: {  	[spmem:s13] =	stream.linear.scatter [tilespmem:s19], [sflag:$0x7], $0x2800, $0x38;
	[tilespmem:$0x1F380] =	vst v63  }
0x39: {  	_ =	swait.ge [sflag:s17], $0x2800  }
0x3a: {  	[sflag:s17] =	ssyncset.done $0x0  }
0x3b: {  	[sflag:s17] =	ssyncadd.s32 $0xFFFFD800  }
0x3c: {  	[spmem:s14] =	stream.linear.scatter [tilespmem:s19], [sflag:$0x7], $0x2800, $0x38;
	[tilespmem:$0x1F380] =	vst v63  }
0x3d: {  	_ =	swait.ge [sflag:s17], $0x2800  }
0x3e: {  	[sflag:s17] =	ssyncset.done $0x0  }
0x3f: {  	[sflag:s17] =	ssyncadd.s32 $0xFFFFD800  }
0x40: {  	[spmem:s15] =	stream.linear.scatter [tilespmem:s19], [sflag:$0x7], $0x2800, $0x38;
	[tilespmem:$0x1F380] =	vst v63  }
0x41: {  	_ =	swait.ge [sflag:s17], $0x2800  }
0x42: {  	[sflag:s17] =	ssyncset.done $0x0  }
0x43: {  	[sflag:s17] =	ssyncadd.s32 $0xFFFFD800  }
0x44: {  	[spmem:s16] =	stream.linear.scatter [tilespmem:s19], [sflag:$0x7], $0x2800, $0x38;
	[tilespmem:$0x1F380] =	vst v63  }
0x45: {  	_ =	swait.ge [sflag:s17], $0x2800  }
0x46: {  	[sflag:s17] =	ssyncset.done $0x0  }
0x47: {  	[sflag:s17] =	ssyncadd.s32 $0xFFFFD800  }
0x48: {  	[spmem:s8] =	stream.linear.scatter [tilespmem:s19], [sflag:$0x7], $0x2400, $0x38;
	[tilespmem:$0x1F380] =	vst v63  }
0x49: {  	_ =	swait.ge [sflag:s17], $0x2400  }
0x4a: {  	[sflag:s17] =	ssyncset.done $0x0  }
0x4b: {  	[sflag:s17] =	ssyncadd.s32 $0xFFFFDC00  }
0x4c: {  	s18 =	simm.s32 $0x0;
	[bflag:$0x0] =	sbarrier.arrive $0xFFFF  }
0x4d: {  	[tilespmem:s19], [sflag:$0x1] =	stream.indirect.gather [hbm4b:s1+s20], $0x80, s18, s20, $0xb8;
	[tilespmem:$0x1F380] =	vst v63  }
0x4e: {  	_ = 	snop  }
0x4f: {  	[tilespmem:s21], [sflag:$0x2] =	stream.indirect.gather [hbm4b:s1+s20], $0x80, s20, s20, $0xb8;
	[tilespmem:$0x1F380] =	vst v63  }
0x50: {  	_ = 	snop  }
0x51: {  	[tilespmem:s23], [sflag:$0x3] =	stream.indirect.gather [hbm4b:s1+s20], $0x80, s22, s20, $0xb8;
	[tilespmem:$0x1F380] =	vst v63  }
0x52: {  	s4 =	simm.s32 $0x78  }
0x53: {  	[tilespmem:s25], [sflag:$0x4] =	stream.indirect.gather [hbm4b:s1+s20], $0x80, s4, s20, $0xb8;
	[tilespmem:$0x1F380] =	vst v63  }
0x54: {  	_ =	swait.ge [sflag:s26], $0x1400  }
0x55: {  	[sflag:s26] =	ssyncset.done $0x0  }
0x56: {  	[sflag:s26] =	ssyncadd.s32 $0xFFFFEC00  }
0x57: {  	_ =	swait.ge [sflag:s28], $0x1400  }
0x58: {  	[sflag:s28] =	ssyncset.done $0x0  }
0x59: {  	s5 =	simm.s32 $0x2780;
	[sflag:s28] =	ssyncadd.s32 $0xFFFFEC00  }
0x5a: {  	[spmem:s3] =	stream.indirect.scatter.add.f32 [tilespmem:s19], [sflag:$0x5], $0x80, s5, s22, $0xb8;
	[tilespmem:$0x1F380] =	vst v63  }
0x5b: {  	_ =	swait.ge [sflag:s29], $0x1400  }
0x5c: {  	[sflag:s29] =	ssyncset.done $0x0  }
0x5d: {  	[sflag:s29] =	ssyncadd.s32 $0xFFFFEC00  }
0x5e: {  	_ =	swait.ge [sflag:s30], $0x1400  }
0x5f: {  	[sflag:s30] =	ssyncset.done $0x0  }
0x60: {  	s18 =	simm.s32 $0x2800;
	[sflag:s30] =	ssyncadd.s32 $0xFFFFEC00  }
0x61: {  	[spmem:s3] =	stream.indirect.scatter.add.f32 [tilespmem:s23], [sflag:$0x6], $0x80, s18, s22, $0xb8;
	[tilespmem:$0x1F380] =	vst v63  }
0x62: {  	_ =	swait.ge [sflag:s31], $0x2800  }
0x63: {  	[sflag:s31] =	ssyncset.done $0x0  }
0x64: {  	s4 =	simm.s32 $0xA0;
	[sflag:s31] =	ssyncadd.s32 $0xFFFFD800  }
0x65: {  	[tilespmem:s19], [sflag:$0x1] =	stream.indirect.gather [hbm4b:s1+s20], $0x80, s4, s20, $0xb8;
	[tilespmem:$0x1F380] =	vst v63  }
0x66: {  	s5 =	simm.s32 $0xC8  }
0x67: {  	[tilespmem:s21], [sflag:$0x2] =	stream.indirect.gather [hbm4b:s1+s20], $0x80, s5, s20, $0xb8;
	[tilespmem:$0x1F380] =	vst v63  }
0x68: {  	_ =	swait.ge [sflag:s2], $0x2800  }
0x69: {  	[sflag:s2] =	ssyncset.done $0x0  }
0x6a: {  	s18 =	simm.s32 $0xF0;
	[sflag:s2] =	ssyncadd.s32 $0xFFFFD800  }
0x6b: {  	[tilespmem:s23], [sflag:$0x3] =	stream.indirect.gather [hbm4b:s1+s20], $0x80, s18, s20, $0xb8;
	[tilespmem:$0x1F380] =	vst v63  }
0x6c: {  	s0 =	simm.s32 $0x280;
	s4 =	simm.s32 $0x118;
	s18 =	simm.s32 $0x2900  }
.LBB2_4:
0x6d: {  	[tilespmem:s25], [sflag:$0x4] =	stream.indirect.gather [hbm4b:s1+s20], $0x80, s4, s20, $0xb8;
	[tilespmem:$0x1F380] =	vst v63  }
0x6e: {  	s4 =	smov.u32 s0  }
0x6f: {  	p0 =	sne.s32 s0, $0x9600;
	s0 =	sadd.s32 $0x280, s0;
	_ =	swait.ge [sflag:s26], $0x1400  }
0x70: {  	[sflag:s26] =	ssyncset.done $0x0  }
0x71: {  	[sflag:s26] =	ssyncadd.s32 $0xFFFFEC00  }
0x72: {  	_ =	swait.ge [sflag:s28], $0x1400  }
0x73: {  	[sflag:s28] =	ssyncset.done $0x0  }
0x74: {  	s5 =	sadd.s32 $0xFFFFFF80, s18;
	[sflag:s28] =	ssyncadd.s32 $0xFFFFEC00  }
0x75: {  	[spmem:s3] =	stream.indirect.scatter.add.f32 [tilespmem:s19], [sflag:$0x5], $0x80, s5, s22, $0xb8;
	[tilespmem:$0x1F380] =	vst v63  }
0x76: {  	_ =	swait.ge [sflag:s29], $0x1400  }
0x77: {  	[sflag:s29] =	ssyncset.done $0x0  }
0x78: {  	[sflag:s29] =	ssyncadd.s32 $0xFFFFEC00  }
0x79: {  	_ =	swait.ge [sflag:s30], $0x1400  }
0x7a: {  	[sflag:s30] =	ssyncset.done $0x0  }
0x7b: {  	[sflag:s30] =	ssyncadd.s32 $0xFFFFEC00  }
0x7c: {  	[spmem:s3] =	stream.indirect.scatter.add.f32 [tilespmem:s23], [sflag:$0x6], $0x80, s18, s22, $0xb8;
	[tilespmem:$0x1F380] =	vst v63  }
0x7d: {  	_ =	swait.ge [sflag:s31], $0x2800  }
0x7e: {  	s4 =	sshra.s32 s4, $0x2;
	[sflag:s31] =	ssyncset.done $0x0  }
0x7f: {  	s5 =	sadd.s32 $0xA0, s4;
	[sflag:s31] =	ssyncadd.s32 $0xFFFFD800  }
0x80: {  	[tilespmem:s19], [sflag:$0x1] =	stream.indirect.gather [hbm4b:s1+s20], $0x80, s5, s20, $0xb8;
	[tilespmem:$0x1F380] =	vst v63  }
0x81: {  	s5 =	sadd.s32 $0xC8, s4  }
0x82: {  	[tilespmem:s21], [sflag:$0x2] =	stream.indirect.gather [hbm4b:s1+s20], $0x80, s5, s20, $0xb8;
	[tilespmem:$0x1F380] =	vst v63  }
.Ltmp1:
0x83: {  	_ =	swait.ge [sflag:s2], $0x2800;
	(pc) =	sbr.rel @p0 .LBB2_4-.Ltmp1, $4  }
0x84: {  	[sflag:s2] =	ssyncset.done $0x0  }
0x85: {  	s5 =	sadd.s32 $0xF0, s4;
	[sflag:s2] =	ssyncadd.s32 $0xFFFFD800  }
0x86: {  	[tilespmem:s23], [sflag:$0x3] =	stream.indirect.gather [hbm4b:s1+s20], $0x80, s5, s20, $0xb8;
	[tilespmem:$0x1F380] =	vst v63  }
0x87: {  	s18 =	sadd.s32 $0x100, s18;
	s4 =	sadd.s32 $0x118, s4  }
0x88: {  	[tilespmem:s25], [sflag:$0x4] =	stream.indirect.gather [hbm4b:s1+s20], $0x80, s4, s20, $0xb8;
	[tilespmem:$0x1F380] =	vst v63  }
0x89: {  	_ =	swait.ge [sflag:s26], $0x1400  }
0x8a: {  	[sflag:s26] =	ssyncset.done $0x0  }
0x8b: {  	[sflag:s26] =	ssyncadd.s32 $0xFFFFEC00  }
0x8c: {  	_ =	swait.ge [sflag:s28], $0x1400  }
0x8d: {  	[sflag:s28] =	ssyncset.done $0x0  }
0x8e: {  	s0 =	simm.s32 $0x6480;
	[sflag:s28] =	ssyncadd.s32 $0xFFFFEC00  }
0x8f: {  	[spmem:s3] =	stream.indirect.scatter.add.f32 [tilespmem:s19], [sflag:$0x5], $0x80, s0, s22, $0xb8;
	[tilespmem:$0x1F380] =	vst v63  }
0x90: {  	_ =	swait.ge [sflag:s29], $0x1400  }
0x91: {  	[sflag:s29] =	ssyncset.done $0x0  }
0x92: {  	[sflag:s29] =	ssyncadd.s32 $0xFFFFEC00  }
0x93: {  	_ =	swait.ge [sflag:s30], $0x1400  }
0x94: {  	[sflag:s30] =	ssyncset.done $0x0  }
0x95: {  	s4 =	simm.s32 $0x6500;
	[sflag:s30] =	ssyncadd.s32 $0xFFFFEC00  }
0x96: {  	[spmem:s3] =	stream.indirect.scatter.add.f32 [tilespmem:s23], [sflag:$0x6], $0x80, s4, s22, $0xb8;
	[tilespmem:$0x1F380] =	vst v63  }
0x97: {  	_ =	swait.ge [sflag:s31], $0x2800  }
0x98: {  	[sflag:s31] =	ssyncset.done $0x0  }
0x99: {  	s5 =	simm.s32 $0x26C0;
	[sflag:s31] =	ssyncadd.s32 $0xFFFFD800  }
0x9a: {  	[tilespmem:s19], [sflag:$0x1] =	stream.indirect.gather [hbm4b:s1+s20], $0x80, s5, s20, $0xb8;
	[tilespmem:$0x1F380] =	vst v63  }
0x9b: {  	s18 =	simm.s32 $0x26E8  }
0x9c: {  	[tilespmem:s21], [sflag:$0x2] =	stream.indirect.gather [hbm4b:s1+s20], $0x80, s18, s20, $0xb8;
	[tilespmem:$0x1F380] =	vst v63  }
0x9d: {  	_ =	swait.ge [sflag:s2], $0x2800  }
0x9e: {  	[sflag:s2] =	ssyncset.done $0x0  }
0x9f: {  	[sflag:s2] =	ssyncadd.s32 $0xFFFFD800  }
0xa0: {  	_ =	swait.ge [sflag:s26], $0x1400  }
0xa1: {  	[sflag:s26] =	ssyncset.done $0x0  }
0xa2: {  	[sflag:s26] =	ssyncadd.s32 $0xFFFFEC00  }
0xa3: {  	_ =	swait.ge [sflag:s28], $0x1400  }
0xa4: {  	[sflag:s28] =	ssyncset.done $0x0  }
0xa5: {  	s4 =	simm.s32 $0x6580;
	[sflag:s28] =	ssyncadd.s32 $0xFFFFEC00  }
0xa6: {  	[spmem:s3] =	stream.indirect.scatter.add.f32 [tilespmem:s19], [sflag:$0x5], $0x80, s4, s22, $0xb8;
	[tilespmem:$0x1F380] =	vst v63  }
0xa7: {  	s5 =	stileid.u32;
	_ =	swait.ge [sflag:s31], $0x2800  }
0xa8: {  	s24 =	sadd.s32 $0x1, s24;
	s0 =	sshll.u32 s5, $0x6;
	[sflag:s31] =	ssyncset.done $0x0  }
0xa9: {  	p0 =	sne.s32 s24, s10;
	s0 =	sor.u32 $0x1C07, s0;
	[sflag:s31] =	ssyncadd.s32 $0xFFFFD800  }
.Ltmp2:
0xaa: {  	s18 =	sshrl.u32 s7, $0x3;
	[bflag:$0x0] =	sbarrier.arrive $0xFFFF;
	(pc) =	sbr.rel @p0 .LBB2_1-.Ltmp2, $4  }
0xab: {  	[hbm:s9], [sflag:s0] =	dma.local [spmem:s18], $0x2780  }
0xac: {  	_ =	swait.ge [sflag:s17], $0x2780  }
0xad: {  	[sflag:s17] =	ssyncset.done $0x0  }
0xae: {  	[sflag:s17] =	ssyncadd.s32 $0xFFFFD880  }
0xaf: {  	_ =	sfence.sel $0x180000  }
0xb0: {  	[bflag:$0x0] =	sbarrier.arrive $0xFFFF  }
0xb1: {  	_ =	strace $0x9000004D  }
0xb2: {  	s0 =	stileid.u32;
	[bflag:$0x2] =	sbarrier.arrive $0xFFFF  }
0xb3: {  	p0 =	sne.s32 s0, $0x0;
	s0 =	rddreg [dreg:$0x3]  }
0xb4: {  	s0 =	sadd.s32 @!p0 $0x100000, s0  }
0xb5: {  	[sflag:s0] =	ssyncadd.tile.s32 @!p0 $0x1;
	_ =	shalt  }
.Lfunc_end2:
_tile_overlayer_lowered:
.L_overlay_start_2:
0xb6: {  	(tag) =	ssettag $0x2  }
0xb7: {  	s0 =	rddreg [dreg:$0x0];
	s2 =	stileid.u32  }
0xb8: {  	s1 =	rddreg [dreg:$0x1];
	p0 =	sne.s32 s2, $0x0  }
0xb9: {  	s3 =	rddreg [dreg:$0x2];
	[bflag:$0x3] =	sbarrier.arrive $0xFFFF;
	s2 =	simm.s32 @!p0 $0x1C07  }
0xba: {  	[timem:s3], [sflag:s2] =	dma.local @!p0 [hbm:s0], s1  }
0xbb: {  	s0 =	simm.s32 @!p0 $0x7  }
0xbc: {  	_ =	swait.ge @!p0 [sflag:s0], s1  }
0xbd: {  	s1 =	ssub.s32 @!p0 $0x0, s1;
	[sflag:s0] =	ssyncset.done @!p0 $0x0  }
0xbe: {  	[sflag:s0] =	ssyncadd.s32 @!p0 s1  }
0xbf: {  	[bflag:$0x3] =	sbarrier.arrive $0xFFFF  }
0xc0: {  	_ =	shalt  }

// kernel: kernel.27.cloned.1.call-start
scs
__scs_entry_jumppad:
0x0: {  	(pc) =	sbr.rel $0x88, $3  }
0x1: {  	(tag) =	ssettag $0x0;
	lr =	simm.s32 $0x1  }
0x2: {  	[smem:$0x3F93] =	sst lr;
	_ =	strace $0xD0000000  }
0x3: {  	_ = 	snop  }
0x4: {  	_ = 	snop  }
0x5: {  	_ = 	snop  }
0x6: {  	_ = 	snop  }
0x7: {  	_ = 	snop  }
__scs_overlays_trampoline_lowered:
0x8: {  	[smem:$0x3FA2] =	sst s0  }
0x9: {  	[smem:$0x3FA3] =	sst s1  }
0xa: {  	[smem:$0x3FA4] =	sst s2  }
0xb: {  	[smem:$0x3FA5] =	sst s3  }
0xc: {  	[smem:$0x3FA6] =	sst s4  }
0xd: {  	[smem:$0x3FA7] =	sst s5  }
0xe: {  	[smem:$0x3FA8] =	sst s6  }
0xf: {  	[smem:$0x3FA9] =	sst s7  }
0x10: {  	[smem:$0x3FAA] =	sst s8  }
0x11: {  	[smem:$0x3FAB] =	sst s9;
	s0 =	simm.s32 @!p0 $0x0  }
0x12: {  	s1 =	sld [smem:$0x3F91];
	s0 =	simm.s32 @p0 $0x1  }
0x13: {  	[smem:$0x3FAC] =	sst s0;
	s0 =	simm.s32 @!p1 $0x0  }
0x14: {  	s2 =	sld [smem:$0x3F90];
	s0 =	simm.s32 @p1 $0x1  }
0x15: {  	[smem:$0x3FAD] =	sst s0;
	s0 =	simm.s32 @!p2 $0x0  }
0x16: {  	s3 =	sld [smem:$0x3FDB];
	s0 =	simm.s32 @p2 $0x1  }
0x17: {  	s4 =	simm.s32 $0x1BF5;
	[smem:$0x3FAF] =	sst s0  }
0x18: {  	s0 =	sld [smem:$0x3F92];
	_ =	swait.ge [sflag:s4], $0x0  }
0x19: {  	s7 =	sld [smem:$0x3F93]  }
0x1a: {  	s8 =	sadd.s32 $0xFFFFE003, lr  }
0x1b: {  	s9 =	sadd.s32 $0xFFFFFEF7, lr;
	s5 =	simm.s32 $0xFFFFFFFF;
	p2 =	slt.u32 s8, $0xFFFFF086  }
0x1c: {  	p1 =	slt.u32 s9, $0xF7A;
	s5 =	simm.s32 @!p2 $0x0  }
0x1d: {  	s5 =	simm.s32 @p1 $0x1;
	p0 =	seq.s32 s7, s2  }
0x1e: {  	s7 =	smul.u32 @!p0 $0xF7A, s2;
	p2 =	seq.s32 @!p0 s5, $0x0  }
0x1f: {  	s9 =	smul.u32 $0xF7A, s1;
	s8 =	simm.s32 @!p0 $0x1BF5;
	p2 =	por !p2, p0  }
0x20: {  	[sflag:s8] =	ssyncset.s32 @!p0 $0xFFFFF086;
	s6 =	sadd.s32 @!p0 s3, s7;
	s7 =	simm.s32 @!p0 $0x108  }
0x21: {  	s3 =	sadd.s32 s3, s9;
	s6 =	sadd.s32 @!p0 $0x88, s6;
	s7 =	simm.s32 @p2 $0x1082  }
0x22: {  	[simem:s7], [sflag:s8] =	dma.local @!p0 [hbm:s6], $0xF7A  }
0x23: {  	s9 =	sor.u32 $0xD0000000, s2;
	s6 =	simm.s32 $0x108;
	_ =	swait.ge @!p0 [sflag:s8], $0x0  }
0x24: {  	s3 =	sadd.s32 $0x88, s3;
	s6 =	simm.s32 @!p1 $0x1082;
	[sflag:s4] =	ssyncset.s32 $0xFFFFF086  }
0x25: {  	[simem:s6], [sflag:s4] =	dma.local [hbm:s3], $0xF7A  }
0x26: {  	[smem:$0x3F93] =	sst s1;
	(tag) =	ssettag s2;
	_ =	strace s9  }
0x27: {  	s1 =	sld [smem:$0x3FA3]  }
0x28: {  	s2 =	sld [smem:$0x3FA4]  }
0x29: {  	s4 =	sld [smem:$0x3FA6]  }
0x2a: {  	p0 =	seq.s32 s5, $0x0;
	s5 =	sld [smem:$0x3FA7]  }
0x2b: {  	s6 =	sld [smem:$0x3FA8]  }
0x2c: {  	s7 =	sld [smem:$0x3FA9]  }
0x2d: {  	s3 =	simm.s32 $0x108;
	s8 =	sld [smem:$0x3FAA]  }
0x2e: {  	s3 =	simm.s32 @!p0 $0x1082;
	s9 =	sld [smem:$0x3FAB]  }
0x2f: {  	lr =	sadd.s32 s0, s3;
	s0 =	sld [smem:$0x3FA2]  }
0x30: {  	s3 =	sld [smem:$0x3FA5]  }
0x31: {  	[smem:$0x3FAE] =	sst s10  }
0x32: {  	s10 =	sld [smem:$0x3FAC];
	_ =	sdelay $0x3  }
0x33: {  	p0 =	seq.s32 s10, $0x1;
	s10 =	sld [smem:$0x3FAE];
	_ =	sdelay $0x3  }
0x34: {  	[smem:$0x3FAE] =	sst s10  }
0x35: {  	s10 =	sld [smem:$0x3FAD];
	_ =	sdelay $0x3  }
0x36: {  	p1 =	seq.s32 s10, $0x1;
	s10 =	sld [smem:$0x3FAE];
	_ =	sdelay $0x3  }
0x37: {  	[smem:$0x3FAE] =	sst s10  }
0x38: {  	s10 =	sld [smem:$0x3FAF]  }
0x39: {  	_ = 	snop;
	(pc) =	sbr.ind lr, $3  }
0x3a: {  	_ = 	snop  }
0x3b: {  	_ = 	snop  }
0x3c: {  	p2 =	seq.s32 s10, $0x1;
	s10 =	sld [smem:$0x3FAE]  }
0x3d: {  	_ =	shalt  }
0x3e: {  	_ =	shalt  }
0x3f: {  	_ =	shalt  }
0x40: {  	_ =	shalt  }
0x41: {  	_ =	shalt  }
0x42: {  	_ =	shalt  }
0x43: {  	_ =	shalt  }
0x44: {  	_ =	shalt  }
0x45: {  	_ =	shalt  }
0x46: {  	_ =	shalt  }
0x47: {  	_ =	shalt  }
0x48: {  	_ =	shalt  }
0x49: {  	_ =	shalt  }
0x4a: {  	_ =	shalt  }
0x4b: {  	_ =	shalt  }
0x4c: {  	_ =	shalt  }
0x4d: {  	_ =	shalt  }
0x4e: {  	_ =	shalt  }
0x4f: {  	_ =	shalt  }
0x50: {  	_ =	shalt  }
0x51: {  	_ =	shalt  }
0x52: {  	_ =	shalt  }
0x53: {  	_ =	shalt  }
0x54: {  	_ =	shalt  }
0x55: {  	_ =	shalt  }
0x56: {  	_ =	shalt  }
0x57: {  	_ =	shalt  }
0x58: {  	_ =	shalt  }
0x59: {  	_ =	shalt  }
0x5a: {  	_ =	shalt  }
0x5b: {  	_ =	shalt  }
0x5c: {  	_ =	shalt  }
0x5d: {  	_ =	shalt  }
0x5e: {  	_ =	shalt  }
0x5f: {  	_ =	shalt  }
0x60: {  	_ =	shalt  }
0x61: {  	_ =	shalt  }
0x62: {  	_ =	shalt  }
0x63: {  	_ =	shalt  }
0x64: {  	_ =	shalt  }
0x65: {  	_ =	shalt  }
0x66: {  	_ =	shalt  }
0x67: {  	_ =	shalt  }
0x68: {  	_ =	shalt  }
0x69: {  	_ =	shalt  }
0x6a: {  	_ =	shalt  }
0x6b: {  	_ =	shalt  }
0x6c: {  	_ =	shalt  }
0x6d: {  	_ =	shalt  }
0x6e: {  	_ =	shalt  }
0x6f: {  	_ =	shalt  }
0x70: {  	_ =	shalt  }
0x71: {  	_ =	shalt  }
0x72: {  	_ =	shalt  }
0x73: {  	_ =	shalt  }
0x74: {  	_ =	shalt  }
0x75: {  	_ =	shalt  }
0x76: {  	_ =	shalt  }
0x77: {  	_ =	shalt  }
0x78: {  	_ =	shalt  }
0x79: {  	_ =	shalt  }
0x7a: {  	_ =	shalt  }
0x7b: {  	_ =	shalt  }
0x7c: {  	_ =	shalt  }
0x7d: {  	_ =	shalt  }
0x7e: {  	_ =	shalt  }
0x7f: {  	_ =	shalt  }
0x80: {  	_ =	shalt  }
0x81: {  	_ =	shalt  }
0x82: {  	_ =	shalt  }
0x83: {  	_ =	shalt  }
0x84: {  	_ =	shalt  }
0x85: {  	_ =	shalt  }
0x86: {  	_ =	shalt  }
0x87: {  	_ =	shalt  }
.Lfunc_end0:
.L_simem_size_0:
called_computation.3_lowered:
.L_overlay_start_0:
0x88: {  	s2 =	sld [smem:$0x3FD9]  }
0x89: {  	s3 =	sld [smem:$0x3FFE];
	_ =	sdelay $0x1  }
0x8a: {  	s1 =	srdreg.scid  }
0x8b: {  	s0 =	sand.u32 $0x1, s1  }
0x8c: {  	s17 =	sshll.u32 s0, $0xA;
	s2 =	sadd.s32 s3, s2  }
0x8d: {  	s2 =	sadd.s32 s2, s17  }
0x8e: {  	[smem:$0x3FBA] =	sst s2  }
0x8f: {  	_ = 	snop  }
0x90: {  	s2 =	sld [smem:$0x3FD0];
	(tm) =	ssettm $0x1  }
0x91: {  	s18 =	sld [smem:$0x3FFB];
	_ =	sdelay $0x3  }
0x92: {  	_ =	strace s18  }
0x93: {  	s3 =	sld [smem:$0x3FFC];
	_ =	sdelay $0x3  }
0x94: {  	_ =	strace s3  }
0x95: {  	s3 =	sld [smem:$0x3FFD];
	_ =	sdelay $0x3  }
0x96: {  	_ =	strace s3  }
0x97: {  	_ =	strace $0x8FFFFFFF  }
0x98: {  	s19 =	sld [smem:$0x3FDB];
	_ =	sdelay $0x1  }
0x99: {  	s4 =	simm.s32 $_scs_section_size  }
0x9a: {  	s5 =	simm.s32 $_size__tile_overlayer_lowered;
	s6 =	simm.s32 $_tile_overlayer_lowered  }
0x9b: {  	s22 =	simm.s32 $0x1BFF;
	s21 =	sshll.u32 s6, $0x1;
	s3 =	sadd.s32 s4, s19  }
0x9c: {  	s7 =	simm.s32 $0x0;
	s20 =	sshll.u32 s5, $0x1;
	s5 =	sadd.s32 s21, s3  }
0x9d: {  	[timem:s7], [sflag:s22] =	dma.local [hbm:s5], s20  }
0x9e: {  	_ =	swait.ge [sflag:s22], s20  }
0x9f: {  	s4 =	ssub.s32 $0x0, s20;
	[sflag:s22] =	ssyncset.done $0x0  }
0xa0: {  	[sflag:s22] =	ssyncadd.s32 s4;
	_ =	sdelay $0x1  }
0xa1: {  	s23 =	simm.s32 $0x1B8B  }
0xa2: {  	_ =	swait.ge [sflag:s23], $0x1  }
0xa3: {  	[sflag:s23] =	ssyncset.done $0x0  }
0xa4: {  	s25 =	simm.s32 $0x1B8E;
	s24 =	sld [smem:$0x3FFE];
	[sflag:s23] =	ssyncadd.s32 $0xFFFFFFFF  }
0xa5: {  	s26 =	simm.s32 $execute0_lowered;
	[smem:$0x3FD2] =	sst s25  }
0xa6: {  	s5 =	sshll.u32 s26, $0x1;
	_ =	strace $0x8000004F;
	[dreg:$0x1] =	wrdreg $0xFFFFFFFF  }
0xa7: {  	s28 =	simm.s32 $_size_execute0_lowered;
	s3 =	sadd.s32 s3, s5;
	[dreg:$0x0] =	wrdreg $0x0  }
0xa8: {  	s5 =	sshll.u32 s28, $0x1;
	[dreg:$0x2] =	wrdreg s3  }
0xa9: {  	[dreg:$0x3] =	wrdreg s5  }
0xaa: {  	[dreg:$0x4] =	wrdreg $0xC0  }
0xab: {  	_ =	task [dreg:s7], $0x5FFFF  }
0xac: {  	[dreg:$0x1] =	wrdreg $0xFFFFFFFF  }
0xad: {  	[dreg:$0x0] =	wrdreg $0x60  }
0xae: {  	[dreg:$0x2] =	wrdreg s2  }
0xaf: {  	[dreg:$0x3] =	wrdreg s24  }
0xb0: {  	[dreg:$0x4] =	wrdreg $0xB7800  }
0xb1: {  	[dreg:$0x5] =	wrdreg $0x9  }
0xb2: {  	_ =	task.clear_ibuf [dreg:s7], $0x6FFFF;
	_ =	strace $0x9000004F  }
0xb3: {  	s29 =	simm.s32 $0x9;
	_ =	strace $0x80000051  }
0xb4: {  	_ =	swait.ge [sflag:s29], $0x1  }
0xb5: {  	[sflag:s29] =	ssyncadd.s32 $0xFFFFFFFF  }
0xb6: {  	_ =	strace $0x90000051  }
0xb7: {  	_ =	sfence  }
0xb8: {  	s30 =	sld [smem:$0x0];
	_ =	sdelay $0x2  }
0xb9: {  	s31 =	sshll.u32 s1, $0xD;
	s1 =	sshrl.u32 s1, $0x2  }
0xba: {  	s3 =	sand.u32 $0x4000, s31;
	s1 =	sadd.s32 s1, s30  }
0xbb: {  	s0 =	sor.u32 s3, s0;
	s1 =	sshll.u32 s1, $0x11  }
0xbc: {  	s0 =	sor.u32 s1, s0  }
0xbd: {  	s0 =	sadd.s32 $0x8F2B, s0  }
0xbe: {  	[sflag:s0] =	ssyncadd.remote.s32 $0x1  }
0xbf: {  	_ =	sfence.sel $0xFFFF  }
0xc0: {  	[dreg:$0x0] =	wrdreg $0xFFFFFFFF;
	(pc) =	sbr.abs _section_cstart, $3  }
0xc1: {  	[dreg:$0x1] =	wrdreg $0xFFFFFFFF  }
0xc2: {  	_ =	task.clear_ibuf [dreg:s7], $0x2FFFF;
	_ =	strace $0x9FFFFFFF  }
0xc3: {  	(tm) =	ssettm $0x7FFFFFFF  }
tec
execute0_lowered:
.L_overlay_start_1:
0x0: {  	(tag) =	ssettag $0x1  }
0x1: {  	s0 =	srdreg.scid;
	s1 =	rddreg [dreg:$0x0]  }
0x2: {  	s8 =	stileid.u32;
	s4 =	rddreg [dreg:$0x1]  }
0x3: {  	s3 =	rddreg [dreg:$0x2];
	s7 =	simm.s32 $0x0;
	s17 =	simm.s32 $0x7  }
0x4: {  	s19 =	simm.s32 $0x6780;
	s20 =	simm.s32 $0x28;
	s21 =	simm.s32 $0x7B80  }
0x5: {  	s22 =	simm.s32 $0x50;
	s23 =	simm.s32 $0x8F80;
	s28 =	simm.s32 $0x2  }
0x6: {  	s29 =	simm.s32 $0x3;
	s30 =	simm.s32 $0x4;
	s24 =	smul.u32 $0x13C00, s8  }
0x7: {  	s31 =	simm.s32 $0x5;
	s0 =	sand.u32 $0x1, s0;
	s25 =	smul.u32 $0x4F000, s8  }
0x8: {  	[smem:$0x7FF] =	sst s7;
	s2 =	sshll.u32 s0, $0x4;
	s6 =	smul.u32 $0x13C000, s0  }
0x9: {  	_ =	strace $0x80000050;
	s0 =	ssub.s32 $0x2, s0;
	s2 =	sor.u32 s8, s2  }
0xa: {  	s26 =	sshrl.u32 s0, $0x1;
	s7 =	sshrl.u32 s25, $0x2;
	s25 =	simm.s32 $0xA380  }
0xb: {  	s5 =	smul.u32 $0x4E2, s2;
	s2 =	sshll.u32 s2, $0xB;
	s6 =	sadd.s32 s24, s6  }
0xc: {  	s0 =	ssub.s32 s0, s26;
	s7 =	sadd.s32 s7, s3;
	s26 =	simm.s32 $0x1  }
0xd: {  	s24 =	simm.s32 $0x0;
	s2 =	sadd.s32 s2, s4;
	s6 =	sshrl.u32 s6, $0x3  }
0xe: {  	s8 =	sadd.s32 $0x11800, s7;
	s10 =	smax.u32 s0, $0x1;
	s11 =	sadd.s32 $0x2800, s7  }
0xf: {  	s12 =	sadd.s32 $0x5000, s7;
	s13 =	sadd.s32 $0x7800, s7;
	s14 =	sadd.s32 $0xA000, s7  }
0x10: {  	s15 =	sadd.s32 $0xC800, s7;
	s16 =	sadd.s32 $0xF000, s7;
	s5 =	sadd.s32 s5, s4  }
0x11: {  	s4 =	sadd.s32 s6, s4;
	s6 =	sadd.s32 $0x2B000, s2;
	s5 =	sadd.s32 $0x7400, s5  }
0x12: {  	v0 =	vimm.f32 $0.0e+00;
	s2 =	simm.s32 $0x6;
	s9 =	sadd.s32 $0xB0C00, s4;
	[dreg:$0x4] =	wrdreg s5  }
.LBB2_1:
0x13: {  	s0 =	simm.s32 $0x0;
	s4 =	rddreg [dreg:$0x4]  }
0x14: {  	[tilespmem:s0], [sflag:$0x7] =	stream.linear.gather [hbm4b:s4+s0], $0x2710, $0x38;
	[tilespmem:$0x1F380] =	vst v63  }
0x15: {  	_ =	swait.ge [sflag:s17], $0x2710  }
0x16: {  	[sflag:s17] =	ssyncset.done $0x0  }
0x17: {  	s18 =	simm.s32 $0x2780;
	[sflag:s17] =	ssyncadd.s32 $0xFFFFD8F0  }
0x18: {  	[tilespmem:s18], [sflag:$0x7] =	stream.linear.gather [hbm4b:s6+s0], $0x3E80, $0x38;
	[tilespmem:$0x1F380] =	vst v63  }
0x19: {  	_ =	swait.ge [sflag:s17], $0x3E80  }
0x1a: {  	[sflag:s17] =	ssyncset.done $0x0  }
0x1b: {  	s0 =	simm.s32 $0x0;
	s18 =	simm.s32 $0x200;
	[sflag:s17] =	ssyncadd.s32 $0xFFFFC180  }
.LBB2_2:
0x1c: {  	p0 =	sne.s32 s18, $0x9E00;
	[tilespmem:s0+$0x67F0] =	vst v0  }
0x1d: {  	[tilespmem:s0+$0x6780] =	vst v0  }
0x1e: {  	[tilespmem:s0+$0x6790] =	vst v0  }
.Ltmp0:
0x1f: {  	[tilespmem:s0+$0x67A0] =	vst v0;
	(pc) =	sbr.rel @p0 .LBB2_2-.Ltmp0, $4  }
0x20: {  	[tilespmem:s0+$0x67B0] =	vst v0  }
0x21: {  	[tilespmem:s0+$0x67C0] =	vst v0  }
0x22: {  	[tilespmem:s0+$0x67D0] =	vst v0  }
0x23: {  	[tilespmem:s0+$0x67E0] =	vst v0;
	s0 =	sshra.s32 s18, $0x2;
	s18 =	sadd.s32 $0x200, s18  }
0x24: {  	[tilespmem:s0+$0x67F0] =	vst v0  }
0x25: {  	[tilespmem:s0+$0x6780] =	vst v0  }
0x26: {  	[tilespmem:s0+$0x6790] =	vst v0  }
0x27: {  	[tilespmem:s0+$0x67A0] =	vst v0  }
0x28: {  	[tilespmem:s0+$0x67B0] =	vst v0  }
0x29: {  	[tilespmem:s0+$0x67C0] =	vst v0  }
0x2a: {  	[tilespmem:s0+$0x67D0] =	vst v0  }
0x2b: {  	[tilespmem:s0+$0x67E0] =	vst v0  }
0x2c: {  	[spmem:s7] =	stream.linear.scatter [tilespmem:s19], [sflag:$0x7], $0x2800, $0x38;
	[tilespmem:$0x1F380] =	vst v63  }
0x2d: {  	_ =	swait.ge [sflag:s17], $0x2800  }
0x2e: {  	[sflag:s17] =	ssyncset.done $0x0  }
0x2f: {  	[sflag:s17] =	ssyncadd.s32 $0xFFFFD800  }
0x30: {  	[spmem:s11] =	stream.linear.scatter [tilespmem:s19], [sflag:$0x7], $0x2800, $0x38;
	[tilespmem:$0x1F380] =	vst v63  }
0x31: {  	_ =	swait.ge [sflag:s17], $0x2800  }
0x32: {  	[sflag:s17] =	ssyncset.done $0x0  }
0x33: {  	[sflag:s17] =	ssyncadd.s32 $0xFFFFD800  }
0x34: {  	[spmem:s12] =	stream.linear.scatter [tilespmem:s19], [sflag:$0x7], $0x2800, $0x38;
	[tilespmem:$0x1F380] =	vst v63  }
0x35: {  	_ =	swait.ge [sflag:s17], $0x2800  }
0x36: {  	[sflag:s17] =	ssyncset.done $0x0  }
0x37: {  	[sflag:s17] =	ssyncadd.s32 $0xFFFFD800  }
0x38: {  	[spmem:s13] =	stream.linear.scatter [tilespmem:s19], [sflag:$0x7], $0x2800, $0x38;
	[tilespmem:$0x1F380] =	vst v63  }
0x39: {  	_ =	swait.ge [sflag:s17], $0x2800  }
0x3a: {  	[sflag:s17] =	ssyncset.done $0x0  }
0x3b: {  	[sflag:s17] =	ssyncadd.s32 $0xFFFFD800  }
0x3c: {  	[spmem:s14] =	stream.linear.scatter [tilespmem:s19], [sflag:$0x7], $0x2800, $0x38;
	[tilespmem:$0x1F380] =	vst v63  }
0x3d: {  	_ =	swait.ge [sflag:s17], $0x2800  }
0x3e: {  	[sflag:s17] =	ssyncset.done $0x0  }
0x3f: {  	[sflag:s17] =	ssyncadd.s32 $0xFFFFD800  }
0x40: {  	[spmem:s15] =	stream.linear.scatter [tilespmem:s19], [sflag:$0x7], $0x2800, $0x38;
	[tilespmem:$0x1F380] =	vst v63  }
0x41: {  	_ =	swait.ge [sflag:s17], $0x2800  }
0x42: {  	[sflag:s17] =	ssyncset.done $0x0  }
0x43: {  	[sflag:s17] =	ssyncadd.s32 $0xFFFFD800  }
0x44: {  	[spmem:s16] =	stream.linear.scatter [tilespmem:s19], [sflag:$0x7], $0x2800, $0x38;
	[tilespmem:$0x1F380] =	vst v63  }
0x45: {  	_ =	swait.ge [sflag:s17], $0x2800  }
0x46: {  	[sflag:s17] =	ssyncset.done $0x0  }
0x47: {  	[sflag:s17] =	ssyncadd.s32 $0xFFFFD800  }
0x48: {  	[spmem:s8] =	stream.linear.scatter [tilespmem:s19], [sflag:$0x7], $0x2400, $0x38;
	[tilespmem:$0x1F380] =	vst v63  }
0x49: {  	_ =	swait.ge [sflag:s17], $0x2400  }
0x4a: {  	[sflag:s17] =	ssyncset.done $0x0  }
0x4b: {  	[sflag:s17] =	ssyncadd.s32 $0xFFFFDC00  }
0x4c: {  	s18 =	simm.s32 $0x0;
	[bflag:$0x0] =	sbarrier.arrive $0xFFFF  }
0x4d: {  	[tilespmem:s19], [sflag:$0x1] =	stream.indirect.gather [hbm4b:s1+s20], $0x80, s18, s20, $0xb8;
	[tilespmem:$0x1F380] =	vst v63  }
0x4e: {  	_ = 	snop  }
0x4f: {  	[tilespmem:s21], [sflag:$0x2] =	stream.indirect.gather [hbm4b:s1+s20], $0x80, s20, s20, $0xb8;
	[tilespmem:$0x1F380] =	vst v63  }
0x50: {  	_ = 	snop  }
0x51: {  	[tilespmem:s23], [sflag:$0x3] =	stream.indirect.gather [hbm4b:s1+s20], $0x80, s22, s20, $0xb8;
	[tilespmem:$0x1F380] =	vst v63  }
0x52: {  	s4 =	simm.s32 $0x78  }
0x53: {  	[tilespmem:s25], [sflag:$0x4] =	stream.indirect.gather [hbm4b:s1+s20], $0x80, s4, s20, $0xb8;
	[tilespmem:$0x1F380] =	vst v63  }
0x54: {  	_ =	swait.ge [sflag:s26], $0x1400  }
0x55: {  	[sflag:s26] =	ssyncset.done $0x0  }
0x56: {  	[sflag:s26] =	ssyncadd.s32 $0xFFFFEC00  }
0x57: {  	_ =	swait.ge [sflag:s28], $0x1400  }
0x58: {  	[sflag:s28] =	ssyncset.done $0x0  }
0x59: {  	s5 =	simm.s32 $0x2780;
	[sflag:s28] =	ssyncadd.s32 $0xFFFFEC00  }
0x5a: {  	[spmem:s3] =	stream.indirect.scatter.add.f32 [tilespmem:s19], [sflag:$0x5], $0x80, s5, s22, $0xb8;
	[tilespmem:$0x1F380] =	vst v63  }
0x5b: {  	_ =	swait.ge [sflag:s29], $0x1400  }
0x5c: {  	[sflag:s29] =	ssyncset.done $0x0  }
0x5d: {  	[sflag:s29] =	ssyncadd.s32 $0xFFFFEC00  }
0x5e: {  	_ =	swait.ge [sflag:s30], $0x1400  }
0x5f: {  	[sflag:s30] =	ssyncset.done $0x0  }
0x60: {  	s18 =	simm.s32 $0x2800;
	[sflag:s30] =	ssyncadd.s32 $0xFFFFEC00  }
0x61: {  	[spmem:s3] =	stream.indirect.scatter.add.f32 [tilespmem:s23], [sflag:$0x6], $0x80, s18, s22, $0xb8;
	[tilespmem:$0x1F380] =	vst v63  }
0x62: {  	_ =	swait.ge [sflag:s31], $0x2800  }
0x63: {  	[sflag:s31] =	ssyncset.done $0x0  }
0x64: {  	s4 =	simm.s32 $0xA0;
	[sflag:s31] =	ssyncadd.s32 $0xFFFFD800  }
0x65: {  	[tilespmem:s19], [sflag:$0x1] =	stream.indirect.gather [hbm4b:s1+s20], $0x80, s4, s20, $0xb8;
	[tilespmem:$0x1F380] =	vst v63  }
0x66: {  	s5 =	simm.s32 $0xC8  }
0x67: {  	[tilespmem:s21], [sflag:$0x2] =	stream.indirect.gather [hbm4b:s1+s20], $0x80, s5, s20, $0xb8;
	[tilespmem:$0x1F380] =	vst v63  }
0x68: {  	_ =	swait.ge [sflag:s2], $0x2800  }
0x69: {  	[sflag:s2] =	ssyncset.done $0x0  }
0x6a: {  	s18 =	simm.s32 $0xF0;
	[sflag:s2] =	ssyncadd.s32 $0xFFFFD800  }
0x6b: {  	[tilespmem:s23], [sflag:$0x3] =	stream.indirect.gather [hbm4b:s1+s20], $0x80, s18, s20, $0xb8;
	[tilespmem:$0x1F380] =	vst v63  }
0x6c: {  	s0 =	simm.s32 $0x280;
	s4 =	simm.s32 $0x118;
	s18 =	simm.s32 $0x2900  }
.LBB2_4:
0x6d: {  	[tilespmem:s25], [sflag:$0x4] =	stream.indirect.gather [hbm4b:s1+s20], $0x80, s4, s20, $0xb8;
	[tilespmem:$0x1F380] =	vst v63  }
0x6e: {  	s4 =	smov.u32 s0  }
0x6f: {  	p0 =	sne.s32 s0, $0x9600;
	s0 =	sadd.s32 $0x280, s0;
	_ =	swait.ge [sflag:s26], $0x1400  }
0x70: {  	[sflag:s26] =	ssyncset.done $0x0  }
0x71: {  	[sflag:s26] =	ssyncadd.s32 $0xFFFFEC00  }
0x72: {  	_ =	swait.ge [sflag:s28], $0x1400  }
0x73: {  	[sflag:s28] =	ssyncset.done $0x0  }
0x74: {  	s5 =	sadd.s32 $0xFFFFFF80, s18;
	[sflag:s28] =	ssyncadd.s32 $0xFFFFEC00  }
0x75: {  	[spmem:s3] =	stream.indirect.scatter.add.f32 [tilespmem:s19], [sflag:$0x5], $0x80, s5, s22, $0xb8;
	[tilespmem:$0x1F380] =	vst v63  }
0x76: {  	_ =	swait.ge [sflag:s29], $0x1400  }
0x77: {  	[sflag:s29] =	ssyncset.done $0x0  }
0x78: {  	[sflag:s29] =	ssyncadd.s32 $0xFFFFEC00  }
0x79: {  	_ =	swait.ge [sflag:s30], $0x1400  }
0x7a: {  	[sflag:s30] =	ssyncset.done $0x0  }
0x7b: {  	[sflag:s30] =	ssyncadd.s32 $0xFFFFEC00  }
0x7c: {  	[spmem:s3] =	stream.indirect.scatter.add.f32 [tilespmem:s23], [sflag:$0x6], $0x80, s18, s22, $0xb8;
	[tilespmem:$0x1F380] =	vst v63  }
0x7d: {  	_ =	swait.ge [sflag:s31], $0x2800  }
0x7e: {  	s4 =	sshra.s32 s4, $0x2;
	[sflag:s31] =	ssyncset.done $0x0  }
0x7f: {  	s5 =	sadd.s32 $0xA0, s4;
	[sflag:s31] =	ssyncadd.s32 $0xFFFFD800  }
0x80: {  	[tilespmem:s19], [sflag:$0x1] =	stream.indirect.gather [hbm4b:s1+s20], $0x80, s5, s20, $0xb8;
	[tilespmem:$0x1F380] =	vst v63  }
0x81: {  	s5 =	sadd.s32 $0xC8, s4  }
0x82: {  	[tilespmem:s21], [sflag:$0x2] =	stream.indirect.gather [hbm4b:s1+s20], $0x80, s5, s20, $0xb8;
	[tilespmem:$0x1F380] =	vst v63  }
.Ltmp1:
0x83: {  	_ =	swait.ge [sflag:s2], $0x2800;
	(pc) =	sbr.rel @p0 .LBB2_4-.Ltmp1, $4  }
0x84: {  	[sflag:s2] =	ssyncset.done $0x0  }
0x85: {  	s5 =	sadd.s32 $0xF0, s4;
	[sflag:s2] =	ssyncadd.s32 $0xFFFFD800  }
0x86: {  	[tilespmem:s23], [sflag:$0x3] =	stream.indirect.gather [hbm4b:s1+s20], $0x80, s5, s20, $0xb8;
	[tilespmem:$0x1F380] =	vst v63  }
0x87: {  	s18 =	sadd.s32 $0x100, s18;
	s4 =	sadd.s32 $0x118, s4  }
0x88: {  	[tilespmem:s25], [sflag:$0x4] =	stream.indirect.gather [hbm4b:s1+s20], $0x80, s4, s20, $0xb8;
	[tilespmem:$0x1F380] =	vst v63  }
0x89: {  	_ =	swait.ge [sflag:s26], $0x1400  }
0x8a: {  	[sflag:s26] =	ssyncset.done $0x0  }
0x8b: {  	[sflag:s26] =	ssyncadd.s32 $0xFFFFEC00  }
0x8c: {  	_ =	swait.ge [sflag:s28], $0x1400  }
0x8d: {  	[sflag:s28] =	ssyncset.done $0x0  }
0x8e: {  	s0 =	simm.s32 $0x6480;
	[sflag:s28] =	ssyncadd.s32 $0xFFFFEC00  }
0x8f: {  	[spmem:s3] =	stream.indirect.scatter.add.f32 [tilespmem:s19], [sflag:$0x5], $0x80, s0, s22, $0xb8;
	[tilespmem:$0x1F380] =	vst v63  }
0x90: {  	_ =	swait.ge [sflag:s29], $0x1400  }
0x91: {  	[sflag:s29] =	ssyncset.done $0x0  }
0x92: {  	[sflag:s29] =	ssyncadd.s32 $0xFFFFEC00  }
0x93: {  	_ =	swait.ge [sflag:s30], $0x1400  }
0x94: {  	[sflag:s30] =	ssyncset.done $0x0  }
0x95: {  	s4 =	simm.s32 $0x6500;
	[sflag:s30] =	ssyncadd.s32 $0xFFFFEC00  }
0x96: {  	[spmem:s3] =	stream.indirect.scatter.add.f32 [tilespmem:s23], [sflag:$0x6], $0x80, s4, s22, $0xb8;
	[tilespmem:$0x1F380] =	vst v63  }
0x97: {  	_ =	swait.ge [sflag:s31], $0x2800  }
0x98: {  	[sflag:s31] =	ssyncset.done $0x0  }
0x99: {  	s5 =	simm.s32 $0x26C0;
	[sflag:s31] =	ssyncadd.s32 $0xFFFFD800  }
0x9a: {  	[tilespmem:s19], [sflag:$0x1] =	stream.indirect.gather [hbm4b:s1+s20], $0x80, s5, s20, $0xb8;
	[tilespmem:$0x1F380] =	vst v63  }
0x9b: {  	s18 =	simm.s32 $0x26E8  }
0x9c: {  	[tilespmem:s21], [sflag:$0x2] =	stream.indirect.gather [hbm4b:s1+s20], $0x80, s18, s20, $0xb8;
	[tilespmem:$0x1F380] =	vst v63  }
0x9d: {  	_ =	swait.ge [sflag:s2], $0x2800  }
0x9e: {  	[sflag:s2] =	ssyncset.done $0x0  }
0x9f: {  	[sflag:s2] =	ssyncadd.s32 $0xFFFFD800  }
0xa0: {  	_ =	swait.ge [sflag:s26], $0x1400  }
0xa1: {  	[sflag:s26] =	ssyncset.done $0x0  }
0xa2: {  	[sflag:s26] =	ssyncadd.s32 $0xFFFFEC00  }
0xa3: {  	_ =	swait.ge [sflag:s28], $0x1400  }
0xa4: {  	[sflag:s28] =	ssyncset.done $0x0  }
0xa5: {  	s4 =	simm.s32 $0x6580;
	[sflag:s28] =	ssyncadd.s32 $0xFFFFEC00  }
0xa6: {  	[spmem:s3] =	stream.indirect.scatter.add.f32 [tilespmem:s19], [sflag:$0x5], $0x80, s4, s22, $0xb8;
	[tilespmem:$0x1F380] =	vst v63  }
0xa7: {  	s5 =	stileid.u32;
	_ =	swait.ge [sflag:s31], $0x2800  }
0xa8: {  	s24 =	sadd.s32 $0x1, s24;
	s0 =	sshll.u32 s5, $0x6;
	[sflag:s31] =	ssyncset.done $0x0  }
0xa9: {  	p0 =	sne.s32 s24, s10;
	s0 =	sor.u32 $0x1C07, s0;
	[sflag:s31] =	ssyncadd.s32 $0xFFFFD800  }
.Ltmp2:
0xaa: {  	s18 =	sshrl.u32 s7, $0x3;
	[bflag:$0x0] =	sbarrier.arrive $0xFFFF;
	(pc) =	sbr.rel @p0 .LBB2_1-.Ltmp2, $4  }
0xab: {  	[hbm:s9], [sflag:s0] =	dma.local [spmem:s18], $0x2780  }
0xac: {  	_ =	swait.ge [sflag:s17], $0x2780  }
0xad: {  	[sflag:s17] =	ssyncset.done $0x0  }
0xae: {  	[sflag:s17] =	ssyncadd.s32 $0xFFFFD880  }
0xaf: {  	_ =	sfence.sel $0x180000  }
0xb0: {  	[bflag:$0x0] =	sbarrier.arrive $0xFFFF  }
0xb1: {  	_ =	strace $0x90000050  }
0xb2: {  	s0 =	stileid.u32;
	[bflag:$0x2] =	sbarrier.arrive $0xFFFF  }
0xb3: {  	p0 =	sne.s32 s0, $0x0;
	s0 =	rddreg [dreg:$0x3]  }
0xb4: {  	s0 =	sadd.s32 @!p0 $0x100000, s0  }
0xb5: {  	[sflag:s0] =	ssyncadd.tile.s32 @!p0 $0x1;
	_ =	shalt  }
.Lfunc_end2:
_tile_overlayer_lowered:
.L_overlay_start_2:
0xb6: {  	(tag) =	ssettag $0x2  }
0xb7: {  	s0 =	rddreg [dreg:$0x0];
	s2 =	stileid.u32  }
0xb8: {  	s1 =	rddreg [dreg:$0x1];
	p0 =	sne.s32 s2, $0x0  }
0xb9: {  	s3 =	rddreg [dreg:$0x2];
	[bflag:$0x3] =	sbarrier.arrive $0xFFFF;
	s2 =	simm.s32 @!p0 $0x1C07  }
0xba: {  	[timem:s3], [sflag:s2] =	dma.local @!p0 [hbm:s0], s1  }
0xbb: {  	s0 =	simm.s32 @!p0 $0x7  }
0xbc: {  	_ =	swait.ge @!p0 [sflag:s0], s1  }
0xbd: {  	s1 =	ssub.s32 @!p0 $0x0, s1;
	[sflag:s0] =	ssyncset.done @!p0 $0x0  }
0xbe: {  	[sflag:s0] =	ssyncadd.s32 @!p0 s1  }
0xbf: {  	[bflag:$0x3] =	sbarrier.arrive $0xFFFF  }
0xc0: {  	_ =	shalt  }

// kernel: kernel.30.cloned.1.call-start
scs
__scs_entry_jumppad:
0x0: {  	(pc) =	sbr.rel $0x88, $3  }
0x1: {  	(tag) =	ssettag $0x0;
	lr =	simm.s32 $0x1  }
0x2: {  	[smem:$0x3F93] =	sst lr;
	_ =	strace $0xD0000000  }
0x3: {  	_ = 	snop  }
0x4: {  	_ = 	snop  }
0x5: {  	_ = 	snop  }
0x6: {  	_ = 	snop  }
0x7: {  	_ = 	snop  }
__scs_overlays_trampoline_lowered:
0x8: {  	[smem:$0x3FA2] =	sst s0  }
0x9: {  	[smem:$0x3FA3] =	sst s1  }
0xa: {  	[smem:$0x3FA4] =	sst s2  }
0xb: {  	[smem:$0x3FA5] =	sst s3  }
0xc: {  	[smem:$0x3FA6] =	sst s4  }
0xd: {  	[smem:$0x3FA7] =	sst s5  }
0xe: {  	[smem:$0x3FA8] =	sst s6  }
0xf: {  	[smem:$0x3FA9] =	sst s7  }
0x10: {  	[smem:$0x3FAA] =	sst s8  }
0x11: {  	[smem:$0x3FAB] =	sst s9;
	s0 =	simm.s32 @!p0 $0x0  }
0x12: {  	s1 =	sld [smem:$0x3F91];
	s0 =	simm.s32 @p0 $0x1  }
0x13: {  	[smem:$0x3FAC] =	sst s0;
	s0 =	simm.s32 @!p1 $0x0  }
0x14: {  	s2 =	sld [smem:$0x3F90];
	s0 =	simm.s32 @p1 $0x1  }
0x15: {  	[smem:$0x3FAD] =	sst s0;
	s0 =	simm.s32 @!p2 $0x0  }
0x16: {  	s3 =	sld [smem:$0x3FDB];
	s0 =	simm.s32 @p2 $0x1  }
0x17: {  	s4 =	simm.s32 $0x1BF5;
	[smem:$0x3FAF] =	sst s0  }
0x18: {  	s0 =	sld [smem:$0x3F92];
	_ =	swait.ge [sflag:s4], $0x0  }
0x19: {  	s7 =	sld [smem:$0x3F93]  }
0x1a: {  	s8 =	sadd.s32 $0xFFFFE003, lr  }
0x1b: {  	s9 =	sadd.s32 $0xFFFFFEF7, lr;
	s5 =	simm.s32 $0xFFFFFFFF;
	p2 =	slt.u32 s8, $0xFFFFF086  }
0x1c: {  	p1 =	slt.u32 s9, $0xF7A;
	s5 =	simm.s32 @!p2 $0x0  }
0x1d: {  	s5 =	simm.s32 @p1 $0x1;
	p0 =	seq.s32 s7, s2  }
0x1e: {  	s7 =	smul.u32 @!p0 $0xF7A, s2;
	p2 =	seq.s32 @!p0 s5, $0x0  }
0x1f: {  	s9 =	smul.u32 $0xF7A, s1;
	s8 =	simm.s32 @!p0 $0x1BF5;
	p2 =	por !p2, p0  }
0x20: {  	[sflag:s8] =	ssyncset.s32 @!p0 $0xFFFFF086;
	s6 =	sadd.s32 @!p0 s3, s7;
	s7 =	simm.s32 @!p0 $0x108  }
0x21: {  	s3 =	sadd.s32 s3, s9;
	s6 =	sadd.s32 @!p0 $0x88, s6;
	s7 =	simm.s32 @p2 $0x1082  }
0x22: {  	[simem:s7], [sflag:s8] =	dma.local @!p0 [hbm:s6], $0xF7A  }
0x23: {  	s9 =	sor.u32 $0xD0000000, s2;
	s6 =	simm.s32 $0x108;
	_ =	swait.ge @!p0 [sflag:s8], $0x0  }
0x24: {  	s3 =	sadd.s32 $0x88, s3;
	s6 =	simm.s32 @!p1 $0x1082;
	[sflag:s4] =	ssyncset.s32 $0xFFFFF086  }
0x25: {  	[simem:s6], [sflag:s4] =	dma.local [hbm:s3], $0xF7A  }
0x26: {  	[smem:$0x3F93] =	sst s1;
	(tag) =	ssettag s2;
	_ =	strace s9  }
0x27: {  	s1 =	sld [smem:$0x3FA3]  }
0x28: {  	s2 =	sld [smem:$0x3FA4]  }
0x29: {  	s4 =	sld [smem:$0x3FA6]  }
0x2a: {  	p0 =	seq.s32 s5, $0x0;
	s5 =	sld [smem:$0x3FA7]  }
0x2b: {  	s6 =	sld [smem:$0x3FA8]  }
0x2c: {  	s7 =	sld [smem:$0x3FA9]  }
0x2d: {  	s3 =	simm.s32 $0x108;
	s8 =	sld [smem:$0x3FAA]  }
0x2e: {  	s3 =	simm.s32 @!p0 $0x1082;
	s9 =	sld [smem:$0x3FAB]  }
0x2f: {  	lr =	sadd.s32 s0, s3;
	s0 =	sld [smem:$0x3FA2]  }
0x30: {  	s3 =	sld [smem:$0x3FA5]  }
0x31: {  	[smem:$0x3FAE] =	sst s10  }
0x32: {  	s10 =	sld [smem:$0x3FAC];
	_ =	sdelay $0x3  }
0x33: {  	p0 =	seq.s32 s10, $0x1;
	s10 =	sld [smem:$0x3FAE];
	_ =	sdelay $0x3  }
0x34: {  	[smem:$0x3FAE] =	sst s10  }
0x35: {  	s10 =	sld [smem:$0x3FAD];
	_ =	sdelay $0x3  }
0x36: {  	p1 =	seq.s32 s10, $0x1;
	s10 =	sld [smem:$0x3FAE];
	_ =	sdelay $0x3  }
0x37: {  	[smem:$0x3FAE] =	sst s10  }
0x38: {  	s10 =	sld [smem:$0x3FAF]  }
0x39: {  	_ = 	snop;
	(pc) =	sbr.ind lr, $3  }
0x3a: {  	_ = 	snop  }
0x3b: {  	_ = 	snop  }
0x3c: {  	p2 =	seq.s32 s10, $0x1;
	s10 =	sld [smem:$0x3FAE]  }
0x3d: {  	_ =	shalt  }
0x3e: {  	_ =	shalt  }
0x3f: {  	_ =	shalt  }
0x40: {  	_ =	shalt  }
0x41: {  	_ =	shalt  }
0x42: {  	_ =	shalt  }
0x43: {  	_ =	shalt  }
0x44: {  	_ =	shalt  }
0x45: {  	_ =	shalt  }
0x46: {  	_ =	shalt  }
0x47: {  	_ =	shalt  }
0x48: {  	_ =	shalt  }
0x49: {  	_ =	shalt  }
0x4a: {  	_ =	shalt  }
0x4b: {  	_ =	shalt  }
0x4c: {  	_ =	shalt  }
0x4d: {  	_ =	shalt  }
0x4e: {  	_ =	shalt  }
0x4f: {  	_ =	shalt  }
0x50: {  	_ =	shalt  }
0x51: {  	_ =	shalt  }
0x52: {  	_ =	shalt  }
0x53: {  	_ =	shalt  }
0x54: {  	_ =	shalt  }
0x55: {  	_ =	shalt  }
0x56: {  	_ =	shalt  }
0x57: {  	_ =	shalt  }
0x58: {  	_ =	shalt  }
0x59: {  	_ =	shalt  }
0x5a: {  	_ =	shalt  }
0x5b: {  	_ =	shalt  }
0x5c: {  	_ =	shalt  }
0x5d: {  	_ =	shalt  }
0x5e: {  	_ =	shalt  }
0x5f: {  	_ =	shalt  }
0x60: {  	_ =	shalt  }
0x61: {  	_ =	shalt  }
0x62: {  	_ =	shalt  }
0x63: {  	_ =	shalt  }
0x64: {  	_ =	shalt  }
0x65: {  	_ =	shalt  }
0x66: {  	_ =	shalt  }
0x67: {  	_ =	shalt  }
0x68: {  	_ =	shalt  }
0x69: {  	_ =	shalt  }
0x6a: {  	_ =	shalt  }
0x6b: {  	_ =	shalt  }
0x6c: {  	_ =	shalt  }
0x6d: {  	_ =	shalt  }
0x6e: {  	_ =	shalt  }
0x6f: {  	_ =	shalt  }
0x70: {  	_ =	shalt  }
0x71: {  	_ =	shalt  }
0x72: {  	_ =	shalt  }
0x73: {  	_ =	shalt  }
0x74: {  	_ =	shalt  }
0x75: {  	_ =	shalt  }
0x76: {  	_ =	shalt  }
0x77: {  	_ =	shalt  }
0x78: {  	_ =	shalt  }
0x79: {  	_ =	shalt  }
0x7a: {  	_ =	shalt  }
0x7b: {  	_ =	shalt  }
0x7c: {  	_ =	shalt  }
0x7d: {  	_ =	shalt  }
0x7e: {  	_ =	shalt  }
0x7f: {  	_ =	shalt  }
0x80: {  	_ =	shalt  }
0x81: {  	_ =	shalt  }
0x82: {  	_ =	shalt  }
0x83: {  	_ =	shalt  }
0x84: {  	_ =	shalt  }
0x85: {  	_ =	shalt  }
0x86: {  	_ =	shalt  }
0x87: {  	_ =	shalt  }
.Lfunc_end0:
.L_simem_size_0:
called_computation.4_lowered:
.L_overlay_start_0:
0x88: {  	s2 =	sld [smem:$0x3FD9]  }
0x89: {  	s3 =	sld [smem:$0x3FFE];
	_ =	sdelay $0x1  }
0x8a: {  	s1 =	srdreg.scid  }
0x8b: {  	s0 =	sand.u32 $0x1, s1  }
0x8c: {  	s17 =	sshll.u32 s0, $0xA;
	s2 =	sadd.s32 s3, s2  }
0x8d: {  	s2 =	sadd.s32 s2, s17  }
0x8e: {  	[smem:$0x3FBA] =	sst s2  }
0x8f: {  	_ = 	snop  }
0x90: {  	s2 =	sld [smem:$0x3FD0];
	(tm) =	ssettm $0x1  }
0x91: {  	s18 =	sld [smem:$0x3FFB];
	_ =	sdelay $0x3  }
0x92: {  	_ =	strace s18  }
0x93: {  	s3 =	sld [smem:$0x3FFC];
	_ =	sdelay $0x3  }
0x94: {  	_ =	strace s3  }
0x95: {  	s3 =	sld [smem:$0x3FFD];
	_ =	sdelay $0x3  }
0x96: {  	_ =	strace s3  }
0x97: {  	_ =	strace $0x8FFFFFFF  }
0x98: {  	s19 =	sld [smem:$0x3FDB];
	_ =	sdelay $0x1  }
0x99: {  	s4 =	simm.s32 $_scs_section_size  }
0x9a: {  	s5 =	simm.s32 $_size__tile_overlayer_lowered;
	s6 =	simm.s32 $_tile_overlayer_lowered  }
0x9b: {  	s22 =	simm.s32 $0x1BFF;
	s21 =	sshll.u32 s6, $0x1;
	s3 =	sadd.s32 s4, s19  }
0x9c: {  	s7 =	simm.s32 $0x0;
	s20 =	sshll.u32 s5, $0x1;
	s5 =	sadd.s32 s21, s3  }
0x9d: {  	[timem:s7], [sflag:s22] =	dma.local [hbm:s5], s20  }
0x9e: {  	_ =	swait.ge [sflag:s22], s20  }
0x9f: {  	s4 =	ssub.s32 $0x0, s20;
	[sflag:s22] =	ssyncset.done $0x0  }
0xa0: {  	[sflag:s22] =	ssyncadd.s32 s4;
	_ =	sdelay $0x1  }
0xa1: {  	s23 =	simm.s32 $0x1B8B  }
0xa2: {  	_ =	swait.ge [sflag:s23], $0x1  }
0xa3: {  	[sflag:s23] =	ssyncset.done $0x0  }
0xa4: {  	s25 =	simm.s32 $0x1B8E;
	s24 =	sld [smem:$0x3FFE];
	[sflag:s23] =	ssyncadd.s32 $0xFFFFFFFF  }
0xa5: {  	s26 =	simm.s32 $execute0_lowered;
	[smem:$0x3FD2] =	sst s25  }
0xa6: {  	s5 =	sshll.u32 s26, $0x1;
	_ =	strace $0x80000052;
	[dreg:$0x1] =	wrdreg $0xFFFFFFFF  }
0xa7: {  	s28 =	simm.s32 $_size_execute0_lowered;
	s3 =	sadd.s32 s3, s5;
	[dreg:$0x0] =	wrdreg $0x0  }
0xa8: {  	s5 =	sshll.u32 s28, $0x1;
	[dreg:$0x2] =	wrdreg s3  }
0xa9: {  	[dreg:$0x3] =	wrdreg s5  }
0xaa: {  	[dreg:$0x4] =	wrdreg $0xC0  }
0xab: {  	_ =	task [dreg:s7], $0x5FFFF  }
0xac: {  	[dreg:$0x1] =	wrdreg $0xFFFFFFFF  }
0xad: {  	[dreg:$0x0] =	wrdreg $0x60  }
0xae: {  	[dreg:$0x2] =	wrdreg s2  }
0xaf: {  	[dreg:$0x3] =	wrdreg s24  }
0xb0: {  	[dreg:$0x4] =	wrdreg $0xB7800  }
0xb1: {  	[dreg:$0x5] =	wrdreg $0x9  }
0xb2: {  	_ =	task.clear_ibuf [dreg:s7], $0x6FFFF;
	_ =	strace $0x90000052  }
0xb3: {  	s29 =	simm.s32 $0x9;
	_ =	strace $0x80000054  }
0xb4: {  	_ =	swait.ge [sflag:s29], $0x1  }
0xb5: {  	[sflag:s29] =	ssyncadd.s32 $0xFFFFFFFF  }
0xb6: {  	_ =	strace $0x90000054  }
0xb7: {  	_ =	sfence  }
0xb8: {  	s30 =	sld [smem:$0x0];
	_ =	sdelay $0x2  }
0xb9: {  	s31 =	sshll.u32 s1, $0xD;
	s1 =	sshrl.u32 s1, $0x2  }
0xba: {  	s3 =	sand.u32 $0x4000, s31;
	s1 =	sadd.s32 s1, s30  }
0xbb: {  	s0 =	sor.u32 s3, s0;
	s1 =	sshll.u32 s1, $0x11  }
0xbc: {  	s0 =	sor.u32 s1, s0  }
0xbd: {  	s0 =	sadd.s32 $0x8F2B, s0  }
0xbe: {  	[sflag:s0] =	ssyncadd.remote.s32 $0x1  }
0xbf: {  	_ =	sfence.sel $0xFFFF  }
0xc0: {  	[dreg:$0x0] =	wrdreg $0xFFFFFFFF;
	(pc) =	sbr.abs _section_cstart, $3  }
0xc1: {  	[dreg:$0x1] =	wrdreg $0xFFFFFFFF  }
0xc2: {  	_ =	task.clear_ibuf [dreg:s7], $0x2FFFF;
	_ =	strace $0x9FFFFFFF  }
0xc3: {  	(tm) =	ssettm $0x7FFFFFFF  }
tec
execute0_lowered:
.L_overlay_start_1:
0x0: {  	(tag) =	ssettag $0x1  }
0x1: {  	s0 =	srdreg.scid;
	s1 =	rddreg [dreg:$0x0]  }
0x2: {  	s8 =	stileid.u32;
	s4 =	rddreg [dreg:$0x1]  }
0x3: {  	s3 =	rddreg [dreg:$0x2];
	s7 =	simm.s32 $0x0;
	s17 =	simm.s32 $0x7  }
0x4: {  	s19 =	simm.s32 $0x6780;
	s20 =	simm.s32 $0x28;
	s21 =	simm.s32 $0x7B80  }
0x5: {  	s22 =	simm.s32 $0x50;
	s23 =	simm.s32 $0x8F80;
	s28 =	simm.s32 $0x2  }
0x6: {  	s29 =	simm.s32 $0x3;
	s30 =	simm.s32 $0x4;
	s24 =	smul.u32 $0x13C00, s8  }
0x7: {  	s31 =	simm.s32 $0x5;
	s0 =	sand.u32 $0x1, s0;
	s25 =	smul.u32 $0x4F000, s8  }
0x8: {  	[smem:$0x7FF] =	sst s7;
	s2 =	sshll.u32 s0, $0x4;
	s6 =	smul.u32 $0x13C000, s0  }
0x9: {  	_ =	strace $0x80000053;
	s0 =	ssub.s32 $0x2, s0;
	s2 =	sor.u32 s8, s2  }
0xa: {  	s26 =	sshrl.u32 s0, $0x1;
	s7 =	sshrl.u32 s25, $0x2;
	s25 =	simm.s32 $0xA380  }
0xb: {  	s5 =	smul.u32 $0x4E2, s2;
	s2 =	sshll.u32 s2, $0xB;
	s6 =	sadd.s32 s24, s6  }
0xc: {  	s0 =	ssub.s32 s0, s26;
	s7 =	sadd.s32 s7, s3;
	s26 =	simm.s32 $0x1  }
0xd: {  	s24 =	simm.s32 $0x0;
	s2 =	sadd.s32 s2, s4;
	s6 =	sshrl.u32 s6, $0x3  }
0xe: {  	s8 =	sadd.s32 $0x11800, s7;
	s10 =	smax.u32 s0, $0x1;
	s11 =	sadd.s32 $0x2800, s7  }
0xf: {  	s12 =	sadd.s32 $0x5000, s7;
	s13 =	sadd.s32 $0x7800, s7;
	s14 =	sadd.s32 $0xA000, s7  }
0x10: {  	s15 =	sadd.s32 $0xC800, s7;
	s16 =	sadd.s32 $0xF000, s7;
	s5 =	sadd.s32 s5, s4  }
0x11: {  	s4 =	sadd.s32 s6, s4;
	s6 =	sadd.s32 $0x2B000, s2;
	s5 =	sadd.s32 $0x7400, s5  }
0x12: {  	v0 =	vimm.f32 $0.0e+00;
	s2 =	simm.s32 $0x6;
	s9 =	sadd.s32 $0xB0C00, s4;
	[dreg:$0x4] =	wrdreg s5  }
.LBB2_1:
0x13: {  	s0 =	simm.s32 $0x0;
	s4 =	rddreg [dreg:$0x4]  }
0x14: {  	[tilespmem:s0], [sflag:$0x7] =	stream.linear.gather [hbm4b:s4+s0], $0x2710, $0x38;
	[tilespmem:$0x1F380] =	vst v63  }
0x15: {  	_ =	swait.ge [sflag:s17], $0x2710  }
0x16: {  	[sflag:s17] =	ssyncset.done $0x0  }
0x17: {  	s18 =	simm.s32 $0x2780;
	[sflag:s17] =	ssyncadd.s32 $0xFFFFD8F0  }
0x18: {  	[tilespmem:s18], [sflag:$0x7] =	stream.linear.gather [hbm4b:s6+s0], $0x3E80, $0x38;
	[tilespmem:$0x1F380] =	vst v63  }
0x19: {  	_ =	swait.ge [sflag:s17], $0x3E80  }
0x1a: {  	[sflag:s17] =	ssyncset.done $0x0  }
0x1b: {  	s0 =	simm.s32 $0x0;
	s18 =	simm.s32 $0x200;
	[sflag:s17] =	ssyncadd.s32 $0xFFFFC180  }
.LBB2_2:
0x1c: {  	p0 =	sne.s32 s18, $0x9E00;
	[tilespmem:s0+$0x67F0] =	vst v0  }
0x1d: {  	[tilespmem:s0+$0x6780] =	vst v0  }
0x1e: {  	[tilespmem:s0+$0x6790] =	vst v0  }
.Ltmp0:
0x1f: {  	[tilespmem:s0+$0x67A0] =	vst v0;
	(pc) =	sbr.rel @p0 .LBB2_2-.Ltmp0, $4  }
0x20: {  	[tilespmem:s0+$0x67B0] =	vst v0  }
0x21: {  	[tilespmem:s0+$0x67C0] =	vst v0  }
0x22: {  	[tilespmem:s0+$0x67D0] =	vst v0  }
0x23: {  	[tilespmem:s0+$0x67E0] =	vst v0;
	s0 =	sshra.s32 s18, $0x2;
	s18 =	sadd.s32 $0x200, s18  }
0x24: {  	[tilespmem:s0+$0x67F0] =	vst v0  }
0x25: {  	[tilespmem:s0+$0x6780] =	vst v0  }
0x26: {  	[tilespmem:s0+$0x6790] =	vst v0  }
0x27: {  	[tilespmem:s0+$0x67A0] =	vst v0  }
0x28: {  	[tilespmem:s0+$0x67B0] =	vst v0  }
0x29: {  	[tilespmem:s0+$0x67C0] =	vst v0  }
0x2a: {  	[tilespmem:s0+$0x67D0] =	vst v0  }
0x2b: {  	[tilespmem:s0+$0x67E0] =	vst v0  }
0x2c: {  	[spmem:s7] =	stream.linear.scatter [tilespmem:s19], [sflag:$0x7], $0x2800, $0x38;
	[tilespmem:$0x1F380] =	vst v63  }
0x2d: {  	_ =	swait.ge [sflag:s17], $0x2800  }
0x2e: {  	[sflag:s17] =	ssyncset.done $0x0  }
0x2f: {  	[sflag:s17] =	ssyncadd.s32 $0xFFFFD800  }
0x30: {  	[spmem:s11] =	stream.linear.scatter [tilespmem:s19], [sflag:$0x7], $0x2800, $0x38;
	[tilespmem:$0x1F380] =	vst v63  }
0x31: {  	_ =	swait.ge [sflag:s17], $0x2800  }
0x32: {  	[sflag:s17] =	ssyncset.done $0x0  }
0x33: {  	[sflag:s17] =	ssyncadd.s32 $0xFFFFD800  }
0x34: {  	[spmem:s12] =	stream.linear.scatter [tilespmem:s19], [sflag:$0x7], $0x2800, $0x38;
	[tilespmem:$0x1F380] =	vst v63  }
0x35: {  	_ =	swait.ge [sflag:s17], $0x2800  }
0x36: {  	[sflag:s17] =	ssyncset.done $0x0  }
0x37: {  	[sflag:s17] =	ssyncadd.s32 $0xFFFFD800  }
0x38: {  	[spmem:s13] =	stream.linear.scatter [tilespmem:s19], [sflag:$0x7], $0x2800, $0x38;
	[tilespmem:$0x1F380] =	vst v63  }
0x39: {  	_ =	swait.ge [sflag:s17], $0x2800  }
0x3a: {  	[sflag:s17] =	ssyncset.done $0x0  }
0x3b: {  	[sflag:s17] =	ssyncadd.s32 $0xFFFFD800  }
0x3c: {  	[spmem:s14] =	stream.linear.scatter [tilespmem:s19], [sflag:$0x7], $0x2800, $0x38;
	[tilespmem:$0x1F380] =	vst v63  }
0x3d: {  	_ =	swait.ge [sflag:s17], $0x2800  }
0x3e: {  	[sflag:s17] =	ssyncset.done $0x0  }
0x3f: {  	[sflag:s17] =	ssyncadd.s32 $0xFFFFD800  }
0x40: {  	[spmem:s15] =	stream.linear.scatter [tilespmem:s19], [sflag:$0x7], $0x2800, $0x38;
	[tilespmem:$0x1F380] =	vst v63  }
0x41: {  	_ =	swait.ge [sflag:s17], $0x2800  }
0x42: {  	[sflag:s17] =	ssyncset.done $0x0  }
0x43: {  	[sflag:s17] =	ssyncadd.s32 $0xFFFFD800  }
0x44: {  	[spmem:s16] =	stream.linear.scatter [tilespmem:s19], [sflag:$0x7], $0x2800, $0x38;
	[tilespmem:$0x1F380] =	vst v63  }
0x45: {  	_ =	swait.ge [sflag:s17], $0x2800  }
0x46: {  	[sflag:s17] =	ssyncset.done $0x0  }
0x47: {  	[sflag:s17] =	ssyncadd.s32 $0xFFFFD800  }
0x48: {  	[spmem:s8] =	stream.linear.scatter [tilespmem:s19], [sflag:$0x7], $0x2400, $0x38;
	[tilespmem:$0x1F380] =	vst v63  }
0x49: {  	_ =	swait.ge [sflag:s17], $0x2400  }
0x4a: {  	[sflag:s17] =	ssyncset.done $0x0  }
0x4b: {  	[sflag:s17] =	ssyncadd.s32 $0xFFFFDC00  }
0x4c: {  	s18 =	simm.s32 $0x0;
	[bflag:$0x0] =	sbarrier.arrive $0xFFFF  }
0x4d: {  	[tilespmem:s19], [sflag:$0x1] =	stream.indirect.gather [hbm4b:s1+s20], $0x80, s18, s20, $0xb8;
	[tilespmem:$0x1F380] =	vst v63  }
0x4e: {  	_ = 	snop  }
0x4f: {  	[tilespmem:s21], [sflag:$0x2] =	stream.indirect.gather [hbm4b:s1+s20], $0x80, s20, s20, $0xb8;
	[tilespmem:$0x1F380] =	vst v63  }
0x50: {  	_ = 	snop  }
0x51: {  	[tilespmem:s23], [sflag:$0x3] =	stream.indirect.gather [hbm4b:s1+s20], $0x80, s22, s20, $0xb8;
	[tilespmem:$0x1F380] =	vst v63  }
0x52: {  	s4 =	simm.s32 $0x78  }
0x53: {  	[tilespmem:s25], [sflag:$0x4] =	stream.indirect.gather [hbm4b:s1+s20], $0x80, s4, s20, $0xb8;
	[tilespmem:$0x1F380] =	vst v63  }
0x54: {  	_ =	swait.ge [sflag:s26], $0x1400  }
0x55: {  	[sflag:s26] =	ssyncset.done $0x0  }
0x56: {  	[sflag:s26] =	ssyncadd.s32 $0xFFFFEC00  }
0x57: {  	_ =	swait.ge [sflag:s28], $0x1400  }
0x58: {  	[sflag:s28] =	ssyncset.done $0x0  }
0x59: {  	s5 =	simm.s32 $0x2780;
	[sflag:s28] =	ssyncadd.s32 $0xFFFFEC00  }
0x5a: {  	[spmem:s3] =	stream.indirect.scatter.add.f32 [tilespmem:s19], [sflag:$0x5], $0x80, s5, s22, $0xb8;
	[tilespmem:$0x1F380] =	vst v63  }
0x5b: {  	_ =	swait.ge [sflag:s29], $0x1400  }
0x5c: {  	[sflag:s29] =	ssyncset.done $0x0  }
0x5d: {  	[sflag:s29] =	ssyncadd.s32 $0xFFFFEC00  }
0x5e: {  	_ =	swait.ge [sflag:s30], $0x1400  }
0x5f: {  	[sflag:s30] =	ssyncset.done $0x0  }
0x60: {  	s18 =	simm.s32 $0x2800;
	[sflag:s30] =	ssyncadd.s32 $0xFFFFEC00  }
0x61: {  	[spmem:s3] =	stream.indirect.scatter.add.f32 [tilespmem:s23], [sflag:$0x6], $0x80, s18, s22, $0xb8;
	[tilespmem:$0x1F380] =	vst v63  }
0x62: {  	_ =	swait.ge [sflag:s31], $0x2800  }
0x63: {  	[sflag:s31] =	ssyncset.done $0x0  }
0x64: {  	s4 =	simm.s32 $0xA0;
	[sflag:s31] =	ssyncadd.s32 $0xFFFFD800  }
0x65: {  	[tilespmem:s19], [sflag:$0x1] =	stream.indirect.gather [hbm4b:s1+s20], $0x80, s4, s20, $0xb8;
	[tilespmem:$0x1F380] =	vst v63  }
0x66: {  	s5 =	simm.s32 $0xC8  }
0x67: {  	[tilespmem:s21], [sflag:$0x2] =	stream.indirect.gather [hbm4b:s1+s20], $0x80, s5, s20, $0xb8;
	[tilespmem:$0x1F380] =	vst v63  }
0x68: {  	_ =	swait.ge [sflag:s2], $0x2800  }
0x69: {  	[sflag:s2] =	ssyncset.done $0x0  }
0x6a: {  	s18 =	simm.s32 $0xF0;
	[sflag:s2] =	ssyncadd.s32 $0xFFFFD800  }
0x6b: {  	[tilespmem:s23], [sflag:$0x3] =	stream.indirect.gather [hbm4b:s1+s20], $0x80, s18, s20, $0xb8;
	[tilespmem:$0x1F380] =	vst v63  }
0x6c: {  	s0 =	simm.s32 $0x280;
	s4 =	simm.s32 $0x118;
	s18 =	simm.s32 $0x2900  }
.LBB2_4:
0x6d: {  	[tilespmem:s25], [sflag:$0x4] =	stream.indirect.gather [hbm4b:s1+s20], $0x80, s4, s20, $0xb8;
	[tilespmem:$0x1F380] =	vst v63  }
0x6e: {  	s4 =	smov.u32 s0  }
0x6f: {  	p0 =	sne.s32 s0, $0x9600;
	s0 =	sadd.s32 $0x280, s0;
	_ =	swait.ge [sflag:s26], $0x1400  }
0x70: {  	[sflag:s26] =	ssyncset.done $0x0  }
0x71: {  	[sflag:s26] =	ssyncadd.s32 $0xFFFFEC00  }
0x72: {  	_ =	swait.ge [sflag:s28], $0x1400  }
0x73: {  	[sflag:s28] =	ssyncset.done $0x0  }
0x74: {  	s5 =	sadd.s32 $0xFFFFFF80, s18;
	[sflag:s28] =	ssyncadd.s32 $0xFFFFEC00  }
0x75: {  	[spmem:s3] =	stream.indirect.scatter.add.f32 [tilespmem:s19], [sflag:$0x5], $0x80, s5, s22, $0xb8;
	[tilespmem:$0x1F380] =	vst v63  }
0x76: {  	_ =	swait.ge [sflag:s29], $0x1400  }
0x77: {  	[sflag:s29] =	ssyncset.done $0x0  }
0x78: {  	[sflag:s29] =	ssyncadd.s32 $0xFFFFEC00  }
0x79: {  	_ =	swait.ge [sflag:s30], $0x1400  }
0x7a: {  	[sflag:s30] =	ssyncset.done $0x0  }
0x7b: {  	[sflag:s30] =	ssyncadd.s32 $0xFFFFEC00  }
0x7c: {  	[spmem:s3] =	stream.indirect.scatter.add.f32 [tilespmem:s23], [sflag:$0x6], $0x80, s18, s22, $0xb8;
	[tilespmem:$0x1F380] =	vst v63  }
0x7d: {  	_ =	swait.ge [sflag:s31], $0x2800  }
0x7e: {  	s4 =	sshra.s32 s4, $0x2;
	[sflag:s31] =	ssyncset.done $0x0  }
0x7f: {  	s5 =	sadd.s32 $0xA0, s4;
	[sflag:s31] =	ssyncadd.s32 $0xFFFFD800  }
0x80: {  	[tilespmem:s19], [sflag:$0x1] =	stream.indirect.gather [hbm4b:s1+s20], $0x80, s5, s20, $0xb8;
	[tilespmem:$0x1F380] =	vst v63  }
0x81: {  	s5 =	sadd.s32 $0xC8, s4  }
0x82: {  	[tilespmem:s21], [sflag:$0x2] =	stream.indirect.gather [hbm4b:s1+s20], $0x80, s5, s20, $0xb8;
	[tilespmem:$0x1F380] =	vst v63  }
.Ltmp1:
0x83: {  	_ =	swait.ge [sflag:s2], $0x2800;
	(pc) =	sbr.rel @p0 .LBB2_4-.Ltmp1, $4  }
0x84: {  	[sflag:s2] =	ssyncset.done $0x0  }
0x85: {  	s5 =	sadd.s32 $0xF0, s4;
	[sflag:s2] =	ssyncadd.s32 $0xFFFFD800  }
0x86: {  	[tilespmem:s23], [sflag:$0x3] =	stream.indirect.gather [hbm4b:s1+s20], $0x80, s5, s20, $0xb8;
	[tilespmem:$0x1F380] =	vst v63  }
0x87: {  	s18 =	sadd.s32 $0x100, s18;
	s4 =	sadd.s32 $0x118, s4  }
0x88: {  	[tilespmem:s25], [sflag:$0x4] =	stream.indirect.gather [hbm4b:s1+s20], $0x80, s4, s20, $0xb8;
	[tilespmem:$0x1F380] =	vst v63  }
0x89: {  	_ =	swait.ge [sflag:s26], $0x1400  }
0x8a: {  	[sflag:s26] =	ssyncset.done $0x0  }
0x8b: {  	[sflag:s26] =	ssyncadd.s32 $0xFFFFEC00  }
0x8c: {  	_ =	swait.ge [sflag:s28], $0x1400  }
0x8d: {  	[sflag:s28] =	ssyncset.done $0x0  }
0x8e: {  	s0 =	simm.s32 $0x6480;
	[sflag:s28] =	ssyncadd.s32 $0xFFFFEC00  }
0x8f: {  	[spmem:s3] =	stream.indirect.scatter.add.f32 [tilespmem:s19], [sflag:$0x5], $0x80, s0, s22, $0xb8;
	[tilespmem:$0x1F380] =	vst v63  }
0x90: {  	_ =	swait.ge [sflag:s29], $0x1400  }
0x91: {  	[sflag:s29] =	ssyncset.done $0x0  }
0x92: {  	[sflag:s29] =	ssyncadd.s32 $0xFFFFEC00  }
0x93: {  	_ =	swait.ge [sflag:s30], $0x1400  }
0x94: {  	[sflag:s30] =	ssyncset.done $0x0  }
0x95: {  	s4 =	simm.s32 $0x6500;
	[sflag:s30] =	ssyncadd.s32 $0xFFFFEC00  }
0x96: {  	[spmem:s3] =	stream.indirect.scatter.add.f32 [tilespmem:s23], [sflag:$0x6], $0x80, s4, s22, $0xb8;
	[tilespmem:$0x1F380] =	vst v63  }
0x97: {  	_ =	swait.ge [sflag:s31], $0x2800  }
0x98: {  	[sflag:s31] =	ssyncset.done $0x0  }
0x99: {  	s5 =	simm.s32 $0x26C0;
	[sflag:s31] =	ssyncadd.s32 $0xFFFFD800  }
0x9a: {  	[tilespmem:s19], [sflag:$0x1] =	stream.indirect.gather [hbm4b:s1+s20], $0x80, s5, s20, $0xb8;
	[tilespmem:$0x1F380] =	vst v63  }
0x9b: {  	s18 =	simm.s32 $0x26E8  }
0x9c: {  	[tilespmem:s21], [sflag:$0x2] =	stream.indirect.gather [hbm4b:s1+s20], $0x80, s18, s20, $0xb8;
	[tilespmem:$0x1F380] =	vst v63  }
0x9d: {  	_ =	swait.ge [sflag:s2], $0x2800  }
0x9e: {  	[sflag:s2] =	ssyncset.done $0x0  }
0x9f: {  	[sflag:s2] =	ssyncadd.s32 $0xFFFFD800  }
0xa0: {  	_ =	swait.ge [sflag:s26], $0x1400  }
0xa1: {  	[sflag:s26] =	ssyncset.done $0x0  }
0xa2: {  	[sflag:s26] =	ssyncadd.s32 $0xFFFFEC00  }
0xa3: {  	_ =	swait.ge [sflag:s28], $0x1400  }
0xa4: {  	[sflag:s28] =	ssyncset.done $0x0  }
0xa5: {  	s4 =	simm.s32 $0x6580;
	[sflag:s28] =	ssyncadd.s32 $0xFFFFEC00  }
0xa6: {  	[spmem:s3] =	stream.indirect.scatter.add.f32 [tilespmem:s19], [sflag:$0x5], $0x80, s4, s22, $0xb8;
	[tilespmem:$0x1F380] =	vst v63  }
0xa7: {  	s5 =	stileid.u32;
	_ =	swait.ge [sflag:s31], $0x2800  }
0xa8: {  	s24 =	sadd.s32 $0x1, s24;
	s0 =	sshll.u32 s5, $0x6;
	[sflag:s31] =	ssyncset.done $0x0  }
0xa9: {  	p0 =	sne.s32 s24, s10;
	s0 =	sor.u32 $0x1C07, s0;
	[sflag:s31] =	ssyncadd.s32 $0xFFFFD800  }
.Ltmp2:
0xaa: {  	s18 =	sshrl.u32 s7, $0x3;
	[bflag:$0x0] =	sbarrier.arrive $0xFFFF;
	(pc) =	sbr.rel @p0 .LBB2_1-.Ltmp2, $4  }
0xab: {  	[hbm:s9], [sflag:s0] =	dma.local [spmem:s18], $0x2780  }
0xac: {  	_ =	swait.ge [sflag:s17], $0x2780  }
0xad: {  	[sflag:s17] =	ssyncset.done $0x0  }
0xae: {  	[sflag:s17] =	ssyncadd.s32 $0xFFFFD880  }
0xaf: {  	_ =	sfence.sel $0x180000  }
0xb0: {  	[bflag:$0x0] =	sbarrier.arrive $0xFFFF  }
0xb1: {  	_ =	strace $0x90000053  }
0xb2: {  	s0 =	stileid.u32;
	[bflag:$0x2] =	sbarrier.arrive $0xFFFF  }
0xb3: {  	p0 =	sne.s32 s0, $0x0;
	s0 =	rddreg [dreg:$0x3]  }
0xb4: {  	s0 =	sadd.s32 @!p0 $0x100000, s0  }
0xb5: {  	[sflag:s0] =	ssyncadd.tile.s32 @!p0 $0x1;
	_ =	shalt  }
.Lfunc_end2:
_tile_overlayer_lowered:
.L_overlay_start_2:
0xb6: {  	(tag) =	ssettag $0x2  }
0xb7: {  	s0 =	rddreg [dreg:$0x0];
	s2 =	stileid.u32  }
0xb8: {  	s1 =	rddreg [dreg:$0x1];
	p0 =	sne.s32 s2, $0x0  }
0xb9: {  	s3 =	rddreg [dreg:$0x2];
	[bflag:$0x3] =	sbarrier.arrive $0xFFFF;
	s2 =	simm.s32 @!p0 $0x1C07  }
0xba: {  	[timem:s3], [sflag:s2] =	dma.local @!p0 [hbm:s0], s1  }
0xbb: {  	s0 =	simm.s32 @!p0 $0x7  }
0xbc: {  	_ =	swait.ge @!p0 [sflag:s0], s1  }
0xbd: {  	s1 =	ssub.s32 @!p0 $0x0, s1;
	[sflag:s0] =	ssyncset.done @!p0 $0x0  }
0xbe: {  	[sflag:s0] =	ssyncadd.s32 @!p0 s1  }
0xbf: {  	[bflag:$0x3] =	sbarrier.arrive $0xFFFF  }
0xc0: {  	_ =	shalt  }

// kernel: kernel.33.cloned.1.call-start
scs
__scs_entry_jumppad:
0x0: {  	(pc) =	sbr.rel $0x88, $3  }
0x1: {  	(tag) =	ssettag $0x0;
	lr =	simm.s32 $0x1  }
0x2: {  	[smem:$0x3F93] =	sst lr;
	_ =	strace $0xD0000000  }
0x3: {  	_ = 	snop  }
0x4: {  	_ = 	snop  }
0x5: {  	_ = 	snop  }
0x6: {  	_ = 	snop  }
0x7: {  	_ = 	snop  }
__scs_overlays_trampoline_lowered:
0x8: {  	[smem:$0x3FA2] =	sst s0  }
0x9: {  	[smem:$0x3FA3] =	sst s1  }
0xa: {  	[smem:$0x3FA4] =	sst s2  }
0xb: {  	[smem:$0x3FA5] =	sst s3  }
0xc: {  	[smem:$0x3FA6] =	sst s4  }
0xd: {  	[smem:$0x3FA7] =	sst s5  }
0xe: {  	[smem:$0x3FA8] =	sst s6  }
0xf: {  	[smem:$0x3FA9] =	sst s7  }
0x10: {  	[smem:$0x3FAA] =	sst s8  }
0x11: {  	[smem:$0x3FAB] =	sst s9;
	s0 =	simm.s32 @!p0 $0x0  }
0x12: {  	s1 =	sld [smem:$0x3F91];
	s0 =	simm.s32 @p0 $0x1  }
0x13: {  	[smem:$0x3FAC] =	sst s0;
	s0 =	simm.s32 @!p1 $0x0  }
0x14: {  	s2 =	sld [smem:$0x3F90];
	s0 =	simm.s32 @p1 $0x1  }
0x15: {  	[smem:$0x3FAD] =	sst s0;
	s0 =	simm.s32 @!p2 $0x0  }
0x16: {  	s3 =	sld [smem:$0x3FDB];
	s0 =	simm.s32 @p2 $0x1  }
0x17: {  	s4 =	simm.s32 $0x1BF5;
	[smem:$0x3FAF] =	sst s0  }
0x18: {  	s0 =	sld [smem:$0x3F92];
	_ =	swait.ge [sflag:s4], $0x0  }
0x19: {  	s7 =	sld [smem:$0x3F93]  }
0x1a: {  	s8 =	sadd.s32 $0xFFFFE003, lr  }
0x1b: {  	s9 =	sadd.s32 $0xFFFFFEF7, lr;
	s5 =	simm.s32 $0xFFFFFFFF;
	p2 =	slt.u32 s8, $0xFFFFF086  }
0x1c: {  	p1 =	slt.u32 s9, $0xF7A;
	s5 =	simm.s32 @!p2 $0x0  }
0x1d: {  	s5 =	simm.s32 @p1 $0x1;
	p0 =	seq.s32 s7, s2  }
0x1e: {  	s7 =	smul.u32 @!p0 $0xF7A, s2;
	p2 =	seq.s32 @!p0 s5, $0x0  }
0x1f: {  	s9 =	smul.u32 $0xF7A, s1;
	s8 =	simm.s32 @!p0 $0x1BF5;
	p2 =	por !p2, p0  }
0x20: {  	[sflag:s8] =	ssyncset.s32 @!p0 $0xFFFFF086;
	s6 =	sadd.s32 @!p0 s3, s7;
	s7 =	simm.s32 @!p0 $0x108  }
0x21: {  	s3 =	sadd.s32 s3, s9;
	s6 =	sadd.s32 @!p0 $0x88, s6;
	s7 =	simm.s32 @p2 $0x1082  }
0x22: {  	[simem:s7], [sflag:s8] =	dma.local @!p0 [hbm:s6], $0xF7A  }
0x23: {  	s9 =	sor.u32 $0xD0000000, s2;
	s6 =	simm.s32 $0x108;
	_ =	swait.ge @!p0 [sflag:s8], $0x0  }
0x24: {  	s3 =	sadd.s32 $0x88, s3;
	s6 =	simm.s32 @!p1 $0x1082;
	[sflag:s4] =	ssyncset.s32 $0xFFFFF086  }
0x25: {  	[simem:s6], [sflag:s4] =	dma.local [hbm:s3], $0xF7A  }
0x26: {  	[smem:$0x3F93] =	sst s1;
	(tag) =	ssettag s2;
	_ =	strace s9  }
0x27: {  	s1 =	sld [smem:$0x3FA3]  }
0x28: {  	s2 =	sld [smem:$0x3FA4]  }
0x29: {  	s4 =	sld [smem:$0x3FA6]  }
0x2a: {  	p0 =	seq.s32 s5, $0x0;
	s5 =	sld [smem:$0x3FA7]  }
0x2b: {  	s6 =	sld [smem:$0x3FA8]  }
0x2c: {  	s7 =	sld [smem:$0x3FA9]  }
0x2d: {  	s3 =	simm.s32 $0x108;
	s8 =	sld [smem:$0x3FAA]  }
0x2e: {  	s3 =	simm.s32 @!p0 $0x1082;
	s9 =	sld [smem:$0x3FAB]  }
0x2f: {  	lr =	sadd.s32 s0, s3;
	s0 =	sld [smem:$0x3FA2]  }
0x30: {  	s3 =	sld [smem:$0x3FA5]  }
0x31: {  	[smem:$0x3FAE] =	sst s10  }
0x32: {  	s10 =	sld [smem:$0x3FAC];
	_ =	sdelay $0x3  }
0x33: {  	p0 =	seq.s32 s10, $0x1;
	s10 =	sld [smem:$0x3FAE];
	_ =	sdelay $0x3  }
0x34: {  	[smem:$0x3FAE] =	sst s10  }
0x35: {  	s10 =	sld [smem:$0x3FAD];
	_ =	sdelay $0x3  }
0x36: {  	p1 =	seq.s32 s10, $0x1;
	s10 =	sld [smem:$0x3FAE];
	_ =	sdelay $0x3  }
0x37: {  	[smem:$0x3FAE] =	sst s10  }
0x38: {  	s10 =	sld [smem:$0x3FAF]  }
0x39: {  	_ = 	snop;
	(pc) =	sbr.ind lr, $3  }
0x3a: {  	_ = 	snop  }
0x3b: {  	_ = 	snop  }
0x3c: {  	p2 =	seq.s32 s10, $0x1;
	s10 =	sld [smem:$0x3FAE]  }
0x3d: {  	_ =	shalt  }
0x3e: {  	_ =	shalt  }
0x3f: {  	_ =	shalt  }
0x40: {  	_ =	shalt  }
0x41: {  	_ =	shalt  }
0x42: {  	_ =	shalt  }
0x43: {  	_ =	shalt  }
0x44: {  	_ =	shalt  }
0x45: {  	_ =	shalt  }
0x46: {  	_ =	shalt  }
0x47: {  	_ =	shalt  }
0x48: {  	_ =	shalt  }
0x49: {  	_ =	shalt  }
0x4a: {  	_ =	shalt  }
0x4b: {  	_ =	shalt  }
0x4c: {  	_ =	shalt  }
0x4d: {  	_ =	shalt  }
0x4e: {  	_ =	shalt  }
0x4f: {  	_ =	shalt  }
0x50: {  	_ =	shalt  }
0x51: {  	_ =	shalt  }
0x52: {  	_ =	shalt  }
0x53: {  	_ =	shalt  }
0x54: {  	_ =	shalt  }
0x55: {  	_ =	shalt  }
0x56: {  	_ =	shalt  }
0x57: {  	_ =	shalt  }
0x58: {  	_ =	shalt  }
0x59: {  	_ =	shalt  }
0x5a: {  	_ =	shalt  }
0x5b: {  	_ =	shalt  }
0x5c: {  	_ =	shalt  }
0x5d: {  	_ =	shalt  }
0x5e: {  	_ =	shalt  }
0x5f: {  	_ =	shalt  }
0x60: {  	_ =	shalt  }
0x61: {  	_ =	shalt  }
0x62: {  	_ =	shalt  }
0x63: {  	_ =	shalt  }
0x64: {  	_ =	shalt  }
0x65: {  	_ =	shalt  }
0x66: {  	_ =	shalt  }
0x67: {  	_ =	shalt  }
0x68: {  	_ =	shalt  }
0x69: {  	_ =	shalt  }
0x6a: {  	_ =	shalt  }
0x6b: {  	_ =	shalt  }
0x6c: {  	_ =	shalt  }
0x6d: {  	_ =	shalt  }
0x6e: {  	_ =	shalt  }
0x6f: {  	_ =	shalt  }
0x70: {  	_ =	shalt  }
0x71: {  	_ =	shalt  }
0x72: {  	_ =	shalt  }
0x73: {  	_ =	shalt  }
0x74: {  	_ =	shalt  }
0x75: {  	_ =	shalt  }
0x76: {  	_ =	shalt  }
0x77: {  	_ =	shalt  }
0x78: {  	_ =	shalt  }
0x79: {  	_ =	shalt  }
0x7a: {  	_ =	shalt  }
0x7b: {  	_ =	shalt  }
0x7c: {  	_ =	shalt  }
0x7d: {  	_ =	shalt  }
0x7e: {  	_ =	shalt  }
0x7f: {  	_ =	shalt  }
0x80: {  	_ =	shalt  }
0x81: {  	_ =	shalt  }
0x82: {  	_ =	shalt  }
0x83: {  	_ =	shalt  }
0x84: {  	_ =	shalt  }
0x85: {  	_ =	shalt  }
0x86: {  	_ =	shalt  }
0x87: {  	_ =	shalt  }
.Lfunc_end0:
.L_simem_size_0:
called_computation.5_lowered:
.L_overlay_start_0:
0x88: {  	s2 =	sld [smem:$0x3FD9]  }
0x89: {  	s3 =	sld [smem:$0x3FFE];
	_ =	sdelay $0x1  }
0x8a: {  	s1 =	srdreg.scid  }
0x8b: {  	s0 =	sand.u32 $0x1, s1  }
0x8c: {  	s17 =	sshll.u32 s0, $0xA;
	s2 =	sadd.s32 s3, s2  }
0x8d: {  	s2 =	sadd.s32 s2, s17  }
0x8e: {  	[smem:$0x3FBA] =	sst s2  }
0x8f: {  	_ = 	snop  }
0x90: {  	s2 =	sld [smem:$0x3FD0];
	(tm) =	ssettm $0x1  }
0x91: {  	s18 =	sld [smem:$0x3FFB];
	_ =	sdelay $0x3  }
0x92: {  	_ =	strace s18  }
0x93: {  	s3 =	sld [smem:$0x3FFC];
	_ =	sdelay $0x3  }
0x94: {  	_ =	strace s3  }
0x95: {  	s3 =	sld [smem:$0x3FFD];
	_ =	sdelay $0x3  }
0x96: {  	_ =	strace s3  }
0x97: {  	_ =	strace $0x8FFFFFFF  }
0x98: {  	s19 =	sld [smem:$0x3FDB];
	_ =	sdelay $0x1  }
0x99: {  	s4 =	simm.s32 $_scs_section_size  }
0x9a: {  	s5 =	simm.s32 $_size__tile_overlayer_lowered;
	s6 =	simm.s32 $_tile_overlayer_lowered  }
0x9b: {  	s22 =	simm.s32 $0x1BFF;
	s21 =	sshll.u32 s6, $0x1;
	s3 =	sadd.s32 s4, s19  }
0x9c: {  	s7 =	simm.s32 $0x0;
	s20 =	sshll.u32 s5, $0x1;
	s5 =	sadd.s32 s21, s3  }
0x9d: {  	[timem:s7], [sflag:s22] =	dma.local [hbm:s5], s20  }
0x9e: {  	_ =	swait.ge [sflag:s22], s20  }
0x9f: {  	s4 =	ssub.s32 $0x0, s20;
	[sflag:s22] =	ssyncset.done $0x0  }
0xa0: {  	[sflag:s22] =	ssyncadd.s32 s4;
	_ =	sdelay $0x1  }
0xa1: {  	s23 =	simm.s32 $0x1B8B  }
0xa2: {  	_ =	swait.ge [sflag:s23], $0x1  }
0xa3: {  	[sflag:s23] =	ssyncset.done $0x0  }
0xa4: {  	s25 =	simm.s32 $0x1B8E;
	s24 =	sld [smem:$0x3FFE];
	[sflag:s23] =	ssyncadd.s32 $0xFFFFFFFF  }
0xa5: {  	s26 =	simm.s32 $execute0_lowered;
	[smem:$0x3FD2] =	sst s25  }
0xa6: {  	s5 =	sshll.u32 s26, $0x1;
	_ =	strace $0x80000055;
	[dreg:$0x1] =	wrdreg $0xFFFFFFFF  }
0xa7: {  	s28 =	simm.s32 $_size_execute0_lowered;
	s3 =	sadd.s32 s3, s5;
	[dreg:$0x0] =	wrdreg $0x0  }
0xa8: {  	s5 =	sshll.u32 s28, $0x1;
	[dreg:$0x2] =	wrdreg s3  }
0xa9: {  	[dreg:$0x3] =	wrdreg s5  }
0xaa: {  	[dreg:$0x4] =	wrdreg $0xC0  }
0xab: {  	_ =	task [dreg:s7], $0x5FFFF  }
0xac: {  	[dreg:$0x1] =	wrdreg $0xFFFFFFFF  }
0xad: {  	[dreg:$0x0] =	wrdreg $0x60  }
0xae: {  	[dreg:$0x2] =	wrdreg s2  }
0xaf: {  	[dreg:$0x3] =	wrdreg s24  }
0xb0: {  	[dreg:$0x4] =	wrdreg $0xB7800  }
0xb1: {  	[dreg:$0x5] =	wrdreg $0x9  }
0xb2: {  	_ =	task.clear_ibuf [dreg:s7], $0x6FFFF;
	_ =	strace $0x90000055  }
0xb3: {  	s29 =	simm.s32 $0x9;
	_ =	strace $0x80000057  }
0xb4: {  	_ =	swait.ge [sflag:s29], $0x1  }
0xb5: {  	[sflag:s29] =	ssyncadd.s32 $0xFFFFFFFF  }
0xb6: {  	_ =	strace $0x90000057  }
0xb7: {  	_ =	sfence  }
0xb8: {  	s30 =	sld [smem:$0x0];
	_ =	sdelay $0x2  }
0xb9: {  	s31 =	sshll.u32 s1, $0xD;
	s1 =	sshrl.u32 s1, $0x2  }
0xba: {  	s3 =	sand.u32 $0x4000, s31;
	s1 =	sadd.s32 s1, s30  }
0xbb: {  	s0 =	sor.u32 s3, s0;
	s1 =	sshll.u32 s1, $0x11  }
0xbc: {  	s0 =	sor.u32 s1, s0  }
0xbd: {  	s0 =	sadd.s32 $0x8F2B, s0  }
0xbe: {  	[sflag:s0] =	ssyncadd.remote.s32 $0x1  }
0xbf: {  	_ =	sfence.sel $0xFFFF  }
0xc0: {  	[dreg:$0x0] =	wrdreg $0xFFFFFFFF;
	(pc) =	sbr.abs _section_cstart, $3  }
0xc1: {  	[dreg:$0x1] =	wrdreg $0xFFFFFFFF  }
0xc2: {  	_ =	task.clear_ibuf [dreg:s7], $0x2FFFF;
	_ =	strace $0x9FFFFFFF  }
0xc3: {  	(tm) =	ssettm $0x7FFFFFFF  }
tec
execute0_lowered:
.L_overlay_start_1:
0x0: {  	(tag) =	ssettag $0x1  }
0x1: {  	s0 =	srdreg.scid;
	s1 =	rddreg [dreg:$0x0]  }
0x2: {  	s8 =	stileid.u32;
	s4 =	rddreg [dreg:$0x1]  }
0x3: {  	s3 =	rddreg [dreg:$0x2];
	s7 =	simm.s32 $0x0;
	s17 =	simm.s32 $0x7  }
0x4: {  	s19 =	simm.s32 $0x6780;
	s20 =	simm.s32 $0x28;
	s21 =	simm.s32 $0x7B80  }
0x5: {  	s22 =	simm.s32 $0x50;
	s23 =	simm.s32 $0x8F80;
	s28 =	simm.s32 $0x2  }
0x6: {  	s29 =	simm.s32 $0x3;
	s30 =	simm.s32 $0x4;
	s24 =	smul.u32 $0x13C00, s8  }
0x7: {  	s31 =	simm.s32 $0x5;
	s0 =	sand.u32 $0x1, s0;
	s25 =	smul.u32 $0x4F000, s8  }
0x8: {  	[smem:$0x7FF] =	sst s7;
	s2 =	sshll.u32 s0, $0x4;
	s6 =	smul.u32 $0x13C000, s0  }
0x9: {  	_ =	strace $0x80000056;
	s0 =	ssub.s32 $0x2, s0;
	s2 =	sor.u32 s8, s2  }
0xa: {  	s26 =	sshrl.u32 s0, $0x1;
	s7 =	sshrl.u32 s25, $0x2;
	s25 =	simm.s32 $0xA380  }
0xb: {  	s5 =	smul.u32 $0x4E2, s2;
	s2 =	sshll.u32 s2, $0xB;
	s6 =	sadd.s32 s24, s6  }
0xc: {  	s0 =	ssub.s32 s0, s26;
	s7 =	sadd.s32 s7, s3;
	s26 =	simm.s32 $0x1  }
0xd: {  	s24 =	simm.s32 $0x0;
	s2 =	sadd.s32 s2, s4;
	s6 =	sshrl.u32 s6, $0x3  }
0xe: {  	s8 =	sadd.s32 $0x11800, s7;
	s10 =	smax.u32 s0, $0x1;
	s11 =	sadd.s32 $0x2800, s7  }
0xf: {  	s12 =	sadd.s32 $0x5000, s7;
	s13 =	sadd.s32 $0x7800, s7;
	s14 =	sadd.s32 $0xA000, s7  }
0x10: {  	s15 =	sadd.s32 $0xC800, s7;
	s16 =	sadd.s32 $0xF000, s7;
	s5 =	sadd.s32 s5, s4  }
0x11: {  	s4 =	sadd.s32 s6, s4;
	s6 =	sadd.s32 $0x2B000, s2;
	s5 =	sadd.s32 $0x7400, s5  }
0x12: {  	v0 =	vimm.f32 $0.0e+00;
	s2 =	simm.s32 $0x6;
	s9 =	sadd.s32 $0x62800, s4;
	[dreg:$0x4] =	wrdreg s5  }
.LBB2_1:
0x13: {  	s0 =	simm.s32 $0x0;
	s4 =	rddreg [dreg:$0x4]  }
0x14: {  	[tilespmem:s0], [sflag:$0x7] =	stream.linear.gather [hbm4b:s4+s0], $0x2710, $0x38;
	[tilespmem:$0x1F380] =	vst v63  }
0x15: {  	_ =	swait.ge [sflag:s17], $0x2710  }
0x16: {  	[sflag:s17] =	ssyncset.done $0x0  }
0x17: {  	s18 =	simm.s32 $0x2780;
	[sflag:s17] =	ssyncadd.s32 $0xFFFFD8F0  }
0x18: {  	[tilespmem:s18], [sflag:$0x7] =	stream.linear.gather [hbm4b:s6+s0], $0x3E80, $0x38;
	[tilespmem:$0x1F380] =	vst v63  }
0x19: {  	_ =	swait.ge [sflag:s17], $0x3E80  }
0x1a: {  	[sflag:s17] =	ssyncset.done $0x0  }
0x1b: {  	s0 =	simm.s32 $0x0;
	s18 =	simm.s32 $0x200;
	[sflag:s17] =	ssyncadd.s32 $0xFFFFC180  }
.LBB2_2:
0x1c: {  	p0 =	sne.s32 s18, $0x9E00;
	[tilespmem:s0+$0x67F0] =	vst v0  }
0x1d: {  	[tilespmem:s0+$0x6780] =	vst v0  }
0x1e: {  	[tilespmem:s0+$0x6790] =	vst v0  }
.Ltmp0:
0x1f: {  	[tilespmem:s0+$0x67A0] =	vst v0;
	(pc) =	sbr.rel @p0 .LBB2_2-.Ltmp0, $4  }
0x20: {  	[tilespmem:s0+$0x67B0] =	vst v0  }
0x21: {  	[tilespmem:s0+$0x67C0] =	vst v0  }
0x22: {  	[tilespmem:s0+$0x67D0] =	vst v0  }
0x23: {  	[tilespmem:s0+$0x67E0] =	vst v0;
	s0 =	sshra.s32 s18, $0x2;
	s18 =	sadd.s32 $0x200, s18  }
0x24: {  	[tilespmem:s0+$0x67F0] =	vst v0  }
0x25: {  	[tilespmem:s0+$0x6780] =	vst v0  }
0x26: {  	[tilespmem:s0+$0x6790] =	vst v0  }
0x27: {  	[tilespmem:s0+$0x67A0] =	vst v0  }
0x28: {  	[tilespmem:s0+$0x67B0] =	vst v0  }
0x29: {  	[tilespmem:s0+$0x67C0] =	vst v0  }
0x2a: {  	[tilespmem:s0+$0x67D0] =	vst v0  }
0x2b: {  	[tilespmem:s0+$0x67E0] =	vst v0  }
0x2c: {  	[spmem:s7] =	stream.linear.scatter [tilespmem:s19], [sflag:$0x7], $0x2800, $0x38;
	[tilespmem:$0x1F380] =	vst v63  }
0x2d: {  	_ =	swait.ge [sflag:s17], $0x2800  }
0x2e: {  	[sflag:s17] =	ssyncset.done $0x0  }
0x2f: {  	[sflag:s17] =	ssyncadd.s32 $0xFFFFD800  }
0x30: {  	[spmem:s11] =	stream.linear.scatter [tilespmem:s19], [sflag:$0x7], $0x2800, $0x38;
	[tilespmem:$0x1F380] =	vst v63  }
0x31: {  	_ =	swait.ge [sflag:s17], $0x2800  }
0x32: {  	[sflag:s17] =	ssyncset.done $0x0  }
0x33: {  	[sflag:s17] =	ssyncadd.s32 $0xFFFFD800  }
0x34: {  	[spmem:s12] =	stream.linear.scatter [tilespmem:s19], [sflag:$0x7], $0x2800, $0x38;
	[tilespmem:$0x1F380] =	vst v63  }
0x35: {  	_ =	swait.ge [sflag:s17], $0x2800  }
0x36: {  	[sflag:s17] =	ssyncset.done $0x0  }
0x37: {  	[sflag:s17] =	ssyncadd.s32 $0xFFFFD800  }
0x38: {  	[spmem:s13] =	stream.linear.scatter [tilespmem:s19], [sflag:$0x7], $0x2800, $0x38;
	[tilespmem:$0x1F380] =	vst v63  }
0x39: {  	_ =	swait.ge [sflag:s17], $0x2800  }
0x3a: {  	[sflag:s17] =	ssyncset.done $0x0  }
0x3b: {  	[sflag:s17] =	ssyncadd.s32 $0xFFFFD800  }
0x3c: {  	[spmem:s14] =	stream.linear.scatter [tilespmem:s19], [sflag:$0x7], $0x2800, $0x38;
	[tilespmem:$0x1F380] =	vst v63  }
0x3d: {  	_ =	swait.ge [sflag:s17], $0x2800  }
0x3e: {  	[sflag:s17] =	ssyncset.done $0x0  }
0x3f: {  	[sflag:s17] =	ssyncadd.s32 $0xFFFFD800  }
0x40: {  	[spmem:s15] =	stream.linear.scatter [tilespmem:s19], [sflag:$0x7], $0x2800, $0x38;
	[tilespmem:$0x1F380] =	vst v63  }
0x41: {  	_ =	swait.ge [sflag:s17], $0x2800  }
0x42: {  	[sflag:s17] =	ssyncset.done $0x0  }
0x43: {  	[sflag:s17] =	ssyncadd.s32 $0xFFFFD800  }
0x44: {  	[spmem:s16] =	stream.linear.scatter [tilespmem:s19], [sflag:$0x7], $0x2800, $0x38;
	[tilespmem:$0x1F380] =	vst v63  }
0x45: {  	_ =	swait.ge [sflag:s17], $0x2800  }
0x46: {  	[sflag:s17] =	ssyncset.done $0x0  }
0x47: {  	[sflag:s17] =	ssyncadd.s32 $0xFFFFD800  }
0x48: {  	[spmem:s8] =	stream.linear.scatter [tilespmem:s19], [sflag:$0x7], $0x2400, $0x38;
	[tilespmem:$0x1F380] =	vst v63  }
0x49: {  	_ =	swait.ge [sflag:s17], $0x2400  }
0x4a: {  	[sflag:s17] =	ssyncset.done $0x0  }
0x4b: {  	[sflag:s17] =	ssyncadd.s32 $0xFFFFDC00  }
0x4c: {  	s18 =	simm.s32 $0x0;
	[bflag:$0x0] =	sbarrier.arrive $0xFFFF  }
0x4d: {  	[tilespmem:s19], [sflag:$0x1] =	stream.indirect.gather [hbm4b:s1+s20], $0x80, s18, s20, $0xb8;
	[tilespmem:$0x1F380] =	vst v63  }
0x4e: {  	_ = 	snop  }
0x4f: {  	[tilespmem:s21], [sflag:$0x2] =	stream.indirect.gather [hbm4b:s1+s20], $0x80, s20, s20, $0xb8;
	[tilespmem:$0x1F380] =	vst v63  }
0x50: {  	_ = 	snop  }
0x51: {  	[tilespmem:s23], [sflag:$0x3] =	stream.indirect.gather [hbm4b:s1+s20], $0x80, s22, s20, $0xb8;
	[tilespmem:$0x1F380] =	vst v63  }
0x52: {  	s4 =	simm.s32 $0x78  }
0x53: {  	[tilespmem:s25], [sflag:$0x4] =	stream.indirect.gather [hbm4b:s1+s20], $0x80, s4, s20, $0xb8;
	[tilespmem:$0x1F380] =	vst v63  }
0x54: {  	_ =	swait.ge [sflag:s26], $0x1400  }
0x55: {  	[sflag:s26] =	ssyncset.done $0x0  }
0x56: {  	[sflag:s26] =	ssyncadd.s32 $0xFFFFEC00  }
0x57: {  	_ =	swait.ge [sflag:s28], $0x1400  }
0x58: {  	[sflag:s28] =	ssyncset.done $0x0  }
0x59: {  	s5 =	simm.s32 $0x2780;
	[sflag:s28] =	ssyncadd.s32 $0xFFFFEC00  }
0x5a: {  	[spmem:s3] =	stream.indirect.scatter.add.f32 [tilespmem:s19], [sflag:$0x5], $0x80, s5, s22, $0xb8;
	[tilespmem:$0x1F380] =	vst v63  }
0x5b: {  	_ =	swait.ge [sflag:s29], $0x1400  }
0x5c: {  	[sflag:s29] =	ssyncset.done $0x0  }
0x5d: {  	[sflag:s29] =	ssyncadd.s32 $0xFFFFEC00  }
0x5e: {  	_ =	swait.ge [sflag:s30], $0x1400  }
0x5f: {  	[sflag:s30] =	ssyncset.done $0x0  }
0x60: {  	s18 =	simm.s32 $0x2800;
	[sflag:s30] =	ssyncadd.s32 $0xFFFFEC00  }
0x61: {  	[spmem:s3] =	stream.indirect.scatter.add.f32 [tilespmem:s23], [sflag:$0x6], $0x80, s18, s22, $0xb8;
	[tilespmem:$0x1F380] =	vst v63  }
0x62: {  	_ =	swait.ge [sflag:s31], $0x2800  }
0x63: {  	[sflag:s31] =	ssyncset.done $0x0  }
0x64: {  	s4 =	simm.s32 $0xA0;
	[sflag:s31] =	ssyncadd.s32 $0xFFFFD800  }
0x65: {  	[tilespmem:s19], [sflag:$0x1] =	stream.indirect.gather [hbm4b:s1+s20], $0x80, s4, s20, $0xb8;
	[tilespmem:$0x1F380] =	vst v63  }
0x66: {  	s5 =	simm.s32 $0xC8  }
0x67: {  	[tilespmem:s21], [sflag:$0x2] =	stream.indirect.gather [hbm4b:s1+s20], $0x80, s5, s20, $0xb8;
	[tilespmem:$0x1F380] =	vst v63  }
0x68: {  	_ =	swait.ge [sflag:s2], $0x2800  }
0x69: {  	[sflag:s2] =	ssyncset.done $0x0  }
0x6a: {  	s18 =	simm.s32 $0xF0;
	[sflag:s2] =	ssyncadd.s32 $0xFFFFD800  }
0x6b: {  	[tilespmem:s23], [sflag:$0x3] =	stream.indirect.gather [hbm4b:s1+s20], $0x80, s18, s20, $0xb8;
	[tilespmem:$0x1F380] =	vst v63  }
0x6c: {  	s0 =	simm.s32 $0x280;
	s4 =	simm.s32 $0x118;
	s18 =	simm.s32 $0x2900  }
.LBB2_4:
0x6d: {  	[tilespmem:s25], [sflag:$0x4] =	stream.indirect.gather [hbm4b:s1+s20], $0x80, s4, s20, $0xb8;
	[tilespmem:$0x1F380] =	vst v63  }
0x6e: {  	s4 =	smov.u32 s0  }
0x6f: {  	p0 =	sne.s32 s0, $0x9600;
	s0 =	sadd.s32 $0x280, s0;
	_ =	swait.ge [sflag:s26], $0x1400  }
0x70: {  	[sflag:s26] =	ssyncset.done $0x0  }
0x71: {  	[sflag:s26] =	ssyncadd.s32 $0xFFFFEC00  }
0x72: {  	_ =	swait.ge [sflag:s28], $0x1400  }
0x73: {  	[sflag:s28] =	ssyncset.done $0x0  }
0x74: {  	s5 =	sadd.s32 $0xFFFFFF80, s18;
	[sflag:s28] =	ssyncadd.s32 $0xFFFFEC00  }
0x75: {  	[spmem:s3] =	stream.indirect.scatter.add.f32 [tilespmem:s19], [sflag:$0x5], $0x80, s5, s22, $0xb8;
	[tilespmem:$0x1F380] =	vst v63  }
0x76: {  	_ =	swait.ge [sflag:s29], $0x1400  }
0x77: {  	[sflag:s29] =	ssyncset.done $0x0  }
0x78: {  	[sflag:s29] =	ssyncadd.s32 $0xFFFFEC00  }
0x79: {  	_ =	swait.ge [sflag:s30], $0x1400  }
0x7a: {  	[sflag:s30] =	ssyncset.done $0x0  }
0x7b: {  	[sflag:s30] =	ssyncadd.s32 $0xFFFFEC00  }
0x7c: {  	[spmem:s3] =	stream.indirect.scatter.add.f32 [tilespmem:s23], [sflag:$0x6], $0x80, s18, s22, $0xb8;
	[tilespmem:$0x1F380] =	vst v63  }
0x7d: {  	_ =	swait.ge [sflag:s31], $0x2800  }
0x7e: {  	s4 =	sshra.s32 s4, $0x2;
	[sflag:s31] =	ssyncset.done $0x0  }
0x7f: {  	s5 =	sadd.s32 $0xA0, s4;
	[sflag:s31] =	ssyncadd.s32 $0xFFFFD800  }
0x80: {  	[tilespmem:s19], [sflag:$0x1] =	stream.indirect.gather [hbm4b:s1+s20], $0x80, s5, s20, $0xb8;
	[tilespmem:$0x1F380] =	vst v63  }
0x81: {  	s5 =	sadd.s32 $0xC8, s4  }
0x82: {  	[tilespmem:s21], [sflag:$0x2] =	stream.indirect.gather [hbm4b:s1+s20], $0x80, s5, s20, $0xb8;
	[tilespmem:$0x1F380] =	vst v63  }
.Ltmp1:
0x83: {  	_ =	swait.ge [sflag:s2], $0x2800;
	(pc) =	sbr.rel @p0 .LBB2_4-.Ltmp1, $4  }
0x84: {  	[sflag:s2] =	ssyncset.done $0x0  }
0x85: {  	s5 =	sadd.s32 $0xF0, s4;
	[sflag:s2] =	ssyncadd.s32 $0xFFFFD800  }
0x86: {  	[tilespmem:s23], [sflag:$0x3] =	stream.indirect.gather [hbm4b:s1+s20], $0x80, s5, s20, $0xb8;
	[tilespmem:$0x1F380] =	vst v63  }
0x87: {  	s18 =	sadd.s32 $0x100, s18;
	s4 =	sadd.s32 $0x118, s4  }
0x88: {  	[tilespmem:s25], [sflag:$0x4] =	stream.indirect.gather [hbm4b:s1+s20], $0x80, s4, s20, $0xb8;
	[tilespmem:$0x1F380] =	vst v63  }
0x89: {  	_ =	swait.ge [sflag:s26], $0x1400  }
0x8a: {  	[sflag:s26] =	ssyncset.done $0x0  }
0x8b: {  	[sflag:s26] =	ssyncadd.s32 $0xFFFFEC00  }
0x8c: {  	_ =	swait.ge [sflag:s28], $0x1400  }
0x8d: {  	[sflag:s28] =	ssyncset.done $0x0  }
0x8e: {  	s0 =	simm.s32 $0x6480;
	[sflag:s28] =	ssyncadd.s32 $0xFFFFEC00  }
0x8f: {  	[spmem:s3] =	stream.indirect.scatter.add.f32 [tilespmem:s19], [sflag:$0x5], $0x80, s0, s22, $0xb8;
	[tilespmem:$0x1F380] =	vst v63  }
0x90: {  	_ =	swait.ge [sflag:s29], $0x1400  }
0x91: {  	[sflag:s29] =	ssyncset.done $0x0  }
0x92: {  	[sflag:s29] =	ssyncadd.s32 $0xFFFFEC00  }
0x93: {  	_ =	swait.ge [sflag:s30], $0x1400  }
0x94: {  	[sflag:s30] =	ssyncset.done $0x0  }
0x95: {  	s4 =	simm.s32 $0x6500;
	[sflag:s30] =	ssyncadd.s32 $0xFFFFEC00  }
0x96: {  	[spmem:s3] =	stream.indirect.scatter.add.f32 [tilespmem:s23], [sflag:$0x6], $0x80, s4, s22, $0xb8;
	[tilespmem:$0x1F380] =	vst v63  }
0x97: {  	_ =	swait.ge [sflag:s31], $0x2800  }
0x98: {  	[sflag:s31] =	ssyncset.done $0x0  }
0x99: {  	s5 =	simm.s32 $0x26C0;
	[sflag:s31] =	ssyncadd.s32 $0xFFFFD800  }
0x9a: {  	[tilespmem:s19], [sflag:$0x1] =	stream.indirect.gather [hbm4b:s1+s20], $0x80, s5, s20, $0xb8;
	[tilespmem:$0x1F380] =	vst v63  }
0x9b: {  	s18 =	simm.s32 $0x26E8  }
0x9c: {  	[tilespmem:s21], [sflag:$0x2] =	stream.indirect.gather [hbm4b:s1+s20], $0x80, s18, s20, $0xb8;
	[tilespmem:$0x1F380] =	vst v63  }
0x9d: {  	_ =	swait.ge [sflag:s2], $0x2800  }
0x9e: {  	[sflag:s2] =	ssyncset.done $0x0  }
0x9f: {  	[sflag:s2] =	ssyncadd.s32 $0xFFFFD800  }
0xa0: {  	_ =	swait.ge [sflag:s26], $0x1400  }
0xa1: {  	[sflag:s26] =	ssyncset.done $0x0  }
0xa2: {  	[sflag:s26] =	ssyncadd.s32 $0xFFFFEC00  }
0xa3: {  	_ =	swait.ge [sflag:s28], $0x1400  }
0xa4: {  	[sflag:s28] =	ssyncset.done $0x0  }
0xa5: {  	s4 =	simm.s32 $0x6580;
	[sflag:s28] =	ssyncadd.s32 $0xFFFFEC00  }
0xa6: {  	[spmem:s3] =	stream.indirect.scatter.add.f32 [tilespmem:s19], [sflag:$0x5], $0x80, s4, s22, $0xb8;
	[tilespmem:$0x1F380] =	vst v63  }
0xa7: {  	s5 =	stileid.u32;
	_ =	swait.ge [sflag:s31], $0x2800  }
0xa8: {  	s24 =	sadd.s32 $0x1, s24;
	s0 =	sshll.u32 s5, $0x6;
	[sflag:s31] =	ssyncset.done $0x0  }
0xa9: {  	p0 =	sne.s32 s24, s10;
	s0 =	sor.u32 $0x1C07, s0;
	[sflag:s31] =	ssyncadd.s32 $0xFFFFD800  }
.Ltmp2:
0xaa: {  	s18 =	sshrl.u32 s7, $0x3;
	[bflag:$0x0] =	sbarrier.arrive $0xFFFF;
	(pc) =	sbr.rel @p0 .LBB2_1-.Ltmp2, $4  }
0xab: {  	[hbm:s9], [sflag:s0] =	dma.local [spmem:s18], $0x2780  }
0xac: {  	_ =	swait.ge [sflag:s17], $0x2780  }
0xad: {  	[sflag:s17] =	ssyncset.done $0x0  }
0xae: {  	[sflag:s17] =	ssyncadd.s32 $0xFFFFD880  }
0xaf: {  	_ =	sfence.sel $0x180000  }
0xb0: {  	[bflag:$0x0] =	sbarrier.arrive $0xFFFF  }
0xb1: {  	_ =	strace $0x90000056  }
0xb2: {  	s0 =	stileid.u32;
	[bflag:$0x2] =	sbarrier.arrive $0xFFFF  }
0xb3: {  	p0 =	sne.s32 s0, $0x0;
	s0 =	rddreg [dreg:$0x3]  }
0xb4: {  	s0 =	sadd.s32 @!p0 $0x100000, s0  }
0xb5: {  	[sflag:s0] =	ssyncadd.tile.s32 @!p0 $0x1;
	_ =	shalt  }
.Lfunc_end2:
_tile_overlayer_lowered:
.L_overlay_start_2:
0xb6: {  	(tag) =	ssettag $0x2  }
0xb7: {  	s0 =	rddreg [dreg:$0x0];
	s2 =	stileid.u32  }
0xb8: {  	s1 =	rddreg [dreg:$0x1];
	p0 =	sne.s32 s2, $0x0  }
0xb9: {  	s3 =	rddreg [dreg:$0x2];
	[bflag:$0x3] =	sbarrier.arrive $0xFFFF;
	s2 =	simm.s32 @!p0 $0x1C07  }
0xba: {  	[timem:s3], [sflag:s2] =	dma.local @!p0 [hbm:s0], s1  }
0xbb: {  	s0 =	simm.s32 @!p0 $0x7  }
0xbc: {  	_ =	swait.ge @!p0 [sflag:s0], s1  }
0xbd: {  	s1 =	ssub.s32 @!p0 $0x0, s1;
	[sflag:s0] =	ssyncset.done @!p0 $0x0  }
0xbe: {  	[sflag:s0] =	ssyncadd.s32 @!p0 s1  }
0xbf: {  	[bflag:$0x3] =	sbarrier.arrive $0xFFFF  }
0xc0: {  	_ =	shalt  }

// kernel: kernel.36.cloned.1.call-start
scs
__scs_entry_jumppad:
0x0: {  	(pc) =	sbr.rel $0x88, $3  }
0x1: {  	(tag) =	ssettag $0x0;
	lr =	simm.s32 $0x1  }
0x2: {  	[smem:$0x3F93] =	sst lr;
	_ =	strace $0xD0000000  }
0x3: {  	_ = 	snop  }
0x4: {  	_ = 	snop  }
0x5: {  	_ = 	snop  }
0x6: {  	_ = 	snop  }
0x7: {  	_ = 	snop  }
__scs_overlays_trampoline_lowered:
0x8: {  	[smem:$0x3FA2] =	sst s0  }
0x9: {  	[smem:$0x3FA3] =	sst s1  }
0xa: {  	[smem:$0x3FA4] =	sst s2  }
0xb: {  	[smem:$0x3FA5] =	sst s3  }
0xc: {  	[smem:$0x3FA6] =	sst s4  }
0xd: {  	[smem:$0x3FA7] =	sst s5  }
0xe: {  	[smem:$0x3FA8] =	sst s6  }
0xf: {  	[smem:$0x3FA9] =	sst s7  }
0x10: {  	[smem:$0x3FAA] =	sst s8  }
0x11: {  	[smem:$0x3FAB] =	sst s9;
	s0 =	simm.s32 @!p0 $0x0  }
0x12: {  	s1 =	sld [smem:$0x3F91];
	s0 =	simm.s32 @p0 $0x1  }
0x13: {  	[smem:$0x3FAC] =	sst s0;
	s0 =	simm.s32 @!p1 $0x0  }
0x14: {  	s2 =	sld [smem:$0x3F90];
	s0 =	simm.s32 @p1 $0x1  }
0x15: {  	[smem:$0x3FAD] =	sst s0;
	s0 =	simm.s32 @!p2 $0x0  }
0x16: {  	s3 =	sld [smem:$0x3FDB];
	s0 =	simm.s32 @p2 $0x1  }
0x17: {  	s4 =	simm.s32 $0x1BF5;
	[smem:$0x3FAF] =	sst s0  }
0x18: {  	s0 =	sld [smem:$0x3F92];
	_ =	swait.ge [sflag:s4], $0x0  }
0x19: {  	s7 =	sld [smem:$0x3F93]  }
0x1a: {  	s8 =	sadd.s32 $0xFFFFE003, lr  }
0x1b: {  	s9 =	sadd.s32 $0xFFFFFEF7, lr;
	s5 =	simm.s32 $0xFFFFFFFF;
	p2 =	slt.u32 s8, $0xFFFFF086  }
0x1c: {  	p1 =	slt.u32 s9, $0xF7A;
	s5 =	simm.s32 @!p2 $0x0  }
0x1d: {  	s5 =	simm.s32 @p1 $0x1;
	p0 =	seq.s32 s7, s2  }
0x1e: {  	s7 =	smul.u32 @!p0 $0xF7A, s2;
	p2 =	seq.s32 @!p0 s5, $0x0  }
0x1f: {  	s9 =	smul.u32 $0xF7A, s1;
	s8 =	simm.s32 @!p0 $0x1BF5;
	p2 =	por !p2, p0  }
0x20: {  	[sflag:s8] =	ssyncset.s32 @!p0 $0xFFFFF086;
	s6 =	sadd.s32 @!p0 s3, s7;
	s7 =	simm.s32 @!p0 $0x108  }
0x21: {  	s3 =	sadd.s32 s3, s9;
	s6 =	sadd.s32 @!p0 $0x88, s6;
	s7 =	simm.s32 @p2 $0x1082  }
0x22: {  	[simem:s7], [sflag:s8] =	dma.local @!p0 [hbm:s6], $0xF7A  }
0x23: {  	s9 =	sor.u32 $0xD0000000, s2;
	s6 =	simm.s32 $0x108;
	_ =	swait.ge @!p0 [sflag:s8], $0x0  }
0x24: {  	s3 =	sadd.s32 $0x88, s3;
	s6 =	simm.s32 @!p1 $0x1082;
	[sflag:s4] =	ssyncset.s32 $0xFFFFF086  }
0x25: {  	[simem:s6], [sflag:s4] =	dma.local [hbm:s3], $0xF7A  }
0x26: {  	[smem:$0x3F93] =	sst s1;
	(tag) =	ssettag s2;
	_ =	strace s9  }
0x27: {  	s1 =	sld [smem:$0x3FA3]  }
0x28: {  	s2 =	sld [smem:$0x3FA4]  }
0x29: {  	s4 =	sld [smem:$0x3FA6]  }
0x2a: {  	p0 =	seq.s32 s5, $0x0;
	s5 =	sld [smem:$0x3FA7]  }
0x2b: {  	s6 =	sld [smem:$0x3FA8]  }
0x2c: {  	s7 =	sld [smem:$0x3FA9]  }
0x2d: {  	s3 =	simm.s32 $0x108;
	s8 =	sld [smem:$0x3FAA]  }
0x2e: {  	s3 =	simm.s32 @!p0 $0x1082;
	s9 =	sld [smem:$0x3FAB]  }
0x2f: {  	lr =	sadd.s32 s0, s3;
	s0 =	sld [smem:$0x3FA2]  }
0x30: {  	s3 =	sld [smem:$0x3FA5]  }
0x31: {  	[smem:$0x3FAE] =	sst s10  }
0x32: {  	s10 =	sld [smem:$0x3FAC];
	_ =	sdelay $0x3  }
0x33: {  	p0 =	seq.s32 s10, $0x1;
	s10 =	sld [smem:$0x3FAE];
	_ =	sdelay $0x3  }
0x34: {  	[smem:$0x3FAE] =	sst s10  }
0x35: {  	s10 =	sld [smem:$0x3FAD];
	_ =	sdelay $0x3  }
0x36: {  	p1 =	seq.s32 s10, $0x1;
	s10 =	sld [smem:$0x3FAE];
	_ =	sdelay $0x3  }
0x37: {  	[smem:$0x3FAE] =	sst s10  }
0x38: {  	s10 =	sld [smem:$0x3FAF]  }
0x39: {  	_ = 	snop;
	(pc) =	sbr.ind lr, $3  }
0x3a: {  	_ = 	snop  }
0x3b: {  	_ = 	snop  }
0x3c: {  	p2 =	seq.s32 s10, $0x1;
	s10 =	sld [smem:$0x3FAE]  }
0x3d: {  	_ =	shalt  }
0x3e: {  	_ =	shalt  }
0x3f: {  	_ =	shalt  }
0x40: {  	_ =	shalt  }
0x41: {  	_ =	shalt  }
0x42: {  	_ =	shalt  }
0x43: {  	_ =	shalt  }
0x44: {  	_ =	shalt  }
0x45: {  	_ =	shalt  }
0x46: {  	_ =	shalt  }
0x47: {  	_ =	shalt  }
0x48: {  	_ =	shalt  }
0x49: {  	_ =	shalt  }
0x4a: {  	_ =	shalt  }
0x4b: {  	_ =	shalt  }
0x4c: {  	_ =	shalt  }
0x4d: {  	_ =	shalt  }
0x4e: {  	_ =	shalt  }
0x4f: {  	_ =	shalt  }
0x50: {  	_ =	shalt  }
0x51: {  	_ =	shalt  }
0x52: {  	_ =	shalt  }
0x53: {  	_ =	shalt  }
0x54: {  	_ =	shalt  }
0x55: {  	_ =	shalt  }
0x56: {  	_ =	shalt  }
0x57: {  	_ =	shalt  }
0x58: {  	_ =	shalt  }
0x59: {  	_ =	shalt  }
0x5a: {  	_ =	shalt  }
0x5b: {  	_ =	shalt  }
0x5c: {  	_ =	shalt  }
0x5d: {  	_ =	shalt  }
0x5e: {  	_ =	shalt  }
0x5f: {  	_ =	shalt  }
0x60: {  	_ =	shalt  }
0x61: {  	_ =	shalt  }
0x62: {  	_ =	shalt  }
0x63: {  	_ =	shalt  }
0x64: {  	_ =	shalt  }
0x65: {  	_ =	shalt  }
0x66: {  	_ =	shalt  }
0x67: {  	_ =	shalt  }
0x68: {  	_ =	shalt  }
0x69: {  	_ =	shalt  }
0x6a: {  	_ =	shalt  }
0x6b: {  	_ =	shalt  }
0x6c: {  	_ =	shalt  }
0x6d: {  	_ =	shalt  }
0x6e: {  	_ =	shalt  }
0x6f: {  	_ =	shalt  }
0x70: {  	_ =	shalt  }
0x71: {  	_ =	shalt  }
0x72: {  	_ =	shalt  }
0x73: {  	_ =	shalt  }
0x74: {  	_ =	shalt  }
0x75: {  	_ =	shalt  }
0x76: {  	_ =	shalt  }
0x77: {  	_ =	shalt  }
0x78: {  	_ =	shalt  }
0x79: {  	_ =	shalt  }
0x7a: {  	_ =	shalt  }
0x7b: {  	_ =	shalt  }
0x7c: {  	_ =	shalt  }
0x7d: {  	_ =	shalt  }
0x7e: {  	_ =	shalt  }
0x7f: {  	_ =	shalt  }
0x80: {  	_ =	shalt  }
0x81: {  	_ =	shalt  }
0x82: {  	_ =	shalt  }
0x83: {  	_ =	shalt  }
0x84: {  	_ =	shalt  }
0x85: {  	_ =	shalt  }
0x86: {  	_ =	shalt  }
0x87: {  	_ =	shalt  }
.Lfunc_end0:
.L_simem_size_0:
called_computation.6_lowered:
.L_overlay_start_0:
0x88: {  	s2 =	sld [smem:$0x3FD9]  }
0x89: {  	s3 =	sld [smem:$0x3FFE];
	_ =	sdelay $0x1  }
0x8a: {  	s1 =	srdreg.scid  }
0x8b: {  	s0 =	sand.u32 $0x1, s1  }
0x8c: {  	s17 =	sshll.u32 s0, $0xA;
	s2 =	sadd.s32 s3, s2  }
0x8d: {  	s2 =	sadd.s32 s2, s17  }
0x8e: {  	[smem:$0x3FBA] =	sst s2  }
0x8f: {  	_ = 	snop  }
0x90: {  	s2 =	sld [smem:$0x3FD0];
	(tm) =	ssettm $0x1  }
0x91: {  	s18 =	sld [smem:$0x3FFB];
	_ =	sdelay $0x3  }
0x92: {  	_ =	strace s18  }
0x93: {  	s3 =	sld [smem:$0x3FFC];
	_ =	sdelay $0x3  }
0x94: {  	_ =	strace s3  }
0x95: {  	s3 =	sld [smem:$0x3FFD];
	_ =	sdelay $0x3  }
0x96: {  	_ =	strace s3  }
0x97: {  	_ =	strace $0x8FFFFFFF  }
0x98: {  	s19 =	sld [smem:$0x3FDB];
	_ =	sdelay $0x1  }
0x99: {  	s4 =	simm.s32 $_scs_section_size  }
0x9a: {  	s5 =	simm.s32 $_size__tile_overlayer_lowered;
	s6 =	simm.s32 $_tile_overlayer_lowered  }
0x9b: {  	s22 =	simm.s32 $0x1BFF;
	s21 =	sshll.u32 s6, $0x1;
	s3 =	sadd.s32 s4, s19  }
0x9c: {  	s7 =	simm.s32 $0x0;
	s20 =	sshll.u32 s5, $0x1;
	s5 =	sadd.s32 s21, s3  }
0x9d: {  	[timem:s7], [sflag:s22] =	dma.local [hbm:s5], s20  }
0x9e: {  	_ =	swait.ge [sflag:s22], s20  }
0x9f: {  	s4 =	ssub.s32 $0x0, s20;
	[sflag:s22] =	ssyncset.done $0x0  }
0xa0: {  	[sflag:s22] =	ssyncadd.s32 s4;
	_ =	sdelay $0x1  }
0xa1: {  	s23 =	simm.s32 $0x1B8B  }
0xa2: {  	_ =	swait.ge [sflag:s23], $0x1  }
0xa3: {  	[sflag:s23] =	ssyncset.done $0x0  }
0xa4: {  	s25 =	simm.s32 $0x1B8E;
	s24 =	sld [smem:$0x3FFE];
	[sflag:s23] =	ssyncadd.s32 $0xFFFFFFFF  }
0xa5: {  	s26 =	simm.s32 $execute0_lowered;
	[smem:$0x3FD2] =	sst s25  }
0xa6: {  	s5 =	sshll.u32 s26, $0x1;
	_ =	strace $0x80000058;
	[dreg:$0x1] =	wrdreg $0xFFFFFFFF  }
0xa7: {  	s28 =	simm.s32 $_size_execute0_lowered;
	s3 =	sadd.s32 s3, s5;
	[dreg:$0x0] =	wrdreg $0x0  }
0xa8: {  	s5 =	sshll.u32 s28, $0x1;
	[dreg:$0x2] =	wrdreg s3  }
0xa9: {  	[dreg:$0x3] =	wrdreg s5  }
0xaa: {  	[dreg:$0x4] =	wrdreg $0xC0  }
0xab: {  	_ =	task [dreg:s7], $0x5FFFF  }
0xac: {  	[dreg:$0x1] =	wrdreg $0xFFFFFFFF  }
0xad: {  	[dreg:$0x0] =	wrdreg $0x60  }
0xae: {  	[dreg:$0x2] =	wrdreg s2  }
0xaf: {  	[dreg:$0x3] =	wrdreg s24  }
0xb0: {  	[dreg:$0x4] =	wrdreg $0xB7800  }
0xb1: {  	[dreg:$0x5] =	wrdreg $0x9  }
0xb2: {  	_ =	task.clear_ibuf [dreg:s7], $0x6FFFF;
	_ =	strace $0x90000058  }
0xb3: {  	s29 =	simm.s32 $0x9;
	_ =	strace $0x8000005A  }
0xb4: {  	_ =	swait.ge [sflag:s29], $0x1  }
0xb5: {  	[sflag:s29] =	ssyncadd.s32 $0xFFFFFFFF  }
0xb6: {  	_ =	strace $0x9000005A  }
0xb7: {  	_ =	sfence  }
0xb8: {  	s30 =	sld [smem:$0x0];
	_ =	sdelay $0x2  }
0xb9: {  	s31 =	sshll.u32 s1, $0xD;
	s1 =	sshrl.u32 s1, $0x2  }
0xba: {  	s3 =	sand.u32 $0x4000, s31;
	s1 =	sadd.s32 s1, s30  }
0xbb: {  	s0 =	sor.u32 s3, s0;
	s1 =	sshll.u32 s1, $0x11  }
0xbc: {  	s0 =	sor.u32 s1, s0  }
0xbd: {  	s0 =	sadd.s32 $0x8F2B, s0  }
0xbe: {  	[sflag:s0] =	ssyncadd.remote.s32 $0x1  }
0xbf: {  	_ =	sfence.sel $0xFFFF  }
0xc0: {  	[dreg:$0x0] =	wrdreg $0xFFFFFFFF;
	(pc) =	sbr.abs _section_cstart, $3  }
0xc1: {  	[dreg:$0x1] =	wrdreg $0xFFFFFFFF  }
0xc2: {  	_ =	task.clear_ibuf [dreg:s7], $0x2FFFF;
	_ =	strace $0x9FFFFFFF  }
0xc3: {  	(tm) =	ssettm $0x7FFFFFFF  }
tec
execute0_lowered:
.L_overlay_start_1:
0x0: {  	(tag) =	ssettag $0x1  }
0x1: {  	s0 =	srdreg.scid;
	s1 =	rddreg [dreg:$0x0]  }
0x2: {  	s8 =	stileid.u32;
	s4 =	rddreg [dreg:$0x1]  }
0x3: {  	s3 =	rddreg [dreg:$0x2];
	s7 =	simm.s32 $0x0;
	s17 =	simm.s32 $0x7  }
0x4: {  	s19 =	simm.s32 $0x6780;
	s20 =	simm.s32 $0x28;
	s21 =	simm.s32 $0x7B80  }
0x5: {  	s22 =	simm.s32 $0x50;
	s23 =	simm.s32 $0x8F80;
	s28 =	simm.s32 $0x2  }
0x6: {  	s29 =	simm.s32 $0x3;
	s30 =	simm.s32 $0x4;
	s24 =	smul.u32 $0x13C00, s8  }
0x7: {  	s31 =	simm.s32 $0x5;
	s0 =	sand.u32 $0x1, s0;
	s25 =	smul.u32 $0x4F000, s8  }
0x8: {  	[smem:$0x7FF] =	sst s7;
	s2 =	sshll.u32 s0, $0x4;
	s6 =	smul.u32 $0x13C000, s0  }
0x9: {  	_ =	strace $0x80000059;
	s0 =	ssub.s32 $0x2, s0;
	s2 =	sor.u32 s8, s2  }
0xa: {  	s26 =	sshrl.u32 s0, $0x1;
	s7 =	sshrl.u32 s25, $0x2;
	s25 =	simm.s32 $0xA380  }
0xb: {  	s5 =	smul.u32 $0x4E2, s2;
	s2 =	sshll.u32 s2, $0xB;
	s6 =	sadd.s32 s24, s6  }
0xc: {  	s0 =	ssub.s32 s0, s26;
	s7 =	sadd.s32 s7, s3;
	s26 =	simm.s32 $0x1  }
0xd: {  	s24 =	simm.s32 $0x0;
	s2 =	sadd.s32 s2, s4;
	s6 =	sshrl.u32 s6, $0x3  }
0xe: {  	s8 =	sadd.s32 $0x11800, s7;
	s10 =	smax.u32 s0, $0x1;
	s11 =	sadd.s32 $0x2800, s7  }
0xf: {  	s12 =	sadd.s32 $0x5000, s7;
	s13 =	sadd.s32 $0x7800, s7;
	s14 =	sadd.s32 $0xA000, s7  }
0x10: {  	s15 =	sadd.s32 $0xC800, s7;
	s16 =	sadd.s32 $0xF000, s7;
	s5 =	sadd.s32 s5, s4  }
0x11: {  	s4 =	sadd.s32 s6, s4;
	s6 =	sadd.s32 $0x2B000, s2;
	s5 =	sadd.s32 $0x7400, s5  }
0x12: {  	v0 =	vimm.f32 $0.0e+00;
	s2 =	simm.s32 $0x6;
	s9 =	sadd.s32 $0x3B000, s4;
	[dreg:$0x4] =	wrdreg s5  }
.LBB2_1:
0x13: {  	s0 =	simm.s32 $0x0;
	s4 =	rddreg [dreg:$0x4]  }
0x14: {  	[tilespmem:s0], [sflag:$0x7] =	stream.linear.gather [hbm4b:s4+s0], $0x2710, $0x38;
	[tilespmem:$0x1F380] =	vst v63  }
0x15: {  	_ =	swait.ge [sflag:s17], $0x2710  }
0x16: {  	[sflag:s17] =	ssyncset.done $0x0  }
0x17: {  	s18 =	simm.s32 $0x2780;
	[sflag:s17] =	ssyncadd.s32 $0xFFFFD8F0  }
0x18: {  	[tilespmem:s18], [sflag:$0x7] =	stream.linear.gather [hbm4b:s6+s0], $0x3E80, $0x38;
	[tilespmem:$0x1F380] =	vst v63  }
0x19: {  	_ =	swait.ge [sflag:s17], $0x3E80  }
0x1a: {  	[sflag:s17] =	ssyncset.done $0x0  }
0x1b: {  	s0 =	simm.s32 $0x0;
	s18 =	simm.s32 $0x200;
	[sflag:s17] =	ssyncadd.s32 $0xFFFFC180  }
.LBB2_2:
0x1c: {  	p0 =	sne.s32 s18, $0x9E00;
	[tilespmem:s0+$0x67F0] =	vst v0  }
0x1d: {  	[tilespmem:s0+$0x6780] =	vst v0  }
0x1e: {  	[tilespmem:s0+$0x6790] =	vst v0  }
.Ltmp0:
0x1f: {  	[tilespmem:s0+$0x67A0] =	vst v0;
	(pc) =	sbr.rel @p0 .LBB2_2-.Ltmp0, $4  }
0x20: {  	[tilespmem:s0+$0x67B0] =	vst v0  }
0x21: {  	[tilespmem:s0+$0x67C0] =	vst v0  }
0x22: {  	[tilespmem:s0+$0x67D0] =	vst v0  }
0x23: {  	[tilespmem:s0+$0x67E0] =	vst v0;
	s0 =	sshra.s32 s18, $0x2;
	s18 =	sadd.s32 $0x200, s18  }
0x24: {  	[tilespmem:s0+$0x67F0] =	vst v0  }
0x25: {  	[tilespmem:s0+$0x6780] =	vst v0  }
0x26: {  	[tilespmem:s0+$0x6790] =	vst v0  }
0x27: {  	[tilespmem:s0+$0x67A0] =	vst v0  }
0x28: {  	[tilespmem:s0+$0x67B0] =	vst v0  }
0x29: {  	[tilespmem:s0+$0x67C0] =	vst v0  }
0x2a: {  	[tilespmem:s0+$0x67D0] =	vst v0  }
0x2b: {  	[tilespmem:s0+$0x67E0] =	vst v0  }
0x2c: {  	[spmem:s7] =	stream.linear.scatter [tilespmem:s19], [sflag:$0x7], $0x2800, $0x38;
	[tilespmem:$0x1F380] =	vst v63  }
0x2d: {  	_ =	swait.ge [sflag:s17], $0x2800  }
0x2e: {  	[sflag:s17] =	ssyncset.done $0x0  }
0x2f: {  	[sflag:s17] =	ssyncadd.s32 $0xFFFFD800  }
0x30: {  	[spmem:s11] =	stream.linear.scatter [tilespmem:s19], [sflag:$0x7], $0x2800, $0x38;
	[tilespmem:$0x1F380] =	vst v63  }
0x31: {  	_ =	swait.ge [sflag:s17], $0x2800  }
0x32: {  	[sflag:s17] =	ssyncset.done $0x0  }
0x33: {  	[sflag:s17] =	ssyncadd.s32 $0xFFFFD800  }
0x34: {  	[spmem:s12] =	stream.linear.scatter [tilespmem:s19], [sflag:$0x7], $0x2800, $0x38;
	[tilespmem:$0x1F380] =	vst v63  }
0x35: {  	_ =	swait.ge [sflag:s17], $0x2800  }
0x36: {  	[sflag:s17] =	ssyncset.done $0x0  }
0x37: {  	[sflag:s17] =	ssyncadd.s32 $0xFFFFD800  }
0x38: {  	[spmem:s13] =	stream.linear.scatter [tilespmem:s19], [sflag:$0x7], $0x2800, $0x38;
	[tilespmem:$0x1F380] =	vst v63  }
0x39: {  	_ =	swait.ge [sflag:s17], $0x2800  }
0x3a: {  	[sflag:s17] =	ssyncset.done $0x0  }
0x3b: {  	[sflag:s17] =	ssyncadd.s32 $0xFFFFD800  }
0x3c: {  	[spmem:s14] =	stream.linear.scatter [tilespmem:s19], [sflag:$0x7], $0x2800, $0x38;
	[tilespmem:$0x1F380] =	vst v63  }
0x3d: {  	_ =	swait.ge [sflag:s17], $0x2800  }
0x3e: {  	[sflag:s17] =	ssyncset.done $0x0  }
0x3f: {  	[sflag:s17] =	ssyncadd.s32 $0xFFFFD800  }
0x40: {  	[spmem:s15] =	stream.linear.scatter [tilespmem:s19], [sflag:$0x7], $0x2800, $0x38;
	[tilespmem:$0x1F380] =	vst v63  }
0x41: {  	_ =	swait.ge [sflag:s17], $0x2800  }
0x42: {  	[sflag:s17] =	ssyncset.done $0x0  }
0x43: {  	[sflag:s17] =	ssyncadd.s32 $0xFFFFD800  }
0x44: {  	[spmem:s16] =	stream.linear.scatter [tilespmem:s19], [sflag:$0x7], $0x2800, $0x38;
	[tilespmem:$0x1F380] =	vst v63  }
0x45: {  	_ =	swait.ge [sflag:s17], $0x2800  }
0x46: {  	[sflag:s17] =	ssyncset.done $0x0  }
0x47: {  	[sflag:s17] =	ssyncadd.s32 $0xFFFFD800  }
0x48: {  	[spmem:s8] =	stream.linear.scatter [tilespmem:s19], [sflag:$0x7], $0x2400, $0x38;
	[tilespmem:$0x1F380] =	vst v63  }
0x49: {  	_ =	swait.ge [sflag:s17], $0x2400  }
0x4a: {  	[sflag:s17] =	ssyncset.done $0x0  }
0x4b: {  	[sflag:s17] =	ssyncadd.s32 $0xFFFFDC00  }
0x4c: {  	s18 =	simm.s32 $0x0;
	[bflag:$0x0] =	sbarrier.arrive $0xFFFF  }
0x4d: {  	[tilespmem:s19], [sflag:$0x1] =	stream.indirect.gather [hbm4b:s1+s20], $0x80, s18, s20, $0xb8;
	[tilespmem:$0x1F380] =	vst v63  }
0x4e: {  	_ = 	snop  }
0x4f: {  	[tilespmem:s21], [sflag:$0x2] =	stream.indirect.gather [hbm4b:s1+s20], $0x80, s20, s20, $0xb8;
	[tilespmem:$0x1F380] =	vst v63  }
0x50: {  	_ = 	snop  }
0x51: {  	[tilespmem:s23], [sflag:$0x3] =	stream.indirect.gather [hbm4b:s1+s20], $0x80, s22, s20, $0xb8;
	[tilespmem:$0x1F380] =	vst v63  }
0x52: {  	s4 =	simm.s32 $0x78  }
0x53: {  	[tilespmem:s25], [sflag:$0x4] =	stream.indirect.gather [hbm4b:s1+s20], $0x80, s4, s20, $0xb8;
	[tilespmem:$0x1F380] =	vst v63  }
0x54: {  	_ =	swait.ge [sflag:s26], $0x1400  }
0x55: {  	[sflag:s26] =	ssyncset.done $0x0  }
0x56: {  	[sflag:s26] =	ssyncadd.s32 $0xFFFFEC00  }
0x57: {  	_ =	swait.ge [sflag:s28], $0x1400  }
0x58: {  	[sflag:s28] =	ssyncset.done $0x0  }
0x59: {  	s5 =	simm.s32 $0x2780;
	[sflag:s28] =	ssyncadd.s32 $0xFFFFEC00  }
0x5a: {  	[spmem:s3] =	stream.indirect.scatter.add.f32 [tilespmem:s19], [sflag:$0x5], $0x80, s5, s22, $0xb8;
	[tilespmem:$0x1F380] =	vst v63  }
0x5b: {  	_ =	swait.ge [sflag:s29], $0x1400  }
0x5c: {  	[sflag:s29] =	ssyncset.done $0x0  }
0x5d: {  	[sflag:s29] =	ssyncadd.s32 $0xFFFFEC00  }
0x5e: {  	_ =	swait.ge [sflag:s30], $0x1400  }
0x5f: {  	[sflag:s30] =	ssyncset.done $0x0  }
0x60: {  	s18 =	simm.s32 $0x2800;
	[sflag:s30] =	ssyncadd.s32 $0xFFFFEC00  }
0x61: {  	[spmem:s3] =	stream.indirect.scatter.add.f32 [tilespmem:s23], [sflag:$0x6], $0x80, s18, s22, $0xb8;
	[tilespmem:$0x1F380] =	vst v63  }
0x62: {  	_ =	swait.ge [sflag:s31], $0x2800  }
0x63: {  	[sflag:s31] =	ssyncset.done $0x0  }
0x64: {  	s4 =	simm.s32 $0xA0;
	[sflag:s31] =	ssyncadd.s32 $0xFFFFD800  }
0x65: {  	[tilespmem:s19], [sflag:$0x1] =	stream.indirect.gather [hbm4b:s1+s20], $0x80, s4, s20, $0xb8;
	[tilespmem:$0x1F380] =	vst v63  }
0x66: {  	s5 =	simm.s32 $0xC8  }
0x67: {  	[tilespmem:s21], [sflag:$0x2] =	stream.indirect.gather [hbm4b:s1+s20], $0x80, s5, s20, $0xb8;
	[tilespmem:$0x1F380] =	vst v63  }
0x68: {  	_ =	swait.ge [sflag:s2], $0x2800  }
0x69: {  	[sflag:s2] =	ssyncset.done $0x0  }
0x6a: {  	s18 =	simm.s32 $0xF0;
	[sflag:s2] =	ssyncadd.s32 $0xFFFFD800  }
0x6b: {  	[tilespmem:s23], [sflag:$0x3] =	stream.indirect.gather [hbm4b:s1+s20], $0x80, s18, s20, $0xb8;
	[tilespmem:$0x1F380] =	vst v63  }
0x6c: {  	s0 =	simm.s32 $0x280;
	s4 =	simm.s32 $0x118;
	s18 =	simm.s32 $0x2900  }
.LBB2_4:
0x6d: {  	[tilespmem:s25], [sflag:$0x4] =	stream.indirect.gather [hbm4b:s1+s20], $0x80, s4, s20, $0xb8;
	[tilespmem:$0x1F380] =	vst v63  }
0x6e: {  	s4 =	smov.u32 s0  }
0x6f: {  	p0 =	sne.s32 s0, $0x9600;
	s0 =	sadd.s32 $0x280, s0;
	_ =	swait.ge [sflag:s26], $0x1400  }
0x70: {  	[sflag:s26] =	ssyncset.done $0x0  }
0x71: {  	[sflag:s26] =	ssyncadd.s32 $0xFFFFEC00  }
0x72: {  	_ =	swait.ge [sflag:s28], $0x1400  }
0x73: {  	[sflag:s28] =	ssyncset.done $0x0  }
0x74: {  	s5 =	sadd.s32 $0xFFFFFF80, s18;
	[sflag:s28] =	ssyncadd.s32 $0xFFFFEC00  }
0x75: {  	[spmem:s3] =	stream.indirect.scatter.add.f32 [tilespmem:s19], [sflag:$0x5], $0x80, s5, s22, $0xb8;
	[tilespmem:$0x1F380] =	vst v63  }
0x76: {  	_ =	swait.ge [sflag:s29], $0x1400  }
0x77: {  	[sflag:s29] =	ssyncset.done $0x0  }
0x78: {  	[sflag:s29] =	ssyncadd.s32 $0xFFFFEC00  }
0x79: {  	_ =	swait.ge [sflag:s30], $0x1400  }
0x7a: {  	[sflag:s30] =	ssyncset.done $0x0  }
0x7b: {  	[sflag:s30] =	ssyncadd.s32 $0xFFFFEC00  }
0x7c: {  	[spmem:s3] =	stream.indirect.scatter.add.f32 [tilespmem:s23], [sflag:$0x6], $0x80, s18, s22, $0xb8;
	[tilespmem:$0x1F380] =	vst v63  }
0x7d: {  	_ =	swait.ge [sflag:s31], $0x2800  }
0x7e: {  	s4 =	sshra.s32 s4, $0x2;
	[sflag:s31] =	ssyncset.done $0x0  }
0x7f: {  	s5 =	sadd.s32 $0xA0, s4;
	[sflag:s31] =	ssyncadd.s32 $0xFFFFD800  }
0x80: {  	[tilespmem:s19], [sflag:$0x1] =	stream.indirect.gather [hbm4b:s1+s20], $0x80, s5, s20, $0xb8;
	[tilespmem:$0x1F380] =	vst v63  }
0x81: {  	s5 =	sadd.s32 $0xC8, s4  }
0x82: {  	[tilespmem:s21], [sflag:$0x2] =	stream.indirect.gather [hbm4b:s1+s20], $0x80, s5, s20, $0xb8;
	[tilespmem:$0x1F380] =	vst v63  }
.Ltmp1:
0x83: {  	_ =	swait.ge [sflag:s2], $0x2800;
	(pc) =	sbr.rel @p0 .LBB2_4-.Ltmp1, $4  }
0x84: {  	[sflag:s2] =	ssyncset.done $0x0  }
0x85: {  	s5 =	sadd.s32 $0xF0, s4;
	[sflag:s2] =	ssyncadd.s32 $0xFFFFD800  }
0x86: {  	[tilespmem:s23], [sflag:$0x3] =	stream.indirect.gather [hbm4b:s1+s20], $0x80, s5, s20, $0xb8;
	[tilespmem:$0x1F380] =	vst v63  }
0x87: {  	s18 =	sadd.s32 $0x100, s18;
	s4 =	sadd.s32 $0x118, s4  }
0x88: {  	[tilespmem:s25], [sflag:$0x4] =	stream.indirect.gather [hbm4b:s1+s20], $0x80, s4, s20, $0xb8;
	[tilespmem:$0x1F380] =	vst v63  }
0x89: {  	_ =	swait.ge [sflag:s26], $0x1400  }
0x8a: {  	[sflag:s26] =	ssyncset.done $0x0  }
0x8b: {  	[sflag:s26] =	ssyncadd.s32 $0xFFFFEC00  }
0x8c: {  	_ =	swait.ge [sflag:s28], $0x1400  }
0x8d: {  	[sflag:s28] =	ssyncset.done $0x0  }
0x8e: {  	s0 =	simm.s32 $0x6480;
	[sflag:s28] =	ssyncadd.s32 $0xFFFFEC00  }
0x8f: {  	[spmem:s3] =	stream.indirect.scatter.add.f32 [tilespmem:s19], [sflag:$0x5], $0x80, s0, s22, $0xb8;
	[tilespmem:$0x1F380] =	vst v63  }
0x90: {  	_ =	swait.ge [sflag:s29], $0x1400  }
0x91: {  	[sflag:s29] =	ssyncset.done $0x0  }
0x92: {  	[sflag:s29] =	ssyncadd.s32 $0xFFFFEC00  }
0x93: {  	_ =	swait.ge [sflag:s30], $0x1400  }
0x94: {  	[sflag:s30] =	ssyncset.done $0x0  }
0x95: {  	s4 =	simm.s32 $0x6500;
	[sflag:s30] =	ssyncadd.s32 $0xFFFFEC00  }
0x96: {  	[spmem:s3] =	stream.indirect.scatter.add.f32 [tilespmem:s23], [sflag:$0x6], $0x80, s4, s22, $0xb8;
	[tilespmem:$0x1F380] =	vst v63  }
0x97: {  	_ =	swait.ge [sflag:s31], $0x2800  }
0x98: {  	[sflag:s31] =	ssyncset.done $0x0  }
0x99: {  	s5 =	simm.s32 $0x26C0;
	[sflag:s31] =	ssyncadd.s32 $0xFFFFD800  }
0x9a: {  	[tilespmem:s19], [sflag:$0x1] =	stream.indirect.gather [hbm4b:s1+s20], $0x80, s5, s20, $0xb8;
	[tilespmem:$0x1F380] =	vst v63  }
0x9b: {  	s18 =	simm.s32 $0x26E8  }
0x9c: {  	[tilespmem:s21], [sflag:$0x2] =	stream.indirect.gather [hbm4b:s1+s20], $0x80, s18, s20, $0xb8;
	[tilespmem:$0x1F380] =	vst v63  }
0x9d: {  	_ =	swait.ge [sflag:s2], $0x2800  }
0x9e: {  	[sflag:s2] =	ssyncset.done $0x0  }
0x9f: {  	[sflag:s2] =	ssyncadd.s32 $0xFFFFD800  }
0xa0: {  	_ =	swait.ge [sflag:s26], $0x1400  }
0xa1: {  	[sflag:s26] =	ssyncset.done $0x0  }
0xa2: {  	[sflag:s26] =	ssyncadd.s32 $0xFFFFEC00  }
0xa3: {  	_ =	swait.ge [sflag:s28], $0x1400  }
0xa4: {  	[sflag:s28] =	ssyncset.done $0x0  }
0xa5: {  	s4 =	simm.s32 $0x6580;
	[sflag:s28] =	ssyncadd.s32 $0xFFFFEC00  }
0xa6: {  	[spmem:s3] =	stream.indirect.scatter.add.f32 [tilespmem:s19], [sflag:$0x5], $0x80, s4, s22, $0xb8;
	[tilespmem:$0x1F380] =	vst v63  }
0xa7: {  	s5 =	stileid.u32;
	_ =	swait.ge [sflag:s31], $0x2800  }
0xa8: {  	s24 =	sadd.s32 $0x1, s24;
	s0 =	sshll.u32 s5, $0x6;
	[sflag:s31] =	ssyncset.done $0x0  }
0xa9: {  	p0 =	sne.s32 s24, s10;
	s0 =	sor.u32 $0x1C07, s0;
	[sflag:s31] =	ssyncadd.s32 $0xFFFFD800  }
.Ltmp2:
0xaa: {  	s18 =	sshrl.u32 s7, $0x3;
	[bflag:$0x0] =	sbarrier.arrive $0xFFFF;
	(pc) =	sbr.rel @p0 .LBB2_1-.Ltmp2, $4  }
0xab: {  	[hbm:s9], [sflag:s0] =	dma.local [spmem:s18], $0x2780  }
0xac: {  	_ =	swait.ge [sflag:s17], $0x2780  }
0xad: {  	[sflag:s17] =	ssyncset.done $0x0  }
0xae: {  	[sflag:s17] =	ssyncadd.s32 $0xFFFFD880  }
0xaf: {  	_ =	sfence.sel $0x180000  }
0xb0: {  	[bflag:$0x0] =	sbarrier.arrive $0xFFFF  }
0xb1: {  	_ =	strace $0x90000059  }
0xb2: {  	s0 =	stileid.u32;
	[bflag:$0x2] =	sbarrier.arrive $0xFFFF  }
0xb3: {  	p0 =	sne.s32 s0, $0x0;
	s0 =	rddreg [dreg:$0x3]  }
0xb4: {  	s0 =	sadd.s32 @!p0 $0x100000, s0  }
0xb5: {  	[sflag:s0] =	ssyncadd.tile.s32 @!p0 $0x1;
	_ =	shalt  }
.Lfunc_end2:
_tile_overlayer_lowered:
.L_overlay_start_2:
0xb6: {  	(tag) =	ssettag $0x2  }
0xb7: {  	s0 =	rddreg [dreg:$0x0];
	s2 =	stileid.u32  }
0xb8: {  	s1 =	rddreg [dreg:$0x1];
	p0 =	sne.s32 s2, $0x0  }
0xb9: {  	s3 =	rddreg [dreg:$0x2];
	[bflag:$0x3] =	sbarrier.arrive $0xFFFF;
	s2 =	simm.s32 @!p0 $0x1C07  }
0xba: {  	[timem:s3], [sflag:s2] =	dma.local @!p0 [hbm:s0], s1  }
0xbb: {  	s0 =	simm.s32 @!p0 $0x7  }
0xbc: {  	_ =	swait.ge @!p0 [sflag:s0], s1  }
0xbd: {  	s1 =	ssub.s32 @!p0 $0x0, s1;
	[sflag:s0] =	ssyncset.done @!p0 $0x0  }
0xbe: {  	[sflag:s0] =	ssyncadd.s32 @!p0 s1  }
0xbf: {  	[bflag:$0x3] =	sbarrier.arrive $0xFFFF  }
0xc0: {  	_ =	shalt  }

</sc_bundles>
